<compile_context>
chip_gen: v7x
topology: tpu7x:2x2x1
jax: 0.10.2.dev20260603
libtpu: 0.0.44.dev20260713+nightly
codegen_flags: <defaults>
</compile_context>

<pallas_src>
import functools

import jax
import jax.numpy as jnp
from jax import lax
from jax.experimental import pallas as pl
from jax.experimental.pallas import tpu as pltpu
from jax.experimental.pallas import tpu_sc as plsc

N = 10000
E = 320000
D_IN = 128
MID = 16
OUT = 16
NEG = -jnp.inf


def _elu(v):
    return jnp.where(v > 0, v, jnp.exp(jnp.minimum(v, 0.0)) - 1.0)


def _k1_body(x_ref, w_ref, b_ref, o_ref):
    o_ref[...] = (
        jnp.dot(x_ref[...], w_ref[...], preferred_element_type=jnp.float32)
        + b_ref[...]
    )


def _node_proj(x, Wn, bn):
    B = 2000
    return pl.pallas_call(
        _k1_body,
        grid=(N // B,),
        in_specs=[
            pl.BlockSpec((B, D_IN), lambda i: (i, 0)),
            pl.BlockSpec((D_IN, MID), lambda i: (0, 0)),
            pl.BlockSpec((1, MID), lambda i: (0, 0)),
        ],
        out_specs=pl.BlockSpec((B, MID), lambda i: (i, 0)),
        out_shape=jax.ShapeDtypeStruct((N, MID), jnp.float32),
    )(x, Wn, bn.reshape(1, MID))


def _k2_body(g_ref, a_ref, we_ref, be_ref, wm_ref, bm_ref, o_ref):
    t = (
        g_ref[...]
        + jnp.dot(a_ref[...], we_ref[...], preferred_element_type=jnp.float32)
        + be_ref[...]
    )
    t = jnp.maximum(t, 0.0)
    o_ref[...] = (
        jnp.dot(t, wm_ref[...], preferred_element_type=jnp.float32) + bm_ref[...]
    )


def _edge_mlp(g, attr, We, be, Wm, bm):
    g2 = g.reshape(E // 8, 128)
    a2 = attr.reshape(E // 8, 32)
    eye = jnp.eye(8, dtype=jnp.float32)
    WeB = jnp.einsum("pq,ij->piqj", eye, We).reshape(32, 128)
    WmB = jnp.einsum("pq,ij->piqj", eye, Wm).reshape(128, 128)
    beB = jnp.tile(be, 8).reshape(1, 128)
    bmB = jnp.tile(bm, 8).reshape(1, 128)
    B = 4000
    out = pl.pallas_call(
        _k2_body,
        grid=(E // 8 // B,),
        in_specs=[
            pl.BlockSpec((B, 128), lambda i: (i, 0)),
            pl.BlockSpec((B, 32), lambda i: (i, 0)),
            pl.BlockSpec((32, 128), lambda i: (0, 0)),
            pl.BlockSpec((1, 128), lambda i: (0, 0)),
            pl.BlockSpec((128, 128), lambda i: (0, 0)),
            pl.BlockSpec((1, 128), lambda i: (0, 0)),
        ],
        out_specs=pl.BlockSpec((B, 128), lambda i: (i, 0)),
        out_shape=jax.ShapeDtypeStruct((E // 8, 128), jnp.float32),
    )(g2, a2, WeB, beB, WmB, bmB)
    return out.reshape(E, MID)


def _k3_body(parts_ref, wo_ref, bo_ref, w2_ref, b2_ref, o_ref, *, mode):
    p = parts_ref[...]
    agg = jnp.concatenate([p[0], p[1]], axis=1)
    agg = jnp.where(jnp.isfinite(agg), agg, 0.0)
    out = (
        jnp.dot(agg, wo_ref[...], preferred_element_type=jnp.float32) + bo_ref[...]
    )
    if mode == 0:
        h = _elu(_elu(out))
        o_ref[...] = (
            jnp.dot(h, w2_ref[...], preferred_element_type=jnp.float32)
            + b2_ref[...]
        )
    else:
        m = jnp.max(out, axis=1, keepdims=True)
        s = out - m
        lse = jnp.log(jnp.sum(jnp.exp(s), axis=1, keepdims=True))
        o_ref[...] = s - lse


def _post_agg(parts, Wo, bo, W2, b2, mode):
    B = 2000
    dout = W2.shape[1] if mode == 0 else OUT
    return pl.pallas_call(
        functools.partial(_k3_body, mode=mode),
        grid=(N // B,),
        in_specs=[
            pl.BlockSpec((2, B, MID // 2), lambda i: (0, i, 0)),
            pl.BlockSpec((MID, MID), lambda i: (0, 0)),
            pl.BlockSpec((1, MID), lambda i: (0, 0)),
            pl.BlockSpec((MID, dout), lambda i: (0, 0)),
            pl.BlockSpec((1, dout), lambda i: (0, 0)),
        ],
        out_specs=pl.BlockSpec((B, dout), lambda i: (i, 0)),
        out_shape=jax.ShapeDtypeStruct((N, dout), jnp.float32),
    )(parts, Wo, bo.reshape(1, MID), W2, b2.reshape(1, dout))


_SC_MESH = plsc.VectorSubcoreMesh(core_axis_name="c", subcore_axis_name="s")
_NW = 32
_EPW = E // _NW
_GC = 2000


def _gather_body(table_hbm, src_hbm, out_hbm, idx_v, rows_v, sem):
    wid = lax.axis_index("s") * 2 + lax.axis_index("c")
    base = wid * _EPW

    def chunk(i, _):
        off = base + i * _GC
        pltpu.sync_copy(src_hbm.at[pl.ds(off, _GC)], idx_v)
        pltpu.async_copy(table_hbm.at[idx_v], rows_v, sem).wait()
        pltpu.sync_copy(rows_v, out_hbm.at[pl.ds(off, _GC)])
        return 0

    lax.fori_loop(0, _EPW // _GC, chunk, 0)


def _gather_rows(table, src):
    f = pl.kernel(
        _gather_body,
        out_type=jax.ShapeDtypeStruct((E, MID), jnp.float32),
        mesh=_SC_MESH,
        scratch_types=[
            pltpu.VMEM((_GC,), jnp.int32),
            pltpu.VMEM((_GC, MID), jnp.float32),
            pltpu.SemaphoreType.DMA,
        ],
        compiler_params=pltpu.CompilerParams(use_tc_tiling_on_sc=False),
    )
    return f(table, src)


_NPAD = 10240
_STRIPE = 1024
_NPS = _STRIPE // 16
_SCC = 800
_EPT = E // 16
_FPC = MID // 2


def _scatter_body(msg_hbm, dst_hbm, out_hbm, p0, p1, p2, p3, p4, p5, p6, p7,
                  tag_v, dstc_v, msgc_v, accf_v, redf_v, accfl_v, rm_v,
                  shared):
    parts = (p0, p1, p2, p3, p4, p5, p6, p7)
    c = lax.axis_index("c")
    sid = lax.axis_index("s")
    base = sid * _EPT
    iot = lax.iota(jnp.int32, 16)
    vneg = jnp.full((16,), NEG, jnp.float32)

    def initcol(k, _):
        for f in range(_FPC):
            parts[f][pl.ds(k * 16, 16)] = vneg
        return 0
    lax.fori_loop(0, _NPAD // 16, initcol, 0)

    def chunk(i, _):
        off = base + i * _SCC
        pltpu.sync_copy(dst_hbm.at[pl.ds(off, _SCC)], dstc_v)
        pltpu.sync_copy(msg_hbm.at[pl.ds(off * MID, _SCC * MID)], msgc_v)

        def group(g, _):
            dvec = dstc_v[pl.ds(g * 16, 16)]
            uid = iot + g * 16
            eb = uid * MID + c * _FPC
            msgf = [plsc.load_gather(msgc_v, [eb + f]) for f in range(_FPC)]
            plsc.store_scatter(tag_v, [dvec], uid)
            rb = plsc.load_gather(tag_v, [dvec])
            cnt = plsc.all_reduce_population_count(rb != uid)

            def fast():
                for f in range(_FPC):
                    cur = plsc.load_gather(parts[f], [dvec])
                    plsc.store_scatter(parts[f], [dvec],
                                       jnp.maximum(cur, msgf[f]))

            def slow():
                def lane(l, _):
                    m = iot == l
                    for f in range(_FPC):
                        cur = plsc.load_gather(parts[f], [dvec])
                        plsc.store_scatter(parts[f], [dvec],
                                           jnp.maximum(cur, msgf[f]), mask=m)
                    return 0
                lax.fori_loop(0, 16, lane, 0)

            lax.cond(cnt[0] > 0, slow, fast)
            return 0

        lax.fori_loop(0, _SCC // 16, group, 0)
        return 0

    lax.fori_loop(0, _EPT // _SCC, chunk, 0)

    idx_t = (iot % _FPC) * _NPS + iot // _FPC

    def stripe(r, _):
        for f in range(_FPC):
            pltpu.sync_copy(
                parts[f].at[pl.ds(r * _STRIPE, _STRIPE)],
                shared.at[sid, f])
        plsc.subcore_barrier()
        n0 = sid * _NPS
        pltpu.sync_copy(shared.at[0, :, pl.ds(n0, _NPS)], accf_v)

        def tred(t, _):
            pltpu.sync_copy(shared.at[t, :, pl.ds(n0, _NPS)], redf_v)
            for f in range(_FPC):
                for q in range(_NPS // 16):
                    sl = pl.ds(q * 16, 16)
                    accf_v[f, sl] = jnp.maximum(accf_v[f, sl], redf_v[f, sl])
            return 0
        lax.fori_loop(1, 16, tred, 0)

        for f in range(_FPC):
            for q in range(_NPS // 16):
                accfl_v[pl.ds(f * _NPS + q * 16, 16)] = \
                    accf_v[f, pl.ds(q * 16, 16)]
        for j in range(_NPS // 2):
            rm_v[pl.ds(j * 16, 16)] = plsc.load_gather(
                accfl_v, [idx_t + 2 * j])
        pltpu.sync_copy(
            rm_v,
            out_hbm.at[c, pl.ds((r * _STRIPE + n0) * _FPC, _NPS * _FPC)])
        plsc.subcore_barrier()
        return 0

    lax.fori_loop(0, _NPAD // _STRIPE, stripe, 0)


def _scatter_max(msg, dst):
    f = pl.kernel(
        _scatter_body,
        out_type=jax.ShapeDtypeStruct((2, _NPAD * _FPC), jnp.float32),
        mesh=_SC_MESH,
        scratch_types=[
            pltpu.VMEM((_NPAD,), jnp.float32),
            pltpu.VMEM((_NPAD,), jnp.float32),
            pltpu.VMEM((_NPAD,), jnp.float32),
            pltpu.VMEM((_NPAD,), jnp.float32),
            pltpu.VMEM((_NPAD,), jnp.float32),
            pltpu.VMEM((_NPAD,), jnp.float32),
            pltpu.VMEM((_NPAD,), jnp.float32),
            pltpu.VMEM((_NPAD,), jnp.float32),
            pltpu.VMEM((_NPAD,), jnp.int32),
            pltpu.VMEM((_SCC,), jnp.int32),
            pltpu.VMEM((_SCC * MID,), jnp.float32),
            pltpu.VMEM((_FPC, _NPS), jnp.float32),
            pltpu.VMEM((_FPC, _NPS), jnp.float32),
            pltpu.VMEM((_FPC * _NPS,), jnp.float32),
            pltpu.VMEM((_NPS * _FPC,), jnp.float32),
            pltpu.VMEM_SHARED((16, _FPC, _STRIPE), jnp.float32),
        ],
        compiler_params=pltpu.CompilerParams(
            use_tc_tiling_on_sc=False, needs_layout_passes=False),
    )
    return f(msg.reshape(E * MID), dst).reshape(2, _NPAD, _FPC)


def kernel(x, edge_index, edge_attr, W1_node, b1_node, W1_edge, b1_edge,
           W1_net, b1_net, W1_out, b1_out, W2_node, b2_node, W2_edge, b2_edge,
           W2_net, b2_net, W2_out, b2_out):
    src, dst = edge_index[0], edge_index[1]

    h1 = _node_proj(x, W1_node, b1_node)
    g1 = _gather_rows(h1, src)
    msg1 = _edge_mlp(g1, edge_attr, W1_edge, b1_edge, W1_net, b1_net)
    parts1 = _scatter_max(msg1, dst)
    h2 = _post_agg(parts1, W1_out, b1_out, W2_node, b2_node, mode=0)

    g2 = _gather_rows(h2, src)
    msg2 = _edge_mlp(g2, edge_attr, W2_edge, b2_edge, W2_net, b2_net)
    parts2 = _scatter_max(msg2, dst)
    out = _post_agg(parts2, W2_out, b2_out, W2_out, b2_out, mode=1)
    return out

# --- scband reference (transcript-rebuilt; emitter-appended) ---
"""Pipeline reference for scband-net-59270548685196 (READ-ONLY COPY).

The authoritative reference and input builder live on the scoring server;
editing this copy changes nothing except your own understanding.
"""

import jax, jax.numpy as jnp
import numpy as np

N = 10000
E = 320000
D_IN = 128
D_EDGE = 4
MID = 16
OUT = 16


def _param(k, shape, scale=0.1):
    return jax.random.normal(k, shape, dtype=jnp.float32) * scale


def setup_inputs(seed: int = 0):
    key = jax.random.key(seed)
    ks = jax.random.split(key, 16)
    inp = {}
    inp['x'] = jax.random.normal(ks[0], (N, D_IN), dtype=jnp.float32)
    inp['edge_index'] = jax.random.randint(ks[1], (2, E), 0, N, dtype=jnp.int32)
    inp['edge_attr'] = jax.random.uniform(ks[2], (E, D_EDGE), dtype=jnp.float32)
    inp['W1_node'] = _param(ks[3], (D_IN, MID))
    inp['b1_node'] = jnp.zeros((MID,), jnp.float32)
    inp['W1_edge'] = _param(ks[4], (D_EDGE, MID))
    inp['b1_edge'] = jnp.zeros((MID,), jnp.float32)
    inp['W1_net'] = _param(ks[5], (MID, MID))
    inp['b1_net'] = jnp.zeros((MID,), jnp.float32)
    inp['W1_out'] = _param(ks[6], (MID, MID))
    inp['b1_out'] = jnp.zeros((MID,), jnp.float32)
    inp['W2_node'] = _param(ks[7], (MID, MID))
    inp['b2_node'] = jnp.zeros((MID,), jnp.float32)
    inp['W2_edge'] = _param(ks[8], (D_EDGE, MID))
    inp['b2_edge'] = jnp.zeros((MID,), jnp.float32)
    inp['W2_net'] = _param(ks[9], (MID, MID))
    inp['b2_net'] = jnp.zeros((MID,), jnp.float32)
    inp['W2_out'] = _param(ks[10], (MID, OUT))
    inp['b2_out'] = jnp.zeros((OUT,), jnp.float32)
    return inp


def _mpnn(x, src, dst, ea, Wn, bn, We, be, Wm, bm, Wo, bo, act):
    # MpnnConv: project nodes (in->mid) and edges (edge->mid), message =
    # net(mid_activation(h_j + e)), aggregate with max over dst, project mid->out,
    # apply output activation.
    h = x @ Wn + bn
    e = ea @ We + be
    msg = jax.nn.relu(h[src] + e)  # mid_activation=F.relu
    msg = msg @ Wm + bm            # net=Sequential(Linear(16, 16))
    agg = jax.ops.segment_max(msg, dst, num_segments=N)
    agg = jnp.where(jnp.isfinite(agg), agg, 0.0)  # empty segments -> 0
    out = agg @ Wo + bo
    if act is not None:
        out = act(out)
    return out


def reference(x, edge_index, edge_attr, W1_node, b1_node, W1_edge, b1_edge, W1_net, b1_net, W1_out, b1_out, W2_node, b2_node, W2_edge, b2_edge, W2_net, b2_net, W2_out, b2_out):
    src, dst = edge_index[0], edge_index[1]
    # dropout is identity in eval mode
    h = _mpnn(x, src, dst, edge_attr, W1_node, b1_node, W1_edge, b1_edge, W1_net, b1_net, W1_out, b1_out, jax.nn.elu)
    h = jax.nn.elu(h)
    out = _mpnn(h, src, dst, edge_attr, W2_node, b2_node, W2_edge, b2_edge, W2_net, b2_net, W2_out, b2_out, None)
    return jax.nn.log_softmax(out, axis=1)

if __name__ == "__main__":
    import jax
    _d = setup_inputs()
    print(jax.jit(kernel)(*tuple(_d.values())))

</pallas_src>

<mosaic_0001>
#map = affine_map<(d0, d1) -> (0, 0)>
#map1 = affine_map<(d0, d1) -> (0)>
module attributes {stable_mosaic.version = 14 : i64} {
  func.func @_gather_body(%arg0: i32, %arg1: i32, %arg2: memref<10000x16xf32, #tpu.memory_space<hbm>>, %arg3: memref<320000xi32, #tpu.memory_space<hbm>>, %arg4: memref<320000x16xf32, #tpu.memory_space<hbm>>, %arg5: memref<2000xi32, #tpu.memory_space<vmem>>, %arg6: memref<2000x16xf32, #tpu.memory_space<vmem>>, %arg7: memref<!tpu.dma_semaphore, #tpu.memory_space<semaphore_mem>>) attributes {dimension_semantics = [#tpu.dimension_semantics<core_parallel>, #tpu.dimension_semantics<subcore_parallel>], iteration_bounds = array<i64: 2, 16>, scalar_prefetch = 0 : i64, scratch_operands = 3 : i64, tpu.core_type = #tpu.core_type<sc_vector_subcore>, window_params = [{transform_indices = #map}, {transform_indices = #map1}, {transform_indices = #map}]} {
    %mul3A = arith.constant 2 : i32
    %mul3A_0 = arith.muli %arg1, %mul3A : i32
    %add3A = arith.addi %mul3A_0, %arg0 : i32
    %mul3A_1 = arith.constant 10000 : i32
    %mul3A_2 = arith.muli %add3A, %mul3A_1 : i32
    %scan3A = arith.constant 0 : i32
    %scan3A_3 = arith.constant 0 : i32
    %scan3A_4 = arith.constant 5 : i32
    %scan3A_5 = arith.addi %scan3A_3, %scan3A_4 : i32
    %scan3A_6 = arith.constant 1 : i32
    %scan3A_7 = scf.for %scan3A_9 = %scan3A_3 to %scan3A_5 step %scan3A_6 iter_args(%scan3A_10 = %scan3A) -> (i32)  : i32 {
      %mul3A_11 = arith.constant 2000 : i32
      %mul3A_12 = arith.muli %scan3A_9, %mul3A_11 : i32
      %add3A_13 = arith.addi %mul3A_2, %mul3A_12 : i32
      "tpu.region"() ({
        %run_scoped3A = tpu.sem_alloc : memref<!tpu.dma_semaphore, #tpu.memory_space<semaphore_mem>>
        %dma_start3A_19 = tpu.memref_slice %arg3[%add3A_13] : memref<320000xi32, #tpu.memory_space<hbm>> -> memref<2000xi32, #tpu.memory_space<hbm>>
        %dma_start3A_20 = tpu.memref_slice %arg3[%add3A_13] : memref<320000xi32, #tpu.memory_space<hbm>> -> memref<2000xi32, #tpu.memory_space<hbm>>
        tpu.enqueue_dma source(%dma_start3A_20 : memref<2000xi32, #tpu.memory_space<hbm>>) target(%arg5 : memref<2000xi32, #tpu.memory_space<vmem>>) target_semaphore(%run_scoped3A : memref<!tpu.dma_semaphore, #tpu.memory_space<semaphore_mem>>)
        %dma_wait3A_21 = tpu.memref_slice %arg3[%add3A_13] : memref<320000xi32, #tpu.memory_space<hbm>> -> memref<2000xi32, #tpu.memory_space<hbm>>
        %dma_wait3A_22 = tpu.memref_slice %arg3[%add3A_13] : memref<320000xi32, #tpu.memory_space<hbm>> -> memref<2000xi32, #tpu.memory_space<hbm>>
        tpu.wait_dma2 semaphore(%run_scoped3A : memref<!tpu.dma_semaphore, #tpu.memory_space<semaphore_mem>>) src(%dma_wait3A_22 : memref<2000xi32, #tpu.memory_space<hbm>>) dst(%arg5 : memref<2000xi32, #tpu.memory_space<vmem>>)
        tpu.yield
      }) : () -> ()
      %dma_start3A = arith.constant 0 : i32
      %dma_start3A_14 = arith.constant 0 : i32
      %dma_start3A_15 = tpu.memref_slice %arg2[%dma_start3A, %dma_start3A_14] : memref<10000x16xf32, #tpu.memory_space<hbm>> -> memref<10000x16xf32, #tpu.memory_space<hbm>>
      tpu.enqueue_indirect_dma source(%dma_start3A_15 : memref<10000x16xf32, #tpu.memory_space<hbm>>) target(%arg6 : memref<2000x16xf32, #tpu.memory_space<vmem>>) offsets(%arg5 : memref<2000xi32, #tpu.memory_space<vmem>>) semaphore(%arg7 : memref<!tpu.dma_semaphore, #tpu.memory_space<semaphore_mem>>)
      %dma_wait3A = arith.constant 0 : i32
      %dma_wait3A_16 = arith.constant 0 : i32
      %dma_wait3A_17 = tpu.memref_slice %arg2[%dma_wait3A, %dma_wait3A_16] : memref<10000x16xf32, #tpu.memory_space<hbm>> -> memref<10000x16xf32, #tpu.memory_space<hbm>>
      tpu.wait_indirect_dma semaphore(%arg7 : memref<!tpu.dma_semaphore, #tpu.memory_space<semaphore_mem>>) src(%dma_wait3A_17 : memref<10000x16xf32, #tpu.memory_space<hbm>>) dst(%arg6 : memref<2000x16xf32, #tpu.memory_space<vmem>>)
      "tpu.region"() ({
        %run_scoped3A = tpu.sem_alloc : memref<!tpu.dma_semaphore, #tpu.memory_space<semaphore_mem>>
        %dma_start3A_19 = arith.constant 0 : i32
        %dma_start3A_20 = tpu.memref_slice %arg4[%add3A_13, %dma_start3A_19] : memref<320000x16xf32, #tpu.memory_space<hbm>> -> memref<2000x16xf32, #tpu.memory_space<hbm>>
        %dma_start3A_21 = arith.constant 0 : i32
        %dma_start3A_22 = tpu.memref_slice %arg4[%add3A_13, %dma_start3A_21] : memref<320000x16xf32, #tpu.memory_space<hbm>> -> memref<2000x16xf32, #tpu.memory_space<hbm>>
        tpu.enqueue_dma source(%arg6 : memref<2000x16xf32, #tpu.memory_space<vmem>>) target(%dma_start3A_22 : memref<2000x16xf32, #tpu.memory_space<hbm>>) target_semaphore(%run_scoped3A : memref<!tpu.dma_semaphore, #tpu.memory_space<semaphore_mem>>)
        %dma_wait3A_23 = arith.constant 0 : i32
        %dma_wait3A_24 = tpu.memref_slice %arg4[%add3A_13, %dma_wait3A_23] : memref<320000x16xf32, #tpu.memory_space<hbm>> -> memref<2000x16xf32, #tpu.memory_space<hbm>>
        %dma_wait3A_25 = arith.constant 0 : i32
        %dma_wait3A_26 = tpu.memref_slice %arg4[%add3A_13, %dma_wait3A_25] : memref<320000x16xf32, #tpu.memory_space<hbm>> -> memref<2000x16xf32, #tpu.memory_space<hbm>>
        tpu.wait_dma2 semaphore(%run_scoped3A : memref<!tpu.dma_semaphore, #tpu.memory_space<semaphore_mem>>) src(%arg6 : memref<2000x16xf32, #tpu.memory_space<vmem>>) dst(%dma_wait3A_26 : memref<2000x16xf32, #tpu.memory_space<hbm>>)
        tpu.yield
      }) : () -> ()
      %scan3A_18 = arith.constant 0 : i32
      scf.yield %scan3A_18 : i32
    }
    %scan3A_8 = arith.constant 5 : i32
    return
  }
}

#map = affine_map<(d0, d1) -> (0)>
#map1 = affine_map<(d0, d1) -> (0, 0)>
module attributes {stable_mosaic.version = 14 : i64} {
  func.func @_scatter_body(%arg0: i32, %arg1: i32, %arg2: memref<5120000xf32, #tpu.memory_space<hbm>>, %arg3: memref<320000xi32, #tpu.memory_space<hbm>>, %arg4: memref<2x81920xf32, #tpu.memory_space<hbm>>, %arg5: memref<10240xf32, #tpu.memory_space<vmem>>, %arg6: memref<10240xf32, #tpu.memory_space<vmem>>, %arg7: memref<10240xf32, #tpu.memory_space<vmem>>, %arg8: memref<10240xf32, #tpu.memory_space<vmem>>, %arg9: memref<10240xf32, #tpu.memory_space<vmem>>, %arg10: memref<10240xf32, #tpu.memory_space<vmem>>, %arg11: memref<10240xf32, #tpu.memory_space<vmem>>, %arg12: memref<10240xf32, #tpu.memory_space<vmem>>, %arg13: memref<10240xi32, #tpu.memory_space<vmem>>, %arg14: memref<800xi32, #tpu.memory_space<vmem>>, %arg15: memref<12800xf32, #tpu.memory_space<vmem>>, %arg16: memref<8x64xf32, #tpu.memory_space<vmem>>, %arg17: memref<8x64xf32, #tpu.memory_space<vmem>>, %arg18: memref<512xf32, #tpu.memory_space<vmem>>, %arg19: memref<512xf32, #tpu.memory_space<vmem>>, %arg20: memref<16x8x1024xf32, #tpu.memory_space<vmem_shared>>) attributes {dimension_semantics = [#tpu.dimension_semantics<core_parallel>, #tpu.dimension_semantics<subcore_parallel>], iteration_bounds = array<i64: 2, 16>, scalar_prefetch = 0 : i64, scratch_operands = 16 : i64, tpu.core_type = #tpu.core_type<sc_vector_subcore>, window_params = [{transform_indices = #map}, {transform_indices = #map}, {transform_indices = #map1}]} {
    %mul3A = arith.constant 20000 : i32
    %mul3A_0 = arith.muli %arg1, %mul3A : i32
    %iota3A = tpu.iota {dimensions = array<i32: 0>} : vector<16xi32>
    %broadcast_in_dim3A = arith.constant 0xFF800000 : f32
    %broadcast_in_dim3A_1 = vector.broadcast %broadcast_in_dim3A : f32 to vector<16xf32>
    %scan3A = arith.constant 0 : i32
    %scan3A_2 = arith.constant 0 : i32
    %scan3A_3 = arith.constant 640 : i32
    %scan3A_4 = arith.addi %scan3A_2, %scan3A_3 : i32
    %scan3A_5 = arith.constant 1 : i32
    %scan3A_6 = scf.for %scan3A_68 = %scan3A_2 to %scan3A_4 step %scan3A_5 iter_args(%scan3A_69 = %scan3A) -> (i32)  : i32 {
      %mul3A_70 = arith.constant 16 : i32
      %mul3A_71 = arith.muli %scan3A_68, %mul3A_70 : i32
      %swap3A = arith.index_cast %mul3A_71 : i32 to index
      %swap3A_72 = tpu.vector_load %arg5[%swap3A] {strides = array<i32>} : memref<10240xf32, #tpu.memory_space<vmem>>, vector<16xf32>,
      tpu.vector_store %arg5[%swap3A], %broadcast_in_dim3A_1 {strides = array<i32>} : memref<10240xf32, #tpu.memory_space<vmem>>, vector<16xf32>,
      %mul3A_73 = arith.constant 16 : i32
      %mul3A_74 = arith.muli %scan3A_68, %mul3A_73 : i32
      %swap3A_75 = arith.index_cast %mul3A_74 : i32 to index
      %swap3A_76 = tpu.vector_load %arg6[%swap3A_75] {strides = array<i32>} : memref<10240xf32, #tpu.memory_space<vmem>>, vector<16xf32>,
      tpu.vector_store %arg6[%swap3A_75], %broadcast_in_dim3A_1 {strides = array<i32>} : memref<10240xf32, #tpu.memory_space<vmem>>, vector<16xf32>,
      %mul3A_77 = arith.constant 16 : i32
      %mul3A_78 = arith.muli %scan3A_68, %mul3A_77 : i32
      %swap3A_79 = arith.index_cast %mul3A_78 : i32 to index
      %swap3A_80 = tpu.vector_load %arg7[%swap3A_79] {strides = array<i32>} : memref<10240xf32, #tpu.memory_space<vmem>>, vector<16xf32>,
      tpu.vector_store %arg7[%swap3A_79], %broadcast_in_dim3A_1 {strides = array<i32>} : memref<10240xf32, #tpu.memory_space<vmem>>, vector<16xf32>,
      %mul3A_81 = arith.constant 16 : i32
      %mul3A_82 = arith.muli %scan3A_68, %mul3A_81 : i32
      %swap3A_83 = arith.index_cast %mul3A_82 : i32 to index
      %swap3A_84 = tpu.vector_load %arg8[%swap3A_83] {strides = array<i32>} : memref<10240xf32, #tpu.memory_space<vmem>>, vector<16xf32>,
      tpu.vector_store %arg8[%swap3A_83], %broadcast_in_dim3A_1 {strides = array<i32>} : memref<10240xf32, #tpu.memory_space<vmem>>, vector<16xf32>,
      %mul3A_85 = arith.constant 16 : i32
      %mul3A_86 = arith.muli %scan3A_68, %mul3A_85 : i32
      %swap3A_87 = arith.index_cast %mul3A_86 : i32 to index
      %swap3A_88 = tpu.vector_load %arg9[%swap3A_87] {strides = array<i32>} : memref<10240xf32, #tpu.memory_space<vmem>>, vector<16xf32>,
      tpu.vector_store %arg9[%swap3A_87], %broadcast_in_dim3A_1 {strides = array<i32>} : memref<10240xf32, #tpu.memory_space<vmem>>, vector<16xf32>,
      %mul3A_89 = arith.constant 16 : i32
      %mul3A_90 = arith.muli %scan3A_68, %mul3A_89 : i32
      %swap3A_91 = arith.index_cast %mul3A_90 : i32 to index
      %swap3A_92 = tpu.vector_load %arg10[%swap3A_91] {strides = array<i32>} : memref<10240xf32, #tpu.memory_space<vmem>>, vector<16xf32>,
      tpu.vector_store %arg10[%swap3A_91], %broadcast_in_dim3A_1 {strides = array<i32>} : memref<10240xf32, #tpu.memory_space<vmem>>, vector<16xf32>,
      %mul3A_93 = arith.constant 16 : i32
      %mul3A_94 = arith.muli %scan3A_68, %mul3A_93 : i32
      %swap3A_95 = arith.index_cast %mul3A_94 : i32 to index
      %swap3A_96 = tpu.vector_load %arg11[%swap3A_95] {strides = array<i32>} : memref<10240xf32, #tpu.memory_space<vmem>>, vector<16xf32>,
      tpu.vector_store %arg11[%swap3A_95], %broadcast_in_dim3A_1 {strides = array<i32>} : memref<10240xf32, #tpu.memory_space<vmem>>, vector<16xf32>,
      %mul3A_97 = arith.constant 16 : i32
      %mul3A_98 = arith.muli %scan3A_68, %mul3A_97 : i32
      %swap3A_99 = arith.index_cast %mul3A_98 : i32 to index
      %swap3A_100 = tpu.vector_load %arg12[%swap3A_99] {strides = array<i32>} : memref<10240xf32, #tpu.memory_space<vmem>>, vector<16xf32>,
      tpu.vector_store %arg12[%swap3A_99], %broadcast_in_dim3A_1 {strides = array<i32>} : memref<10240xf32, #tpu.memory_space<vmem>>, vector<16xf32>,
      %scan3A_101 = arith.constant 0 : i32
      scf.yield %scan3A_101 : i32
    }
    %scan3A_7 = arith.constant 640 : i32
    %scan3A_8 = arith.constant 0 : i32
    %scan3A_9 = arith.constant 0 : i32
    %scan3A_10 = arith.constant 25 : i32
    %scan3A_11 = arith.addi %scan3A_9, %scan3A_10 : i32
    %scan3A_12 = arith.constant 1 : i32
    %scan3A_13 = scf.for %scan3A_68 = %scan3A_9 to %scan3A_11 step %scan3A_12 iter_args(%scan3A_69 = %scan3A_8) -> (i32)  : i32 {
      %mul3A_70 = arith.constant 800 : i32
      %mul3A_71 = arith.muli %scan3A_68, %mul3A_70 : i32
      %add3A_72 = arith.addi %mul3A_0, %mul3A_71 : i32
      "tpu.region"() ({
        %run_scoped3A = tpu.sem_alloc : memref<!tpu.dma_semaphore, #tpu.memory_space<semaphore_mem>>
        %dma_start3A = tpu.memref_slice %arg3[%add3A_72] : memref<320000xi32, #tpu.memory_space<hbm>> -> memref<800xi32, #tpu.memory_space<hbm>>
        %dma_start3A_83 = tpu.memref_slice %arg3[%add3A_72] : memref<320000xi32, #tpu.memory_space<hbm>> -> memref<800xi32, #tpu.memory_space<hbm>>
        tpu.enqueue_dma source(%dma_start3A_83 : memref<800xi32, #tpu.memory_space<hbm>>) target(%arg14 : memref<800xi32, #tpu.memory_space<vmem>>) target_semaphore(%run_scoped3A : memref<!tpu.dma_semaphore, #tpu.memory_space<semaphore_mem>>)
        %dma_wait3A = tpu.memref_slice %arg3[%add3A_72] : memref<320000xi32, #tpu.memory_space<hbm>> -> memref<800xi32, #tpu.memory_space<hbm>>
        %dma_wait3A_84 = tpu.memref_slice %arg3[%add3A_72] : memref<320000xi32, #tpu.memory_space<hbm>> -> memref<800xi32, #tpu.memory_space<hbm>>
        tpu.wait_dma2 semaphore(%run_scoped3A : memref<!tpu.dma_semaphore, #tpu.memory_space<semaphore_mem>>) src(%dma_wait3A_84 : memref<800xi32, #tpu.memory_space<hbm>>) dst(%arg14 : memref<800xi32, #tpu.memory_space<vmem>>)
        tpu.yield
      }) : () -> ()
      %mul3A_73 = arith.constant 16 : i32
      %mul3A_74 = arith.muli %add3A_72, %mul3A_73 : i32
      "tpu.region"() ({
        %run_scoped3A = tpu.sem_alloc : memref<!tpu.dma_semaphore, #tpu.memory_space<semaphore_mem>>
        %dma_start3A = tpu.memref_slice %arg2[%mul3A_74] : memref<5120000xf32, #tpu.memory_space<hbm>> -> memref<12800xf32, #tpu.memory_space<hbm>>
        %dma_start3A_83 = tpu.memref_slice %arg2[%mul3A_74] : memref<5120000xf32, #tpu.memory_space<hbm>> -> memref<12800xf32, #tpu.memory_space<hbm>>
        tpu.enqueue_dma source(%dma_start3A_83 : memref<12800xf32, #tpu.memory_space<hbm>>) target(%arg15 : memref<12800xf32, #tpu.memory_space<vmem>>) target_semaphore(%run_scoped3A : memref<!tpu.dma_semaphore, #tpu.memory_space<semaphore_mem>>)
        %dma_wait3A = tpu.memref_slice %arg2[%mul3A_74] : memref<5120000xf32, #tpu.memory_space<hbm>> -> memref<12800xf32, #tpu.memory_space<hbm>>
        %dma_wait3A_84 = tpu.memref_slice %arg2[%mul3A_74] : memref<5120000xf32, #tpu.memory_space<hbm>> -> memref<12800xf32, #tpu.memory_space<hbm>>
        tpu.wait_dma2 semaphore(%run_scoped3A : memref<!tpu.dma_semaphore, #tpu.memory_space<semaphore_mem>>) src(%dma_wait3A_84 : memref<12800xf32, #tpu.memory_space<hbm>>) dst(%arg15 : memref<12800xf32, #tpu.memory_space<vmem>>)
        tpu.yield
      }) : () -> ()
      %scan3A_75 = arith.constant 0 : i32
      %scan3A_76 = arith.constant 0 : i32
      %scan3A_77 = arith.constant 50 : i32
      %scan3A_78 = arith.addi %scan3A_76, %scan3A_77 : i32
      %scan3A_79 = arith.constant 1 : i32
      %scan3A_80 = scf.for %scan3A_83 = %scan3A_76 to %scan3A_78 step %scan3A_79 iter_args(%scan3A_84 = %scan3A_75) -> (i32)  : i32 {
        %mul3A_85 = arith.constant 16 : i32
        %mul3A_86 = arith.muli %scan3A_83, %mul3A_85 : i32
        %get3A = arith.index_cast %mul3A_86 : i32 to index
        %get3A_87 = tpu.vector_load %arg14[%get3A] {strides = array<i32>} : memref<800xi32, #tpu.memory_space<vmem>>, vector<16xi32>,
        %mul3A_88 = arith.constant 16 : i32
        %mul3A_89 = arith.muli %scan3A_83, %mul3A_88 : i32
        %add3A_90 = vector.broadcast %mul3A_89 : i32 to vector<16xi32>
        %add3A_91 = arith.addi %iota3A, %add3A_90 : vector<16xi32>
        %mul3A_92 = arith.constant 16 : i32
        %mul3A_93 = vector.broadcast %mul3A_92 : i32 to vector<16xi32>
        %mul3A_94 = arith.muli %add3A_91, %mul3A_93 : vector<16xi32>
        %mul3A_95 = arith.constant 8 : i32
        %mul3A_96 = arith.muli %arg0, %mul3A_95 : i32
        %add3A_97 = vector.broadcast %mul3A_96 : i32 to vector<16xi32>
        %add3A_98 = arith.addi %mul3A_94, %add3A_97 : vector<16xi32>
        %add3A_99 = arith.constant 0 : i32
        %add3A_100 = vector.broadcast %add3A_99 : i32 to vector<16xi32>
        %add3A_101 = arith.addi %add3A_98, %add3A_100 : vector<16xi32>
        %gather3A = tpu.vector_load_idx %arg15[%add3A_101] : memref<12800xf32, #tpu.memory_space<vmem>>[vector<16xi32>], vector<16xf32>,
        %add3A_102 = arith.constant 1 : i32
        %add3A_103 = vector.broadcast %add3A_102 : i32 to vector<16xi32>
        %add3A_104 = arith.addi %add3A_98, %add3A_103 : vector<16xi32>
        %gather3A_105 = tpu.vector_load_idx %arg15[%add3A_104] : memref<12800xf32, #tpu.memory_space<vmem>>[vector<16xi32>], vector<16xf32>,
        %add3A_106 = arith.constant 2 : i32
        %add3A_107 = vector.broadcast %add3A_106 : i32 to vector<16xi32>
        %add3A_108 = arith.addi %add3A_98, %add3A_107 : vector<16xi32>
        %gather3A_109 = tpu.vector_load_idx %arg15[%add3A_108] : memref<12800xf32, #tpu.memory_space<vmem>>[vector<16xi32>], vector<16xf32>,
        %add3A_110 = arith.constant 3 : i32
        %add3A_111 = vector.broadcast %add3A_110 : i32 to vector<16xi32>
        %add3A_112 = arith.addi %add3A_98, %add3A_111 : vector<16xi32>
        %gather3A_113 = tpu.vector_load_idx %arg15[%add3A_112] : memref<12800xf32, #tpu.memory_space<vmem>>[vector<16xi32>], vector<16xf32>,
        %add3A_114 = arith.constant 4 : i32
        %add3A_115 = vector.broadcast %add3A_114 : i32 to vector<16xi32>
        %add3A_116 = arith.addi %add3A_98, %add3A_115 : vector<16xi32>
        %gather3A_117 = tpu.vector_load_idx %arg15[%add3A_116] : memref<12800xf32, #tpu.memory_space<vmem>>[vector<16xi32>], vector<16xf32>,
        %add3A_118 = arith.constant 5 : i32
        %add3A_119 = vector.broadcast %add3A_118 : i32 to vector<16xi32>
        %add3A_120 = arith.addi %add3A_98, %add3A_119 : vector<16xi32>
        %gather3A_121 = tpu.vector_load_idx %arg15[%add3A_120] : memref<12800xf32, #tpu.memory_space<vmem>>[vector<16xi32>], vector<16xf32>,
        %add3A_122 = arith.constant 6 : i32
        %add3A_123 = vector.broadcast %add3A_122 : i32 to vector<16xi32>
        %add3A_124 = arith.addi %add3A_98, %add3A_123 : vector<16xi32>
        %gather3A_125 = tpu.vector_load_idx %arg15[%add3A_124] : memref<12800xf32, #tpu.memory_space<vmem>>[vector<16xi32>], vector<16xf32>,
        %add3A_126 = arith.constant 7 : i32
        %add3A_127 = vector.broadcast %add3A_126 : i32 to vector<16xi32>
        %add3A_128 = arith.addi %add3A_98, %add3A_127 : vector<16xi32>
        %gather3A_129 = tpu.vector_load_idx %arg15[%add3A_128] : memref<12800xf32, #tpu.memory_space<vmem>>[vector<16xi32>], vector<16xf32>,
        tpu.vector_store_idx %arg13[%get3A_87], %add3A_91 : memref<10240xi32, #tpu.memory_space<vmem>>[vector<16xi32>], vector<16xi32>,
        %gather3A_130 = tpu.vector_load_idx %arg13[%get3A_87] : memref<10240xi32, #tpu.memory_space<vmem>>[vector<16xi32>], vector<16xi32>,
        %ne3A_131 = arith.cmpi ne, %gather3A_130, %add3A_91 : vector<16xi32>
        %all_reduce_population_count3A = tpu.all_reduce %ne3A_131 {dim = 0 : i64, kind = #tpu.reduction_kind<sum>} : vector<16xi1> -> vector<16xi32>
        %slice3A = vector.extract_strided_slice %all_reduce_population_count3A {offsets = [0], sizes = [1], strides = [1]} : vector<16xi32> to vector<1xi32>
        %squeeze3A = vector.extract %slice3A[0] : i32 from vector<1xi32>
        %gt3A = arith.constant 0 : i32
        %gt3A_132 = arith.cmpi sgt, %squeeze3A, %gt3A : i32
        %convert_element_type3A = arith.extui %gt3A_132 : i1 to i32
        %cond3A = arith.constant 0 : i32
        %cond3A_133 = arith.cmpi ne, %convert_element_type3A, %cond3A : i32
        scf.if %cond3A_133 {
          %scan3A_135 = arith.constant 0 : i32
          %scan3A_136 = arith.constant 0 : i32
          %scan3A_137 = arith.constant 16 : i32
          %scan3A_138 = arith.addi %scan3A_136, %scan3A_137 : i32
          %scan3A_139 = arith.constant 1 : i32
          %scan3A_140 = scf.for %scan3A_142 = %scan3A_136 to %scan3A_138 step %scan3A_139 iter_args(%scan3A_143 = %scan3A_135) -> (i32)  : i32 {
            %eq3A_144 = vector.broadcast %scan3A_142 : i32 to vector<16xi32>
            %eq3A_145 = arith.cmpi eq, %iota3A, %eq3A_144 : vector<16xi32>
            %gather3A_146 = tpu.vector_load_idx %arg5[%get3A_87] : memref<10240xf32, #tpu.memory_space<vmem>>[vector<16xi32>], vector<16xf32>,
            %max3A = arith.maximumf %gather3A_146, %gather3A : vector<16xf32>
            tpu.vector_store_idx %arg5[%get3A_87], %max3A masked %eq3A_145 : memref<10240xf32, #tpu.memory_space<vmem>>[vector<16xi32>], vector<16xf32>, vector<16xi1>
            %gather3A_147 = tpu.vector_load_idx %arg6[%get3A_87] : memref<10240xf32, #tpu.memory_space<vmem>>[vector<16xi32>], vector<16xf32>,
            %max3A_148 = arith.maximumf %gather3A_147, %gather3A_105 : vector<16xf32>
            tpu.vector_store_idx %arg6[%get3A_87], %max3A_148 masked %eq3A_145 : memref<10240xf32, #tpu.memory_space<vmem>>[vector<16xi32>], vector<16xf32>, vector<16xi1>
            %gather3A_149 = tpu.vector_load_idx %arg7[%get3A_87] : memref<10240xf32, #tpu.memory_space<vmem>>[vector<16xi32>], vector<16xf32>,
            %max3A_150 = arith.maximumf %gather3A_149, %gather3A_109 : vector<16xf32>
            tpu.vector_store_idx %arg7[%get3A_87], %max3A_150 masked %eq3A_145 : memref<10240xf32, #tpu.memory_space<vmem>>[vector<16xi32>], vector<16xf32>, vector<16xi1>
            %gather3A_151 = tpu.vector_load_idx %arg8[%get3A_87] : memref<10240xf32, #tpu.memory_space<vmem>>[vector<16xi32>], vector<16xf32>,
            %max3A_152 = arith.maximumf %gather3A_151, %gather3A_113 : vector<16xf32>
            tpu.vector_store_idx %arg8[%get3A_87], %max3A_152 masked %eq3A_145 : memref<10240xf32, #tpu.memory_space<vmem>>[vector<16xi32>], vector<16xf32>, vector<16xi1>
            %gather3A_153 = tpu.vector_load_idx %arg9[%get3A_87] : memref<10240xf32, #tpu.memory_space<vmem>>[vector<16xi32>], vector<16xf32>,
            %max3A_154 = arith.maximumf %gather3A_153, %gather3A_117 : vector<16xf32>
            tpu.vector_store_idx %arg9[%get3A_87], %max3A_154 masked %eq3A_145 : memref<10240xf32, #tpu.memory_space<vmem>>[vector<16xi32>], vector<16xf32>, vector<16xi1>
            %gather3A_155 = tpu.vector_load_idx %arg10[%get3A_87] : memref<10240xf32, #tpu.memory_space<vmem>>[vector<16xi32>], vector<16xf32>,
            %max3A_156 = arith.maximumf %gather3A_155, %gather3A_121 : vector<16xf32>
            tpu.vector_store_idx %arg10[%get3A_87], %max3A_156 masked %eq3A_145 : memref<10240xf32, #tpu.memory_space<vmem>>[vector<16xi32>], vector<16xf32>, vector<16xi1>
            %gather3A_157 = tpu.vector_load_idx %arg11[%get3A_87] : memref<10240xf32, #tpu.memory_space<vmem>>[vector<16xi32>], vector<16xf32>,
            %max3A_158 = arith.maximumf %gather3A_157, %gather3A_125 : vector<16xf32>
            tpu.vector_store_idx %arg11[%get3A_87], %max3A_158 masked %eq3A_145 : memref<10240xf32, #tpu.memory_space<vmem>>[vector<16xi32>], vector<16xf32>, vector<16xi1>
            %gather3A_159 = tpu.vector_load_idx %arg12[%get3A_87] : memref<10240xf32, #tpu.memory_space<vmem>>[vector<16xi32>], vector<16xf32>,
            %max3A_160 = arith.maximumf %gather3A_159, %gather3A_129 : vector<16xf32>
            tpu.vector_store_idx %arg12[%get3A_87], %max3A_160 masked %eq3A_145 : memref<10240xf32, #tpu.memory_space<vmem>>[vector<16xi32>], vector<16xf32>, vector<16xi1>
            %scan3A_161 = arith.constant 0 : i32
            scf.yield %scan3A_161 : i32
          }
          %scan3A_141 = arith.constant 16 : i32
        } else {
          %gather3A_135 = tpu.vector_load_idx %arg5[%get3A_87] : memref<10240xf32, #tpu.memory_space<vmem>>[vector<16xi32>], vector<16xf32>,
          %max3A = arith.maximumf %gather3A_135, %gather3A : vector<16xf32>
          tpu.vector_store_idx %arg5[%get3A_87], %max3A : memref<10240xf32, #tpu.memory_space<vmem>>[vector<16xi32>], vector<16xf32>,
          %gather3A_136 = tpu.vector_load_idx %arg6[%get3A_87] : memref<10240xf32, #tpu.memory_space<vmem>>[vector<16xi32>], vector<16xf32>,
          %max3A_137 = arith.maximumf %gather3A_136, %gather3A_105 : vector<16xf32>
          tpu.vector_store_idx %arg6[%get3A_87], %max3A_137 : memref<10240xf32, #tpu.memory_space<vmem>>[vector<16xi32>], vector<16xf32>,
          %gather3A_138 = tpu.vector_load_idx %arg7[%get3A_87] : memref<10240xf32, #tpu.memory_space<vmem>>[vector<16xi32>], vector<16xf32>,
          %max3A_139 = arith.maximumf %gather3A_138, %gather3A_109 : vector<16xf32>
          tpu.vector_store_idx %arg7[%get3A_87], %max3A_139 : memref<10240xf32, #tpu.memory_space<vmem>>[vector<16xi32>], vector<16xf32>,
          %gather3A_140 = tpu.vector_load_idx %arg8[%get3A_87] : memref<10240xf32, #tpu.memory_space<vmem>>[vector<16xi32>], vector<16xf32>,
          %max3A_141 = arith.maximumf %gather3A_140, %gather3A_113 : vector<16xf32>
          tpu.vector_store_idx %arg8[%get3A_87], %max3A_141 : memref<10240xf32, #tpu.memory_space<vmem>>[vector<16xi32>], vector<16xf32>,
          %gather3A_142 = tpu.vector_load_idx %arg9[%get3A_87] : memref<10240xf32, #tpu.memory_space<vmem>>[vector<16xi32>], vector<16xf32>,
          %max3A_143 = arith.maximumf %gather3A_142, %gather3A_117 : vector<16xf32>
          tpu.vector_store_idx %arg9[%get3A_87], %max3A_143 : memref<10240xf32, #tpu.memory_space<vmem>>[vector<16xi32>], vector<16xf32>,
          %gather3A_144 = tpu.vector_load_idx %arg10[%get3A_87] : memref<10240xf32, #tpu.memory_space<vmem>>[vector<16xi32>], vector<16xf32>,
          %max3A_145 = arith.maximumf %gather3A_144, %gather3A_121 : vector<16xf32>
          tpu.vector_store_idx %arg10[%get3A_87], %max3A_145 : memref<10240xf32, #tpu.memory_space<vmem>>[vector<16xi32>], vector<16xf32>,
          %gather3A_146 = tpu.vector_load_idx %arg11[%get3A_87] : memref<10240xf32, #tpu.memory_space<vmem>>[vector<16xi32>], vector<16xf32>,
          %max3A_147 = arith.maximumf %gather3A_146, %gather3A_125 : vector<16xf32>
          tpu.vector_store_idx %arg11[%get3A_87], %max3A_147 : memref<10240xf32, #tpu.memory_space<vmem>>[vector<16xi32>], vector<16xf32>,
          %gather3A_148 = tpu.vector_load_idx %arg12[%get3A_87] : memref<10240xf32, #tpu.memory_space<vmem>>[vector<16xi32>], vector<16xf32>,
          %max3A_149 = arith.maximumf %gather3A_148, %gather3A_129 : vector<16xf32>
          tpu.vector_store_idx %arg12[%get3A_87], %max3A_149 : memref<10240xf32, #tpu.memory_space<vmem>>[vector<16xi32>], vector<16xf32>,
        }
        %scan3A_134 = arith.constant 0 : i32
        scf.yield %scan3A_134 : i32
      }
      %scan3A_81 = arith.constant 50 : i32
      %scan3A_82 = arith.constant 0 : i32
      scf.yield %scan3A_82 : i32
    }
    %scan3A_14 = arith.constant 25 : i32
    %jit3A = arith.constant 8 : i32
    %eq3A = arith.constant 0 : i32
    %eq3A_15 = arith.cmpi eq, %jit3A, %eq3A : i32
    %jit3A_16 = arith.constant 1 : i32
    %select_n3A = arith.select %eq3A_15, %jit3A_16, %jit3A : i32
    %rem3A = vector.broadcast %select_n3A : i32 to vector<16xi32>
    %rem3A_17 = arith.remsi %iota3A, %rem3A : vector<16xi32>
    %ne3A = arith.constant 0 : i32
    %ne3A_18 = vector.broadcast %ne3A : i32 to vector<16xi32>
    %ne3A_19 = arith.cmpi ne, %rem3A_17, %ne3A_18 : vector<16xi32>
    %lt3A = arith.constant 0 : i32
    %lt3A_20 = vector.broadcast %lt3A : i32 to vector<16xi32>
    %lt3A_21 = arith.cmpi slt, %rem3A_17, %lt3A_20 : vector<16xi32>
    %lt3A_22 = arith.constant 0 : i32
    %lt3A_23 = arith.cmpi slt, %select_n3A, %lt3A_22 : i32
    %ne3A_24 = vector.broadcast %lt3A_23 : i1 to vector<16xi1>
    %ne3A_25 = vector.broadcast %ne3A_24 : vector<16xi1> to vector<16xi1>
    %ne3A_26 = arith.xori %lt3A_21, %ne3A_25 : vector<16xi1>
    %and3A = arith.andi %ne3A_26, %ne3A_19 : vector<16xi1>
    %add3A = vector.broadcast %select_n3A : i32 to vector<16xi32>
    %add3A_27 = arith.addi %rem3A_17, %add3A : vector<16xi32>
    %select_n3A_28 = arith.select %and3A, %add3A_27, %rem3A_17 : vector<16xi1>, vector<16xi32>
    %mul3A_29 = arith.constant 64 : i32
    %mul3A_30 = vector.broadcast %mul3A_29 : i32 to vector<16xi32>
    %mul3A_31 = arith.muli %select_n3A_28, %mul3A_30 : vector<16xi32>
    %jit3A_32 = arith.constant 8 : i32
    %div3A = vector.broadcast %jit3A_32 : i32 to vector<16xi32>
    %div3A_33 = arith.divsi %iota3A, %div3A : vector<16xi32>
    %sign3A = arith.constant 0 : i32
    %sign3A_34 = vector.broadcast %sign3A : i32 to vector<16xi32>
    %sign3A_35 = arith.cmpi sgt, %iota3A, %sign3A_34 : vector<16xi32>
    %sign3A_36 = arith.extui %sign3A_35 : vector<16xi1> to vector<16xi32>
    %sign3A_37 = arith.constant 0 : i32
    %sign3A_38 = vector.broadcast %sign3A_37 : i32 to vector<16xi32>
    %sign3A_39 = arith.cmpi slt, %iota3A, %sign3A_38 : vector<16xi32>
    %sign3A_40 = arith.extui %sign3A_39 : vector<16xi1> to vector<16xi32>
    %sign3A_41 = arith.subi %sign3A_36, %sign3A_40 : vector<16xi32>
    %sign3A_42 = arith.constant 0 : i32
    %sign3A_43 = arith.cmpi sgt, %jit3A_32, %sign3A_42 : i32
    %sign3A_44 = arith.extui %sign3A_43 : i1 to i32
    %sign3A_45 = arith.constant 0 : i32
    %sign3A_46 = arith.cmpi slt, %jit3A_32, %sign3A_45 : i32
    %sign3A_47 = arith.extui %sign3A_46 : i1 to i32
    %sign3A_48 = arith.subi %sign3A_44, %sign3A_47 : i32
    %ne3A_49 = vector.broadcast %sign3A_48 : i32 to vector<16xi32>
    %ne3A_50 = arith.cmpi ne, %sign3A_41, %ne3A_49 : vector<16xi32>
    %rem3A_51 = vector.broadcast %jit3A_32 : i32 to vector<16xi32>
    %rem3A_52 = arith.remsi %iota3A, %rem3A_51 : vector<16xi32>
    %ne3A_53 = arith.constant 0 : i32
    %ne3A_54 = vector.broadcast %ne3A_53 : i32 to vector<16xi32>
    %ne3A_55 = arith.cmpi ne, %rem3A_52, %ne3A_54 : vector<16xi32>
    %and3A_56 = arith.andi %ne3A_50, %ne3A_55 : vector<16xi1>
    %sub3A = arith.constant 1 : i32
    %sub3A_57 = vector.broadcast %sub3A : i32 to vector<16xi32>
    %sub3A_58 = arith.subi %div3A_33, %sub3A_57 : vector<16xi32>
    %select_n3A_59 = arith.select %and3A_56, %sub3A_58, %div3A_33 : vector<16xi1>, vector<16xi32>
    %add3A_60 = arith.addi %mul3A_31, %select_n3A_59 : vector<16xi32>
    %scan3A_61 = arith.constant 0 : i32
    %scan3A_62 = arith.constant 0 : i32
    %scan3A_63 = arith.constant 10 : i32
    %scan3A_64 = arith.addi %scan3A_62, %scan3A_63 : i32
    %scan3A_65 = arith.constant 1 : i32
    %scan3A_66 = scf.for %scan3A_68 = %scan3A_62 to %scan3A_64 step %scan3A_65 iter_args(%scan3A_69 = %scan3A_61) -> (i32)  : i32 {
      %mul3A_70 = arith.constant 1024 : i32
      %mul3A_71 = arith.muli %scan3A_68, %mul3A_70 : i32
      %run_scoped3A = arith.constant 0 : i32
      "tpu.region"() ({
        %run_scoped3A_491 = tpu.sem_alloc : memref<!tpu.dma_semaphore, #tpu.memory_space<semaphore_mem>>
        %dma_start3A = tpu.memref_slice %arg5[%mul3A_71] : memref<10240xf32, #tpu.memory_space<vmem>> -> memref<1024xf32, #tpu.memory_space<vmem>>
        %dma_start3A_492 = arith.constant 0 : i32
        %dma_start3A_493 = tpu.memref_slice %arg20[%arg1, %run_scoped3A, %dma_start3A_492] : memref<16x8x1024xf32, #tpu.memory_space<vmem_shared>> -> memref<1x1x1024xf32, #tpu.memory_space<vmem_shared>>
        %dma_start3A_494 = tpu.memref_squeeze %dma_start3A_493 : memref<1x1x1024xf32, #tpu.memory_space<vmem_shared>> -> memref<1024xf32, #tpu.memory_space<vmem_shared>>
        %dma_start3A_495 = arith.constant 0 : i32
        %dma_start3A_496 = tpu.memref_slice %arg20[%arg1, %run_scoped3A, %dma_start3A_495] : memref<16x8x1024xf32, #tpu.memory_space<vmem_shared>> -> memref<1x1x1024xf32, #tpu.memory_space<vmem_shared>>
        %dma_start3A_497 = tpu.memref_squeeze %dma_start3A_496 : memref<1x1x1024xf32, #tpu.memory_space<vmem_shared>> -> memref<1024xf32, #tpu.memory_space<vmem_shared>>
        %dma_start3A_498 = tpu.memref_slice %arg5[%mul3A_71] : memref<10240xf32, #tpu.memory_space<vmem>> -> memref<1024xf32, #tpu.memory_space<vmem>>
        tpu.enqueue_dma source(%dma_start3A_498 : memref<1024xf32, #tpu.memory_space<vmem>>) target(%dma_start3A_497 : memref<1024xf32, #tpu.memory_space<vmem_shared>>) target_semaphore(%run_scoped3A_491 : memref<!tpu.dma_semaphore, #tpu.memory_space<semaphore_mem>>)
        %dma_wait3A = tpu.memref_slice %arg5[%mul3A_71] : memref<10240xf32, #tpu.memory_space<vmem>> -> memref<1024xf32, #tpu.memory_space<vmem>>
        %dma_wait3A_499 = arith.constant 0 : i32
        %dma_wait3A_500 = tpu.memref_slice %arg20[%arg1, %run_scoped3A, %dma_wait3A_499] : memref<16x8x1024xf32, #tpu.memory_space<vmem_shared>> -> memref<1x1x1024xf32, #tpu.memory_space<vmem_shared>>
        %dma_wait3A_501 = tpu.memref_squeeze %dma_wait3A_500 : memref<1x1x1024xf32, #tpu.memory_space<vmem_shared>> -> memref<1024xf32, #tpu.memory_space<vmem_shared>>
        %dma_wait3A_502 = arith.constant 0 : i32
        %dma_wait3A_503 = tpu.memref_slice %arg20[%arg1, %run_scoped3A, %dma_wait3A_502] : memref<16x8x1024xf32, #tpu.memory_space<vmem_shared>> -> memref<1x1x1024xf32, #tpu.memory_space<vmem_shared>>
        %dma_wait3A_504 = tpu.memref_squeeze %dma_wait3A_503 : memref<1x1x1024xf32, #tpu.memory_space<vmem_shared>> -> memref<1024xf32, #tpu.memory_space<vmem_shared>>
        %dma_wait3A_505 = tpu.memref_slice %arg5[%mul3A_71] : memref<10240xf32, #tpu.memory_space<vmem>> -> memref<1024xf32, #tpu.memory_space<vmem>>
        tpu.wait_dma2 semaphore(%run_scoped3A_491 : memref<!tpu.dma_semaphore, #tpu.memory_space<semaphore_mem>>) src(%dma_wait3A_505 : memref<1024xf32, #tpu.memory_space<vmem>>) dst(%dma_wait3A_504 : memref<1024xf32, #tpu.memory_space<vmem_shared>>)
        tpu.yield
      }) : () -> ()
      %mul3A_72 = arith.constant 1024 : i32
      %mul3A_73 = arith.muli %scan3A_68, %mul3A_72 : i32
      %run_scoped3A_74 = arith.constant 1 : i32
      "tpu.region"() ({
        %run_scoped3A_491 = tpu.sem_alloc : memref<!tpu.dma_semaphore, #tpu.memory_space<semaphore_mem>>
        %dma_start3A = tpu.memref_slice %arg6[%mul3A_73] : memref<10240xf32, #tpu.memory_space<vmem>> -> memref<1024xf32, #tpu.memory_space<vmem>>
        %dma_start3A_492 = arith.constant 0 : i32
        %dma_start3A_493 = tpu.memref_slice %arg20[%arg1, %run_scoped3A_74, %dma_start3A_492] : memref<16x8x1024xf32, #tpu.memory_space<vmem_shared>> -> memref<1x1x1024xf32, #tpu.memory_space<vmem_shared>>
        %dma_start3A_494 = tpu.memref_squeeze %dma_start3A_493 : memref<1x1x1024xf32, #tpu.memory_space<vmem_shared>> -> memref<1024xf32, #tpu.memory_space<vmem_shared>>
        %dma_start3A_495 = arith.constant 0 : i32
        %dma_start3A_496 = tpu.memref_slice %arg20[%arg1, %run_scoped3A_74, %dma_start3A_495] : memref<16x8x1024xf32, #tpu.memory_space<vmem_shared>> -> memref<1x1x1024xf32, #tpu.memory_space<vmem_shared>>
        %dma_start3A_497 = tpu.memref_squeeze %dma_start3A_496 : memref<1x1x1024xf32, #tpu.memory_space<vmem_shared>> -> memref<1024xf32, #tpu.memory_space<vmem_shared>>
        %dma_start3A_498 = tpu.memref_slice %arg6[%mul3A_73] : memref<10240xf32, #tpu.memory_space<vmem>> -> memref<1024xf32, #tpu.memory_space<vmem>>
        tpu.enqueue_dma source(%dma_start3A_498 : memref<1024xf32, #tpu.memory_space<vmem>>) target(%dma_start3A_497 : memref<1024xf32, #tpu.memory_space<vmem_shared>>) target_semaphore(%run_scoped3A_491 : memref<!tpu.dma_semaphore, #tpu.memory_space<semaphore_mem>>)
        %dma_wait3A = tpu.memref_slice %arg6[%mul3A_73] : memref<10240xf32, #tpu.memory_space<vmem>> -> memref<1024xf32, #tpu.memory_space<vmem>>
        %dma_wait3A_499 = arith.constant 0 : i32
        %dma_wait3A_500 = tpu.memref_slice %arg20[%arg1, %run_scoped3A_74, %dma_wait3A_499] : memref<16x8x1024xf32, #tpu.memory_space<vmem_shared>> -> memref<1x1x1024xf32, #tpu.memory_space<vmem_shared>>
        %dma_wait3A_501 = tpu.memref_squeeze %dma_wait3A_500 : memref<1x1x1024xf32, #tpu.memory_space<vmem_shared>> -> memref<1024xf32, #tpu.memory_space<vmem_shared>>
        %dma_wait3A_502 = arith.constant 0 : i32
        %dma_wait3A_503 = tpu.memref_slice %arg20[%arg1, %run_scoped3A_74, %dma_wait3A_502] : memref<16x8x1024xf32, #tpu.memory_space<vmem_shared>> -> memref<1x1x1024xf32, #tpu.memory_space<vmem_shared>>
        %dma_wait3A_504 = tpu.memref_squeeze %dma_wait3A_503 : memref<1x1x1024xf32, #tpu.memory_space<vmem_shared>> -> memref<1024xf32, #tpu.memory_space<vmem_shared>>
        %dma_wait3A_505 = tpu.memref_slice %arg6[%mul3A_73] : memref<10240xf32, #tpu.memory_space<vmem>> -> memref<1024xf32, #tpu.memory_space<vmem>>
        tpu.wait_dma2 semaphore(%run_scoped3A_491 : memref<!tpu.dma_semaphore, #tpu.memory_space<semaphore_mem>>) src(%dma_wait3A_505 : memref<1024xf32, #tpu.memory_space<vmem>>) dst(%dma_wait3A_504 : memref<1024xf32, #tpu.memory_space<vmem_shared>>)
        tpu.yield
      }) : () -> ()
      %mul3A_75 = arith.constant 1024 : i32
      %mul3A_76 = arith.muli %scan3A_68, %mul3A_75 : i32
      %run_scoped3A_77 = arith.constant 2 : i32
      "tpu.region"() ({
        %run_scoped3A_491 = tpu.sem_alloc : memref<!tpu.dma_semaphore, #tpu.memory_space<semaphore_mem>>
        %dma_start3A = tpu.memref_slice %arg7[%mul3A_76] : memref<10240xf32, #tpu.memory_space<vmem>> -> memref<1024xf32, #tpu.memory_space<vmem>>
        %dma_start3A_492 = arith.constant 0 : i32
        %dma_start3A_493 = tpu.memref_slice %arg20[%arg1, %run_scoped3A_77, %dma_start3A_492] : memref<16x8x1024xf32, #tpu.memory_space<vmem_shared>> -> memref<1x1x1024xf32, #tpu.memory_space<vmem_shared>>
        %dma_start3A_494 = tpu.memref_squeeze %dma_start3A_493 : memref<1x1x1024xf32, #tpu.memory_space<vmem_shared>> -> memref<1024xf32, #tpu.memory_space<vmem_shared>>
        %dma_start3A_495 = arith.constant 0 : i32
        %dma_start3A_496 = tpu.memref_slice %arg20[%arg1, %run_scoped3A_77, %dma_start3A_495] : memref<16x8x1024xf32, #tpu.memory_space<vmem_shared>> -> memref<1x1x1024xf32, #tpu.memory_space<vmem_shared>>
        %dma_start3A_497 = tpu.memref_squeeze %dma_start3A_496 : memref<1x1x1024xf32, #tpu.memory_space<vmem_shared>> -> memref<1024xf32, #tpu.memory_space<vmem_shared>>
        %dma_start3A_498 = tpu.memref_slice %arg7[%mul3A_76] : memref<10240xf32, #tpu.memory_space<vmem>> -> memref<1024xf32, #tpu.memory_space<vmem>>
        tpu.enqueue_dma source(%dma_start3A_498 : memref<1024xf32, #tpu.memory_space<vmem>>) target(%dma_start3A_497 : memref<1024xf32, #tpu.memory_space<vmem_shared>>) target_semaphore(%run_scoped3A_491 : memref<!tpu.dma_semaphore, #tpu.memory_space<semaphore_mem>>)
        %dma_wait3A = tpu.memref_slice %arg7[%mul3A_76] : memref<10240xf32, #tpu.memory_space<vmem>> -> memref<1024xf32, #tpu.memory_space<vmem>>
        %dma_wait3A_499 = arith.constant 0 : i32
        %dma_wait3A_500 = tpu.memref_slice %arg20[%arg1, %run_scoped3A_77, %dma_wait3A_499] : memref<16x8x1024xf32, #tpu.memory_space<vmem_shared>> -> memref<1x1x1024xf32, #tpu.memory_space<vmem_shared>>
        %dma_wait3A_501 = tpu.memref_squeeze %dma_wait3A_500 : memref<1x1x1024xf32, #tpu.memory_space<vmem_shared>> -> memref<1024xf32, #tpu.memory_space<vmem_shared>>
        %dma_wait3A_502 = arith.constant 0 : i32
        %dma_wait3A_503 = tpu.memref_slice %arg20[%arg1, %run_scoped3A_77, %dma_wait3A_502] : memref<16x8x1024xf32, #tpu.memory_space<vmem_shared>> -> memref<1x1x1024xf32, #tpu.memory_space<vmem_shared>>
        %dma_wait3A_504 = tpu.memref_squeeze %dma_wait3A_503 : memref<1x1x1024xf32, #tpu.memory_space<vmem_shared>> -> memref<1024xf32, #tpu.memory_space<vmem_shared>>
        %dma_wait3A_505 = tpu.memref_slice %arg7[%mul3A_76] : memref<10240xf32, #tpu.memory_space<vmem>> -> memref<1024xf32, #tpu.memory_space<vmem>>
        tpu.wait_dma2 semaphore(%run_scoped3A_491 : memref<!tpu.dma_semaphore, #tpu.memory_space<semaphore_mem>>) src(%dma_wait3A_505 : memref<1024xf32, #tpu.memory_space<vmem>>) dst(%dma_wait3A_504 : memref<1024xf32, #tpu.memory_space<vmem_shared>>)
        tpu.yield
      }) : () -> ()
      %mul3A_78 = arith.constant 1024 : i32
      %mul3A_79 = arith.muli %scan3A_68, %mul3A_78 : i32
      %run_scoped3A_80 = arith.constant 3 : i32
      "tpu.region"() ({
        %run_scoped3A_491 = tpu.sem_alloc : memref<!tpu.dma_semaphore, #tpu.memory_space<semaphore_mem>>
        %dma_start3A = tpu.memref_slice %arg8[%mul3A_79] : memref<10240xf32, #tpu.memory_space<vmem>> -> memref<1024xf32, #tpu.memory_space<vmem>>
        %dma_start3A_492 = arith.constant 0 : i32
        %dma_start3A_493 = tpu.memref_slice %arg20[%arg1, %run_scoped3A_80, %dma_start3A_492] : memref<16x8x1024xf32, #tpu.memory_space<vmem_shared>> -> memref<1x1x1024xf32, #tpu.memory_space<vmem_shared>>
        %dma_start3A_494 = tpu.memref_squeeze %dma_start3A_493 : memref<1x1x1024xf32, #tpu.memory_space<vmem_shared>> -> memref<1024xf32, #tpu.memory_space<vmem_shared>>
        %dma_start3A_495 = arith.constant 0 : i32
        %dma_start3A_496 = tpu.memref_slice %arg20[%arg1, %run_scoped3A_80, %dma_start3A_495] : memref<16x8x1024xf32, #tpu.memory_space<vmem_shared>> -> memref<1x1x1024xf32, #tpu.memory_space<vmem_shared>>
        %dma_start3A_497 = tpu.memref_squeeze %dma_start3A_496 : memref<1x1x1024xf32, #tpu.memory_space<vmem_shared>> -> memref<1024xf32, #tpu.memory_space<vmem_shared>>
        %dma_start3A_498 = tpu.memref_slice %arg8[%mul3A_79] : memref<10240xf32, #tpu.memory_space<vmem>> -> memref<1024xf32, #tpu.memory_space<vmem>>
        tpu.enqueue_dma source(%dma_start3A_498 : memref<1024xf32, #tpu.memory_space<vmem>>) target(%dma_start3A_497 : memref<1024xf32, #tpu.memory_space<vmem_shared>>) target_semaphore(%run_scoped3A_491 : memref<!tpu.dma_semaphore, #tpu.memory_space<semaphore_mem>>)
        %dma_wait3A = tpu.memref_slice %arg8[%mul3A_79] : memref<10240xf32, #tpu.memory_space<vmem>> -> memref<1024xf32, #tpu.memory_space<vmem>>
        %dma_wait3A_499 = arith.constant 0 : i32
        %dma_wait3A_500 = tpu.memref_slice %arg20[%arg1, %run_scoped3A_80, %dma_wait3A_499] : memref<16x8x1024xf32, #tpu.memory_space<vmem_shared>> -> memref<1x1x1024xf32, #tpu.memory_space<vmem_shared>>
        %dma_wait3A_501 = tpu.memref_squeeze %dma_wait3A_500 : memref<1x1x1024xf32, #tpu.memory_space<vmem_shared>> -> memref<1024xf32, #tpu.memory_space<vmem_shared>>
        %dma_wait3A_502 = arith.constant 0 : i32
        %dma_wait3A_503 = tpu.memref_slice %arg20[%arg1, %run_scoped3A_80, %dma_wait3A_502] : memref<16x8x1024xf32, #tpu.memory_space<vmem_shared>> -> memref<1x1x1024xf32, #tpu.memory_space<vmem_shared>>
        %dma_wait3A_504 = tpu.memref_squeeze %dma_wait3A_503 : memref<1x1x1024xf32, #tpu.memory_space<vmem_shared>> -> memref<1024xf32, #tpu.memory_space<vmem_shared>>
        %dma_wait3A_505 = tpu.memref_slice %arg8[%mul3A_79] : memref<10240xf32, #tpu.memory_space<vmem>> -> memref<1024xf32, #tpu.memory_space<vmem>>
        tpu.wait_dma2 semaphore(%run_scoped3A_491 : memref<!tpu.dma_semaphore, #tpu.memory_space<semaphore_mem>>) src(%dma_wait3A_505 : memref<1024xf32, #tpu.memory_space<vmem>>) dst(%dma_wait3A_504 : memref<1024xf32, #tpu.memory_space<vmem_shared>>)
        tpu.yield
      }) : () -> ()
      %mul3A_81 = arith.constant 1024 : i32
      %mul3A_82 = arith.muli %scan3A_68, %mul3A_81 : i32
      %run_scoped3A_83 = arith.constant 4 : i32
      "tpu.region"() ({
        %run_scoped3A_491 = tpu.sem_alloc : memref<!tpu.dma_semaphore, #tpu.memory_space<semaphore_mem>>
        %dma_start3A = tpu.memref_slice %arg9[%mul3A_82] : memref<10240xf32, #tpu.memory_space<vmem>> -> memref<1024xf32, #tpu.memory_space<vmem>>
        %dma_start3A_492 = arith.constant 0 : i32
        %dma_start3A_493 = tpu.memref_slice %arg20[%arg1, %run_scoped3A_83, %dma_start3A_492] : memref<16x8x1024xf32, #tpu.memory_space<vmem_shared>> -> memref<1x1x1024xf32, #tpu.memory_space<vmem_shared>>
        %dma_start3A_494 = tpu.memref_squeeze %dma_start3A_493 : memref<1x1x1024xf32, #tpu.memory_space<vmem_shared>> -> memref<1024xf32, #tpu.memory_space<vmem_shared>>
        %dma_start3A_495 = arith.constant 0 : i32
        %dma_start3A_496 = tpu.memref_slice %arg20[%arg1, %run_scoped3A_83, %dma_start3A_495] : memref<16x8x1024xf32, #tpu.memory_space<vmem_shared>> -> memref<1x1x1024xf32, #tpu.memory_space<vmem_shared>>
        %dma_start3A_497 = tpu.memref_squeeze %dma_start3A_496 : memref<1x1x1024xf32, #tpu.memory_space<vmem_shared>> -> memref<1024xf32, #tpu.memory_space<vmem_shared>>
        %dma_start3A_498 = tpu.memref_slice %arg9[%mul3A_82] : memref<10240xf32, #tpu.memory_space<vmem>> -> memref<1024xf32, #tpu.memory_space<vmem>>
        tpu.enqueue_dma source(%dma_start3A_498 : memref<1024xf32, #tpu.memory_space<vmem>>) target(%dma_start3A_497 : memref<1024xf32, #tpu.memory_space<vmem_shared>>) target_semaphore(%run_scoped3A_491 : memref<!tpu.dma_semaphore, #tpu.memory_space<semaphore_mem>>)
        %dma_wait3A = tpu.memref_slice %arg9[%mul3A_82] : memref<10240xf32, #tpu.memory_space<vmem>> -> memref<1024xf32, #tpu.memory_space<vmem>>
        %dma_wait3A_499 = arith.constant 0 : i32
        %dma_wait3A_500 = tpu.memref_slice %arg20[%arg1, %run_scoped3A_83, %dma_wait3A_499] : memref<16x8x1024xf32, #tpu.memory_space<vmem_shared>> -> memref<1x1x1024xf32, #tpu.memory_space<vmem_shared>>
        %dma_wait3A_501 = tpu.memref_squeeze %dma_wait3A_500 : memref<1x1x1024xf32, #tpu.memory_space<vmem_shared>> -> memref<1024xf32, #tpu.memory_space<vmem_shared>>
        %dma_wait3A_502 = arith.constant 0 : i32
        %dma_wait3A_503 = tpu.memref_slice %arg20[%arg1, %run_scoped3A_83, %dma_wait3A_502] : memref<16x8x1024xf32, #tpu.memory_space<vmem_shared>> -> memref<1x1x1024xf32, #tpu.memory_space<vmem_shared>>
        %dma_wait3A_504 = tpu.memref_squeeze %dma_wait3A_503 : memref<1x1x1024xf32, #tpu.memory_space<vmem_shared>> -> memref<1024xf32, #tpu.memory_space<vmem_shared>>
        %dma_wait3A_505 = tpu.memref_slice %arg9[%mul3A_82] : memref<10240xf32, #tpu.memory_space<vmem>> -> memref<1024xf32, #tpu.memory_space<vmem>>
        tpu.wait_dma2 semaphore(%run_scoped3A_491 : memref<!tpu.dma_semaphore, #tpu.memory_space<semaphore_mem>>) src(%dma_wait3A_505 : memref<1024xf32, #tpu.memory_space<vmem>>) dst(%dma_wait3A_504 : memref<1024xf32, #tpu.memory_space<vmem_shared>>)
        tpu.yield
      }) : () -> ()
      %mul3A_84 = arith.constant 1024 : i32
      %mul3A_85 = arith.muli %scan3A_68, %mul3A_84 : i32
      %run_scoped3A_86 = arith.constant 5 : i32
      "tpu.region"() ({
        %run_scoped3A_491 = tpu.sem_alloc : memref<!tpu.dma_semaphore, #tpu.memory_space<semaphore_mem>>
        %dma_start3A = tpu.memref_slice %arg10[%mul3A_85] : memref<10240xf32, #tpu.memory_space<vmem>> -> memref<1024xf32, #tpu.memory_space<vmem>>
        %dma_start3A_492 = arith.constant 0 : i32
        %dma_start3A_493 = tpu.memref_slice %arg20[%arg1, %run_scoped3A_86, %dma_start3A_492] : memref<16x8x1024xf32, #tpu.memory_space<vmem_shared>> -> memref<1x1x1024xf32, #tpu.memory_space<vmem_shared>>
        %dma_start3A_494 = tpu.memref_squeeze %dma_start3A_493 : memref<1x1x1024xf32, #tpu.memory_space<vmem_shared>> -> memref<1024xf32, #tpu.memory_space<vmem_shared>>
        %dma_start3A_495 = arith.constant 0 : i32
        %dma_start3A_496 = tpu.memref_slice %arg20[%arg1, %run_scoped3A_86, %dma_start3A_495] : memref<16x8x1024xf32, #tpu.memory_space<vmem_shared>> -> memref<1x1x1024xf32, #tpu.memory_space<vmem_shared>>
        %dma_start3A_497 = tpu.memref_squeeze %dma_start3A_496 : memref<1x1x1024xf32, #tpu.memory_space<vmem_shared>> -> memref<1024xf32, #tpu.memory_space<vmem_shared>>
        %dma_start3A_498 = tpu.memref_slice %arg10[%mul3A_85] : memref<10240xf32, #tpu.memory_space<vmem>> -> memref<1024xf32, #tpu.memory_space<vmem>>
        tpu.enqueue_dma source(%dma_start3A_498 : memref<1024xf32, #tpu.memory_space<vmem>>) target(%dma_start3A_497 : memref<1024xf32, #tpu.memory_space<vmem_shared>>) target_semaphore(%run_scoped3A_491 : memref<!tpu.dma_semaphore, #tpu.memory_space<semaphore_mem>>)
        %dma_wait3A = tpu.memref_slice %arg10[%mul3A_85] : memref<10240xf32, #tpu.memory_space<vmem>> -> memref<1024xf32, #tpu.memory_space<vmem>>
        %dma_wait3A_499 = arith.constant 0 : i32
        %dma_wait3A_500 = tpu.memref_slice %arg20[%arg1, %run_scoped3A_86, %dma_wait3A_499] : memref<16x8x1024xf32, #tpu.memory_space<vmem_shared>> -> memref<1x1x1024xf32, #tpu.memory_space<vmem_shared>>
        %dma_wait3A_501 = tpu.memref_squeeze %dma_wait3A_500 : memref<1x1x1024xf32, #tpu.memory_space<vmem_shared>> -> memref<1024xf32, #tpu.memory_space<vmem_shared>>
        %dma_wait3A_502 = arith.constant 0 : i32
        %dma_wait3A_503 = tpu.memref_slice %arg20[%arg1, %run_scoped3A_86, %dma_wait3A_502] : memref<16x8x1024xf32, #tpu.memory_space<vmem_shared>> -> memref<1x1x1024xf32, #tpu.memory_space<vmem_shared>>
        %dma_wait3A_504 = tpu.memref_squeeze %dma_wait3A_503 : memref<1x1x1024xf32, #tpu.memory_space<vmem_shared>> -> memref<1024xf32, #tpu.memory_space<vmem_shared>>
        %dma_wait3A_505 = tpu.memref_slice %arg10[%mul3A_85] : memref<10240xf32, #tpu.memory_space<vmem>> -> memref<1024xf32, #tpu.memory_space<vmem>>
        tpu.wait_dma2 semaphore(%run_scoped3A_491 : memref<!tpu.dma_semaphore, #tpu.memory_space<semaphore_mem>>) src(%dma_wait3A_505 : memref<1024xf32, #tpu.memory_space<vmem>>) dst(%dma_wait3A_504 : memref<1024xf32, #tpu.memory_space<vmem_shared>>)
        tpu.yield
      }) : () -> ()
      %mul3A_87 = arith.constant 1024 : i32
      %mul3A_88 = arith.muli %scan3A_68, %mul3A_87 : i32
      %run_scoped3A_89 = arith.constant 6 : i32
      "tpu.region"() ({
        %run_scoped3A_491 = tpu.sem_alloc : memref<!tpu.dma_semaphore, #tpu.memory_space<semaphore_mem>>
        %dma_start3A = tpu.memref_slice %arg11[%mul3A_88] : memref<10240xf32, #tpu.memory_space<vmem>> -> memref<1024xf32, #tpu.memory_space<vmem>>
        %dma_start3A_492 = arith.constant 0 : i32
        %dma_start3A_493 = tpu.memref_slice %arg20[%arg1, %run_scoped3A_89, %dma_start3A_492] : memref<16x8x1024xf32, #tpu.memory_space<vmem_shared>> -> memref<1x1x1024xf32, #tpu.memory_space<vmem_shared>>
        %dma_start3A_494 = tpu.memref_squeeze %dma_start3A_493 : memref<1x1x1024xf32, #tpu.memory_space<vmem_shared>> -> memref<1024xf32, #tpu.memory_space<vmem_shared>>
        %dma_start3A_495 = arith.constant 0 : i32
        %dma_start3A_496 = tpu.memref_slice %arg20[%arg1, %run_scoped3A_89, %dma_start3A_495] : memref<16x8x1024xf32, #tpu.memory_space<vmem_shared>> -> memref<1x1x1024xf32, #tpu.memory_space<vmem_shared>>
        %dma_start3A_497 = tpu.memref_squeeze %dma_start3A_496 : memref<1x1x1024xf32, #tpu.memory_space<vmem_shared>> -> memref<1024xf32, #tpu.memory_space<vmem_shared>>
        %dma_start3A_498 = tpu.memref_slice %arg11[%mul3A_88] : memref<10240xf32, #tpu.memory_space<vmem>> -> memref<1024xf32, #tpu.memory_space<vmem>>
        tpu.enqueue_dma source(%dma_start3A_498 : memref<1024xf32, #tpu.memory_space<vmem>>) target(%dma_start3A_497 : memref<1024xf32, #tpu.memory_space<vmem_shared>>) target_semaphore(%run_scoped3A_491 : memref<!tpu.dma_semaphore, #tpu.memory_space<semaphore_mem>>)
        %dma_wait3A = tpu.memref_slice %arg11[%mul3A_88] : memref<10240xf32, #tpu.memory_space<vmem>> -> memref<1024xf32, #tpu.memory_space<vmem>>
        %dma_wait3A_499 = arith.constant 0 : i32
        %dma_wait3A_500 = tpu.memref_slice %arg20[%arg1, %run_scoped3A_89, %dma_wait3A_499] : memref<16x8x1024xf32, #tpu.memory_space<vmem_shared>> -> memref<1x1x1024xf32, #tpu.memory_space<vmem_shared>>
        %dma_wait3A_501 = tpu.memref_squeeze %dma_wait3A_500 : memref<1x1x1024xf32, #tpu.memory_space<vmem_shared>> -> memref<1024xf32, #tpu.memory_space<vmem_shared>>
        %dma_wait3A_502 = arith.constant 0 : i32
        %dma_wait3A_503 = tpu.memref_slice %arg20[%arg1, %run_scoped3A_89, %dma_wait3A_502] : memref<16x8x1024xf32, #tpu.memory_space<vmem_shared>> -> memref<1x1x1024xf32, #tpu.memory_space<vmem_shared>>
        %dma_wait3A_504 = tpu.memref_squeeze %dma_wait3A_503 : memref<1x1x1024xf32, #tpu.memory_space<vmem_shared>> -> memref<1024xf32, #tpu.memory_space<vmem_shared>>
        %dma_wait3A_505 = tpu.memref_slice %arg11[%mul3A_88] : memref<10240xf32, #tpu.memory_space<vmem>> -> memref<1024xf32, #tpu.memory_space<vmem>>
        tpu.wait_dma2 semaphore(%run_scoped3A_491 : memref<!tpu.dma_semaphore, #tpu.memory_space<semaphore_mem>>) src(%dma_wait3A_505 : memref<1024xf32, #tpu.memory_space<vmem>>) dst(%dma_wait3A_504 : memref<1024xf32, #tpu.memory_space<vmem_shared>>)
        tpu.yield
      }) : () -> ()
      %mul3A_90 = arith.constant 1024 : i32
      %mul3A_91 = arith.muli %scan3A_68, %mul3A_90 : i32
      %run_scoped3A_92 = arith.constant 7 : i32
      "tpu.region"() ({
        %run_scoped3A_491 = tpu.sem_alloc : memref<!tpu.dma_semaphore, #tpu.memory_space<semaphore_mem>>
        %dma_start3A = tpu.memref_slice %arg12[%mul3A_91] : memref<10240xf32, #tpu.memory_space<vmem>> -> memref<1024xf32, #tpu.memory_space<vmem>>
        %dma_start3A_492 = arith.constant 0 : i32
        %dma_start3A_493 = tpu.memref_slice %arg20[%arg1, %run_scoped3A_92, %dma_start3A_492] : memref<16x8x1024xf32, #tpu.memory_space<vmem_shared>> -> memref<1x1x1024xf32, #tpu.memory_space<vmem_shared>>
        %dma_start3A_494 = tpu.memref_squeeze %dma_start3A_493 : memref<1x1x1024xf32, #tpu.memory_space<vmem_shared>> -> memref<1024xf32, #tpu.memory_space<vmem_shared>>
        %dma_start3A_495 = arith.constant 0 : i32
        %dma_start3A_496 = tpu.memref_slice %arg20[%arg1, %run_scoped3A_92, %dma_start3A_495] : memref<16x8x1024xf32, #tpu.memory_space<vmem_shared>> -> memref<1x1x1024xf32, #tpu.memory_space<vmem_shared>>
        %dma_start3A_497 = tpu.memref_squeeze %dma_start3A_496 : memref<1x1x1024xf32, #tpu.memory_space<vmem_shared>> -> memref<1024xf32, #tpu.memory_space<vmem_shared>>
        %dma_start3A_498 = tpu.memref_slice %arg12[%mul3A_91] : memref<10240xf32, #tpu.memory_space<vmem>> -> memref<1024xf32, #tpu.memory_space<vmem>>
        tpu.enqueue_dma source(%dma_start3A_498 : memref<1024xf32, #tpu.memory_space<vmem>>) target(%dma_start3A_497 : memref<1024xf32, #tpu.memory_space<vmem_shared>>) target_semaphore(%run_scoped3A_491 : memref<!tpu.dma_semaphore, #tpu.memory_space<semaphore_mem>>)
        %dma_wait3A = tpu.memref_slice %arg12[%mul3A_91] : memref<10240xf32, #tpu.memory_space<vmem>> -> memref<1024xf32, #tpu.memory_space<vmem>>
        %dma_wait3A_499 = arith.constant 0 : i32
        %dma_wait3A_500 = tpu.memref_slice %arg20[%arg1, %run_scoped3A_92, %dma_wait3A_499] : memref<16x8x1024xf32, #tpu.memory_space<vmem_shared>> -> memref<1x1x1024xf32, #tpu.memory_space<vmem_shared>>
        %dma_wait3A_501 = tpu.memref_squeeze %dma_wait3A_500 : memref<1x1x1024xf32, #tpu.memory_space<vmem_shared>> -> memref<1024xf32, #tpu.memory_space<vmem_shared>>
        %dma_wait3A_502 = arith.constant 0 : i32
        %dma_wait3A_503 = tpu.memref_slice %arg20[%arg1, %run_scoped3A_92, %dma_wait3A_502] : memref<16x8x1024xf32, #tpu.memory_space<vmem_shared>> -> memref<1x1x1024xf32, #tpu.memory_space<vmem_shared>>
        %dma_wait3A_504 = tpu.memref_squeeze %dma_wait3A_503 : memref<1x1x1024xf32, #tpu.memory_space<vmem_shared>> -> memref<1024xf32, #tpu.memory_space<vmem_shared>>
        %dma_wait3A_505 = tpu.memref_slice %arg12[%mul3A_91] : memref<10240xf32, #tpu.memory_space<vmem>> -> memref<1024xf32, #tpu.memory_space<vmem>>
        tpu.wait_dma2 semaphore(%run_scoped3A_491 : memref<!tpu.dma_semaphore, #tpu.memory_space<semaphore_mem>>) src(%dma_wait3A_505 : memref<1024xf32, #tpu.memory_space<vmem>>) dst(%dma_wait3A_504 : memref<1024xf32, #tpu.memory_space<vmem_shared>>)
        tpu.yield
      }) : () -> ()
      %barrier3A = arith.constant 0 : index
      tpu.barrier barrier_id(%barrier3A)
      %mul3A_93 = arith.constant 64 : i32
      %mul3A_94 = arith.muli %arg1, %mul3A_93 : i32
      %run_scoped3A_95 = arith.constant 0 : i32
      "tpu.region"() ({
        %run_scoped3A_491 = tpu.sem_alloc : memref<!tpu.dma_semaphore, #tpu.memory_space<semaphore_mem>>
        %dma_start3A = arith.constant 0 : i32
        %dma_start3A_492 = tpu.memref_slice %arg20[%run_scoped3A_95, %dma_start3A, %mul3A_94] : memref<16x8x1024xf32, #tpu.memory_space<vmem_shared>> -> memref<1x8x64xf32, #tpu.memory_space<vmem_shared>>
        %dma_start3A_493 = tpu.memref_squeeze %dma_start3A_492 : memref<1x8x64xf32, #tpu.memory_space<vmem_shared>> -> memref<8x64xf32, #tpu.memory_space<vmem_shared>>
        %dma_start3A_494 = arith.constant 0 : i32
        %dma_start3A_495 = tpu.memref_slice %arg20[%run_scoped3A_95, %dma_start3A_494, %mul3A_94] : memref<16x8x1024xf32, #tpu.memory_space<vmem_shared>> -> memref<1x8x64xf32, #tpu.memory_space<vmem_shared>>
        %dma_start3A_496 = tpu.memref_squeeze %dma_start3A_495 : memref<1x8x64xf32, #tpu.memory_space<vmem_shared>> -> memref<8x64xf32, #tpu.memory_space<vmem_shared>>
        tpu.enqueue_dma source(%dma_start3A_496 : memref<8x64xf32, #tpu.memory_space<vmem_shared>>) target(%arg16 : memref<8x64xf32, #tpu.memory_space<vmem>>) target_semaphore(%run_scoped3A_491 : memref<!tpu.dma_semaphore, #tpu.memory_space<semaphore_mem>>)
        %dma_wait3A = arith.constant 0 : i32
        %dma_wait3A_497 = tpu.memref_slice %arg20[%run_scoped3A_95, %dma_wait3A, %mul3A_94] : memref<16x8x1024xf32, #tpu.memory_space<vmem_shared>> -> memref<1x8x64xf32, #tpu.memory_space<vmem_shared>>
        %dma_wait3A_498 = tpu.memref_squeeze %dma_wait3A_497 : memref<1x8x64xf32, #tpu.memory_space<vmem_shared>> -> memref<8x64xf32, #tpu.memory_space<vmem_shared>>
        %dma_wait3A_499 = arith.constant 0 : i32
        %dma_wait3A_500 = tpu.memref_slice %arg20[%run_scoped3A_95, %dma_wait3A_499, %mul3A_94] : memref<16x8x1024xf32, #tpu.memory_space<vmem_shared>> -> memref<1x8x64xf32, #tpu.memory_space<vmem_shared>>
        %dma_wait3A_501 = tpu.memref_squeeze %dma_wait3A_500 : memref<1x8x64xf32, #tpu.memory_space<vmem_shared>> -> memref<8x64xf32, #tpu.memory_space<vmem_shared>>
        tpu.wait_dma2 semaphore(%run_scoped3A_491 : memref<!tpu.dma_semaphore, #tpu.memory_space<semaphore_mem>>) src(%dma_wait3A_501 : memref<8x64xf32, #tpu.memory_space<vmem_shared>>) dst(%arg16 : memref<8x64xf32, #tpu.memory_space<vmem>>)
        tpu.yield
      }) : () -> ()
      %scan3A_96 = arith.constant 0 : i32
      %scan3A_97 = arith.constant 1 : i32
      %scan3A_98 = arith.constant 15 : i32
      %scan3A_99 = arith.addi %scan3A_97, %scan3A_98 : i32
      %scan3A_100 = arith.constant 1 : i32
      %scan3A_101 = scf.for %scan3A_491 = %scan3A_97 to %scan3A_99 step %scan3A_100 iter_args(%scan3A_492 = %scan3A_96) -> (i32)  : i32 {
        "tpu.region"() ({
          %run_scoped3A_909 = tpu.sem_alloc : memref<!tpu.dma_semaphore, #tpu.memory_space<semaphore_mem>>
          %dma_start3A = arith.constant 0 : i32
          %dma_start3A_910 = tpu.memref_slice %arg20[%scan3A_491, %dma_start3A, %mul3A_94] : memref<16x8x1024xf32, #tpu.memory_space<vmem_shared>> -> memref<1x8x64xf32, #tpu.memory_space<vmem_shared>>
          %dma_start3A_911 = tpu.memref_squeeze %dma_start3A_910 : memref<1x8x64xf32, #tpu.memory_space<vmem_shared>> -> memref<8x64xf32, #tpu.memory_space<vmem_shared>>
          %dma_start3A_912 = arith.constant 0 : i32
          %dma_start3A_913 = tpu.memref_slice %arg20[%scan3A_491, %dma_start3A_912, %mul3A_94] : memref<16x8x1024xf32, #tpu.memory_space<vmem_shared>> -> memref<1x8x64xf32, #tpu.memory_space<vmem_shared>>
          %dma_start3A_914 = tpu.memref_squeeze %dma_start3A_913 : memref<1x8x64xf32, #tpu.memory_space<vmem_shared>> -> memref<8x64xf32, #tpu.memory_space<vmem_shared>>
          tpu.enqueue_dma source(%dma_start3A_914 : memref<8x64xf32, #tpu.memory_space<vmem_shared>>) target(%arg17 : memref<8x64xf32, #tpu.memory_space<vmem>>) target_semaphore(%run_scoped3A_909 : memref<!tpu.dma_semaphore, #tpu.memory_space<semaphore_mem>>)
          %dma_wait3A = arith.constant 0 : i32
          %dma_wait3A_915 = tpu.memref_slice %arg20[%scan3A_491, %dma_wait3A, %mul3A_94] : memref<16x8x1024xf32, #tpu.memory_space<vmem_shared>> -> memref<1x8x64xf32, #tpu.memory_space<vmem_shared>>
          %dma_wait3A_916 = tpu.memref_squeeze %dma_wait3A_915 : memref<1x8x64xf32, #tpu.memory_space<vmem_shared>> -> memref<8x64xf32, #tpu.memory_space<vmem_shared>>
          %dma_wait3A_917 = arith.constant 0 : i32
          %dma_wait3A_918 = tpu.memref_slice %arg20[%scan3A_491, %dma_wait3A_917, %mul3A_94] : memref<16x8x1024xf32, #tpu.memory_space<vmem_shared>> -> memref<1x8x64xf32, #tpu.memory_space<vmem_shared>>
          %dma_wait3A_919 = tpu.memref_squeeze %dma_wait3A_918 : memref<1x8x64xf32, #tpu.memory_space<vmem_shared>> -> memref<8x64xf32, #tpu.memory_space<vmem_shared>>
          tpu.wait_dma2 semaphore(%run_scoped3A_909 : memref<!tpu.dma_semaphore, #tpu.memory_space<semaphore_mem>>) src(%dma_wait3A_919 : memref<8x64xf32, #tpu.memory_space<vmem_shared>>) dst(%arg17 : memref<8x64xf32, #tpu.memory_space<vmem>>)
          tpu.yield
        }) : () -> ()
        %get3A_493 = arith.constant 0 : i32
        %get3A_494 = arith.index_cast %get3A_493 : i32 to index
        %get3A_495 = arith.constant 0 : index
        %get3A_496 = tpu.vector_load %arg16[%get3A_494, %get3A_495] {strides = array<i32>} : memref<8x64xf32, #tpu.memory_space<vmem>>, vector<16xf32>,
        %get3A_497 = arith.constant 0 : i32
        %get3A_498 = arith.index_cast %get3A_497 : i32 to index
        %get3A_499 = arith.constant 0 : index
        %get3A_500 = tpu.vector_load %arg17[%get3A_498, %get3A_499] {strides = array<i32>} : memref<8x64xf32, #tpu.memory_space<vmem>>, vector<16xf32>,
        %max3A = arith.maximumf %get3A_496, %get3A_500 : vector<16xf32>
        %swap3A_501 = arith.constant 0 : i32
        %swap3A_502 = arith.index_cast %swap3A_501 : i32 to index
        %swap3A_503 = arith.constant 0 : index
        %swap3A_504 = tpu.vector_load %arg16[%swap3A_502, %swap3A_503] {strides = array<i32>} : memref<8x64xf32, #tpu.memory_space<vmem>>, vector<16xf32>,
        tpu.vector_store %arg16[%swap3A_502, %swap3A_503], %max3A {strides = array<i32>} : memref<8x64xf32, #tpu.memory_space<vmem>>, vector<16xf32>,
        %get3A_505 = arith.constant 0 : i32
        %get3A_506 = arith.index_cast %get3A_505 : i32 to index
        %get3A_507 = arith.constant 16 : index
        %get3A_508 = tpu.vector_load %arg16[%get3A_506, %get3A_507] {strides = array<i32>} : memref<8x64xf32, #tpu.memory_space<vmem>>, vector<16xf32>,
        %get3A_509 = arith.constant 0 : i32
        %get3A_510 = arith.index_cast %get3A_509 : i32 to index
        %get3A_511 = arith.constant 16 : index
        %get3A_512 = tpu.vector_load %arg17[%get3A_510, %get3A_511] {strides = array<i32>} : memref<8x64xf32, #tpu.memory_space<vmem>>, vector<16xf32>,
        %max3A_513 = arith.maximumf %get3A_508, %get3A_512 : vector<16xf32>
        %swap3A_514 = arith.constant 0 : i32
        %swap3A_515 = arith.index_cast %swap3A_514 : i32 to index
        %swap3A_516 = arith.constant 16 : index
        %swap3A_517 = tpu.vector_load %arg16[%swap3A_515, %swap3A_516] {strides = array<i32>} : memref<8x64xf32, #tpu.memory_space<vmem>>, vector<16xf32>,
        tpu.vector_store %arg16[%swap3A_515, %swap3A_516], %max3A_513 {strides = array<i32>} : memref<8x64xf32, #tpu.memory_space<vmem>>, vector<16xf32>,
        %get3A_518 = arith.constant 0 : i32
        %get3A_519 = arith.index_cast %get3A_518 : i32 to index
        %get3A_520 = arith.constant 32 : index
        %get3A_521 = tpu.vector_load %arg16[%get3A_519, %get3A_520] {strides = array<i32>} : memref<8x64xf32, #tpu.memory_space<vmem>>, vector<16xf32>,
        %get3A_522 = arith.constant 0 : i32
        %get3A_523 = arith.index_cast %get3A_522 : i32 to index
        %get3A_524 = arith.constant 32 : index
        %get3A_525 = tpu.vector_load %arg17[%get3A_523, %get3A_524] {strides = array<i32>} : memref<8x64xf32, #tpu.memory_space<vmem>>, vector<16xf32>,
        %max3A_526 = arith.maximumf %get3A_521, %get3A_525 : vector<16xf32>
        %swap3A_527 = arith.constant 0 : i32
        %swap3A_528 = arith.index_cast %swap3A_527 : i32 to index
        %swap3A_529 = arith.constant 32 : index
        %swap3A_530 = tpu.vector_load %arg16[%swap3A_528, %swap3A_529] {strides = array<i32>} : memref<8x64xf32, #tpu.memory_space<vmem>>, vector<16xf32>,
        tpu.vector_store %arg16[%swap3A_528, %swap3A_529], %max3A_526 {strides = array<i32>} : memref<8x64xf32, #tpu.memory_space<vmem>>, vector<16xf32>,
        %get3A_531 = arith.constant 0 : i32
        %get3A_532 = arith.index_cast %get3A_531 : i32 to index
        %get3A_533 = arith.constant 48 : index
        %get3A_534 = tpu.vector_load %arg16[%get3A_532, %get3A_533] {strides = array<i32>} : memref<8x64xf32, #tpu.memory_space<vmem>>, vector<16xf32>,
        %get3A_535 = arith.constant 0 : i32
        %get3A_536 = arith.index_cast %get3A_535 : i32 to index
        %get3A_537 = arith.constant 48 : index
        %get3A_538 = tpu.vector_load %arg17[%get3A_536, %get3A_537] {strides = array<i32>} : memref<8x64xf32, #tpu.memory_space<vmem>>, vector<16xf32>,
        %max3A_539 = arith.maximumf %get3A_534, %get3A_538 : vector<16xf32>
        %swap3A_540 = arith.constant 0 : i32
        %swap3A_541 = arith.index_cast %swap3A_540 : i32 to index
        %swap3A_542 = arith.constant 48 : index
        %swap3A_543 = tpu.vector_load %arg16[%swap3A_541, %swap3A_542] {strides = array<i32>} : memref<8x64xf32, #tpu.memory_space<vmem>>, vector<16xf32>,
        tpu.vector_store %arg16[%swap3A_541, %swap3A_542], %max3A_539 {strides = array<i32>} : memref<8x64xf32, #tpu.memory_space<vmem>>, vector<16xf32>,
        %get3A_544 = arith.constant 1 : i32
        %get3A_545 = arith.index_cast %get3A_544 : i32 to index
        %get3A_546 = arith.constant 0 : index
        %get3A_547 = tpu.vector_load %arg16[%get3A_545, %get3A_546] {strides = array<i32>} : memref<8x64xf32, #tpu.memory_space<vmem>>, vector<16xf32>,
        %get3A_548 = arith.constant 1 : i32
        %get3A_549 = arith.index_cast %get3A_548 : i32 to index
        %get3A_550 = arith.constant 0 : index
        %get3A_551 = tpu.vector_load %arg17[%get3A_549, %get3A_550] {strides = array<i32>} : memref<8x64xf32, #tpu.memory_space<vmem>>, vector<16xf32>,
        %max3A_552 = arith.maximumf %get3A_547, %get3A_551 : vector<16xf32>
        %swap3A_553 = arith.constant 1 : i32
        %swap3A_554 = arith.index_cast %swap3A_553 : i32 to index
        %swap3A_555 = arith.constant 0 : index
        %swap3A_556 = tpu.vector_load %arg16[%swap3A_554, %swap3A_555] {strides = array<i32>} : memref<8x64xf32, #tpu.memory_space<vmem>>, vector<16xf32>,
        tpu.vector_store %arg16[%swap3A_554, %swap3A_555], %max3A_552 {strides = array<i32>} : memref<8x64xf32, #tpu.memory_space<vmem>>, vector<16xf32>,
        %get3A_557 = arith.constant 1 : i32
        %get3A_558 = arith.index_cast %get3A_557 : i32 to index
        %get3A_559 = arith.constant 16 : index
        %get3A_560 = tpu.vector_load %arg16[%get3A_558, %get3A_559] {strides = array<i32>} : memref<8x64xf32, #tpu.memory_space<vmem>>, vector<16xf32>,
        %get3A_561 = arith.constant 1 : i32
        %get3A_562 = arith.index_cast %get3A_561 : i32 to index
        %get3A_563 = arith.constant 16 : index
        %get3A_564 = tpu.vector_load %arg17[%get3A_562, %get3A_563] {strides = array<i32>} : memref<8x64xf32, #tpu.memory_space<vmem>>, vector<16xf32>,
        %max3A_565 = arith.maximumf %get3A_560, %get3A_564 : vector<16xf32>
        %swap3A_566 = arith.constant 1 : i32
        %swap3A_567 = arith.index_cast %swap3A_566 : i32 to index
        %swap3A_568 = arith.constant 16 : index
        %swap3A_569 = tpu.vector_load %arg16[%swap3A_567, %swap3A_568] {strides = array<i32>} : memref<8x64xf32, #tpu.memory_space<vmem>>, vector<16xf32>,
        tpu.vector_store %arg16[%swap3A_567, %swap3A_568], %max3A_565 {strides = array<i32>} : memref<8x64xf32, #tpu.memory_space<vmem>>, vector<16xf32>,
        %get3A_570 = arith.constant 1 : i32
        %get3A_571 = arith.index_cast %get3A_570 : i32 to index
        %get3A_572 = arith.constant 32 : index
        %get3A_573 = tpu.vector_load %arg16[%get3A_571, %get3A_572] {strides = array<i32>} : memref<8x64xf32, #tpu.memory_space<vmem>>, vector<16xf32>,
        %get3A_574 = arith.constant 1 : i32
        %get3A_575 = arith.index_cast %get3A_574 : i32 to index
        %get3A_576 = arith.constant 32 : index
        %get3A_577 = tpu.vector_load %arg17[%get3A_575, %get3A_576] {strides = array<i32>} : memref<8x64xf32, #tpu.memory_space<vmem>>, vector<16xf32>,
        %max3A_578 = arith.maximumf %get3A_573, %get3A_577 : vector<16xf32>
        %swap3A_579 = arith.constant 1 : i32
        %swap3A_580 = arith.index_cast %swap3A_579 : i32 to index
        %swap3A_581 = arith.constant 32 : index
        %swap3A_582 = tpu.vector_load %arg16[%swap3A_580, %swap3A_581] {strides = array<i32>} : memref<8x64xf32, #tpu.memory_space<vmem>>, vector<16xf32>,
        tpu.vector_store %arg16[%swap3A_580, %swap3A_581], %max3A_578 {strides = array<i32>} : memref<8x64xf32, #tpu.memory_space<vmem>>, vector<16xf32>,
        %get3A_583 = arith.constant 1 : i32
        %get3A_584 = arith.index_cast %get3A_583 : i32 to index
        %get3A_585 = arith.constant 48 : index
        %get3A_586 = tpu.vector_load %arg16[%get3A_584, %get3A_585] {strides = array<i32>} : memref<8x64xf32, #tpu.memory_space<vmem>>, vector<16xf32>,
        %get3A_587 = arith.constant 1 : i32
        %get3A_588 = arith.index_cast %get3A_587 : i32 to index
        %get3A_589 = arith.constant 48 : index
        %get3A_590 = tpu.vector_load %arg17[%get3A_588, %get3A_589] {strides = array<i32>} : memref<8x64xf32, #tpu.memory_space<vmem>>, vector<16xf32>,
        %max3A_591 = arith.maximumf %get3A_586, %get3A_590 : vector<16xf32>
        %swap3A_592 = arith.constant 1 : i32
        %swap3A_593 = arith.index_cast %swap3A_592 : i32 to index
        %swap3A_594 = arith.constant 48 : index
        %swap3A_595 = tpu.vector_load %arg16[%swap3A_593, %swap3A_594] {strides = array<i32>} : memref<8x64xf32, #tpu.memory_space<vmem>>, vector<16xf32>,
        tpu.vector_store %arg16[%swap3A_593, %swap3A_594], %max3A_591 {strides = array<i32>} : memref<8x64xf32, #tpu.memory_space<vmem>>, vector<16xf32>,
        %get3A_596 = arith.constant 2 : i32
        %get3A_597 = arith.index_cast %get3A_596 : i32 to index
        %get3A_598 = arith.constant 0 : index
        %get3A_599 = tpu.vector_load %arg16[%get3A_597, %get3A_598] {strides = array<i32>} : memref<8x64xf32, #tpu.memory_space<vmem>>, vector<16xf32>,
        %get3A_600 = arith.constant 2 : i32
        %get3A_601 = arith.index_cast %get3A_600 : i32 to index
        %get3A_602 = arith.constant 0 : index
        %get3A_603 = tpu.vector_load %arg17[%get3A_601, %get3A_602] {strides = array<i32>} : memref<8x64xf32, #tpu.memory_space<vmem>>, vector<16xf32>,
        %max3A_604 = arith.maximumf %get3A_599, %get3A_603 : vector<16xf32>
        %swap3A_605 = arith.constant 2 : i32
        %swap3A_606 = arith.index_cast %swap3A_605 : i32 to index
        %swap3A_607 = arith.constant 0 : index
        %swap3A_608 = tpu.vector_load %arg16[%swap3A_606, %swap3A_607] {strides = array<i32>} : memref<8x64xf32, #tpu.memory_space<vmem>>, vector<16xf32>,
        tpu.vector_store %arg16[%swap3A_606, %swap3A_607], %max3A_604 {strides = array<i32>} : memref<8x64xf32, #tpu.memory_space<vmem>>, vector<16xf32>,
        %get3A_609 = arith.constant 2 : i32
        %get3A_610 = arith.index_cast %get3A_609 : i32 to index
        %get3A_611 = arith.constant 16 : index
        %get3A_612 = tpu.vector_load %arg16[%get3A_610, %get3A_611] {strides = array<i32>} : memref<8x64xf32, #tpu.memory_space<vmem>>, vector<16xf32>,
        %get3A_613 = arith.constant 2 : i32
        %get3A_614 = arith.index_cast %get3A_613 : i32 to index
        %get3A_615 = arith.constant 16 : index
        %get3A_616 = tpu.vector_load %arg17[%get3A_614, %get3A_615] {strides = array<i32>} : memref<8x64xf32, #tpu.memory_space<vmem>>, vector<16xf32>,
        %max3A_617 = arith.maximumf %get3A_612, %get3A_616 : vector<16xf32>
        %swap3A_618 = arith.constant 2 : i32
        %swap3A_619 = arith.index_cast %swap3A_618 : i32 to index
        %swap3A_620 = arith.constant 16 : index
        %swap3A_621 = tpu.vector_load %arg16[%swap3A_619, %swap3A_620] {strides = array<i32>} : memref<8x64xf32, #tpu.memory_space<vmem>>, vector<16xf32>,
        tpu.vector_store %arg16[%swap3A_619, %swap3A_620], %max3A_617 {strides = array<i32>} : memref<8x64xf32, #tpu.memory_space<vmem>>, vector<16xf32>,
        %get3A_622 = arith.constant 2 : i32
        %get3A_623 = arith.index_cast %get3A_622 : i32 to index
        %get3A_624 = arith.constant 32 : index
        %get3A_625 = tpu.vector_load %arg16[%get3A_623, %get3A_624] {strides = array<i32>} : memref<8x64xf32, #tpu.memory_space<vmem>>, vector<16xf32>,
        %get3A_626 = arith.constant 2 : i32
        %get3A_627 = arith.index_cast %get3A_626 : i32 to index
        %get3A_628 = arith.constant 32 : index
        %get3A_629 = tpu.vector_load %arg17[%get3A_627, %get3A_628] {strides = array<i32>} : memref<8x64xf32, #tpu.memory_space<vmem>>, vector<16xf32>,
        %max3A_630 = arith.maximumf %get3A_625, %get3A_629 : vector<16xf32>
        %swap3A_631 = arith.constant 2 : i32
        %swap3A_632 = arith.index_cast %swap3A_631 : i32 to index
        %swap3A_633 = arith.constant 32 : index
        %swap3A_634 = tpu.vector_load %arg16[%swap3A_632, %swap3A_633] {strides = array<i32>} : memref<8x64xf32, #tpu.memory_space<vmem>>, vector<16xf32>,
        tpu.vector_store %arg16[%swap3A_632, %swap3A_633], %max3A_630 {strides = array<i32>} : memref<8x64xf32, #tpu.memory_space<vmem>>, vector<16xf32>,
        %get3A_635 = arith.constant 2 : i32
        %get3A_636 = arith.index_cast %get3A_635 : i32 to index
        %get3A_637 = arith.constant 48 : index
        %get3A_638 = tpu.vector_load %arg16[%get3A_636, %get3A_637] {strides = array<i32>} : memref<8x64xf32, #tpu.memory_space<vmem>>, vector<16xf32>,
        %get3A_639 = arith.constant 2 : i32
        %get3A_640 = arith.index_cast %get3A_639 : i32 to index
        %get3A_641 = arith.constant 48 : index
        %get3A_642 = tpu.vector_load %arg17[%get3A_640, %get3A_641] {strides = array<i32>} : memref<8x64xf32, #tpu.memory_space<vmem>>, vector<16xf32>,
        %max3A_643 = arith.maximumf %get3A_638, %get3A_642 : vector<16xf32>
        %swap3A_644 = arith.constant 2 : i32
        %swap3A_645 = arith.index_cast %swap3A_644 : i32 to index
        %swap3A_646 = arith.constant 48 : index
        %swap3A_647 = tpu.vector_load %arg16[%swap3A_645, %swap3A_646] {strides = array<i32>} : memref<8x64xf32, #tpu.memory_space<vmem>>, vector<16xf32>,
        tpu.vector_store %arg16[%swap3A_645, %swap3A_646], %max3A_643 {strides = array<i32>} : memref<8x64xf32, #tpu.memory_space<vmem>>, vector<16xf32>,
        %get3A_648 = arith.constant 3 : i32
        %get3A_649 = arith.index_cast %get3A_648 : i32 to index
        %get3A_650 = arith.constant 0 : index
        %get3A_651 = tpu.vector_load %arg16[%get3A_649, %get3A_650] {strides = array<i32>} : memref<8x64xf32, #tpu.memory_space<vmem>>, vector<16xf32>,
        %get3A_652 = arith.constant 3 : i32
        %get3A_653 = arith.index_cast %get3A_652 : i32 to index
        %get3A_654 = arith.constant 0 : index
        %get3A_655 = tpu.vector_load %arg17[%get3A_653, %get3A_654] {strides = array<i32>} : memref<8x64xf32, #tpu.memory_space<vmem>>, vector<16xf32>,
        %max3A_656 = arith.maximumf %get3A_651, %get3A_655 : vector<16xf32>
        %swap3A_657 = arith.constant 3 : i32
        %swap3A_658 = arith.index_cast %swap3A_657 : i32 to index
        %swap3A_659 = arith.constant 0 : index
        %swap3A_660 = tpu.vector_load %arg16[%swap3A_658, %swap3A_659] {strides = array<i32>} : memref<8x64xf32, #tpu.memory_space<vmem>>, vector<16xf32>,
        tpu.vector_store %arg16[%swap3A_658, %swap3A_659], %max3A_656 {strides = array<i32>} : memref<8x64xf32, #tpu.memory_space<vmem>>, vector<16xf32>,
        %get3A_661 = arith.constant 3 : i32
        %get3A_662 = arith.index_cast %get3A_661 : i32 to index
        %get3A_663 = arith.constant 16 : index
        %get3A_664 = tpu.vector_load %arg16[%get3A_662, %get3A_663] {strides = array<i32>} : memref<8x64xf32, #tpu.memory_space<vmem>>, vector<16xf32>,
        %get3A_665 = arith.constant 3 : i32
        %get3A_666 = arith.index_cast %get3A_665 : i32 to index
        %get3A_667 = arith.constant 16 : index
        %get3A_668 = tpu.vector_load %arg17[%get3A_666, %get3A_667] {strides = array<i32>} : memref<8x64xf32, #tpu.memory_space<vmem>>, vector<16xf32>,
        %max3A_669 = arith.maximumf %get3A_664, %get3A_668 : vector<16xf32>
        %swap3A_670 = arith.constant 3 : i32
        %swap3A_671 = arith.index_cast %swap3A_670 : i32 to index
        %swap3A_672 = arith.constant 16 : index
        %swap3A_673 = tpu.vector_load %arg16[%swap3A_671, %swap3A_672] {strides = array<i32>} : memref<8x64xf32, #tpu.memory_space<vmem>>, vector<16xf32>,
        tpu.vector_store %arg16[%swap3A_671, %swap3A_672], %max3A_669 {strides = array<i32>} : memref<8x64xf32, #tpu.memory_space<vmem>>, vector<16xf32>,
        %get3A_674 = arith.constant 3 : i32
        %get3A_675 = arith.index_cast %get3A_674 : i32 to index
        %get3A_676 = arith.constant 32 : index
        %get3A_677 = tpu.vector_load %arg16[%get3A_675, %get3A_676] {strides = array<i32>} : memref<8x64xf32, #tpu.memory_space<vmem>>, vector<16xf32>,
        %get3A_678 = arith.constant 3 : i32
        %get3A_679 = arith.index_cast %get3A_678 : i32 to index
        %get3A_680 = arith.constant 32 : index
        %get3A_681 = tpu.vector_load %arg17[%get3A_679, %get3A_680] {strides = array<i32>} : memref<8x64xf32, #tpu.memory_space<vmem>>, vector<16xf32>,
        %max3A_682 = arith.maximumf %get3A_677, %get3A_681 : vector<16xf32>
        %swap3A_683 = arith.constant 3 : i32
        %swap3A_684 = arith.index_cast %swap3A_683 : i32 to index
        %swap3A_685 = arith.constant 32 : index
        %swap3A_686 = tpu.vector_load %arg16[%swap3A_684, %swap3A_685] {strides = array<i32>} : memref<8x64xf32, #tpu.memory_space<vmem>>, vector<16xf32>,
        tpu.vector_store %arg16[%swap3A_684, %swap3A_685], %max3A_682 {strides = array<i32>} : memref<8x64xf32, #tpu.memory_space<vmem>>, vector<16xf32>,
        %get3A_687 = arith.constant 3 : i32
        %get3A_688 = arith.index_cast %get3A_687 : i32 to index
        %get3A_689 = arith.constant 48 : index
        %get3A_690 = tpu.vector_load %arg16[%get3A_688, %get3A_689] {strides = array<i32>} : memref<8x64xf32, #tpu.memory_space<vmem>>, vector<16xf32>,
        %get3A_691 = arith.constant 3 : i32
        %get3A_692 = arith.index_cast %get3A_691 : i32 to index
        %get3A_693 = arith.constant 48 : index
        %get3A_694 = tpu.vector_load %arg17[%get3A_692, %get3A_693] {strides = array<i32>} : memref<8x64xf32, #tpu.memory_space<vmem>>, vector<16xf32>,
        %max3A_695 = arith.maximumf %get3A_690, %get3A_694 : vector<16xf32>
        %swap3A_696 = arith.constant 3 : i32
        %swap3A_697 = arith.index_cast %swap3A_696 : i32 to index
        %swap3A_698 = arith.constant 48 : index
        %swap3A_699 = tpu.vector_load %arg16[%swap3A_697, %swap3A_698] {strides = array<i32>} : memref<8x64xf32, #tpu.memory_space<vmem>>, vector<16xf32>,
        tpu.vector_store %arg16[%swap3A_697, %swap3A_698], %max3A_695 {strides = array<i32>} : memref<8x64xf32, #tpu.memory_space<vmem>>, vector<16xf32>,
        %get3A_700 = arith.constant 4 : i32
        %get3A_701 = arith.index_cast %get3A_700 : i32 to index
        %get3A_702 = arith.constant 0 : index
        %get3A_703 = tpu.vector_load %arg16[%get3A_701, %get3A_702] {strides = array<i32>} : memref<8x64xf32, #tpu.memory_space<vmem>>, vector<16xf32>,
        %get3A_704 = arith.constant 4 : i32
        %get3A_705 = arith.index_cast %get3A_704 : i32 to index
        %get3A_706 = arith.constant 0 : index
        %get3A_707 = tpu.vector_load %arg17[%get3A_705, %get3A_706] {strides = array<i32>} : memref<8x64xf32, #tpu.memory_space<vmem>>, vector<16xf32>,
        %max3A_708 = arith.maximumf %get3A_703, %get3A_707 : vector<16xf32>
        %swap3A_709 = arith.constant 4 : i32
        %swap3A_710 = arith.index_cast %swap3A_709 : i32 to index
        %swap3A_711 = arith.constant 0 : index
        %swap3A_712 = tpu.vector_load %arg16[%swap3A_710, %swap3A_711] {strides = array<i32>} : memref<8x64xf32, #tpu.memory_space<vmem>>, vector<16xf32>,
        tpu.vector_store %arg16[%swap3A_710, %swap3A_711], %max3A_708 {strides = array<i32>} : memref<8x64xf32, #tpu.memory_space<vmem>>, vector<16xf32>,
        %get3A_713 = arith.constant 4 : i32
        %get3A_714 = arith.index_cast %get3A_713 : i32 to index
        %get3A_715 = arith.constant 16 : index
        %get3A_716 = tpu.vector_load %arg16[%get3A_714, %get3A_715] {strides = array<i32>} : memref<8x64xf32, #tpu.memory_space<vmem>>, vector<16xf32>,
        %get3A_717 = arith.constant 4 : i32
        %get3A_718 = arith.index_cast %get3A_717 : i32 to index
        %get3A_719 = arith.constant 16 : index
        %get3A_720 = tpu.vector_load %arg17[%get3A_718, %get3A_719] {strides = array<i32>} : memref<8x64xf32, #tpu.memory_space<vmem>>, vector<16xf32>,
        %max3A_721 = arith.maximumf %get3A_716, %get3A_720 : vector<16xf32>
        %swap3A_722 = arith.constant 4 : i32
        %swap3A_723 = arith.index_cast %swap3A_722 : i32 to index
        %swap3A_724 = arith.constant 16 : index
        %swap3A_725 = tpu.vector_load %arg16[%swap3A_723, %swap3A_724] {strides = array<i32>} : memref<8x64xf32, #tpu.memory_space<vmem>>, vector<16xf32>,
        tpu.vector_store %arg16[%swap3A_723, %swap3A_724], %max3A_721 {strides = array<i32>} : memref<8x64xf32, #tpu.memory_space<vmem>>, vector<16xf32>,
        %get3A_726 = arith.constant 4 : i32
        %get3A_727 = arith.index_cast %get3A_726 : i32 to index
        %get3A_728 = arith.constant 32 : index
        %get3A_729 = tpu.vector_load %arg16[%get3A_727, %get3A_728] {strides = array<i32>} : memref<8x64xf32, #tpu.memory_space<vmem>>, vector<16xf32>,
        %get3A_730 = arith.constant 4 : i32
        %get3A_731 = arith.index_cast %get3A_730 : i32 to index
        %get3A_732 = arith.constant 32 : index
        %get3A_733 = tpu.vector_load %arg17[%get3A_731, %get3A_732] {strides = array<i32>} : memref<8x64xf32, #tpu.memory_space<vmem>>, vector<16xf32>,
        %max3A_734 = arith.maximumf %get3A_729, %get3A_733 : vector<16xf32>
        %swap3A_735 = arith.constant 4 : i32
        %swap3A_736 = arith.index_cast %swap3A_735 : i32 to index
        %swap3A_737 = arith.constant 32 : index
        %swap3A_738 = tpu.vector_load %arg16[%swap3A_736, %swap3A_737] {strides = array<i32>} : memref<8x64xf32, #tpu.memory_space<vmem>>, vector<16xf32>,
        tpu.vector_store %arg16[%swap3A_736, %swap3A_737], %max3A_734 {strides = array<i32>} : memref<8x64xf32, #tpu.memory_space<vmem>>, vector<16xf32>,
        %get3A_739 = arith.constant 4 : i32
        %get3A_740 = arith.index_cast %get3A_739 : i32 to index
        %get3A_741 = arith.constant 48 : index
        %get3A_742 = tpu.vector_load %arg16[%get3A_740, %get3A_741] {strides = array<i32>} : memref<8x64xf32, #tpu.memory_space<vmem>>, vector<16xf32>,
        %get3A_743 = arith.constant 4 : i32
        %get3A_744 = arith.index_cast %get3A_743 : i32 to index
        %get3A_745 = arith.constant 48 : index
        %get3A_746 = tpu.vector_load %arg17[%get3A_744, %get3A_745] {strides = array<i32>} : memref<8x64xf32, #tpu.memory_space<vmem>>, vector<16xf32>,
        %max3A_747 = arith.maximumf %get3A_742, %get3A_746 : vector<16xf32>
        %swap3A_748 = arith.constant 4 : i32
        %swap3A_749 = arith.index_cast %swap3A_748 : i32 to index
        %swap3A_750 = arith.constant 48 : index
        %swap3A_751 = tpu.vector_load %arg16[%swap3A_749, %swap3A_750] {strides = array<i32>} : memref<8x64xf32, #tpu.memory_space<vmem>>, vector<16xf32>,
        tpu.vector_store %arg16[%swap3A_749, %swap3A_750], %max3A_747 {strides = array<i32>} : memref<8x64xf32, #tpu.memory_space<vmem>>, vector<16xf32>,
        %get3A_752 = arith.constant 5 : i32
        %get3A_753 = arith.index_cast %get3A_752 : i32 to index
        %get3A_754 = arith.constant 0 : index
        %get3A_755 = tpu.vector_load %arg16[%get3A_753, %get3A_754] {strides = array<i32>} : memref<8x64xf32, #tpu.memory_space<vmem>>, vector<16xf32>,
        %get3A_756 = arith.constant 5 : i32
        %get3A_757 = arith.index_cast %get3A_756 : i32 to index
        %get3A_758 = arith.constant 0 : index
        %get3A_759 = tpu.vector_load %arg17[%get3A_757, %get3A_758] {strides = array<i32>} : memref<8x64xf32, #tpu.memory_space<vmem>>, vector<16xf32>,
        %max3A_760 = arith.maximumf %get3A_755, %get3A_759 : vector<16xf32>
        %swap3A_761 = arith.constant 5 : i32
        %swap3A_762 = arith.index_cast %swap3A_761 : i32 to index
        %swap3A_763 = arith.constant 0 : index
        %swap3A_764 = tpu.vector_load %arg16[%swap3A_762, %swap3A_763] {strides = array<i32>} : memref<8x64xf32, #tpu.memory_space<vmem>>, vector<16xf32>,
        tpu.vector_store %arg16[%swap3A_762, %swap3A_763], %max3A_760 {strides = array<i32>} : memref<8x64xf32, #tpu.memory_space<vmem>>, vector<16xf32>,
        %get3A_765 = arith.constant 5 : i32
        %get3A_766 = arith.index_cast %get3A_765 : i32 to index
        %get3A_767 = arith.constant 16 : index
        %get3A_768 = tpu.vector_load %arg16[%get3A_766, %get3A_767] {strides = array<i32>} : memref<8x64xf32, #tpu.memory_space<vmem>>, vector<16xf32>,
        %get3A_769 = arith.constant 5 : i32
        %get3A_770 = arith.index_cast %get3A_769 : i32 to index
        %get3A_771 = arith.constant 16 : index
        %get3A_772 = tpu.vector_load %arg17[%get3A_770, %get3A_771] {strides = array<i32>} : memref<8x64xf32, #tpu.memory_space<vmem>>, vector<16xf32>,
        %max3A_773 = arith.maximumf %get3A_768, %get3A_772 : vector<16xf32>
        %swap3A_774 = arith.constant 5 : i32
        %swap3A_775 = arith.index_cast %swap3A_774 : i32 to index
        %swap3A_776 = arith.constant 16 : index
        %swap3A_777 = tpu.vector_load %arg16[%swap3A_775, %swap3A_776] {strides = array<i32>} : memref<8x64xf32, #tpu.memory_space<vmem>>, vector<16xf32>,
        tpu.vector_store %arg16[%swap3A_775, %swap3A_776], %max3A_773 {strides = array<i32>} : memref<8x64xf32, #tpu.memory_space<vmem>>, vector<16xf32>,
        %get3A_778 = arith.constant 5 : i32
        %get3A_779 = arith.index_cast %get3A_778 : i32 to index
        %get3A_780 = arith.constant 32 : index
        %get3A_781 = tpu.vector_load %arg16[%get3A_779, %get3A_780] {strides = array<i32>} : memref<8x64xf32, #tpu.memory_space<vmem>>, vector<16xf32>,
        %get3A_782 = arith.constant 5 : i32
        %get3A_783 = arith.index_cast %get3A_782 : i32 to index
        %get3A_784 = arith.constant 32 : index
        %get3A_785 = tpu.vector_load %arg17[%get3A_783, %get3A_784] {strides = array<i32>} : memref<8x64xf32, #tpu.memory_space<vmem>>, vector<16xf32>,
        %max3A_786 = arith.maximumf %get3A_781, %get3A_785 : vector<16xf32>
        %swap3A_787 = arith.constant 5 : i32
        %swap3A_788 = arith.index_cast %swap3A_787 : i32 to index
        %swap3A_789 = arith.constant 32 : index
        %swap3A_790 = tpu.vector_load %arg16[%swap3A_788, %swap3A_789] {strides = array<i32>} : memref<8x64xf32, #tpu.memory_space<vmem>>, vector<16xf32>,
        tpu.vector_store %arg16[%swap3A_788, %swap3A_789], %max3A_786 {strides = array<i32>} : memref<8x64xf32, #tpu.memory_space<vmem>>, vector<16xf32>,
        %get3A_791 = arith.constant 5 : i32
        %get3A_792 = arith.index_cast %get3A_791 : i32 to index
        %get3A_793 = arith.constant 48 : index
        %get3A_794 = tpu.vector_load %arg16[%get3A_792, %get3A_793] {strides = array<i32>} : memref<8x64xf32, #tpu.memory_space<vmem>>, vector<16xf32>,
        %get3A_795 = arith.constant 5 : i32
        %get3A_796 = arith.index_cast %get3A_795 : i32 to index
        %get3A_797 = arith.constant 48 : index
        %get3A_798 = tpu.vector_load %arg17[%get3A_796, %get3A_797] {strides = array<i32>} : memref<8x64xf32, #tpu.memory_space<vmem>>, vector<16xf32>,
        %max3A_799 = arith.maximumf %get3A_794, %get3A_798 : vector<16xf32>
        %swap3A_800 = arith.constant 5 : i32
        %swap3A_801 = arith.index_cast %swap3A_800 : i32 to index
        %swap3A_802 = arith.constant 48 : index
        %swap3A_803 = tpu.vector_load %arg16[%swap3A_801, %swap3A_802] {strides = array<i32>} : memref<8x64xf32, #tpu.memory_space<vmem>>, vector<16xf32>,
        tpu.vector_store %arg16[%swap3A_801, %swap3A_802], %max3A_799 {strides = array<i32>} : memref<8x64xf32, #tpu.memory_space<vmem>>, vector<16xf32>,
        %get3A_804 = arith.constant 6 : i32
        %get3A_805 = arith.index_cast %get3A_804 : i32 to index
        %get3A_806 = arith.constant 0 : index
        %get3A_807 = tpu.vector_load %arg16[%get3A_805, %get3A_806] {strides = array<i32>} : memref<8x64xf32, #tpu.memory_space<vmem>>, vector<16xf32>,
        %get3A_808 = arith.constant 6 : i32
        %get3A_809 = arith.index_cast %get3A_808 : i32 to index
        %get3A_810 = arith.constant 0 : index
        %get3A_811 = tpu.vector_load %arg17[%get3A_809, %get3A_810] {strides = array<i32>} : memref<8x64xf32, #tpu.memory_space<vmem>>, vector<16xf32>,
        %max3A_812 = arith.maximumf %get3A_807, %get3A_811 : vector<16xf32>
        %swap3A_813 = arith.constant 6 : i32
        %swap3A_814 = arith.index_cast %swap3A_813 : i32 to index
        %swap3A_815 = arith.constant 0 : index
        %swap3A_816 = tpu.vector_load %arg16[%swap3A_814, %swap3A_815] {strides = array<i32>} : memref<8x64xf32, #tpu.memory_space<vmem>>, vector<16xf32>,
        tpu.vector_store %arg16[%swap3A_814, %swap3A_815], %max3A_812 {strides = array<i32>} : memref<8x64xf32, #tpu.memory_space<vmem>>, vector<16xf32>,
        %get3A_817 = arith.constant 6 : i32
        %get3A_818 = arith.index_cast %get3A_817 : i32 to index
        %get3A_819 = arith.constant 16 : index
        %get3A_820 = tpu.vector_load %arg16[%get3A_818, %get3A_819] {strides = array<i32>} : memref<8x64xf32, #tpu.memory_space<vmem>>, vector<16xf32>,
        %get3A_821 = arith.constant 6 : i32
        %get3A_822 = arith.index_cast %get3A_821 : i32 to index
        %get3A_823 = arith.constant 16 : index
        %get3A_824 = tpu.vector_load %arg17[%get3A_822, %get3A_823] {strides = array<i32>} : memref<8x64xf32, #tpu.memory_space<vmem>>, vector<16xf32>,
        %max3A_825 = arith.maximumf %get3A_820, %get3A_824 : vector<16xf32>
        %swap3A_826 = arith.constant 6 : i32
        %swap3A_827 = arith.index_cast %swap3A_826 : i32 to index
        %swap3A_828 = arith.constant 16 : index
        %swap3A_829 = tpu.vector_load %arg16[%swap3A_827, %swap3A_828] {strides = array<i32>} : memref<8x64xf32, #tpu.memory_space<vmem>>, vector<16xf32>,
        tpu.vector_store %arg16[%swap3A_827, %swap3A_828], %max3A_825 {strides = array<i32>} : memref<8x64xf32, #tpu.memory_space<vmem>>, vector<16xf32>,
        %get3A_830 = arith.constant 6 : i32
        %get3A_831 = arith.index_cast %get3A_830 : i32 to index
        %get3A_832 = arith.constant 32 : index
        %get3A_833 = tpu.vector_load %arg16[%get3A_831, %get3A_832] {strides = array<i32>} : memref<8x64xf32, #tpu.memory_space<vmem>>, vector<16xf32>,
        %get3A_834 = arith.constant 6 : i32
        %get3A_835 = arith.index_cast %get3A_834 : i32 to index
        %get3A_836 = arith.constant 32 : index
        %get3A_837 = tpu.vector_load %arg17[%get3A_835, %get3A_836] {strides = array<i32>} : memref<8x64xf32, #tpu.memory_space<vmem>>, vector<16xf32>,
        %max3A_838 = arith.maximumf %get3A_833, %get3A_837 : vector<16xf32>
        %swap3A_839 = arith.constant 6 : i32
        %swap3A_840 = arith.index_cast %swap3A_839 : i32 to index
        %swap3A_841 = arith.constant 32 : index
        %swap3A_842 = tpu.vector_load %arg16[%swap3A_840, %swap3A_841] {strides = array<i32>} : memref<8x64xf32, #tpu.memory_space<vmem>>, vector<16xf32>,
        tpu.vector_store %arg16[%swap3A_840, %swap3A_841], %max3A_838 {strides = array<i32>} : memref<8x64xf32, #tpu.memory_space<vmem>>, vector<16xf32>,
        %get3A_843 = arith.constant 6 : i32
        %get3A_844 = arith.index_cast %get3A_843 : i32 to index
        %get3A_845 = arith.constant 48 : index
        %get3A_846 = tpu.vector_load %arg16[%get3A_844, %get3A_845] {strides = array<i32>} : memref<8x64xf32, #tpu.memory_space<vmem>>, vector<16xf32>,
        %get3A_847 = arith.constant 6 : i32
        %get3A_848 = arith.index_cast %get3A_847 : i32 to index
        %get3A_849 = arith.constant 48 : index
        %get3A_850 = tpu.vector_load %arg17[%get3A_848, %get3A_849] {strides = array<i32>} : memref<8x64xf32, #tpu.memory_space<vmem>>, vector<16xf32>,
        %max3A_851 = arith.maximumf %get3A_846, %get3A_850 : vector<16xf32>
        %swap3A_852 = arith.constant 6 : i32
        %swap3A_853 = arith.index_cast %swap3A_852 : i32 to index
        %swap3A_854 = arith.constant 48 : index
        %swap3A_855 = tpu.vector_load %arg16[%swap3A_853, %swap3A_854] {strides = array<i32>} : memref<8x64xf32, #tpu.memory_space<vmem>>, vector<16xf32>,
        tpu.vector_store %arg16[%swap3A_853, %swap3A_854], %max3A_851 {strides = array<i32>} : memref<8x64xf32, #tpu.memory_space<vmem>>, vector<16xf32>,
        %get3A_856 = arith.constant 7 : i32
        %get3A_857 = arith.index_cast %get3A_856 : i32 to index
        %get3A_858 = arith.constant 0 : index
        %get3A_859 = tpu.vector_load %arg16[%get3A_857, %get3A_858] {strides = array<i32>} : memref<8x64xf32, #tpu.memory_space<vmem>>, vector<16xf32>,
        %get3A_860 = arith.constant 7 : i32
        %get3A_861 = arith.index_cast %get3A_860 : i32 to index
        %get3A_862 = arith.constant 0 : index
        %get3A_863 = tpu.vector_load %arg17[%get3A_861, %get3A_862] {strides = array<i32>} : memref<8x64xf32, #tpu.memory_space<vmem>>, vector<16xf32>,
        %max3A_864 = arith.maximumf %get3A_859, %get3A_863 : vector<16xf32>
        %swap3A_865 = arith.constant 7 : i32
        %swap3A_866 = arith.index_cast %swap3A_865 : i32 to index
        %swap3A_867 = arith.constant 0 : index
        %swap3A_868 = tpu.vector_load %arg16[%swap3A_866, %swap3A_867] {strides = array<i32>} : memref<8x64xf32, #tpu.memory_space<vmem>>, vector<16xf32>,
        tpu.vector_store %arg16[%swap3A_866, %swap3A_867], %max3A_864 {strides = array<i32>} : memref<8x64xf32, #tpu.memory_space<vmem>>, vector<16xf32>,
        %get3A_869 = arith.constant 7 : i32
        %get3A_870 = arith.index_cast %get3A_869 : i32 to index
        %get3A_871 = arith.constant 16 : index
        %get3A_872 = tpu.vector_load %arg16[%get3A_870, %get3A_871] {strides = array<i32>} : memref<8x64xf32, #tpu.memory_space<vmem>>, vector<16xf32>,
        %get3A_873 = arith.constant 7 : i32
        %get3A_874 = arith.index_cast %get3A_873 : i32 to index
        %get3A_875 = arith.constant 16 : index
        %get3A_876 = tpu.vector_load %arg17[%get3A_874, %get3A_875] {strides = array<i32>} : memref<8x64xf32, #tpu.memory_space<vmem>>, vector<16xf32>,
        %max3A_877 = arith.maximumf %get3A_872, %get3A_876 : vector<16xf32>
        %swap3A_878 = arith.constant 7 : i32
        %swap3A_879 = arith.index_cast %swap3A_878 : i32 to index
        %swap3A_880 = arith.constant 16 : index
        %swap3A_881 = tpu.vector_load %arg16[%swap3A_879, %swap3A_880] {strides = array<i32>} : memref<8x64xf32, #tpu.memory_space<vmem>>, vector<16xf32>,
        tpu.vector_store %arg16[%swap3A_879, %swap3A_880], %max3A_877 {strides = array<i32>} : memref<8x64xf32, #tpu.memory_space<vmem>>, vector<16xf32>,
        %get3A_882 = arith.constant 7 : i32
        %get3A_883 = arith.index_cast %get3A_882 : i32 to index
        %get3A_884 = arith.constant 32 : index
        %get3A_885 = tpu.vector_load %arg16[%get3A_883, %get3A_884] {strides = array<i32>} : memref<8x64xf32, #tpu.memory_space<vmem>>, vector<16xf32>,
        %get3A_886 = arith.constant 7 : i32
        %get3A_887 = arith.index_cast %get3A_886 : i32 to index
        %get3A_888 = arith.constant 32 : index
        %get3A_889 = tpu.vector_load %arg17[%get3A_887, %get3A_888] {strides = array<i32>} : memref<8x64xf32, #tpu.memory_space<vmem>>, vector<16xf32>,
        %max3A_890 = arith.maximumf %get3A_885, %get3A_889 : vector<16xf32>
        %swap3A_891 = arith.constant 7 : i32
        %swap3A_892 = arith.index_cast %swap3A_891 : i32 to index
        %swap3A_893 = arith.constant 32 : index
        %swap3A_894 = tpu.vector_load %arg16[%swap3A_892, %swap3A_893] {strides = array<i32>} : memref<8x64xf32, #tpu.memory_space<vmem>>, vector<16xf32>,
        tpu.vector_store %arg16[%swap3A_892, %swap3A_893], %max3A_890 {strides = array<i32>} : memref<8x64xf32, #tpu.memory_space<vmem>>, vector<16xf32>,
        %get3A_895 = arith.constant 7 : i32
        %get3A_896 = arith.index_cast %get3A_895 : i32 to index
        %get3A_897 = arith.constant 48 : index
        %get3A_898 = tpu.vector_load %arg16[%get3A_896, %get3A_897] {strides = array<i32>} : memref<8x64xf32, #tpu.memory_space<vmem>>, vector<16xf32>,
        %get3A_899 = arith.constant 7 : i32
        %get3A_900 = arith.index_cast %get3A_899 : i32 to index
        %get3A_901 = arith.constant 48 : index
        %get3A_902 = tpu.vector_load %arg17[%get3A_900, %get3A_901] {strides = array<i32>} : memref<8x64xf32, #tpu.memory_space<vmem>>, vector<16xf32>,
        %max3A_903 = arith.maximumf %get3A_898, %get3A_902 : vector<16xf32>
        %swap3A_904 = arith.constant 7 : i32
        %swap3A_905 = arith.index_cast %swap3A_904 : i32 to index
        %swap3A_906 = arith.constant 48 : index
        %swap3A_907 = tpu.vector_load %arg16[%swap3A_905, %swap3A_906] {strides = array<i32>} : memref<8x64xf32, #tpu.memory_space<vmem>>, vector<16xf32>,
        tpu.vector_store %arg16[%swap3A_905, %swap3A_906], %max3A_903 {strides = array<i32>} : memref<8x64xf32, #tpu.memory_space<vmem>>, vector<16xf32>,
        %scan3A_908 = arith.constant 0 : i32
        scf.yield %scan3A_908 : i32
      }
      %scan3A_102 = arith.constant 15 : i32
      %get3A = arith.constant 0 : i32
      %get3A_103 = arith.index_cast %get3A : i32 to index
      %get3A_104 = arith.constant 0 : index
      %get3A_105 = tpu.vector_load %arg16[%get3A_103, %get3A_104] {strides = array<i32>} : memref<8x64xf32, #tpu.memory_space<vmem>>, vector<16xf32>,
      %swap3A = arith.constant 0 : index
      %swap3A_106 = tpu.vector_load %arg18[%swap3A] {strides = array<i32>} : memref<512xf32, #tpu.memory_space<vmem>>, vector<16xf32>,
      tpu.vector_store %arg18[%swap3A], %get3A_105 {strides = array<i32>} : memref<512xf32, #tpu.memory_space<vmem>>, vector<16xf32>,
      %get3A_107 = arith.constant 0 : i32
      %get3A_108 = arith.index_cast %get3A_107 : i32 to index
      %get3A_109 = arith.constant 16 : index
      %get3A_110 = tpu.vector_load %arg16[%get3A_108, %get3A_109] {strides = array<i32>} : memref<8x64xf32, #tpu.memory_space<vmem>>, vector<16xf32>,
      %swap3A_111 = arith.constant 16 : index
      %swap3A_112 = tpu.vector_load %arg18[%swap3A_111] {strides = array<i32>} : memref<512xf32, #tpu.memory_space<vmem>>, vector<16xf32>,
      tpu.vector_store %arg18[%swap3A_111], %get3A_110 {strides = array<i32>} : memref<512xf32, #tpu.memory_space<vmem>>, vector<16xf32>,
      %get3A_113 = arith.constant 0 : i32
      %get3A_114 = arith.index_cast %get3A_113 : i32 to index
      %get3A_115 = arith.constant 32 : index
      %get3A_116 = tpu.vector_load %arg16[%get3A_114, %get3A_115] {strides = array<i32>} : memref<8x64xf32, #tpu.memory_space<vmem>>, vector<16xf32>,
      %swap3A_117 = arith.constant 32 : index
      %swap3A_118 = tpu.vector_load %arg18[%swap3A_117] {strides = array<i32>} : memref<512xf32, #tpu.memory_space<vmem>>, vector<16xf32>,
      tpu.vector_store %arg18[%swap3A_117], %get3A_116 {strides = array<i32>} : memref<512xf32, #tpu.memory_space<vmem>>, vector<16xf32>,
      %get3A_119 = arith.constant 0 : i32
      %get3A_120 = arith.index_cast %get3A_119 : i32 to index
      %get3A_121 = arith.constant 48 : index
      %get3A_122 = tpu.vector_load %arg16[%get3A_120, %get3A_121] {strides = array<i32>} : memref<8x64xf32, #tpu.memory_space<vmem>>, vector<16xf32>,
      %swap3A_123 = arith.constant 48 : index
      %swap3A_124 = tpu.vector_load %arg18[%swap3A_123] {strides = array<i32>} : memref<512xf32, #tpu.memory_space<vmem>>, vector<16xf32>,
      tpu.vector_store %arg18[%swap3A_123], %get3A_122 {strides = array<i32>} : memref<512xf32, #tpu.memory_space<vmem>>, vector<16xf32>,
      %get3A_125 = arith.constant 1 : i32
      %get3A_126 = arith.index_cast %get3A_125 : i32 to index
      %get3A_127 = arith.constant 0 : index
      %get3A_128 = tpu.vector_load %arg16[%get3A_126, %get3A_127] {strides = array<i32>} : memref<8x64xf32, #tpu.memory_space<vmem>>, vector<16xf32>,
      %swap3A_129 = arith.constant 64 : index
      %swap3A_130 = tpu.vector_load %arg18[%swap3A_129] {strides = array<i32>} : memref<512xf32, #tpu.memory_space<vmem>>, vector<16xf32>,
      tpu.vector_store %arg18[%swap3A_129], %get3A_128 {strides = array<i32>} : memref<512xf32, #tpu.memory_space<vmem>>, vector<16xf32>,
      %get3A_131 = arith.constant 1 : i32
      %get3A_132 = arith.index_cast %get3A_131 : i32 to index
      %get3A_133 = arith.constant 16 : index
      %get3A_134 = tpu.vector_load %arg16[%get3A_132, %get3A_133] {strides = array<i32>} : memref<8x64xf32, #tpu.memory_space<vmem>>, vector<16xf32>,
      %swap3A_135 = arith.constant 80 : index
      %swap3A_136 = tpu.vector_load %arg18[%swap3A_135] {strides = array<i32>} : memref<512xf32, #tpu.memory_space<vmem>>, vector<16xf32>,
      tpu.vector_store %arg18[%swap3A_135], %get3A_134 {strides = array<i32>} : memref<512xf32, #tpu.memory_space<vmem>>, vector<16xf32>,
      %get3A_137 = arith.constant 1 : i32
      %get3A_138 = arith.index_cast %get3A_137 : i32 to index
      %get3A_139 = arith.constant 32 : index
      %get3A_140 = tpu.vector_load %arg16[%get3A_138, %get3A_139] {strides = array<i32>} : memref<8x64xf32, #tpu.memory_space<vmem>>, vector<16xf32>,
      %swap3A_141 = arith.constant 96 : index
      %swap3A_142 = tpu.vector_load %arg18[%swap3A_141] {strides = array<i32>} : memref<512xf32, #tpu.memory_space<vmem>>, vector<16xf32>,
      tpu.vector_store %arg18[%swap3A_141], %get3A_140 {strides = array<i32>} : memref<512xf32, #tpu.memory_space<vmem>>, vector<16xf32>,
      %get3A_143 = arith.constant 1 : i32
      %get3A_144 = arith.index_cast %get3A_143 : i32 to index
      %get3A_145 = arith.constant 48 : index
      %get3A_146 = tpu.vector_load %arg16[%get3A_144, %get3A_145] {strides = array<i32>} : memref<8x64xf32, #tpu.memory_space<vmem>>, vector<16xf32>,
      %swap3A_147 = arith.constant 112 : index
      %swap3A_148 = tpu.vector_load %arg18[%swap3A_147] {strides = array<i32>} : memref<512xf32, #tpu.memory_space<vmem>>, vector<16xf32>,
      tpu.vector_store %arg18[%swap3A_147], %get3A_146 {strides = array<i32>} : memref<512xf32, #tpu.memory_space<vmem>>, vector<16xf32>,
      %get3A_149 = arith.constant 2 : i32
      %get3A_150 = arith.index_cast %get3A_149 : i32 to index
      %get3A_151 = arith.constant 0 : index
      %get3A_152 = tpu.vector_load %arg16[%get3A_150, %get3A_151] {strides = array<i32>} : memref<8x64xf32, #tpu.memory_space<vmem>>, vector<16xf32>,
      %swap3A_153 = arith.constant 128 : index
      %swap3A_154 = tpu.vector_load %arg18[%swap3A_153] {strides = array<i32>} : memref<512xf32, #tpu.memory_space<vmem>>, vector<16xf32>,
      tpu.vector_store %arg18[%swap3A_153], %get3A_152 {strides = array<i32>} : memref<512xf32, #tpu.memory_space<vmem>>, vector<16xf32>,
      %get3A_155 = arith.constant 2 : i32
      %get3A_156 = arith.index_cast %get3A_155 : i32 to index
      %get3A_157 = arith.constant 16 : index
      %get3A_158 = tpu.vector_load %arg16[%get3A_156, %get3A_157] {strides = array<i32>} : memref<8x64xf32, #tpu.memory_space<vmem>>, vector<16xf32>,
      %swap3A_159 = arith.constant 144 : index
      %swap3A_160 = tpu.vector_load %arg18[%swap3A_159] {strides = array<i32>} : memref<512xf32, #tpu.memory_space<vmem>>, vector<16xf32>,
      tpu.vector_store %arg18[%swap3A_159], %get3A_158 {strides = array<i32>} : memref<512xf32, #tpu.memory_space<vmem>>, vector<16xf32>,
      %get3A_161 = arith.constant 2 : i32
      %get3A_162 = arith.index_cast %get3A_161 : i32 to index
      %get3A_163 = arith.constant 32 : index
      %get3A_164 = tpu.vector_load %arg16[%get3A_162, %get3A_163] {strides = array<i32>} : memref<8x64xf32, #tpu.memory_space<vmem>>, vector<16xf32>,
      %swap3A_165 = arith.constant 160 : index
      %swap3A_166 = tpu.vector_load %arg18[%swap3A_165] {strides = array<i32>} : memref<512xf32, #tpu.memory_space<vmem>>, vector<16xf32>,
      tpu.vector_store %arg18[%swap3A_165], %get3A_164 {strides = array<i32>} : memref<512xf32, #tpu.memory_space<vmem>>, vector<16xf32>,
      %get3A_167 = arith.constant 2 : i32
      %get3A_168 = arith.index_cast %get3A_167 : i32 to index
      %get3A_169 = arith.constant 48 : index
      %get3A_170 = tpu.vector_load %arg16[%get3A_168, %get3A_169] {strides = array<i32>} : memref<8x64xf32, #tpu.memory_space<vmem>>, vector<16xf32>,
      %swap3A_171 = arith.constant 176 : index
      %swap3A_172 = tpu.vector_load %arg18[%swap3A_171] {strides = array<i32>} : memref<512xf32, #tpu.memory_space<vmem>>, vector<16xf32>,
      tpu.vector_store %arg18[%swap3A_171], %get3A_170 {strides = array<i32>} : memref<512xf32, #tpu.memory_space<vmem>>, vector<16xf32>,
      %get3A_173 = arith.constant 3 : i32
      %get3A_174 = arith.index_cast %get3A_173 : i32 to index
      %get3A_175 = arith.constant 0 : index
      %get3A_176 = tpu.vector_load %arg16[%get3A_174, %get3A_175] {strides = array<i32>} : memref<8x64xf32, #tpu.memory_space<vmem>>, vector<16xf32>,
      %swap3A_177 = arith.constant 192 : index
      %swap3A_178 = tpu.vector_load %arg18[%swap3A_177] {strides = array<i32>} : memref<512xf32, #tpu.memory_space<vmem>>, vector<16xf32>,
      tpu.vector_store %arg18[%swap3A_177], %get3A_176 {strides = array<i32>} : memref<512xf32, #tpu.memory_space<vmem>>, vector<16xf32>,
      %get3A_179 = arith.constant 3 : i32
      %get3A_180 = arith.index_cast %get3A_179 : i32 to index
      %get3A_181 = arith.constant 16 : index
      %get3A_182 = tpu.vector_load %arg16[%get3A_180, %get3A_181] {strides = array<i32>} : memref<8x64xf32, #tpu.memory_space<vmem>>, vector<16xf32>,
      %swap3A_183 = arith.constant 208 : index
      %swap3A_184 = tpu.vector_load %arg18[%swap3A_183] {strides = array<i32>} : memref<512xf32, #tpu.memory_space<vmem>>, vector<16xf32>,
      tpu.vector_store %arg18[%swap3A_183], %get3A_182 {strides = array<i32>} : memref<512xf32, #tpu.memory_space<vmem>>, vector<16xf32>,
      %get3A_185 = arith.constant 3 : i32
      %get3A_186 = arith.index_cast %get3A_185 : i32 to index
      %get3A_187 = arith.constant 32 : index
      %get3A_188 = tpu.vector_load %arg16[%get3A_186, %get3A_187] {strides = array<i32>} : memref<8x64xf32, #tpu.memory_space<vmem>>, vector<16xf32>,
      %swap3A_189 = arith.constant 224 : index
      %swap3A_190 = tpu.vector_load %arg18[%swap3A_189] {strides = array<i32>} : memref<512xf32, #tpu.memory_space<vmem>>, vector<16xf32>,
      tpu.vector_store %arg18[%swap3A_189], %get3A_188 {strides = array<i32>} : memref<512xf32, #tpu.memory_space<vmem>>, vector<16xf32>,
      %get3A_191 = arith.constant 3 : i32
      %get3A_192 = arith.index_cast %get3A_191 : i32 to index
      %get3A_193 = arith.constant 48 : index
      %get3A_194 = tpu.vector_load %arg16[%get3A_192, %get3A_193] {strides = array<i32>} : memref<8x64xf32, #tpu.memory_space<vmem>>, vector<16xf32>,
      %swap3A_195 = arith.constant 240 : index
      %swap3A_196 = tpu.vector_load %arg18[%swap3A_195] {strides = array<i32>} : memref<512xf32, #tpu.memory_space<vmem>>, vector<16xf32>,
      tpu.vector_store %arg18[%swap3A_195], %get3A_194 {strides = array<i32>} : memref<512xf32, #tpu.memory_space<vmem>>, vector<16xf32>,
      %get3A_197 = arith.constant 4 : i32
      %get3A_198 = arith.index_cast %get3A_197 : i32 to index
      %get3A_199 = arith.constant 0 : index
      %get3A_200 = tpu.vector_load %arg16[%get3A_198, %get3A_199] {strides = array<i32>} : memref<8x64xf32, #tpu.memory_space<vmem>>, vector<16xf32>,
      %swap3A_201 = arith.constant 256 : index
      %swap3A_202 = tpu.vector_load %arg18[%swap3A_201] {strides = array<i32>} : memref<512xf32, #tpu.memory_space<vmem>>, vector<16xf32>,
      tpu.vector_store %arg18[%swap3A_201], %get3A_200 {strides = array<i32>} : memref<512xf32, #tpu.memory_space<vmem>>, vector<16xf32>,
      %get3A_203 = arith.constant 4 : i32
      %get3A_204 = arith.index_cast %get3A_203 : i32 to index
      %get3A_205 = arith.constant 16 : index
      %get3A_206 = tpu.vector_load %arg16[%get3A_204, %get3A_205] {strides = array<i32>} : memref<8x64xf32, #tpu.memory_space<vmem>>, vector<16xf32>,
      %swap3A_207 = arith.constant 272 : index
      %swap3A_208 = tpu.vector_load %arg18[%swap3A_207] {strides = array<i32>} : memref<512xf32, #tpu.memory_space<vmem>>, vector<16xf32>,
      tpu.vector_store %arg18[%swap3A_207], %get3A_206 {strides = array<i32>} : memref<512xf32, #tpu.memory_space<vmem>>, vector<16xf32>,
      %get3A_209 = arith.constant 4 : i32
      %get3A_210 = arith.index_cast %get3A_209 : i32 to index
      %get3A_211 = arith.constant 32 : index
      %get3A_212 = tpu.vector_load %arg16[%get3A_210, %get3A_211] {strides = array<i32>} : memref<8x64xf32, #tpu.memory_space<vmem>>, vector<16xf32>,
      %swap3A_213 = arith.constant 288 : index
      %swap3A_214 = tpu.vector_load %arg18[%swap3A_213] {strides = array<i32>} : memref<512xf32, #tpu.memory_space<vmem>>, vector<16xf32>,
      tpu.vector_store %arg18[%swap3A_213], %get3A_212 {strides = array<i32>} : memref<512xf32, #tpu.memory_space<vmem>>, vector<16xf32>,
      %get3A_215 = arith.constant 4 : i32
      %get3A_216 = arith.index_cast %get3A_215 : i32 to index
      %get3A_217 = arith.constant 48 : index
      %get3A_218 = tpu.vector_load %arg16[%get3A_216, %get3A_217] {strides = array<i32>} : memref<8x64xf32, #tpu.memory_space<vmem>>, vector<16xf32>,
      %swap3A_219 = arith.constant 304 : index
      %swap3A_220 = tpu.vector_load %arg18[%swap3A_219] {strides = array<i32>} : memref<512xf32, #tpu.memory_space<vmem>>, vector<16xf32>,
      tpu.vector_store %arg18[%swap3A_219], %get3A_218 {strides = array<i32>} : memref<512xf32, #tpu.memory_space<vmem>>, vector<16xf32>,
      %get3A_221 = arith.constant 5 : i32
      %get3A_222 = arith.index_cast %get3A_221 : i32 to index
      %get3A_223 = arith.constant 0 : index
      %get3A_224 = tpu.vector_load %arg16[%get3A_222, %get3A_223] {strides = array<i32>} : memref<8x64xf32, #tpu.memory_space<vmem>>, vector<16xf32>,
      %swap3A_225 = arith.constant 320 : index
      %swap3A_226 = tpu.vector_load %arg18[%swap3A_225] {strides = array<i32>} : memref<512xf32, #tpu.memory_space<vmem>>, vector<16xf32>,
      tpu.vector_store %arg18[%swap3A_225], %get3A_224 {strides = array<i32>} : memref<512xf32, #tpu.memory_space<vmem>>, vector<16xf32>,
      %get3A_227 = arith.constant 5 : i32
      %get3A_228 = arith.index_cast %get3A_227 : i32 to index
      %get3A_229 = arith.constant 16 : index
      %get3A_230 = tpu.vector_load %arg16[%get3A_228, %get3A_229] {strides = array<i32>} : memref<8x64xf32, #tpu.memory_space<vmem>>, vector<16xf32>,
      %swap3A_231 = arith.constant 336 : index
      %swap3A_232 = tpu.vector_load %arg18[%swap3A_231] {strides = array<i32>} : memref<512xf32, #tpu.memory_space<vmem>>, vector<16xf32>,
      tpu.vector_store %arg18[%swap3A_231], %get3A_230 {strides = array<i32>} : memref<512xf32, #tpu.memory_space<vmem>>, vector<16xf32>,
      %get3A_233 = arith.constant 5 : i32
      %get3A_234 = arith.index_cast %get3A_233 : i32 to index
      %get3A_235 = arith.constant 32 : index
      %get3A_236 = tpu.vector_load %arg16[%get3A_234, %get3A_235] {strides = array<i32>} : memref<8x64xf32, #tpu.memory_space<vmem>>, vector<16xf32>,
      %swap3A_237 = arith.constant 352 : index
      %swap3A_238 = tpu.vector_load %arg18[%swap3A_237] {strides = array<i32>} : memref<512xf32, #tpu.memory_space<vmem>>, vector<16xf32>,
      tpu.vector_store %arg18[%swap3A_237], %get3A_236 {strides = array<i32>} : memref<512xf32, #tpu.memory_space<vmem>>, vector<16xf32>,
      %get3A_239 = arith.constant 5 : i32
      %get3A_240 = arith.index_cast %get3A_239 : i32 to index
      %get3A_241 = arith.constant 48 : index
      %get3A_242 = tpu.vector_load %arg16[%get3A_240, %get3A_241] {strides = array<i32>} : memref<8x64xf32, #tpu.memory_space<vmem>>, vector<16xf32>,
      %swap3A_243 = arith.constant 368 : index
      %swap3A_244 = tpu.vector_load %arg18[%swap3A_243] {strides = array<i32>} : memref<512xf32, #tpu.memory_space<vmem>>, vector<16xf32>,
      tpu.vector_store %arg18[%swap3A_243], %get3A_242 {strides = array<i32>} : memref<512xf32, #tpu.memory_space<vmem>>, vector<16xf32>,
      %get3A_245 = arith.constant 6 : i32
      %get3A_246 = arith.index_cast %get3A_245 : i32 to index
      %get3A_247 = arith.constant 0 : index
      %get3A_248 = tpu.vector_load %arg16[%get3A_246, %get3A_247] {strides = array<i32>} : memref<8x64xf32, #tpu.memory_space<vmem>>, vector<16xf32>,
      %swap3A_249 = arith.constant 384 : index
      %swap3A_250 = tpu.vector_load %arg18[%swap3A_249] {strides = array<i32>} : memref<512xf32, #tpu.memory_space<vmem>>, vector<16xf32>,
      tpu.vector_store %arg18[%swap3A_249], %get3A_248 {strides = array<i32>} : memref<512xf32, #tpu.memory_space<vmem>>, vector<16xf32>,
      %get3A_251 = arith.constant 6 : i32
      %get3A_252 = arith.index_cast %get3A_251 : i32 to index
      %get3A_253 = arith.constant 16 : index
      %get3A_254 = tpu.vector_load %arg16[%get3A_252, %get3A_253] {strides = array<i32>} : memref<8x64xf32, #tpu.memory_space<vmem>>, vector<16xf32>,
      %swap3A_255 = arith.constant 400 : index
      %swap3A_256 = tpu.vector_load %arg18[%swap3A_255] {strides = array<i32>} : memref<512xf32, #tpu.memory_space<vmem>>, vector<16xf32>,
      tpu.vector_store %arg18[%swap3A_255], %get3A_254 {strides = array<i32>} : memref<512xf32, #tpu.memory_space<vmem>>, vector<16xf32>,
      %get3A_257 = arith.constant 6 : i32
      %get3A_258 = arith.index_cast %get3A_257 : i32 to index
      %get3A_259 = arith.constant 32 : index
      %get3A_260 = tpu.vector_load %arg16[%get3A_258, %get3A_259] {strides = array<i32>} : memref<8x64xf32, #tpu.memory_space<vmem>>, vector<16xf32>,
      %swap3A_261 = arith.constant 416 : index
      %swap3A_262 = tpu.vector_load %arg18[%swap3A_261] {strides = array<i32>} : memref<512xf32, #tpu.memory_space<vmem>>, vector<16xf32>,
      tpu.vector_store %arg18[%swap3A_261], %get3A_260 {strides = array<i32>} : memref<512xf32, #tpu.memory_space<vmem>>, vector<16xf32>,
      %get3A_263 = arith.constant 6 : i32
      %get3A_264 = arith.index_cast %get3A_263 : i32 to index
      %get3A_265 = arith.constant 48 : index
      %get3A_266 = tpu.vector_load %arg16[%get3A_264, %get3A_265] {strides = array<i32>} : memref<8x64xf32, #tpu.memory_space<vmem>>, vector<16xf32>,
      %swap3A_267 = arith.constant 432 : index
      %swap3A_268 = tpu.vector_load %arg18[%swap3A_267] {strides = array<i32>} : memref<512xf32, #tpu.memory_space<vmem>>, vector<16xf32>,
      tpu.vector_store %arg18[%swap3A_267], %get3A_266 {strides = array<i32>} : memref<512xf32, #tpu.memory_space<vmem>>, vector<16xf32>,
      %get3A_269 = arith.constant 7 : i32
      %get3A_270 = arith.index_cast %get3A_269 : i32 to index
      %get3A_271 = arith.constant 0 : index
      %get3A_272 = tpu.vector_load %arg16[%get3A_270, %get3A_271] {strides = array<i32>} : memref<8x64xf32, #tpu.memory_space<vmem>>, vector<16xf32>,
      %swap3A_273 = arith.constant 448 : index
      %swap3A_274 = tpu.vector_load %arg18[%swap3A_273] {strides = array<i32>} : memref<512xf32, #tpu.memory_space<vmem>>, vector<16xf32>,
      tpu.vector_store %arg18[%swap3A_273], %get3A_272 {strides = array<i32>} : memref<512xf32, #tpu.memory_space<vmem>>, vector<16xf32>,
      %get3A_275 = arith.constant 7 : i32
      %get3A_276 = arith.index_cast %get3A_275 : i32 to index
      %get3A_277 = arith.constant 16 : index
      %get3A_278 = tpu.vector_load %arg16[%get3A_276, %get3A_277] {strides = array<i32>} : memref<8x64xf32, #tpu.memory_space<vmem>>, vector<16xf32>,
      %swap3A_279 = arith.constant 464 : index
      %swap3A_280 = tpu.vector_load %arg18[%swap3A_279] {strides = array<i32>} : memref<512xf32, #tpu.memory_space<vmem>>, vector<16xf32>,
      tpu.vector_store %arg18[%swap3A_279], %get3A_278 {strides = array<i32>} : memref<512xf32, #tpu.memory_space<vmem>>, vector<16xf32>,
      %get3A_281 = arith.constant 7 : i32
      %get3A_282 = arith.index_cast %get3A_281 : i32 to index
      %get3A_283 = arith.constant 32 : index
      %get3A_284 = tpu.vector_load %arg16[%get3A_282, %get3A_283] {strides = array<i32>} : memref<8x64xf32, #tpu.memory_space<vmem>>, vector<16xf32>,
      %swap3A_285 = arith.constant 480 : index
      %swap3A_286 = tpu.vector_load %arg18[%swap3A_285] {strides = array<i32>} : memref<512xf32, #tpu.memory_space<vmem>>, vector<16xf32>,
      tpu.vector_store %arg18[%swap3A_285], %get3A_284 {strides = array<i32>} : memref<512xf32, #tpu.memory_space<vmem>>, vector<16xf32>,
      %get3A_287 = arith.constant 7 : i32
      %get3A_288 = arith.index_cast %get3A_287 : i32 to index
      %get3A_289 = arith.constant 48 : index
      %get3A_290 = tpu.vector_load %arg16[%get3A_288, %get3A_289] {strides = array<i32>} : memref<8x64xf32, #tpu.memory_space<vmem>>, vector<16xf32>,
      %swap3A_291 = arith.constant 496 : index
      %swap3A_292 = tpu.vector_load %arg18[%swap3A_291] {strides = array<i32>} : memref<512xf32, #tpu.memory_space<vmem>>, vector<16xf32>,
      tpu.vector_store %arg18[%swap3A_291], %get3A_290 {strides = array<i32>} : memref<512xf32, #tpu.memory_space<vmem>>, vector<16xf32>,
      %add3A_293 = arith.constant 0 : i32
      %add3A_294 = vector.broadcast %add3A_293 : i32 to vector<16xi32>
      %add3A_295 = arith.addi %add3A_60, %add3A_294 : vector<16xi32>
      %gather3A = tpu.vector_load_idx %arg18[%add3A_295] : memref<512xf32, #tpu.memory_space<vmem>>[vector<16xi32>], vector<16xf32>,
      %swap3A_296 = arith.constant 0 : index
      %swap3A_297 = tpu.vector_load %arg19[%swap3A_296] {strides = array<i32>} : memref<512xf32, #tpu.memory_space<vmem>>, vector<16xf32>,
      tpu.vector_store %arg19[%swap3A_296], %gather3A {strides = array<i32>} : memref<512xf32, #tpu.memory_space<vmem>>, vector<16xf32>,
      %add3A_298 = arith.constant 2 : i32
      %add3A_299 = vector.broadcast %add3A_298 : i32 to vector<16xi32>
      %add3A_300 = arith.addi %add3A_60, %add3A_299 : vector<16xi32>
      %gather3A_301 = tpu.vector_load_idx %arg18[%add3A_300] : memref<512xf32, #tpu.memory_space<vmem>>[vector<16xi32>], vector<16xf32>,
      %swap3A_302 = arith.constant 16 : index
      %swap3A_303 = tpu.vector_load %arg19[%swap3A_302] {strides = array<i32>} : memref<512xf32, #tpu.memory_space<vmem>>, vector<16xf32>,
      tpu.vector_store %arg19[%swap3A_302], %gather3A_301 {strides = array<i32>} : memref<512xf32, #tpu.memory_space<vmem>>, vector<16xf32>,
      %add3A_304 = arith.constant 4 : i32
      %add3A_305 = vector.broadcast %add3A_304 : i32 to vector<16xi32>
      %add3A_306 = arith.addi %add3A_60, %add3A_305 : vector<16xi32>
      %gather3A_307 = tpu.vector_load_idx %arg18[%add3A_306] : memref<512xf32, #tpu.memory_space<vmem>>[vector<16xi32>], vector<16xf32>,
      %swap3A_308 = arith.constant 32 : index
      %swap3A_309 = tpu.vector_load %arg19[%swap3A_308] {strides = array<i32>} : memref<512xf32, #tpu.memory_space<vmem>>, vector<16xf32>,
      tpu.vector_store %arg19[%swap3A_308], %gather3A_307 {strides = array<i32>} : memref<512xf32, #tpu.memory_space<vmem>>, vector<16xf32>,
      %add3A_310 = arith.constant 6 : i32
      %add3A_311 = vector.broadcast %add3A_310 : i32 to vector<16xi32>
      %add3A_312 = arith.addi %add3A_60, %add3A_311 : vector<16xi32>
      %gather3A_313 = tpu.vector_load_idx %arg18[%add3A_312] : memref<512xf32, #tpu.memory_space<vmem>>[vector<16xi32>], vector<16xf32>,
      %swap3A_314 = arith.constant 48 : index
      %swap3A_315 = tpu.vector_load %arg19[%swap3A_314] {strides = array<i32>} : memref<512xf32, #tpu.memory_space<vmem>>, vector<16xf32>,
      tpu.vector_store %arg19[%swap3A_314], %gather3A_313 {strides = array<i32>} : memref<512xf32, #tpu.memory_space<vmem>>, vector<16xf32>,
      %add3A_316 = arith.constant 8 : i32
      %add3A_317 = vector.broadcast %add3A_316 : i32 to vector<16xi32>
      %add3A_318 = arith.addi %add3A_60, %add3A_317 : vector<16xi32>
      %gather3A_319 = tpu.vector_load_idx %arg18[%add3A_318] : memref<512xf32, #tpu.memory_space<vmem>>[vector<16xi32>], vector<16xf32>,
      %swap3A_320 = arith.constant 64 : index
      %swap3A_321 = tpu.vector_load %arg19[%swap3A_320] {strides = array<i32>} : memref<512xf32, #tpu.memory_space<vmem>>, vector<16xf32>,
      tpu.vector_store %arg19[%swap3A_320], %gather3A_319 {strides = array<i32>} : memref<512xf32, #tpu.memory_space<vmem>>, vector<16xf32>,
      %add3A_322 = arith.constant 10 : i32
      %add3A_323 = vector.broadcast %add3A_322 : i32 to vector<16xi32>
      %add3A_324 = arith.addi %add3A_60, %add3A_323 : vector<16xi32>
      %gather3A_325 = tpu.vector_load_idx %arg18[%add3A_324] : memref<512xf32, #tpu.memory_space<vmem>>[vector<16xi32>], vector<16xf32>,
      %swap3A_326 = arith.constant 80 : index
      %swap3A_327 = tpu.vector_load %arg19[%swap3A_326] {strides = array<i32>} : memref<512xf32, #tpu.memory_space<vmem>>, vector<16xf32>,
      tpu.vector_store %arg19[%swap3A_326], %gather3A_325 {strides = array<i32>} : memref<512xf32, #tpu.memory_space<vmem>>, vector<16xf32>,
      %add3A_328 = arith.constant 12 : i32
      %add3A_329 = vector.broadcast %add3A_328 : i32 to vector<16xi32>
      %add3A_330 = arith.addi %add3A_60, %add3A_329 : vector<16xi32>
      %gather3A_331 = tpu.vector_load_idx %arg18[%add3A_330] : memref<512xf32, #tpu.memory_space<vmem>>[vector<16xi32>], vector<16xf32>,
      %swap3A_332 = arith.constant 96 : index
      %swap3A_333 = tpu.vector_load %arg19[%swap3A_332] {strides = array<i32>} : memref<512xf32, #tpu.memory_space<vmem>>, vector<16xf32>,
      tpu.vector_store %arg19[%swap3A_332], %gather3A_331 {strides = array<i32>} : memref<512xf32, #tpu.memory_space<vmem>>, vector<16xf32>,
      %add3A_334 = arith.constant 14 : i32
      %add3A_335 = vector.broadcast %add3A_334 : i32 to vector<16xi32>
      %add3A_336 = arith.addi %add3A_60, %add3A_335 : vector<16xi32>
      %gather3A_337 = tpu.vector_load_idx %arg18[%add3A_336] : memref<512xf32, #tpu.memory_space<vmem>>[vector<16xi32>], vector<16xf32>,
      %swap3A_338 = arith.constant 112 : index
      %swap3A_339 = tpu.vector_load %arg19[%swap3A_338] {strides = array<i32>} : memref<512xf32, #tpu.memory_space<vmem>>, vector<16xf32>,
      tpu.vector_store %arg19[%swap3A_338], %gather3A_337 {strides = array<i32>} : memref<512xf32, #tpu.memory_space<vmem>>, vector<16xf32>,
      %add3A_340 = arith.constant 16 : i32
      %add3A_341 = vector.broadcast %add3A_340 : i32 to vector<16xi32>
      %add3A_342 = arith.addi %add3A_60, %add3A_341 : vector<16xi32>
      %gather3A_343 = tpu.vector_load_idx %arg18[%add3A_342] : memref<512xf32, #tpu.memory_space<vmem>>[vector<16xi32>], vector<16xf32>,
      %swap3A_344 = arith.constant 128 : index
      %swap3A_345 = tpu.vector_load %arg19[%swap3A_344] {strides = array<i32>} : memref<512xf32, #tpu.memory_space<vmem>>, vector<16xf32>,
      tpu.vector_store %arg19[%swap3A_344], %gather3A_343 {strides = array<i32>} : memref<512xf32, #tpu.memory_space<vmem>>, vector<16xf32>,
      %add3A_346 = arith.constant 18 : i32
      %add3A_347 = vector.broadcast %add3A_346 : i32 to vector<16xi32>
      %add3A_348 = arith.addi %add3A_60, %add3A_347 : vector<16xi32>
      %gather3A_349 = tpu.vector_load_idx %arg18[%add3A_348] : memref<512xf32, #tpu.memory_space<vmem>>[vector<16xi32>], vector<16xf32>,
      %swap3A_350 = arith.constant 144 : index
      %swap3A_351 = tpu.vector_load %arg19[%swap3A_350] {strides = array<i32>} : memref<512xf32, #tpu.memory_space<vmem>>, vector<16xf32>,
      tpu.vector_store %arg19[%swap3A_350], %gather3A_349 {strides = array<i32>} : memref<512xf32, #tpu.memory_space<vmem>>, vector<16xf32>,
      %add3A_352 = arith.constant 20 : i32
      %add3A_353 = vector.broadcast %add3A_352 : i32 to vector<16xi32>
      %add3A_354 = arith.addi %add3A_60, %add3A_353 : vector<16xi32>
      %gather3A_355 = tpu.vector_load_idx %arg18[%add3A_354] : memref<512xf32, #tpu.memory_space<vmem>>[vector<16xi32>], vector<16xf32>,
      %swap3A_356 = arith.constant 160 : index
      %swap3A_357 = tpu.vector_load %arg19[%swap3A_356] {strides = array<i32>} : memref<512xf32, #tpu.memory_space<vmem>>, vector<16xf32>,
      tpu.vector_store %arg19[%swap3A_356], %gather3A_355 {strides = array<i32>} : memref<512xf32, #tpu.memory_space<vmem>>, vector<16xf32>,
      %add3A_358 = arith.constant 22 : i32
      %add3A_359 = vector.broadcast %add3A_358 : i32 to vector<16xi32>
      %add3A_360 = arith.addi %add3A_60, %add3A_359 : vector<16xi32>
      %gather3A_361 = tpu.vector_load_idx %arg18[%add3A_360] : memref<512xf32, #tpu.memory_space<vmem>>[vector<16xi32>], vector<16xf32>,
      %swap3A_362 = arith.constant 176 : index
      %swap3A_363 = tpu.vector_load %arg19[%swap3A_362] {strides = array<i32>} : memref<512xf32, #tpu.memory_space<vmem>>, vector<16xf32>,
      tpu.vector_store %arg19[%swap3A_362], %gather3A_361 {strides = array<i32>} : memref<512xf32, #tpu.memory_space<vmem>>, vector<16xf32>,
      %add3A_364 = arith.constant 24 : i32
      %add3A_365 = vector.broadcast %add3A_364 : i32 to vector<16xi32>
      %add3A_366 = arith.addi %add3A_60, %add3A_365 : vector<16xi32>
      %gather3A_367 = tpu.vector_load_idx %arg18[%add3A_366] : memref<512xf32, #tpu.memory_space<vmem>>[vector<16xi32>], vector<16xf32>,
      %swap3A_368 = arith.constant 192 : index
      %swap3A_369 = tpu.vector_load %arg19[%swap3A_368] {strides = array<i32>} : memref<512xf32, #tpu.memory_space<vmem>>, vector<16xf32>,
      tpu.vector_store %arg19[%swap3A_368], %gather3A_367 {strides = array<i32>} : memref<512xf32, #tpu.memory_space<vmem>>, vector<16xf32>,
      %add3A_370 = arith.constant 26 : i32
      %add3A_371 = vector.broadcast %add3A_370 : i32 to vector<16xi32>
      %add3A_372 = arith.addi %add3A_60, %add3A_371 : vector<16xi32>
      %gather3A_373 = tpu.vector_load_idx %arg18[%add3A_372] : memref<512xf32, #tpu.memory_space<vmem>>[vector<16xi32>], vector<16xf32>,
      %swap3A_374 = arith.constant 208 : index
      %swap3A_375 = tpu.vector_load %arg19[%swap3A_374] {strides = array<i32>} : memref<512xf32, #tpu.memory_space<vmem>>, vector<16xf32>,
      tpu.vector_store %arg19[%swap3A_374], %gather3A_373 {strides = array<i32>} : memref<512xf32, #tpu.memory_space<vmem>>, vector<16xf32>,
      %add3A_376 = arith.constant 28 : i32
      %add3A_377 = vector.broadcast %add3A_376 : i32 to vector<16xi32>
      %add3A_378 = arith.addi %add3A_60, %add3A_377 : vector<16xi32>
      %gather3A_379 = tpu.vector_load_idx %arg18[%add3A_378] : memref<512xf32, #tpu.memory_space<vmem>>[vector<16xi32>], vector<16xf32>,
      %swap3A_380 = arith.constant 224 : index
      %swap3A_381 = tpu.vector_load %arg19[%swap3A_380] {strides = array<i32>} : memref<512xf32, #tpu.memory_space<vmem>>, vector<16xf32>,
      tpu.vector_store %arg19[%swap3A_380], %gather3A_379 {strides = array<i32>} : memref<512xf32, #tpu.memory_space<vmem>>, vector<16xf32>,
      %add3A_382 = arith.constant 30 : i32
      %add3A_383 = vector.broadcast %add3A_382 : i32 to vector<16xi32>
      %add3A_384 = arith.addi %add3A_60, %add3A_383 : vector<16xi32>
      %gather3A_385 = tpu.vector_load_idx %arg18[%add3A_384] : memref<512xf32, #tpu.memory_space<vmem>>[vector<16xi32>], vector<16xf32>,
      %swap3A_386 = arith.constant 240 : index
      %swap3A_387 = tpu.vector_load %arg19[%swap3A_386] {strides = array<i32>} : memref<512xf32, #tpu.memory_space<vmem>>, vector<16xf32>,
      tpu.vector_store %arg19[%swap3A_386], %gather3A_385 {strides = array<i32>} : memref<512xf32, #tpu.memory_space<vmem>>, vector<16xf32>,
      %add3A_388 = arith.constant 32 : i32
      %add3A_389 = vector.broadcast %add3A_388 : i32 to vector<16xi32>
      %add3A_390 = arith.addi %add3A_60, %add3A_389 : vector<16xi32>
      %gather3A_391 = tpu.vector_load_idx %arg18[%add3A_390] : memref<512xf32, #tpu.memory_space<vmem>>[vector<16xi32>], vector<16xf32>,
      %swap3A_392 = arith.constant 256 : index
      %swap3A_393 = tpu.vector_load %arg19[%swap3A_392] {strides = array<i32>} : memref<512xf32, #tpu.memory_space<vmem>>, vector<16xf32>,
      tpu.vector_store %arg19[%swap3A_392], %gather3A_391 {strides = array<i32>} : memref<512xf32, #tpu.memory_space<vmem>>, vector<16xf32>,
      %add3A_394 = arith.constant 34 : i32
      %add3A_395 = vector.broadcast %add3A_394 : i32 to vector<16xi32>
      %add3A_396 = arith.addi %add3A_60, %add3A_395 : vector<16xi32>
      %gather3A_397 = tpu.vector_load_idx %arg18[%add3A_396] : memref<512xf32, #tpu.memory_space<vmem>>[vector<16xi32>], vector<16xf32>,
      %swap3A_398 = arith.constant 272 : index
      %swap3A_399 = tpu.vector_load %arg19[%swap3A_398] {strides = array<i32>} : memref<512xf32, #tpu.memory_space<vmem>>, vector<16xf32>,
      tpu.vector_store %arg19[%swap3A_398], %gather3A_397 {strides = array<i32>} : memref<512xf32, #tpu.memory_space<vmem>>, vector<16xf32>,
      %add3A_400 = arith.constant 36 : i32
      %add3A_401 = vector.broadcast %add3A_400 : i32 to vector<16xi32>
      %add3A_402 = arith.addi %add3A_60, %add3A_401 : vector<16xi32>
      %gather3A_403 = tpu.vector_load_idx %arg18[%add3A_402] : memref<512xf32, #tpu.memory_space<vmem>>[vector<16xi32>], vector<16xf32>,
      %swap3A_404 = arith.constant 288 : index
      %swap3A_405 = tpu.vector_load %arg19[%swap3A_404] {strides = array<i32>} : memref<512xf32, #tpu.memory_space<vmem>>, vector<16xf32>,
      tpu.vector_store %arg19[%swap3A_404], %gather3A_403 {strides = array<i32>} : memref<512xf32, #tpu.memory_space<vmem>>, vector<16xf32>,
      %add3A_406 = arith.constant 38 : i32
      %add3A_407 = vector.broadcast %add3A_406 : i32 to vector<16xi32>
      %add3A_408 = arith.addi %add3A_60, %add3A_407 : vector<16xi32>
      %gather3A_409 = tpu.vector_load_idx %arg18[%add3A_408] : memref<512xf32, #tpu.memory_space<vmem>>[vector<16xi32>], vector<16xf32>,
      %swap3A_410 = arith.constant 304 : index
      %swap3A_411 = tpu.vector_load %arg19[%swap3A_410] {strides = array<i32>} : memref<512xf32, #tpu.memory_space<vmem>>, vector<16xf32>,
      tpu.vector_store %arg19[%swap3A_410], %gather3A_409 {strides = array<i32>} : memref<512xf32, #tpu.memory_space<vmem>>, vector<16xf32>,
      %add3A_412 = arith.constant 40 : i32
      %add3A_413 = vector.broadcast %add3A_412 : i32 to vector<16xi32>
      %add3A_414 = arith.addi %add3A_60, %add3A_413 : vector<16xi32>
      %gather3A_415 = tpu.vector_load_idx %arg18[%add3A_414] : memref<512xf32, #tpu.memory_space<vmem>>[vector<16xi32>], vector<16xf32>,
      %swap3A_416 = arith.constant 320 : index
      %swap3A_417 = tpu.vector_load %arg19[%swap3A_416] {strides = array<i32>} : memref<512xf32, #tpu.memory_space<vmem>>, vector<16xf32>,
      tpu.vector_store %arg19[%swap3A_416], %gather3A_415 {strides = array<i32>} : memref<512xf32, #tpu.memory_space<vmem>>, vector<16xf32>,
      %add3A_418 = arith.constant 42 : i32
      %add3A_419 = vector.broadcast %add3A_418 : i32 to vector<16xi32>
      %add3A_420 = arith.addi %add3A_60, %add3A_419 : vector<16xi32>
      %gather3A_421 = tpu.vector_load_idx %arg18[%add3A_420] : memref<512xf32, #tpu.memory_space<vmem>>[vector<16xi32>], vector<16xf32>,
      %swap3A_422 = arith.constant 336 : index
      %swap3A_423 = tpu.vector_load %arg19[%swap3A_422] {strides = array<i32>} : memref<512xf32, #tpu.memory_space<vmem>>, vector<16xf32>,
      tpu.vector_store %arg19[%swap3A_422], %gather3A_421 {strides = array<i32>} : memref<512xf32, #tpu.memory_space<vmem>>, vector<16xf32>,
      %add3A_424 = arith.constant 44 : i32
      %add3A_425 = vector.broadcast %add3A_424 : i32 to vector<16xi32>
      %add3A_426 = arith.addi %add3A_60, %add3A_425 : vector<16xi32>
      %gather3A_427 = tpu.vector_load_idx %arg18[%add3A_426] : memref<512xf32, #tpu.memory_space<vmem>>[vector<16xi32>], vector<16xf32>,
      %swap3A_428 = arith.constant 352 : index
      %swap3A_429 = tpu.vector_load %arg19[%swap3A_428] {strides = array<i32>} : memref<512xf32, #tpu.memory_space<vmem>>, vector<16xf32>,
      tpu.vector_store %arg19[%swap3A_428], %gather3A_427 {strides = array<i32>} : memref<512xf32, #tpu.memory_space<vmem>>, vector<16xf32>,
      %add3A_430 = arith.constant 46 : i32
      %add3A_431 = vector.broadcast %add3A_430 : i32 to vector<16xi32>
      %add3A_432 = arith.addi %add3A_60, %add3A_431 : vector<16xi32>
      %gather3A_433 = tpu.vector_load_idx %arg18[%add3A_432] : memref<512xf32, #tpu.memory_space<vmem>>[vector<16xi32>], vector<16xf32>,
      %swap3A_434 = arith.constant 368 : index
      %swap3A_435 = tpu.vector_load %arg19[%swap3A_434] {strides = array<i32>} : memref<512xf32, #tpu.memory_space<vmem>>, vector<16xf32>,
      tpu.vector_store %arg19[%swap3A_434], %gather3A_433 {strides = array<i32>} : memref<512xf32, #tpu.memory_space<vmem>>, vector<16xf32>,
      %add3A_436 = arith.constant 48 : i32
      %add3A_437 = vector.broadcast %add3A_436 : i32 to vector<16xi32>
      %add3A_438 = arith.addi %add3A_60, %add3A_437 : vector<16xi32>
      %gather3A_439 = tpu.vector_load_idx %arg18[%add3A_438] : memref<512xf32, #tpu.memory_space<vmem>>[vector<16xi32>], vector<16xf32>,
      %swap3A_440 = arith.constant 384 : index
      %swap3A_441 = tpu.vector_load %arg19[%swap3A_440] {strides = array<i32>} : memref<512xf32, #tpu.memory_space<vmem>>, vector<16xf32>,
      tpu.vector_store %arg19[%swap3A_440], %gather3A_439 {strides = array<i32>} : memref<512xf32, #tpu.memory_space<vmem>>, vector<16xf32>,
      %add3A_442 = arith.constant 50 : i32
      %add3A_443 = vector.broadcast %add3A_442 : i32 to vector<16xi32>
      %add3A_444 = arith.addi %add3A_60, %add3A_443 : vector<16xi32>
      %gather3A_445 = tpu.vector_load_idx %arg18[%add3A_444] : memref<512xf32, #tpu.memory_space<vmem>>[vector<16xi32>], vector<16xf32>,
      %swap3A_446 = arith.constant 400 : index
      %swap3A_447 = tpu.vector_load %arg19[%swap3A_446] {strides = array<i32>} : memref<512xf32, #tpu.memory_space<vmem>>, vector<16xf32>,
      tpu.vector_store %arg19[%swap3A_446], %gather3A_445 {strides = array<i32>} : memref<512xf32, #tpu.memory_space<vmem>>, vector<16xf32>,
      %add3A_448 = arith.constant 52 : i32
      %add3A_449 = vector.broadcast %add3A_448 : i32 to vector<16xi32>
      %add3A_450 = arith.addi %add3A_60, %add3A_449 : vector<16xi32>
      %gather3A_451 = tpu.vector_load_idx %arg18[%add3A_450] : memref<512xf32, #tpu.memory_space<vmem>>[vector<16xi32>], vector<16xf32>,
      %swap3A_452 = arith.constant 416 : index
      %swap3A_453 = tpu.vector_load %arg19[%swap3A_452] {strides = array<i32>} : memref<512xf32, #tpu.memory_space<vmem>>, vector<16xf32>,
      tpu.vector_store %arg19[%swap3A_452], %gather3A_451 {strides = array<i32>} : memref<512xf32, #tpu.memory_space<vmem>>, vector<16xf32>,
      %add3A_454 = arith.constant 54 : i32
      %add3A_455 = vector.broadcast %add3A_454 : i32 to vector<16xi32>
      %add3A_456 = arith.addi %add3A_60, %add3A_455 : vector<16xi32>
      %gather3A_457 = tpu.vector_load_idx %arg18[%add3A_456] : memref<512xf32, #tpu.memory_space<vmem>>[vector<16xi32>], vector<16xf32>,
      %swap3A_458 = arith.constant 432 : index
      %swap3A_459 = tpu.vector_load %arg19[%swap3A_458] {strides = array<i32>} : memref<512xf32, #tpu.memory_space<vmem>>, vector<16xf32>,
      tpu.vector_store %arg19[%swap3A_458], %gather3A_457 {strides = array<i32>} : memref<512xf32, #tpu.memory_space<vmem>>, vector<16xf32>,
      %add3A_460 = arith.constant 56 : i32
      %add3A_461 = vector.broadcast %add3A_460 : i32 to vector<16xi32>
      %add3A_462 = arith.addi %add3A_60, %add3A_461 : vector<16xi32>
      %gather3A_463 = tpu.vector_load_idx %arg18[%add3A_462] : memref<512xf32, #tpu.memory_space<vmem>>[vector<16xi32>], vector<16xf32>,
      %swap3A_464 = arith.constant 448 : index
      %swap3A_465 = tpu.vector_load %arg19[%swap3A_464] {strides = array<i32>} : memref<512xf32, #tpu.memory_space<vmem>>, vector<16xf32>,
      tpu.vector_store %arg19[%swap3A_464], %gather3A_463 {strides = array<i32>} : memref<512xf32, #tpu.memory_space<vmem>>, vector<16xf32>,
      %add3A_466 = arith.constant 58 : i32
      %add3A_467 = vector.broadcast %add3A_466 : i32 to vector<16xi32>
      %add3A_468 = arith.addi %add3A_60, %add3A_467 : vector<16xi32>
      %gather3A_469 = tpu.vector_load_idx %arg18[%add3A_468] : memref<512xf32, #tpu.memory_space<vmem>>[vector<16xi32>], vector<16xf32>,
      %swap3A_470 = arith.constant 464 : index
      %swap3A_471 = tpu.vector_load %arg19[%swap3A_470] {strides = array<i32>} : memref<512xf32, #tpu.memory_space<vmem>>, vector<16xf32>,
      tpu.vector_store %arg19[%swap3A_470], %gather3A_469 {strides = array<i32>} : memref<512xf32, #tpu.memory_space<vmem>>, vector<16xf32>,
      %add3A_472 = arith.constant 60 : i32
      %add3A_473 = vector.broadcast %add3A_472 : i32 to vector<16xi32>
      %add3A_474 = arith.addi %add3A_60, %add3A_473 : vector<16xi32>
      %gather3A_475 = tpu.vector_load_idx %arg18[%add3A_474] : memref<512xf32, #tpu.memory_space<vmem>>[vector<16xi32>], vector<16xf32>,
      %swap3A_476 = arith.constant 480 : index
      %swap3A_477 = tpu.vector_load %arg19[%swap3A_476] {strides = array<i32>} : memref<512xf32, #tpu.memory_space<vmem>>, vector<16xf32>,
      tpu.vector_store %arg19[%swap3A_476], %gather3A_475 {strides = array<i32>} : memref<512xf32, #tpu.memory_space<vmem>>, vector<16xf32>,
      %add3A_478 = arith.constant 62 : i32
      %add3A_479 = vector.broadcast %add3A_478 : i32 to vector<16xi32>
      %add3A_480 = arith.addi %add3A_60, %add3A_479 : vector<16xi32>
      %gather3A_481 = tpu.vector_load_idx %arg18[%add3A_480] : memref<512xf32, #tpu.memory_space<vmem>>[vector<16xi32>], vector<16xf32>,
      %swap3A_482 = arith.constant 496 : index
      %swap3A_483 = tpu.vector_load %arg19[%swap3A_482] {strides = array<i32>} : memref<512xf32, #tpu.memory_space<vmem>>, vector<16xf32>,
      tpu.vector_store %arg19[%swap3A_482], %gather3A_481 {strides = array<i32>} : memref<512xf32, #tpu.memory_space<vmem>>, vector<16xf32>,
      %mul3A_484 = arith.constant 1024 : i32
      %mul3A_485 = arith.muli %scan3A_68, %mul3A_484 : i32
      %add3A_486 = arith.addi %mul3A_485, %mul3A_94 : i32
      %mul3A_487 = arith.constant 8 : i32
      %mul3A_488 = arith.muli %add3A_486, %mul3A_487 : i32
      "tpu.region"() ({
        %run_scoped3A_491 = tpu.sem_alloc : memref<!tpu.dma_semaphore, #tpu.memory_space<semaphore_mem>>
        %dma_start3A = tpu.memref_slice %arg4[%arg0, %mul3A_488] : memref<2x81920xf32, #tpu.memory_space<hbm>> -> memref<1x512xf32, #tpu.memory_space<hbm>>
        %dma_start3A_492 = tpu.memref_squeeze %dma_start3A : memref<1x512xf32, #tpu.memory_space<hbm>> -> memref<512xf32, #tpu.memory_space<hbm>>
        %dma_start3A_493 = tpu.memref_slice %arg4[%arg0, %mul3A_488] : memref<2x81920xf32, #tpu.memory_space<hbm>> -> memref<1x512xf32, #tpu.memory_space<hbm>>
        %dma_start3A_494 = tpu.memref_squeeze %dma_start3A_493 : memref<1x512xf32, #tpu.memory_space<hbm>> -> memref<512xf32, #tpu.memory_space<hbm>>
        tpu.enqueue_dma source(%arg19 : memref<512xf32, #tpu.memory_space<vmem>>) target(%dma_start3A_494 : memref<512xf32, #tpu.memory_space<hbm>>) target_semaphore(%run_scoped3A_491 : memref<!tpu.dma_semaphore, #tpu.memory_space<semaphore_mem>>)
        %dma_wait3A = tpu.memref_slice %arg4[%arg0, %mul3A_488] : memref<2x81920xf32, #tpu.memory_space<hbm>> -> memref<1x512xf32, #tpu.memory_space<hbm>>
        %dma_wait3A_495 = tpu.memref_squeeze %dma_wait3A : memref<1x512xf32, #tpu.memory_space<hbm>> -> memref<512xf32, #tpu.memory_space<hbm>>
        %dma_wait3A_496 = tpu.memref_slice %arg4[%arg0, %mul3A_488] : memref<2x81920xf32, #tpu.memory_space<hbm>> -> memref<1x512xf32, #tpu.memory_space<hbm>>
        %dma_wait3A_497 = tpu.memref_squeeze %dma_wait3A_496 : memref<1x512xf32, #tpu.memory_space<hbm>> -> memref<512xf32, #tpu.memory_space<hbm>>
        tpu.wait_dma2 semaphore(%run_scoped3A_491 : memref<!tpu.dma_semaphore, #tpu.memory_space<semaphore_mem>>) src(%arg19 : memref<512xf32, #tpu.memory_space<vmem>>) dst(%dma_wait3A_497 : memref<512xf32, #tpu.memory_space<hbm>>)
        tpu.yield
      }) : () -> ()
      %barrier3A_489 = arith.constant 0 : index
      tpu.barrier barrier_id(%barrier3A_489)
      %scan3A_490 = arith.constant 0 : i32
      scf.yield %scan3A_490 : i32
    }
    %scan3A_67 = arith.constant 10 : i32
    return
  }
}

#map = affine_map<(d0, d1) -> (0, 0)>
#map1 = affine_map<(d0, d1) -> (0)>
module attributes {stable_mosaic.version = 14 : i64} {
  func.func @_gather_body(%arg0: i32, %arg1: i32, %arg2: memref<10000x16xf32, #tpu.memory_space<hbm>>, %arg3: memref<320000xi32, #tpu.memory_space<hbm>>, %arg4: memref<320000x16xf32, #tpu.memory_space<hbm>>, %arg5: memref<2000xi32, #tpu.memory_space<vmem>>, %arg6: memref<2000x16xf32, #tpu.memory_space<vmem>>, %arg7: memref<!tpu.dma_semaphore, #tpu.memory_space<semaphore_mem>>) attributes {dimension_semantics = [#tpu.dimension_semantics<core_parallel>, #tpu.dimension_semantics<subcore_parallel>], iteration_bounds = array<i64: 2, 16>, scalar_prefetch = 0 : i64, scratch_operands = 3 : i64, tpu.core_type = #tpu.core_type<sc_vector_subcore>, window_params = [{transform_indices = #map}, {transform_indices = #map1}, {transform_indices = #map}]} {
    %mul3A = arith.constant 2 : i32
    %mul3A_0 = arith.muli %arg1, %mul3A : i32
    %add3A = arith.addi %mul3A_0, %arg0 : i32
    %mul3A_1 = arith.constant 10000 : i32
    %mul3A_2 = arith.muli %add3A, %mul3A_1 : i32
    %scan3A = arith.constant 0 : i32
    %scan3A_3 = arith.constant 0 : i32
    %scan3A_4 = arith.constant 5 : i32
    %scan3A_5 = arith.addi %scan3A_3, %scan3A_4 : i32
    %scan3A_6 = arith.constant 1 : i32
    %scan3A_7 = scf.for %scan3A_9 = %scan3A_3 to %scan3A_5 step %scan3A_6 iter_args(%scan3A_10 = %scan3A) -> (i32)  : i32 {
      %mul3A_11 = arith.constant 2000 : i32
      %mul3A_12 = arith.muli %scan3A_9, %mul3A_11 : i32
      %add3A_13 = arith.addi %mul3A_2, %mul3A_12 : i32
      "tpu.region"() ({
        %run_scoped3A = tpu.sem_alloc : memref<!tpu.dma_semaphore, #tpu.memory_space<semaphore_mem>>
        %dma_start3A_19 = tpu.memref_slice %arg3[%add3A_13] : memref<320000xi32, #tpu.memory_space<hbm>> -> memref<2000xi32, #tpu.memory_space<hbm>>
        %dma_start3A_20 = tpu.memref_slice %arg3[%add3A_13] : memref<320000xi32, #tpu.memory_space<hbm>> -> memref<2000xi32, #tpu.memory_space<hbm>>
        tpu.enqueue_dma source(%dma_start3A_20 : memref<2000xi32, #tpu.memory_space<hbm>>) target(%arg5 : memref<2000xi32, #tpu.memory_space<vmem>>) target_semaphore(%run_scoped3A : memref<!tpu.dma_semaphore, #tpu.memory_space<semaphore_mem>>)
        %dma_wait3A_21 = tpu.memref_slice %arg3[%add3A_13] : memref<320000xi32, #tpu.memory_space<hbm>> -> memref<2000xi32, #tpu.memory_space<hbm>>
        %dma_wait3A_22 = tpu.memref_slice %arg3[%add3A_13] : memref<320000xi32, #tpu.memory_space<hbm>> -> memref<2000xi32, #tpu.memory_space<hbm>>
        tpu.wait_dma2 semaphore(%run_scoped3A : memref<!tpu.dma_semaphore, #tpu.memory_space<semaphore_mem>>) src(%dma_wait3A_22 : memref<2000xi32, #tpu.memory_space<hbm>>) dst(%arg5 : memref<2000xi32, #tpu.memory_space<vmem>>)
        tpu.yield
      }) : () -> ()
      %dma_start3A = arith.constant 0 : i32
      %dma_start3A_14 = arith.constant 0 : i32
      %dma_start3A_15 = tpu.memref_slice %arg2[%dma_start3A, %dma_start3A_14] : memref<10000x16xf32, #tpu.memory_space<hbm>> -> memref<10000x16xf32, #tpu.memory_space<hbm>>
      tpu.enqueue_indirect_dma source(%dma_start3A_15 : memref<10000x16xf32, #tpu.memory_space<hbm>>) target(%arg6 : memref<2000x16xf32, #tpu.memory_space<vmem>>) offsets(%arg5 : memref<2000xi32, #tpu.memory_space<vmem>>) semaphore(%arg7 : memref<!tpu.dma_semaphore, #tpu.memory_space<semaphore_mem>>)
      %dma_wait3A = arith.constant 0 : i32
      %dma_wait3A_16 = arith.constant 0 : i32
      %dma_wait3A_17 = tpu.memref_slice %arg2[%dma_wait3A, %dma_wait3A_16] : memref<10000x16xf32, #tpu.memory_space<hbm>> -> memref<10000x16xf32, #tpu.memory_space<hbm>>
      tpu.wait_indirect_dma semaphore(%arg7 : memref<!tpu.dma_semaphore, #tpu.memory_space<semaphore_mem>>) src(%dma_wait3A_17 : memref<10000x16xf32, #tpu.memory_space<hbm>>) dst(%arg6 : memref<2000x16xf32, #tpu.memory_space<vmem>>)
      "tpu.region"() ({
        %run_scoped3A = tpu.sem_alloc : memref<!tpu.dma_semaphore, #tpu.memory_space<semaphore_mem>>
        %dma_start3A_19 = arith.constant 0 : i32
        %dma_start3A_20 = tpu.memref_slice %arg4[%add3A_13, %dma_start3A_19] : memref<320000x16xf32, #tpu.memory_space<hbm>> -> memref<2000x16xf32, #tpu.memory_space<hbm>>
        %dma_start3A_21 = arith.constant 0 : i32
        %dma_start3A_22 = tpu.memref_slice %arg4[%add3A_13, %dma_start3A_21] : memref<320000x16xf32, #tpu.memory_space<hbm>> -> memref<2000x16xf32, #tpu.memory_space<hbm>>
        tpu.enqueue_dma source(%arg6 : memref<2000x16xf32, #tpu.memory_space<vmem>>) target(%dma_start3A_22 : memref<2000x16xf32, #tpu.memory_space<hbm>>) target_semaphore(%run_scoped3A : memref<!tpu.dma_semaphore, #tpu.memory_space<semaphore_mem>>)
        %dma_wait3A_23 = arith.constant 0 : i32
        %dma_wait3A_24 = tpu.memref_slice %arg4[%add3A_13, %dma_wait3A_23] : memref<320000x16xf32, #tpu.memory_space<hbm>> -> memref<2000x16xf32, #tpu.memory_space<hbm>>
        %dma_wait3A_25 = arith.constant 0 : i32
        %dma_wait3A_26 = tpu.memref_slice %arg4[%add3A_13, %dma_wait3A_25] : memref<320000x16xf32, #tpu.memory_space<hbm>> -> memref<2000x16xf32, #tpu.memory_space<hbm>>
        tpu.wait_dma2 semaphore(%run_scoped3A : memref<!tpu.dma_semaphore, #tpu.memory_space<semaphore_mem>>) src(%arg6 : memref<2000x16xf32, #tpu.memory_space<vmem>>) dst(%dma_wait3A_26 : memref<2000x16xf32, #tpu.memory_space<hbm>>)
        tpu.yield
      }) : () -> ()
      %scan3A_18 = arith.constant 0 : i32
      scf.yield %scan3A_18 : i32
    }
    %scan3A_8 = arith.constant 5 : i32
    return
  }
}

#map = affine_map<(d0, d1) -> (0)>
#map1 = affine_map<(d0, d1) -> (0, 0)>
module attributes {stable_mosaic.version = 14 : i64} {
  func.func @_scatter_body(%arg0: i32, %arg1: i32, %arg2: memref<5120000xf32, #tpu.memory_space<hbm>>, %arg3: memref<320000xi32, #tpu.memory_space<hbm>>, %arg4: memref<2x81920xf32, #tpu.memory_space<hbm>>, %arg5: memref<10240xf32, #tpu.memory_space<vmem>>, %arg6: memref<10240xf32, #tpu.memory_space<vmem>>, %arg7: memref<10240xf32, #tpu.memory_space<vmem>>, %arg8: memref<10240xf32, #tpu.memory_space<vmem>>, %arg9: memref<10240xf32, #tpu.memory_space<vmem>>, %arg10: memref<10240xf32, #tpu.memory_space<vmem>>, %arg11: memref<10240xf32, #tpu.memory_space<vmem>>, %arg12: memref<10240xf32, #tpu.memory_space<vmem>>, %arg13: memref<10240xi32, #tpu.memory_space<vmem>>, %arg14: memref<800xi32, #tpu.memory_space<vmem>>, %arg15: memref<12800xf32, #tpu.memory_space<vmem>>, %arg16: memref<8x64xf32, #tpu.memory_space<vmem>>, %arg17: memref<8x64xf32, #tpu.memory_space<vmem>>, %arg18: memref<512xf32, #tpu.memory_space<vmem>>, %arg19: memref<512xf32, #tpu.memory_space<vmem>>, %arg20: memref<16x8x1024xf32, #tpu.memory_space<vmem_shared>>) attributes {dimension_semantics = [#tpu.dimension_semantics<core_parallel>, #tpu.dimension_semantics<subcore_parallel>], iteration_bounds = array<i64: 2, 16>, scalar_prefetch = 0 : i64, scratch_operands = 16 : i64, tpu.core_type = #tpu.core_type<sc_vector_subcore>, window_params = [{transform_indices = #map}, {transform_indices = #map}, {transform_indices = #map1}]} {
    %mul3A = arith.constant 20000 : i32
    %mul3A_0 = arith.muli %arg1, %mul3A : i32
    %iota3A = tpu.iota {dimensions = array<i32: 0>} : vector<16xi32>
    %broadcast_in_dim3A = arith.constant 0xFF800000 : f32
    %broadcast_in_dim3A_1 = vector.broadcast %broadcast_in_dim3A : f32 to vector<16xf32>
    %scan3A = arith.constant 0 : i32
    %scan3A_2 = arith.constant 0 : i32
    %scan3A_3 = arith.constant 640 : i32
    %scan3A_4 = arith.addi %scan3A_2, %scan3A_3 : i32
    %scan3A_5 = arith.constant 1 : i32
    %scan3A_6 = scf.for %scan3A_68 = %scan3A_2 to %scan3A_4 step %scan3A_5 iter_args(%scan3A_69 = %scan3A) -> (i32)  : i32 {
      %mul3A_70 = arith.constant 16 : i32
      %mul3A_71 = arith.muli %scan3A_68, %mul3A_70 : i32
      %swap3A = arith.index_cast %mul3A_71 : i32 to index
      %swap3A_72 = tpu.vector_load %arg5[%swap3A] {strides = array<i32>} : memref<10240xf32, #tpu.memory_space<vmem>>, vector<16xf32>,
      tpu.vector_store %arg5[%swap3A], %broadcast_in_dim3A_1 {strides = array<i32>} : memref<10240xf32, #tpu.memory_space<vmem>>, vector<16xf32>,
      %mul3A_73 = arith.constant 16 : i32
      %mul3A_74 = arith.muli %scan3A_68, %mul3A_73 : i32
      %swap3A_75 = arith.index_cast %mul3A_74 : i32 to index
      %swap3A_76 = tpu.vector_load %arg6[%swap3A_75] {strides = array<i32>} : memref<10240xf32, #tpu.memory_space<vmem>>, vector<16xf32>,
      tpu.vector_store %arg6[%swap3A_75], %broadcast_in_dim3A_1 {strides = array<i32>} : memref<10240xf32, #tpu.memory_space<vmem>>, vector<16xf32>,
      %mul3A_77 = arith.constant 16 : i32
      %mul3A_78 = arith.muli %scan3A_68, %mul3A_77 : i32
      %swap3A_79 = arith.index_cast %mul3A_78 : i32 to index
      %swap3A_80 = tpu.vector_load %arg7[%swap3A_79] {strides = array<i32>} : memref<10240xf32, #tpu.memory_space<vmem>>, vector<16xf32>,
      tpu.vector_store %arg7[%swap3A_79], %broadcast_in_dim3A_1 {strides = array<i32>} : memref<10240xf32, #tpu.memory_space<vmem>>, vector<16xf32>,
      %mul3A_81 = arith.constant 16 : i32
      %mul3A_82 = arith.muli %scan3A_68, %mul3A_81 : i32
      %swap3A_83 = arith.index_cast %mul3A_82 : i32 to index
      %swap3A_84 = tpu.vector_load %arg8[%swap3A_83] {strides = array<i32>} : memref<10240xf32, #tpu.memory_space<vmem>>, vector<16xf32>,
      tpu.vector_store %arg8[%swap3A_83], %broadcast_in_dim3A_1 {strides = array<i32>} : memref<10240xf32, #tpu.memory_space<vmem>>, vector<16xf32>,
      %mul3A_85 = arith.constant 16 : i32
      %mul3A_86 = arith.muli %scan3A_68, %mul3A_85 : i32
      %swap3A_87 = arith.index_cast %mul3A_86 : i32 to index
      %swap3A_88 = tpu.vector_load %arg9[%swap3A_87] {strides = array<i32>} : memref<10240xf32, #tpu.memory_space<vmem>>, vector<16xf32>,
      tpu.vector_store %arg9[%swap3A_87], %broadcast_in_dim3A_1 {strides = array<i32>} : memref<10240xf32, #tpu.memory_space<vmem>>, vector<16xf32>,
      %mul3A_89 = arith.constant 16 : i32
      %mul3A_90 = arith.muli %scan3A_68, %mul3A_89 : i32
      %swap3A_91 = arith.index_cast %mul3A_90 : i32 to index
      %swap3A_92 = tpu.vector_load %arg10[%swap3A_91] {strides = array<i32>} : memref<10240xf32, #tpu.memory_space<vmem>>, vector<16xf32>,
      tpu.vector_store %arg10[%swap3A_91], %broadcast_in_dim3A_1 {strides = array<i32>} : memref<10240xf32, #tpu.memory_space<vmem>>, vector<16xf32>,
      %mul3A_93 = arith.constant 16 : i32
      %mul3A_94 = arith.muli %scan3A_68, %mul3A_93 : i32
      %swap3A_95 = arith.index_cast %mul3A_94 : i32 to index
      %swap3A_96 = tpu.vector_load %arg11[%swap3A_95] {strides = array<i32>} : memref<10240xf32, #tpu.memory_space<vmem>>, vector<16xf32>,
      tpu.vector_store %arg11[%swap3A_95], %broadcast_in_dim3A_1 {strides = array<i32>} : memref<10240xf32, #tpu.memory_space<vmem>>, vector<16xf32>,
      %mul3A_97 = arith.constant 16 : i32
      %mul3A_98 = arith.muli %scan3A_68, %mul3A_97 : i32
      %swap3A_99 = arith.index_cast %mul3A_98 : i32 to index
      %swap3A_100 = tpu.vector_load %arg12[%swap3A_99] {strides = array<i32>} : memref<10240xf32, #tpu.memory_space<vmem>>, vector<16xf32>,
      tpu.vector_store %arg12[%swap3A_99], %broadcast_in_dim3A_1 {strides = array<i32>} : memref<10240xf32, #tpu.memory_space<vmem>>, vector<16xf32>,
      %scan3A_101 = arith.constant 0 : i32
      scf.yield %scan3A_101 : i32
    }
    %scan3A_7 = arith.constant 640 : i32
    %scan3A_8 = arith.constant 0 : i32
    %scan3A_9 = arith.constant 0 : i32
    %scan3A_10 = arith.constant 25 : i32
    %scan3A_11 = arith.addi %scan3A_9, %scan3A_10 : i32
    %scan3A_12 = arith.constant 1 : i32
    %scan3A_13 = scf.for %scan3A_68 = %scan3A_9 to %scan3A_11 step %scan3A_12 iter_args(%scan3A_69 = %scan3A_8) -> (i32)  : i32 {
      %mul3A_70 = arith.constant 800 : i32
      %mul3A_71 = arith.muli %scan3A_68, %mul3A_70 : i32
      %add3A_72 = arith.addi %mul3A_0, %mul3A_71 : i32
      "tpu.region"() ({
        %run_scoped3A = tpu.sem_alloc : memref<!tpu.dma_semaphore, #tpu.memory_space<semaphore_mem>>
        %dma_start3A = tpu.memref_slice %arg3[%add3A_72] : memref<320000xi32, #tpu.memory_space<hbm>> -> memref<800xi32, #tpu.memory_space<hbm>>
        %dma_start3A_83 = tpu.memref_slice %arg3[%add3A_72] : memref<320000xi32, #tpu.memory_space<hbm>> -> memref<800xi32, #tpu.memory_space<hbm>>
        tpu.enqueue_dma source(%dma_start3A_83 : memref<800xi32, #tpu.memory_space<hbm>>) target(%arg14 : memref<800xi32, #tpu.memory_space<vmem>>) target_semaphore(%run_scoped3A : memref<!tpu.dma_semaphore, #tpu.memory_space<semaphore_mem>>)
        %dma_wait3A = tpu.memref_slice %arg3[%add3A_72] : memref<320000xi32, #tpu.memory_space<hbm>> -> memref<800xi32, #tpu.memory_space<hbm>>
        %dma_wait3A_84 = tpu.memref_slice %arg3[%add3A_72] : memref<320000xi32, #tpu.memory_space<hbm>> -> memref<800xi32, #tpu.memory_space<hbm>>
        tpu.wait_dma2 semaphore(%run_scoped3A : memref<!tpu.dma_semaphore, #tpu.memory_space<semaphore_mem>>) src(%dma_wait3A_84 : memref<800xi32, #tpu.memory_space<hbm>>) dst(%arg14 : memref<800xi32, #tpu.memory_space<vmem>>)
        tpu.yield
      }) : () -> ()
      %mul3A_73 = arith.constant 16 : i32
      %mul3A_74 = arith.muli %add3A_72, %mul3A_73 : i32
      "tpu.region"() ({
        %run_scoped3A = tpu.sem_alloc : memref<!tpu.dma_semaphore, #tpu.memory_space<semaphore_mem>>
        %dma_start3A = tpu.memref_slice %arg2[%mul3A_74] : memref<5120000xf32, #tpu.memory_space<hbm>> -> memref<12800xf32, #tpu.memory_space<hbm>>
        %dma_start3A_83 = tpu.memref_slice %arg2[%mul3A_74] : memref<5120000xf32, #tpu.memory_space<hbm>> -> memref<12800xf32, #tpu.memory_space<hbm>>
        tpu.enqueue_dma source(%dma_start3A_83 : memref<12800xf32, #tpu.memory_space<hbm>>) target(%arg15 : memref<12800xf32, #tpu.memory_space<vmem>>) target_semaphore(%run_scoped3A : memref<!tpu.dma_semaphore, #tpu.memory_space<semaphore_mem>>)
        %dma_wait3A = tpu.memref_slice %arg2[%mul3A_74] : memref<5120000xf32, #tpu.memory_space<hbm>> -> memref<12800xf32, #tpu.memory_space<hbm>>
        %dma_wait3A_84 = tpu.memref_slice %arg2[%mul3A_74] : memref<5120000xf32, #tpu.memory_space<hbm>> -> memref<12800xf32, #tpu.memory_space<hbm>>
        tpu.wait_dma2 semaphore(%run_scoped3A : memref<!tpu.dma_semaphore, #tpu.memory_space<semaphore_mem>>) src(%dma_wait3A_84 : memref<12800xf32, #tpu.memory_space<hbm>>) dst(%arg15 : memref<12800xf32, #tpu.memory_space<vmem>>)
        tpu.yield
      }) : () -> ()
      %scan3A_75 = arith.constant 0 : i32
      %scan3A_76 = arith.constant 0 : i32
      %scan3A_77 = arith.constant 50 : i32
      %scan3A_78 = arith.addi %scan3A_76, %scan3A_77 : i32
      %scan3A_79 = arith.constant 1 : i32
      %scan3A_80 = scf.for %scan3A_83 = %scan3A_76 to %scan3A_78 step %scan3A_79 iter_args(%scan3A_84 = %scan3A_75) -> (i32)  : i32 {
        %mul3A_85 = arith.constant 16 : i32
        %mul3A_86 = arith.muli %scan3A_83, %mul3A_85 : i32
        %get3A = arith.index_cast %mul3A_86 : i32 to index
        %get3A_87 = tpu.vector_load %arg14[%get3A] {strides = array<i32>} : memref<800xi32, #tpu.memory_space<vmem>>, vector<16xi32>,
        %mul3A_88 = arith.constant 16 : i32
        %mul3A_89 = arith.muli %scan3A_83, %mul3A_88 : i32
        %add3A_90 = vector.broadcast %mul3A_89 : i32 to vector<16xi32>
        %add3A_91 = arith.addi %iota3A, %add3A_90 : vector<16xi32>
        %mul3A_92 = arith.constant 16 : i32
        %mul3A_93 = vector.broadcast %mul3A_92 : i32 to vector<16xi32>
        %mul3A_94 = arith.muli %add3A_91, %mul3A_93 : vector<16xi32>
        %mul3A_95 = arith.constant 8 : i32
        %mul3A_96 = arith.muli %arg0, %mul3A_95 : i32
        %add3A_97 = vector.broadcast %mul3A_96 : i32 to vector<16xi32>
        %add3A_98 = arith.addi %mul3A_94, %add3A_97 : vector<16xi32>
        %add3A_99 = arith.constant 0 : i32
        %add3A_100 = vector.broadcast %add3A_99 : i32 to vector<16xi32>
        %add3A_101 = arith.addi %add3A_98, %add3A_100 : vector<16xi32>
        %gather3A = tpu.vector_load_idx %arg15[%add3A_101] : memref<12800xf32, #tpu.memory_space<vmem>>[vector<16xi32>], vector<16xf32>,
        %add3A_102 = arith.constant 1 : i32
        %add3A_103 = vector.broadcast %add3A_102 : i32 to vector<16xi32>
        %add3A_104 = arith.addi %add3A_98, %add3A_103 : vector<16xi32>
        %gather3A_105 = tpu.vector_load_idx %arg15[%add3A_104] : memref<12800xf32, #tpu.memory_space<vmem>>[vector<16xi32>], vector<16xf32>,
        %add3A_106 = arith.constant 2 : i32
        %add3A_107 = vector.broadcast %add3A_106 : i32 to vector<16xi32>
        %add3A_108 = arith.addi %add3A_98, %add3A_107 : vector<16xi32>
        %gather3A_109 = tpu.vector_load_idx %arg15[%add3A_108] : memref<12800xf32, #tpu.memory_space<vmem>>[vector<16xi32>], vector<16xf32>,
        %add3A_110 = arith.constant 3 : i32
        %add3A_111 = vector.broadcast %add3A_110 : i32 to vector<16xi32>
        %add3A_112 = arith.addi %add3A_98, %add3A_111 : vector<16xi32>
        %gather3A_113 = tpu.vector_load_idx %arg15[%add3A_112] : memref<12800xf32, #tpu.memory_space<vmem>>[vector<16xi32>], vector<16xf32>,
        %add3A_114 = arith.constant 4 : i32
        %add3A_115 = vector.broadcast %add3A_114 : i32 to vector<16xi32>
        %add3A_116 = arith.addi %add3A_98, %add3A_115 : vector<16xi32>
        %gather3A_117 = tpu.vector_load_idx %arg15[%add3A_116] : memref<12800xf32, #tpu.memory_space<vmem>>[vector<16xi32>], vector<16xf32>,
        %add3A_118 = arith.constant 5 : i32
        %add3A_119 = vector.broadcast %add3A_118 : i32 to vector<16xi32>
        %add3A_120 = arith.addi %add3A_98, %add3A_119 : vector<16xi32>
        %gather3A_121 = tpu.vector_load_idx %arg15[%add3A_120] : memref<12800xf32, #tpu.memory_space<vmem>>[vector<16xi32>], vector<16xf32>,
        %add3A_122 = arith.constant 6 : i32
        %add3A_123 = vector.broadcast %add3A_122 : i32 to vector<16xi32>
        %add3A_124 = arith.addi %add3A_98, %add3A_123 : vector<16xi32>
        %gather3A_125 = tpu.vector_load_idx %arg15[%add3A_124] : memref<12800xf32, #tpu.memory_space<vmem>>[vector<16xi32>], vector<16xf32>,
        %add3A_126 = arith.constant 7 : i32
        %add3A_127 = vector.broadcast %add3A_126 : i32 to vector<16xi32>
        %add3A_128 = arith.addi %add3A_98, %add3A_127 : vector<16xi32>
        %gather3A_129 = tpu.vector_load_idx %arg15[%add3A_128] : memref<12800xf32, #tpu.memory_space<vmem>>[vector<16xi32>], vector<16xf32>,
        tpu.vector_store_idx %arg13[%get3A_87], %add3A_91 : memref<10240xi32, #tpu.memory_space<vmem>>[vector<16xi32>], vector<16xi32>,
        %gather3A_130 = tpu.vector_load_idx %arg13[%get3A_87] : memref<10240xi32, #tpu.memory_space<vmem>>[vector<16xi32>], vector<16xi32>,
        %ne3A_131 = arith.cmpi ne, %gather3A_130, %add3A_91 : vector<16xi32>
        %all_reduce_population_count3A = tpu.all_reduce %ne3A_131 {dim = 0 : i64, kind = #tpu.reduction_kind<sum>} : vector<16xi1> -> vector<16xi32>
        %slice3A = vector.extract_strided_slice %all_reduce_population_count3A {offsets = [0], sizes = [1], strides = [1]} : vector<16xi32> to vector<1xi32>
        %squeeze3A = vector.extract %slice3A[0] : i32 from vector<1xi32>
        %gt3A = arith.constant 0 : i32
        %gt3A_132 = arith.cmpi sgt, %squeeze3A, %gt3A : i32
        %convert_element_type3A = arith.extui %gt3A_132 : i1 to i32
        %cond3A = arith.constant 0 : i32
        %cond3A_133 = arith.cmpi ne, %convert_element_type3A, %cond3A : i32
        scf.if %cond3A_133 {
          %scan3A_135 = arith.constant 0 : i32
          %scan3A_136 = arith.constant 0 : i32
          %scan3A_137 = arith.constant 16 : i32
          %scan3A_138 = arith.addi %scan3A_136, %scan3A_137 : i32
          %scan3A_139 = arith.constant 1 : i32
          %scan3A_140 = scf.for %scan3A_142 = %scan3A_136 to %scan3A_138 step %scan3A_139 iter_args(%scan3A_143 = %scan3A_135) -> (i32)  : i32 {
            %eq3A_144 = vector.broadcast %scan3A_142 : i32 to vector<16xi32>
            %eq3A_145 = arith.cmpi eq, %iota3A, %eq3A_144 : vector<16xi32>
            %gather3A_146 = tpu.vector_load_idx %arg5[%get3A_87] : memref<10240xf32, #tpu.memory_space<vmem>>[vector<16xi32>], vector<16xf32>,
            %max3A = arith.maximumf %gather3A_146, %gather3A : vector<16xf32>
            tpu.vector_store_idx %arg5[%get3A_87], %max3A masked %eq3A_145 : memref<10240xf32, #tpu.memory_space<vmem>>[vector<16xi32>], vector<16xf32>, vector<16xi1>
            %gather3A_147 = tpu.vector_load_idx %arg6[%get3A_87] : memref<10240xf32, #tpu.memory_space<vmem>>[vector<16xi32>], vector<16xf32>,
            %max3A_148 = arith.maximumf %gather3A_147, %gather3A_105 : vector<16xf32>
            tpu.vector_store_idx %arg6[%get3A_87], %max3A_148 masked %eq3A_145 : memref<10240xf32, #tpu.memory_space<vmem>>[vector<16xi32>], vector<16xf32>, vector<16xi1>
            %gather3A_149 = tpu.vector_load_idx %arg7[%get3A_87] : memref<10240xf32, #tpu.memory_space<vmem>>[vector<16xi32>], vector<16xf32>,
            %max3A_150 = arith.maximumf %gather3A_149, %gather3A_109 : vector<16xf32>
            tpu.vector_store_idx %arg7[%get3A_87], %max3A_150 masked %eq3A_145 : memref<10240xf32, #tpu.memory_space<vmem>>[vector<16xi32>], vector<16xf32>, vector<16xi1>
            %gather3A_151 = tpu.vector_load_idx %arg8[%get3A_87] : memref<10240xf32, #tpu.memory_space<vmem>>[vector<16xi32>], vector<16xf32>,
            %max3A_152 = arith.maximumf %gather3A_151, %gather3A_113 : vector<16xf32>
            tpu.vector_store_idx %arg8[%get3A_87], %max3A_152 masked %eq3A_145 : memref<10240xf32, #tpu.memory_space<vmem>>[vector<16xi32>], vector<16xf32>, vector<16xi1>
            %gather3A_153 = tpu.vector_load_idx %arg9[%get3A_87] : memref<10240xf32, #tpu.memory_space<vmem>>[vector<16xi32>], vector<16xf32>,
            %max3A_154 = arith.maximumf %gather3A_153, %gather3A_117 : vector<16xf32>
            tpu.vector_store_idx %arg9[%get3A_87], %max3A_154 masked %eq3A_145 : memref<10240xf32, #tpu.memory_space<vmem>>[vector<16xi32>], vector<16xf32>, vector<16xi1>
            %gather3A_155 = tpu.vector_load_idx %arg10[%get3A_87] : memref<10240xf32, #tpu.memory_space<vmem>>[vector<16xi32>], vector<16xf32>,
            %max3A_156 = arith.maximumf %gather3A_155, %gather3A_121 : vector<16xf32>
            tpu.vector_store_idx %arg10[%get3A_87], %max3A_156 masked %eq3A_145 : memref<10240xf32, #tpu.memory_space<vmem>>[vector<16xi32>], vector<16xf32>, vector<16xi1>
            %gather3A_157 = tpu.vector_load_idx %arg11[%get3A_87] : memref<10240xf32, #tpu.memory_space<vmem>>[vector<16xi32>], vector<16xf32>,
            %max3A_158 = arith.maximumf %gather3A_157, %gather3A_125 : vector<16xf32>
            tpu.vector_store_idx %arg11[%get3A_87], %max3A_158 masked %eq3A_145 : memref<10240xf32, #tpu.memory_space<vmem>>[vector<16xi32>], vector<16xf32>, vector<16xi1>
            %gather3A_159 = tpu.vector_load_idx %arg12[%get3A_87] : memref<10240xf32, #tpu.memory_space<vmem>>[vector<16xi32>], vector<16xf32>,
            %max3A_160 = arith.maximumf %gather3A_159, %gather3A_129 : vector<16xf32>
            tpu.vector_store_idx %arg12[%get3A_87], %max3A_160 masked %eq3A_145 : memref<10240xf32, #tpu.memory_space<vmem>>[vector<16xi32>], vector<16xf32>, vector<16xi1>
            %scan3A_161 = arith.constant 0 : i32
            scf.yield %scan3A_161 : i32
          }
          %scan3A_141 = arith.constant 16 : i32
        } else {
          %gather3A_135 = tpu.vector_load_idx %arg5[%get3A_87] : memref<10240xf32, #tpu.memory_space<vmem>>[vector<16xi32>], vector<16xf32>,
          %max3A = arith.maximumf %gather3A_135, %gather3A : vector<16xf32>
          tpu.vector_store_idx %arg5[%get3A_87], %max3A : memref<10240xf32, #tpu.memory_space<vmem>>[vector<16xi32>], vector<16xf32>,
          %gather3A_136 = tpu.vector_load_idx %arg6[%get3A_87] : memref<10240xf32, #tpu.memory_space<vmem>>[vector<16xi32>], vector<16xf32>,
          %max3A_137 = arith.maximumf %gather3A_136, %gather3A_105 : vector<16xf32>
          tpu.vector_store_idx %arg6[%get3A_87], %max3A_137 : memref<10240xf32, #tpu.memory_space<vmem>>[vector<16xi32>], vector<16xf32>,
          %gather3A_138 = tpu.vector_load_idx %arg7[%get3A_87] : memref<10240xf32, #tpu.memory_space<vmem>>[vector<16xi32>], vector<16xf32>,
          %max3A_139 = arith.maximumf %gather3A_138, %gather3A_109 : vector<16xf32>
          tpu.vector_store_idx %arg7[%get3A_87], %max3A_139 : memref<10240xf32, #tpu.memory_space<vmem>>[vector<16xi32>], vector<16xf32>,
          %gather3A_140 = tpu.vector_load_idx %arg8[%get3A_87] : memref<10240xf32, #tpu.memory_space<vmem>>[vector<16xi32>], vector<16xf32>,
          %max3A_141 = arith.maximumf %gather3A_140, %gather3A_113 : vector<16xf32>
          tpu.vector_store_idx %arg8[%get3A_87], %max3A_141 : memref<10240xf32, #tpu.memory_space<vmem>>[vector<16xi32>], vector<16xf32>,
          %gather3A_142 = tpu.vector_load_idx %arg9[%get3A_87] : memref<10240xf32, #tpu.memory_space<vmem>>[vector<16xi32>], vector<16xf32>,
          %max3A_143 = arith.maximumf %gather3A_142, %gather3A_117 : vector<16xf32>
          tpu.vector_store_idx %arg9[%get3A_87], %max3A_143 : memref<10240xf32, #tpu.memory_space<vmem>>[vector<16xi32>], vector<16xf32>,
          %gather3A_144 = tpu.vector_load_idx %arg10[%get3A_87] : memref<10240xf32, #tpu.memory_space<vmem>>[vector<16xi32>], vector<16xf32>,
          %max3A_145 = arith.maximumf %gather3A_144, %gather3A_121 : vector<16xf32>
          tpu.vector_store_idx %arg10[%get3A_87], %max3A_145 : memref<10240xf32, #tpu.memory_space<vmem>>[vector<16xi32>], vector<16xf32>,
          %gather3A_146 = tpu.vector_load_idx %arg11[%get3A_87] : memref<10240xf32, #tpu.memory_space<vmem>>[vector<16xi32>], vector<16xf32>,
          %max3A_147 = arith.maximumf %gather3A_146, %gather3A_125 : vector<16xf32>
          tpu.vector_store_idx %arg11[%get3A_87], %max3A_147 : memref<10240xf32, #tpu.memory_space<vmem>>[vector<16xi32>], vector<16xf32>,
          %gather3A_148 = tpu.vector_load_idx %arg12[%get3A_87] : memref<10240xf32, #tpu.memory_space<vmem>>[vector<16xi32>], vector<16xf32>,
          %max3A_149 = arith.maximumf %gather3A_148, %gather3A_129 : vector<16xf32>
          tpu.vector_store_idx %arg12[%get3A_87], %max3A_149 : memref<10240xf32, #tpu.memory_space<vmem>>[vector<16xi32>], vector<16xf32>,
        }
        %scan3A_134 = arith.constant 0 : i32
        scf.yield %scan3A_134 : i32
      }
      %scan3A_81 = arith.constant 50 : i32
      %scan3A_82 = arith.constant 0 : i32
      scf.yield %scan3A_82 : i32
    }
    %scan3A_14 = arith.constant 25 : i32
    %jit3A = arith.constant 8 : i32
    %eq3A = arith.constant 0 : i32
    %eq3A_15 = arith.cmpi eq, %jit3A, %eq3A : i32
    %jit3A_16 = arith.constant 1 : i32
    %select_n3A = arith.select %eq3A_15, %jit3A_16, %jit3A : i32
    %rem3A = vector.broadcast %select_n3A : i32 to vector<16xi32>
    %rem3A_17 = arith.remsi %iota3A, %rem3A : vector<16xi32>
    %ne3A = arith.constant 0 : i32
    %ne3A_18 = vector.broadcast %ne3A : i32 to vector<16xi32>
    %ne3A_19 = arith.cmpi ne, %rem3A_17, %ne3A_18 : vector<16xi32>
    %lt3A = arith.constant 0 : i32
    %lt3A_20 = vector.broadcast %lt3A : i32 to vector<16xi32>
    %lt3A_21 = arith.cmpi slt, %rem3A_17, %lt3A_20 : vector<16xi32>
    %lt3A_22 = arith.constant 0 : i32
    %lt3A_23 = arith.cmpi slt, %select_n3A, %lt3A_22 : i32
    %ne3A_24 = vector.broadcast %lt3A_23 : i1 to vector<16xi1>
    %ne3A_25 = vector.broadcast %ne3A_24 : vector<16xi1> to vector<16xi1>
    %ne3A_26 = arith.xori %lt3A_21, %ne3A_25 : vector<16xi1>
    %and3A = arith.andi %ne3A_26, %ne3A_19 : vector<16xi1>
    %add3A = vector.broadcast %select_n3A : i32 to vector<16xi32>
    %add3A_27 = arith.addi %rem3A_17, %add3A : vector<16xi32>
    %select_n3A_28 = arith.select %and3A, %add3A_27, %rem3A_17 : vector<16xi1>, vector<16xi32>
    %mul3A_29 = arith.constant 64 : i32
    %mul3A_30 = vector.broadcast %mul3A_29 : i32 to vector<16xi32>
    %mul3A_31 = arith.muli %select_n3A_28, %mul3A_30 : vector<16xi32>
    %jit3A_32 = arith.constant 8 : i32
    %div3A = vector.broadcast %jit3A_32 : i32 to vector<16xi32>
    %div3A_33 = arith.divsi %iota3A, %div3A : vector<16xi32>
    %sign3A = arith.constant 0 : i32
    %sign3A_34 = vector.broadcast %sign3A : i32 to vector<16xi32>
    %sign3A_35 = arith.cmpi sgt, %iota3A, %sign3A_34 : vector<16xi32>
    %sign3A_36 = arith.extui %sign3A_35 : vector<16xi1> to vector<16xi32>
    %sign3A_37 = arith.constant 0 : i32
    %sign3A_38 = vector.broadcast %sign3A_37 : i32 to vector<16xi32>
    %sign3A_39 = arith.cmpi slt, %iota3A, %sign3A_38 : vector<16xi32>
    %sign3A_40 = arith.extui %sign3A_39 : vector<16xi1> to vector<16xi32>
    %sign3A_41 = arith.subi %sign3A_36, %sign3A_40 : vector<16xi32>
    %sign3A_42 = arith.constant 0 : i32
    %sign3A_43 = arith.cmpi sgt, %jit3A_32, %sign3A_42 : i32
    %sign3A_44 = arith.extui %sign3A_43 : i1 to i32
    %sign3A_45 = arith.constant 0 : i32
    %sign3A_46 = arith.cmpi slt, %jit3A_32, %sign3A_45 : i32
    %sign3A_47 = arith.extui %sign3A_46 : i1 to i32
    %sign3A_48 = arith.subi %sign3A_44, %sign3A_47 : i32
    %ne3A_49 = vector.broadcast %sign3A_48 : i32 to vector<16xi32>
    %ne3A_50 = arith.cmpi ne, %sign3A_41, %ne3A_49 : vector<16xi32>
    %rem3A_51 = vector.broadcast %jit3A_32 : i32 to vector<16xi32>
    %rem3A_52 = arith.remsi %iota3A, %rem3A_51 : vector<16xi32>
    %ne3A_53 = arith.constant 0 : i32
    %ne3A_54 = vector.broadcast %ne3A_53 : i32 to vector<16xi32>
    %ne3A_55 = arith.cmpi ne, %rem3A_52, %ne3A_54 : vector<16xi32>
    %and3A_56 = arith.andi %ne3A_50, %ne3A_55 : vector<16xi1>
    %sub3A = arith.constant 1 : i32
    %sub3A_57 = vector.broadcast %sub3A : i32 to vector<16xi32>
    %sub3A_58 = arith.subi %div3A_33, %sub3A_57 : vector<16xi32>
    %select_n3A_59 = arith.select %and3A_56, %sub3A_58, %div3A_33 : vector<16xi1>, vector<16xi32>
    %add3A_60 = arith.addi %mul3A_31, %select_n3A_59 : vector<16xi32>
    %scan3A_61 = arith.constant 0 : i32
    %scan3A_62 = arith.constant 0 : i32
    %scan3A_63 = arith.constant 10 : i32
    %scan3A_64 = arith.addi %scan3A_62, %scan3A_63 : i32
    %scan3A_65 = arith.constant 1 : i32
    %scan3A_66 = scf.for %scan3A_68 = %scan3A_62 to %scan3A_64 step %scan3A_65 iter_args(%scan3A_69 = %scan3A_61) -> (i32)  : i32 {
      %mul3A_70 = arith.constant 1024 : i32
      %mul3A_71 = arith.muli %scan3A_68, %mul3A_70 : i32
      %run_scoped3A = arith.constant 0 : i32
      "tpu.region"() ({
        %run_scoped3A_491 = tpu.sem_alloc : memref<!tpu.dma_semaphore, #tpu.memory_space<semaphore_mem>>
        %dma_start3A = tpu.memref_slice %arg5[%mul3A_71] : memref<10240xf32, #tpu.memory_space<vmem>> -> memref<1024xf32, #tpu.memory_space<vmem>>
        %dma_start3A_492 = arith.constant 0 : i32
        %dma_start3A_493 = tpu.memref_slice %arg20[%arg1, %run_scoped3A, %dma_start3A_492] : memref<16x8x1024xf32, #tpu.memory_space<vmem_shared>> -> memref<1x1x1024xf32, #tpu.memory_space<vmem_shared>>
        %dma_start3A_494 = tpu.memref_squeeze %dma_start3A_493 : memref<1x1x1024xf32, #tpu.memory_space<vmem_shared>> -> memref<1024xf32, #tpu.memory_space<vmem_shared>>
        %dma_start3A_495 = arith.constant 0 : i32
        %dma_start3A_496 = tpu.memref_slice %arg20[%arg1, %run_scoped3A, %dma_start3A_495] : memref<16x8x1024xf32, #tpu.memory_space<vmem_shared>> -> memref<1x1x1024xf32, #tpu.memory_space<vmem_shared>>
        %dma_start3A_497 = tpu.memref_squeeze %dma_start3A_496 : memref<1x1x1024xf32, #tpu.memory_space<vmem_shared>> -> memref<1024xf32, #tpu.memory_space<vmem_shared>>
        %dma_start3A_498 = tpu.memref_slice %arg5[%mul3A_71] : memref<10240xf32, #tpu.memory_space<vmem>> -> memref<1024xf32, #tpu.memory_space<vmem>>
        tpu.enqueue_dma source(%dma_start3A_498 : memref<1024xf32, #tpu.memory_space<vmem>>) target(%dma_start3A_497 : memref<1024xf32, #tpu.memory_space<vmem_shared>>) target_semaphore(%run_scoped3A_491 : memref<!tpu.dma_semaphore, #tpu.memory_space<semaphore_mem>>)
        %dma_wait3A = tpu.memref_slice %arg5[%mul3A_71] : memref<10240xf32, #tpu.memory_space<vmem>> -> memref<1024xf32, #tpu.memory_space<vmem>>
        %dma_wait3A_499 = arith.constant 0 : i32
        %dma_wait3A_500 = tpu.memref_slice %arg20[%arg1, %run_scoped3A, %dma_wait3A_499] : memref<16x8x1024xf32, #tpu.memory_space<vmem_shared>> -> memref<1x1x1024xf32, #tpu.memory_space<vmem_shared>>
        %dma_wait3A_501 = tpu.memref_squeeze %dma_wait3A_500 : memref<1x1x1024xf32, #tpu.memory_space<vmem_shared>> -> memref<1024xf32, #tpu.memory_space<vmem_shared>>
        %dma_wait3A_502 = arith.constant 0 : i32
        %dma_wait3A_503 = tpu.memref_slice %arg20[%arg1, %run_scoped3A, %dma_wait3A_502] : memref<16x8x1024xf32, #tpu.memory_space<vmem_shared>> -> memref<1x1x1024xf32, #tpu.memory_space<vmem_shared>>
        %dma_wait3A_504 = tpu.memref_squeeze %dma_wait3A_503 : memref<1x1x1024xf32, #tpu.memory_space<vmem_shared>> -> memref<1024xf32, #tpu.memory_space<vmem_shared>>
        %dma_wait3A_505 = tpu.memref_slice %arg5[%mul3A_71] : memref<10240xf32, #tpu.memory_space<vmem>> -> memref<1024xf32, #tpu.memory_space<vmem>>
        tpu.wait_dma2 semaphore(%run_scoped3A_491 : memref<!tpu.dma_semaphore, #tpu.memory_space<semaphore_mem>>) src(%dma_wait3A_505 : memref<1024xf32, #tpu.memory_space<vmem>>) dst(%dma_wait3A_504 : memref<1024xf32, #tpu.memory_space<vmem_shared>>)
        tpu.yield
      }) : () -> ()
      %mul3A_72 = arith.constant 1024 : i32
      %mul3A_73 = arith.muli %scan3A_68, %mul3A_72 : i32
      %run_scoped3A_74 = arith.constant 1 : i32
      "tpu.region"() ({
        %run_scoped3A_491 = tpu.sem_alloc : memref<!tpu.dma_semaphore, #tpu.memory_space<semaphore_mem>>
        %dma_start3A = tpu.memref_slice %arg6[%mul3A_73] : memref<10240xf32, #tpu.memory_space<vmem>> -> memref<1024xf32, #tpu.memory_space<vmem>>
        %dma_start3A_492 = arith.constant 0 : i32
        %dma_start3A_493 = tpu.memref_slice %arg20[%arg1, %run_scoped3A_74, %dma_start3A_492] : memref<16x8x1024xf32, #tpu.memory_space<vmem_shared>> -> memref<1x1x1024xf32, #tpu.memory_space<vmem_shared>>
        %dma_start3A_494 = tpu.memref_squeeze %dma_start3A_493 : memref<1x1x1024xf32, #tpu.memory_space<vmem_shared>> -> memref<1024xf32, #tpu.memory_space<vmem_shared>>
        %dma_start3A_495 = arith.constant 0 : i32
        %dma_start3A_496 = tpu.memref_slice %arg20[%arg1, %run_scoped3A_74, %dma_start3A_495] : memref<16x8x1024xf32, #tpu.memory_space<vmem_shared>> -> memref<1x1x1024xf32, #tpu.memory_space<vmem_shared>>
        %dma_start3A_497 = tpu.memref_squeeze %dma_start3A_496 : memref<1x1x1024xf32, #tpu.memory_space<vmem_shared>> -> memref<1024xf32, #tpu.memory_space<vmem_shared>>
        %dma_start3A_498 = tpu.memref_slice %arg6[%mul3A_73] : memref<10240xf32, #tpu.memory_space<vmem>> -> memref<1024xf32, #tpu.memory_space<vmem>>
        tpu.enqueue_dma source(%dma_start3A_498 : memref<1024xf32, #tpu.memory_space<vmem>>) target(%dma_start3A_497 : memref<1024xf32, #tpu.memory_space<vmem_shared>>) target_semaphore(%run_scoped3A_491 : memref<!tpu.dma_semaphore, #tpu.memory_space<semaphore_mem>>)
        %dma_wait3A = tpu.memref_slice %arg6[%mul3A_73] : memref<10240xf32, #tpu.memory_space<vmem>> -> memref<1024xf32, #tpu.memory_space<vmem>>
        %dma_wait3A_499 = arith.constant 0 : i32
        %dma_wait3A_500 = tpu.memref_slice %arg20[%arg1, %run_scoped3A_74, %dma_wait3A_499] : memref<16x8x1024xf32, #tpu.memory_space<vmem_shared>> -> memref<1x1x1024xf32, #tpu.memory_space<vmem_shared>>
        %dma_wait3A_501 = tpu.memref_squeeze %dma_wait3A_500 : memref<1x1x1024xf32, #tpu.memory_space<vmem_shared>> -> memref<1024xf32, #tpu.memory_space<vmem_shared>>
        %dma_wait3A_502 = arith.constant 0 : i32
        %dma_wait3A_503 = tpu.memref_slice %arg20[%arg1, %run_scoped3A_74, %dma_wait3A_502] : memref<16x8x1024xf32, #tpu.memory_space<vmem_shared>> -> memref<1x1x1024xf32, #tpu.memory_space<vmem_shared>>
        %dma_wait3A_504 = tpu.memref_squeeze %dma_wait3A_503 : memref<1x1x1024xf32, #tpu.memory_space<vmem_shared>> -> memref<1024xf32, #tpu.memory_space<vmem_shared>>
        %dma_wait3A_505 = tpu.memref_slice %arg6[%mul3A_73] : memref<10240xf32, #tpu.memory_space<vmem>> -> memref<1024xf32, #tpu.memory_space<vmem>>
        tpu.wait_dma2 semaphore(%run_scoped3A_491 : memref<!tpu.dma_semaphore, #tpu.memory_space<semaphore_mem>>) src(%dma_wait3A_505 : memref<1024xf32, #tpu.memory_space<vmem>>) dst(%dma_wait3A_504 : memref<1024xf32, #tpu.memory_space<vmem_shared>>)
        tpu.yield
      }) : () -> ()
      %mul3A_75 = arith.constant 1024 : i32
      %mul3A_76 = arith.muli %scan3A_68, %mul3A_75 : i32
      %run_scoped3A_77 = arith.constant 2 : i32
      "tpu.region"() ({
        %run_scoped3A_491 = tpu.sem_alloc : memref<!tpu.dma_semaphore, #tpu.memory_space<semaphore_mem>>
        %dma_start3A = tpu.memref_slice %arg7[%mul3A_76] : memref<10240xf32, #tpu.memory_space<vmem>> -> memref<1024xf32, #tpu.memory_space<vmem>>
        %dma_start3A_492 = arith.constant 0 : i32
        %dma_start3A_493 = tpu.memref_slice %arg20[%arg1, %run_scoped3A_77, %dma_start3A_492] : memref<16x8x1024xf32, #tpu.memory_space<vmem_shared>> -> memref<1x1x1024xf32, #tpu.memory_space<vmem_shared>>
        %dma_start3A_494 = tpu.memref_squeeze %dma_start3A_493 : memref<1x1x1024xf32, #tpu.memory_space<vmem_shared>> -> memref<1024xf32, #tpu.memory_space<vmem_shared>>
        %dma_start3A_495 = arith.constant 0 : i32
        %dma_start3A_496 = tpu.memref_slice %arg20[%arg1, %run_scoped3A_77, %dma_start3A_495] : memref<16x8x1024xf32, #tpu.memory_space<vmem_shared>> -> memref<1x1x1024xf32, #tpu.memory_space<vmem_shared>>
        %dma_start3A_497 = tpu.memref_squeeze %dma_start3A_496 : memref<1x1x1024xf32, #tpu.memory_space<vmem_shared>> -> memref<1024xf32, #tpu.memory_space<vmem_shared>>
        %dma_start3A_498 = tpu.memref_slice %arg7[%mul3A_76] : memref<10240xf32, #tpu.memory_space<vmem>> -> memref<1024xf32, #tpu.memory_space<vmem>>
        tpu.enqueue_dma source(%dma_start3A_498 : memref<1024xf32, #tpu.memory_space<vmem>>) target(%dma_start3A_497 : memref<1024xf32, #tpu.memory_space<vmem_shared>>) target_semaphore(%run_scoped3A_491 : memref<!tpu.dma_semaphore, #tpu.memory_space<semaphore_mem>>)
        %dma_wait3A = tpu.memref_slice %arg7[%mul3A_76] : memref<10240xf32, #tpu.memory_space<vmem>> -> memref<1024xf32, #tpu.memory_space<vmem>>
        %dma_wait3A_499 = arith.constant 0 : i32
        %dma_wait3A_500 = tpu.memref_slice %arg20[%arg1, %run_scoped3A_77, %dma_wait3A_499] : memref<16x8x1024xf32, #tpu.memory_space<vmem_shared>> -> memref<1x1x1024xf32, #tpu.memory_space<vmem_shared>>
        %dma_wait3A_501 = tpu.memref_squeeze %dma_wait3A_500 : memref<1x1x1024xf32, #tpu.memory_space<vmem_shared>> -> memref<1024xf32, #tpu.memory_space<vmem_shared>>
        %dma_wait3A_502 = arith.constant 0 : i32
        %dma_wait3A_503 = tpu.memref_slice %arg20[%arg1, %run_scoped3A_77, %dma_wait3A_502] : memref<16x8x1024xf32, #tpu.memory_space<vmem_shared>> -> memref<1x1x1024xf32, #tpu.memory_space<vmem_shared>>
        %dma_wait3A_504 = tpu.memref_squeeze %dma_wait3A_503 : memref<1x1x1024xf32, #tpu.memory_space<vmem_shared>> -> memref<1024xf32, #tpu.memory_space<vmem_shared>>
        %dma_wait3A_505 = tpu.memref_slice %arg7[%mul3A_76] : memref<10240xf32, #tpu.memory_space<vmem>> -> memref<1024xf32, #tpu.memory_space<vmem>>
        tpu.wait_dma2 semaphore(%run_scoped3A_491 : memref<!tpu.dma_semaphore, #tpu.memory_space<semaphore_mem>>) src(%dma_wait3A_505 : memref<1024xf32, #tpu.memory_space<vmem>>) dst(%dma_wait3A_504 : memref<1024xf32, #tpu.memory_space<vmem_shared>>)
        tpu.yield
      }) : () -> ()
      %mul3A_78 = arith.constant 1024 : i32
      %mul3A_79 = arith.muli %scan3A_68, %mul3A_78 : i32
      %run_scoped3A_80 = arith.constant 3 : i32
      "tpu.region"() ({
        %run_scoped3A_491 = tpu.sem_alloc : memref<!tpu.dma_semaphore, #tpu.memory_space<semaphore_mem>>
        %dma_start3A = tpu.memref_slice %arg8[%mul3A_79] : memref<10240xf32, #tpu.memory_space<vmem>> -> memref<1024xf32, #tpu.memory_space<vmem>>
        %dma_start3A_492 = arith.constant 0 : i32
        %dma_start3A_493 = tpu.memref_slice %arg20[%arg1, %run_scoped3A_80, %dma_start3A_492] : memref<16x8x1024xf32, #tpu.memory_space<vmem_shared>> -> memref<1x1x1024xf32, #tpu.memory_space<vmem_shared>>
        %dma_start3A_494 = tpu.memref_squeeze %dma_start3A_493 : memref<1x1x1024xf32, #tpu.memory_space<vmem_shared>> -> memref<1024xf32, #tpu.memory_space<vmem_shared>>
        %dma_start3A_495 = arith.constant 0 : i32
        %dma_start3A_496 = tpu.memref_slice %arg20[%arg1, %run_scoped3A_80, %dma_start3A_495] : memref<16x8x1024xf32, #tpu.memory_space<vmem_shared>> -> memref<1x1x1024xf32, #tpu.memory_space<vmem_shared>>
        %dma_start3A_497 = tpu.memref_squeeze %dma_start3A_496 : memref<1x1x1024xf32, #tpu.memory_space<vmem_shared>> -> memref<1024xf32, #tpu.memory_space<vmem_shared>>
        %dma_start3A_498 = tpu.memref_slice %arg8[%mul3A_79] : memref<10240xf32, #tpu.memory_space<vmem>> -> memref<1024xf32, #tpu.memory_space<vmem>>
        tpu.enqueue_dma source(%dma_start3A_498 : memref<1024xf32, #tpu.memory_space<vmem>>) target(%dma_start3A_497 : memref<1024xf32, #tpu.memory_space<vmem_shared>>) target_semaphore(%run_scoped3A_491 : memref<!tpu.dma_semaphore, #tpu.memory_space<semaphore_mem>>)
        %dma_wait3A = tpu.memref_slice %arg8[%mul3A_79] : memref<10240xf32, #tpu.memory_space<vmem>> -> memref<1024xf32, #tpu.memory_space<vmem>>
        %dma_wait3A_499 = arith.constant 0 : i32
        %dma_wait3A_500 = tpu.memref_slice %arg20[%arg1, %run_scoped3A_80, %dma_wait3A_499] : memref<16x8x1024xf32, #tpu.memory_space<vmem_shared>> -> memref<1x1x1024xf32, #tpu.memory_space<vmem_shared>>
        %dma_wait3A_501 = tpu.memref_squeeze %dma_wait3A_500 : memref<1x1x1024xf32, #tpu.memory_space<vmem_shared>> -> memref<1024xf32, #tpu.memory_space<vmem_shared>>
        %dma_wait3A_502 = arith.constant 0 : i32
        %dma_wait3A_503 = tpu.memref_slice %arg20[%arg1, %run_scoped3A_80, %dma_wait3A_502] : memref<16x8x1024xf32, #tpu.memory_space<vmem_shared>> -> memref<1x1x1024xf32, #tpu.memory_space<vmem_shared>>
        %dma_wait3A_504 = tpu.memref_squeeze %dma_wait3A_503 : memref<1x1x1024xf32, #tpu.memory_space<vmem_shared>> -> memref<1024xf32, #tpu.memory_space<vmem_shared>>
        %dma_wait3A_505 = tpu.memref_slice %arg8[%mul3A_79] : memref<10240xf32, #tpu.memory_space<vmem>> -> memref<1024xf32, #tpu.memory_space<vmem>>
        tpu.wait_dma2 semaphore(%run_scoped3A_491 : memref<!tpu.dma_semaphore, #tpu.memory_space<semaphore_mem>>) src(%dma_wait3A_505 : memref<1024xf32, #tpu.memory_space<vmem>>) dst(%dma_wait3A_504 : memref<1024xf32, #tpu.memory_space<vmem_shared>>)
        tpu.yield
      }) : () -> ()
      %mul3A_81 = arith.constant 1024 : i32
      %mul3A_82 = arith.muli %scan3A_68, %mul3A_81 : i32
      %run_scoped3A_83 = arith.constant 4 : i32
      "tpu.region"() ({
        %run_scoped3A_491 = tpu.sem_alloc : memref<!tpu.dma_semaphore, #tpu.memory_space<semaphore_mem>>
        %dma_start3A = tpu.memref_slice %arg9[%mul3A_82] : memref<10240xf32, #tpu.memory_space<vmem>> -> memref<1024xf32, #tpu.memory_space<vmem>>
        %dma_start3A_492 = arith.constant 0 : i32
        %dma_start3A_493 = tpu.memref_slice %arg20[%arg1, %run_scoped3A_83, %dma_start3A_492] : memref<16x8x1024xf32, #tpu.memory_space<vmem_shared>> -> memref<1x1x1024xf32, #tpu.memory_space<vmem_shared>>
        %dma_start3A_494 = tpu.memref_squeeze %dma_start3A_493 : memref<1x1x1024xf32, #tpu.memory_space<vmem_shared>> -> memref<1024xf32, #tpu.memory_space<vmem_shared>>
        %dma_start3A_495 = arith.constant 0 : i32
        %dma_start3A_496 = tpu.memref_slice %arg20[%arg1, %run_scoped3A_83, %dma_start3A_495] : memref<16x8x1024xf32, #tpu.memory_space<vmem_shared>> -> memref<1x1x1024xf32, #tpu.memory_space<vmem_shared>>
        %dma_start3A_497 = tpu.memref_squeeze %dma_start3A_496 : memref<1x1x1024xf32, #tpu.memory_space<vmem_shared>> -> memref<1024xf32, #tpu.memory_space<vmem_shared>>
        %dma_start3A_498 = tpu.memref_slice %arg9[%mul3A_82] : memref<10240xf32, #tpu.memory_space<vmem>> -> memref<1024xf32, #tpu.memory_space<vmem>>
        tpu.enqueue_dma source(%dma_start3A_498 : memref<1024xf32, #tpu.memory_space<vmem>>) target(%dma_start3A_497 : memref<1024xf32, #tpu.memory_space<vmem_shared>>) target_semaphore(%run_scoped3A_491 : memref<!tpu.dma_semaphore, #tpu.memory_space<semaphore_mem>>)
        %dma_wait3A = tpu.memref_slice %arg9[%mul3A_82] : memref<10240xf32, #tpu.memory_space<vmem>> -> memref<1024xf32, #tpu.memory_space<vmem>>
        %dma_wait3A_499 = arith.constant 0 : i32
        %dma_wait3A_500 = tpu.memref_slice %arg20[%arg1, %run_scoped3A_83, %dma_wait3A_499] : memref<16x8x1024xf32, #tpu.memory_space<vmem_shared>> -> memref<1x1x1024xf32, #tpu.memory_space<vmem_shared>>
        %dma_wait3A_501 = tpu.memref_squeeze %dma_wait3A_500 : memref<1x1x1024xf32, #tpu.memory_space<vmem_shared>> -> memref<1024xf32, #tpu.memory_space<vmem_shared>>
        %dma_wait3A_502 = arith.constant 0 : i32
        %dma_wait3A_503 = tpu.memref_slice %arg20[%arg1, %run_scoped3A_83, %dma_wait3A_502] : memref<16x8x1024xf32, #tpu.memory_space<vmem_shared>> -> memref<1x1x1024xf32, #tpu.memory_space<vmem_shared>>
        %dma_wait3A_504 = tpu.memref_squeeze %dma_wait3A_503 : memref<1x1x1024xf32, #tpu.memory_space<vmem_shared>> -> memref<1024xf32, #tpu.memory_space<vmem_shared>>
        %dma_wait3A_505 = tpu.memref_slice %arg9[%mul3A_82] : memref<10240xf32, #tpu.memory_space<vmem>> -> memref<1024xf32, #tpu.memory_space<vmem>>
        tpu.wait_dma2 semaphore(%run_scoped3A_491 : memref<!tpu.dma_semaphore, #tpu.memory_space<semaphore_mem>>) src(%dma_wait3A_505 : memref<1024xf32, #tpu.memory_space<vmem>>) dst(%dma_wait3A_504 : memref<1024xf32, #tpu.memory_space<vmem_shared>>)
        tpu.yield
      }) : () -> ()
      %mul3A_84 = arith.constant 1024 : i32
      %mul3A_85 = arith.muli %scan3A_68, %mul3A_84 : i32
      %run_scoped3A_86 = arith.constant 5 : i32
      "tpu.region"() ({
        %run_scoped3A_491 = tpu.sem_alloc : memref<!tpu.dma_semaphore, #tpu.memory_space<semaphore_mem>>
        %dma_start3A = tpu.memref_slice %arg10[%mul3A_85] : memref<10240xf32, #tpu.memory_space<vmem>> -> memref<1024xf32, #tpu.memory_space<vmem>>
        %dma_start3A_492 = arith.constant 0 : i32
        %dma_start3A_493 = tpu.memref_slice %arg20[%arg1, %run_scoped3A_86, %dma_start3A_492] : memref<16x8x1024xf32, #tpu.memory_space<vmem_shared>> -> memref<1x1x1024xf32, #tpu.memory_space<vmem_shared>>
        %dma_start3A_494 = tpu.memref_squeeze %dma_start3A_493 : memref<1x1x1024xf32, #tpu.memory_space<vmem_shared>> -> memref<1024xf32, #tpu.memory_space<vmem_shared>>
        %dma_start3A_495 = arith.constant 0 : i32
        %dma_start3A_496 = tpu.memref_slice %arg20[%arg1, %run_scoped3A_86, %dma_start3A_495] : memref<16x8x1024xf32, #tpu.memory_space<vmem_shared>> -> memref<1x1x1024xf32, #tpu.memory_space<vmem_shared>>
        %dma_start3A_497 = tpu.memref_squeeze %dma_start3A_496 : memref<1x1x1024xf32, #tpu.memory_space<vmem_shared>> -> memref<1024xf32, #tpu.memory_space<vmem_shared>>
        %dma_start3A_498 = tpu.memref_slice %arg10[%mul3A_85] : memref<10240xf32, #tpu.memory_space<vmem>> -> memref<1024xf32, #tpu.memory_space<vmem>>
        tpu.enqueue_dma source(%dma_start3A_498 : memref<1024xf32, #tpu.memory_space<vmem>>) target(%dma_start3A_497 : memref<1024xf32, #tpu.memory_space<vmem_shared>>) target_semaphore(%run_scoped3A_491 : memref<!tpu.dma_semaphore, #tpu.memory_space<semaphore_mem>>)
        %dma_wait3A = tpu.memref_slice %arg10[%mul3A_85] : memref<10240xf32, #tpu.memory_space<vmem>> -> memref<1024xf32, #tpu.memory_space<vmem>>
        %dma_wait3A_499 = arith.constant 0 : i32
        %dma_wait3A_500 = tpu.memref_slice %arg20[%arg1, %run_scoped3A_86, %dma_wait3A_499] : memref<16x8x1024xf32, #tpu.memory_space<vmem_shared>> -> memref<1x1x1024xf32, #tpu.memory_space<vmem_shared>>
        %dma_wait3A_501 = tpu.memref_squeeze %dma_wait3A_500 : memref<1x1x1024xf32, #tpu.memory_space<vmem_shared>> -> memref<1024xf32, #tpu.memory_space<vmem_shared>>
        %dma_wait3A_502 = arith.constant 0 : i32
        %dma_wait3A_503 = tpu.memref_slice %arg20[%arg1, %run_scoped3A_86, %dma_wait3A_502] : memref<16x8x1024xf32, #tpu.memory_space<vmem_shared>> -> memref<1x1x1024xf32, #tpu.memory_space<vmem_shared>>
        %dma_wait3A_504 = tpu.memref_squeeze %dma_wait3A_503 : memref<1x1x1024xf32, #tpu.memory_space<vmem_shared>> -> memref<1024xf32, #tpu.memory_space<vmem_shared>>
        %dma_wait3A_505 = tpu.memref_slice %arg10[%mul3A_85] : memref<10240xf32, #tpu.memory_space<vmem>> -> memref<1024xf32, #tpu.memory_space<vmem>>
        tpu.wait_dma2 semaphore(%run_scoped3A_491 : memref<!tpu.dma_semaphore, #tpu.memory_space<semaphore_mem>>) src(%dma_wait3A_505 : memref<1024xf32, #tpu.memory_space<vmem>>) dst(%dma_wait3A_504 : memref<1024xf32, #tpu.memory_space<vmem_shared>>)
        tpu.yield
      }) : () -> ()
      %mul3A_87 = arith.constant 1024 : i32
      %mul3A_88 = arith.muli %scan3A_68, %mul3A_87 : i32
      %run_scoped3A_89 = arith.constant 6 : i32
      "tpu.region"() ({
        %run_scoped3A_491 = tpu.sem_alloc : memref<!tpu.dma_semaphore, #tpu.memory_space<semaphore_mem>>
        %dma_start3A = tpu.memref_slice %arg11[%mul3A_88] : memref<10240xf32, #tpu.memory_space<vmem>> -> memref<1024xf32, #tpu.memory_space<vmem>>
        %dma_start3A_492 = arith.constant 0 : i32
        %dma_start3A_493 = tpu.memref_slice %arg20[%arg1, %run_scoped3A_89, %dma_start3A_492] : memref<16x8x1024xf32, #tpu.memory_space<vmem_shared>> -> memref<1x1x1024xf32, #tpu.memory_space<vmem_shared>>
        %dma_start3A_494 = tpu.memref_squeeze %dma_start3A_493 : memref<1x1x1024xf32, #tpu.memory_space<vmem_shared>> -> memref<1024xf32, #tpu.memory_space<vmem_shared>>
        %dma_start3A_495 = arith.constant 0 : i32
        %dma_start3A_496 = tpu.memref_slice %arg20[%arg1, %run_scoped3A_89, %dma_start3A_495] : memref<16x8x1024xf32, #tpu.memory_space<vmem_shared>> -> memref<1x1x1024xf32, #tpu.memory_space<vmem_shared>>
        %dma_start3A_497 = tpu.memref_squeeze %dma_start3A_496 : memref<1x1x1024xf32, #tpu.memory_space<vmem_shared>> -> memref<1024xf32, #tpu.memory_space<vmem_shared>>
        %dma_start3A_498 = tpu.memref_slice %arg11[%mul3A_88] : memref<10240xf32, #tpu.memory_space<vmem>> -> memref<1024xf32, #tpu.memory_space<vmem>>
        tpu.enqueue_dma source(%dma_start3A_498 : memref<1024xf32, #tpu.memory_space<vmem>>) target(%dma_start3A_497 : memref<1024xf32, #tpu.memory_space<vmem_shared>>) target_semaphore(%run_scoped3A_491 : memref<!tpu.dma_semaphore, #tpu.memory_space<semaphore_mem>>)
        %dma_wait3A = tpu.memref_slice %arg11[%mul3A_88] : memref<10240xf32, #tpu.memory_space<vmem>> -> memref<1024xf32, #tpu.memory_space<vmem>>
        %dma_wait3A_499 = arith.constant 0 : i32
        %dma_wait3A_500 = tpu.memref_slice %arg20[%arg1, %run_scoped3A_89, %dma_wait3A_499] : memref<16x8x1024xf32, #tpu.memory_space<vmem_shared>> -> memref<1x1x1024xf32, #tpu.memory_space<vmem_shared>>
        %dma_wait3A_501 = tpu.memref_squeeze %dma_wait3A_500 : memref<1x1x1024xf32, #tpu.memory_space<vmem_shared>> -> memref<1024xf32, #tpu.memory_space<vmem_shared>>
        %dma_wait3A_502 = arith.constant 0 : i32
        %dma_wait3A_503 = tpu.memref_slice %arg20[%arg1, %run_scoped3A_89, %dma_wait3A_502] : memref<16x8x1024xf32, #tpu.memory_space<vmem_shared>> -> memref<1x1x1024xf32, #tpu.memory_space<vmem_shared>>
        %dma_wait3A_504 = tpu.memref_squeeze %dma_wait3A_503 : memref<1x1x1024xf32, #tpu.memory_space<vmem_shared>> -> memref<1024xf32, #tpu.memory_space<vmem_shared>>
        %dma_wait3A_505 = tpu.memref_slice %arg11[%mul3A_88] : memref<10240xf32, #tpu.memory_space<vmem>> -> memref<1024xf32, #tpu.memory_space<vmem>>
        tpu.wait_dma2 semaphore(%run_scoped3A_491 : memref<!tpu.dma_semaphore, #tpu.memory_space<semaphore_mem>>) src(%dma_wait3A_505 : memref<1024xf32, #tpu.memory_space<vmem>>) dst(%dma_wait3A_504 : memref<1024xf32, #tpu.memory_space<vmem_shared>>)
        tpu.yield
      }) : () -> ()
      %mul3A_90 = arith.constant 1024 : i32
      %mul3A_91 = arith.muli %scan3A_68, %mul3A_90 : i32
      %run_scoped3A_92 = arith.constant 7 : i32
      "tpu.region"() ({
        %run_scoped3A_491 = tpu.sem_alloc : memref<!tpu.dma_semaphore, #tpu.memory_space<semaphore_mem>>
        %dma_start3A = tpu.memref_slice %arg12[%mul3A_91] : memref<10240xf32, #tpu.memory_space<vmem>> -> memref<1024xf32, #tpu.memory_space<vmem>>
        %dma_start3A_492 = arith.constant 0 : i32
        %dma_start3A_493 = tpu.memref_slice %arg20[%arg1, %run_scoped3A_92, %dma_start3A_492] : memref<16x8x1024xf32, #tpu.memory_space<vmem_shared>> -> memref<1x1x1024xf32, #tpu.memory_space<vmem_shared>>
        %dma_start3A_494 = tpu.memref_squeeze %dma_start3A_493 : memref<1x1x1024xf32, #tpu.memory_space<vmem_shared>> -> memref<1024xf32, #tpu.memory_space<vmem_shared>>
        %dma_start3A_495 = arith.constant 0 : i32
        %dma_start3A_496 = tpu.memref_slice %arg20[%arg1, %run_scoped3A_92, %dma_start3A_495] : memref<16x8x1024xf32, #tpu.memory_space<vmem_shared>> -> memref<1x1x1024xf32, #tpu.memory_space<vmem_shared>>
        %dma_start3A_497 = tpu.memref_squeeze %dma_start3A_496 : memref<1x1x1024xf32, #tpu.memory_space<vmem_shared>> -> memref<1024xf32, #tpu.memory_space<vmem_shared>>
        %dma_start3A_498 = tpu.memref_slice %arg12[%mul3A_91] : memref<10240xf32, #tpu.memory_space<vmem>> -> memref<1024xf32, #tpu.memory_space<vmem>>
        tpu.enqueue_dma source(%dma_start3A_498 : memref<1024xf32, #tpu.memory_space<vmem>>) target(%dma_start3A_497 : memref<1024xf32, #tpu.memory_space<vmem_shared>>) target_semaphore(%run_scoped3A_491 : memref<!tpu.dma_semaphore, #tpu.memory_space<semaphore_mem>>)
        %dma_wait3A = tpu.memref_slice %arg12[%mul3A_91] : memref<10240xf32, #tpu.memory_space<vmem>> -> memref<1024xf32, #tpu.memory_space<vmem>>
        %dma_wait3A_499 = arith.constant 0 : i32
        %dma_wait3A_500 = tpu.memref_slice %arg20[%arg1, %run_scoped3A_92, %dma_wait3A_499] : memref<16x8x1024xf32, #tpu.memory_space<vmem_shared>> -> memref<1x1x1024xf32, #tpu.memory_space<vmem_shared>>
        %dma_wait3A_501 = tpu.memref_squeeze %dma_wait3A_500 : memref<1x1x1024xf32, #tpu.memory_space<vmem_shared>> -> memref<1024xf32, #tpu.memory_space<vmem_shared>>
        %dma_wait3A_502 = arith.constant 0 : i32
        %dma_wait3A_503 = tpu.memref_slice %arg20[%arg1, %run_scoped3A_92, %dma_wait3A_502] : memref<16x8x1024xf32, #tpu.memory_space<vmem_shared>> -> memref<1x1x1024xf32, #tpu.memory_space<vmem_shared>>
        %dma_wait3A_504 = tpu.memref_squeeze %dma_wait3A_503 : memref<1x1x1024xf32, #tpu.memory_space<vmem_shared>> -> memref<1024xf32, #tpu.memory_space<vmem_shared>>
        %dma_wait3A_505 = tpu.memref_slice %arg12[%mul3A_91] : memref<10240xf32, #tpu.memory_space<vmem>> -> memref<1024xf32, #tpu.memory_space<vmem>>
        tpu.wait_dma2 semaphore(%run_scoped3A_491 : memref<!tpu.dma_semaphore, #tpu.memory_space<semaphore_mem>>) src(%dma_wait3A_505 : memref<1024xf32, #tpu.memory_space<vmem>>) dst(%dma_wait3A_504 : memref<1024xf32, #tpu.memory_space<vmem_shared>>)
        tpu.yield
      }) : () -> ()
      %barrier3A = arith.constant 0 : index
      tpu.barrier barrier_id(%barrier3A)
      %mul3A_93 = arith.constant 64 : i32
      %mul3A_94 = arith.muli %arg1, %mul3A_93 : i32
      %run_scoped3A_95 = arith.constant 0 : i32
      "tpu.region"() ({
        %run_scoped3A_491 = tpu.sem_alloc : memref<!tpu.dma_semaphore, #tpu.memory_space<semaphore_mem>>
        %dma_start3A = arith.constant 0 : i32
        %dma_start3A_492 = tpu.memref_slice %arg20[%run_scoped3A_95, %dma_start3A, %mul3A_94] : memref<16x8x1024xf32, #tpu.memory_space<vmem_shared>> -> memref<1x8x64xf32, #tpu.memory_space<vmem_shared>>
        %dma_start3A_493 = tpu.memref_squeeze %dma_start3A_492 : memref<1x8x64xf32, #tpu.memory_space<vmem_shared>> -> memref<8x64xf32, #tpu.memory_space<vmem_shared>>
        %dma_start3A_494 = arith.constant 0 : i32
        %dma_start3A_495 = tpu.memref_slice %arg20[%run_scoped3A_95, %dma_start3A_494, %mul3A_94] : memref<16x8x1024xf32, #tpu.memory_space<vmem_shared>> -> memref<1x8x64xf32, #tpu.memory_space<vmem_shared>>
        %dma_start3A_496 = tpu.memref_squeeze %dma_start3A_495 : memref<1x8x64xf32, #tpu.memory_space<vmem_shared>> -> memref<8x64xf32, #tpu.memory_space<vmem_shared>>
        tpu.enqueue_dma source(%dma_start3A_496 : memref<8x64xf32, #tpu.memory_space<vmem_shared>>) target(%arg16 : memref<8x64xf32, #tpu.memory_space<vmem>>) target_semaphore(%run_scoped3A_491 : memref<!tpu.dma_semaphore, #tpu.memory_space<semaphore_mem>>)
        %dma_wait3A = arith.constant 0 : i32
        %dma_wait3A_497 = tpu.memref_slice %arg20[%run_scoped3A_95, %dma_wait3A, %mul3A_94] : memref<16x8x1024xf32, #tpu.memory_space<vmem_shared>> -> memref<1x8x64xf32, #tpu.memory_space<vmem_shared>>
        %dma_wait3A_498 = tpu.memref_squeeze %dma_wait3A_497 : memref<1x8x64xf32, #tpu.memory_space<vmem_shared>> -> memref<8x64xf32, #tpu.memory_space<vmem_shared>>
        %dma_wait3A_499 = arith.constant 0 : i32
        %dma_wait3A_500 = tpu.memref_slice %arg20[%run_scoped3A_95, %dma_wait3A_499, %mul3A_94] : memref<16x8x1024xf32, #tpu.memory_space<vmem_shared>> -> memref<1x8x64xf32, #tpu.memory_space<vmem_shared>>
        %dma_wait3A_501 = tpu.memref_squeeze %dma_wait3A_500 : memref<1x8x64xf32, #tpu.memory_space<vmem_shared>> -> memref<8x64xf32, #tpu.memory_space<vmem_shared>>
        tpu.wait_dma2 semaphore(%run_scoped3A_491 : memref<!tpu.dma_semaphore, #tpu.memory_space<semaphore_mem>>) src(%dma_wait3A_501 : memref<8x64xf32, #tpu.memory_space<vmem_shared>>) dst(%arg16 : memref<8x64xf32, #tpu.memory_space<vmem>>)
        tpu.yield
      }) : () -> ()
      %scan3A_96 = arith.constant 0 : i32
      %scan3A_97 = arith.constant 1 : i32
      %scan3A_98 = arith.constant 15 : i32
      %scan3A_99 = arith.addi %scan3A_97, %scan3A_98 : i32
      %scan3A_100 = arith.constant 1 : i32
      %scan3A_101 = scf.for %scan3A_491 = %scan3A_97 to %scan3A_99 step %scan3A_100 iter_args(%scan3A_492 = %scan3A_96) -> (i32)  : i32 {
        "tpu.region"() ({
          %run_scoped3A_909 = tpu.sem_alloc : memref<!tpu.dma_semaphore, #tpu.memory_space<semaphore_mem>>
          %dma_start3A = arith.constant 0 : i32
          %dma_start3A_910 = tpu.memref_slice %arg20[%scan3A_491, %dma_start3A, %mul3A_94] : memref<16x8x1024xf32, #tpu.memory_space<vmem_shared>> -> memref<1x8x64xf32, #tpu.memory_space<vmem_shared>>
          %dma_start3A_911 = tpu.memref_squeeze %dma_start3A_910 : memref<1x8x64xf32, #tpu.memory_space<vmem_shared>> -> memref<8x64xf32, #tpu.memory_space<vmem_shared>>
          %dma_start3A_912 = arith.constant 0 : i32
          %dma_start3A_913 = tpu.memref_slice %arg20[%scan3A_491, %dma_start3A_912, %mul3A_94] : memref<16x8x1024xf32, #tpu.memory_space<vmem_shared>> -> memref<1x8x64xf32, #tpu.memory_space<vmem_shared>>
          %dma_start3A_914 = tpu.memref_squeeze %dma_start3A_913 : memref<1x8x64xf32, #tpu.memory_space<vmem_shared>> -> memref<8x64xf32, #tpu.memory_space<vmem_shared>>
          tpu.enqueue_dma source(%dma_start3A_914 : memref<8x64xf32, #tpu.memory_space<vmem_shared>>) target(%arg17 : memref<8x64xf32, #tpu.memory_space<vmem>>) target_semaphore(%run_scoped3A_909 : memref<!tpu.dma_semaphore, #tpu.memory_space<semaphore_mem>>)
          %dma_wait3A = arith.constant 0 : i32
          %dma_wait3A_915 = tpu.memref_slice %arg20[%scan3A_491, %dma_wait3A, %mul3A_94] : memref<16x8x1024xf32, #tpu.memory_space<vmem_shared>> -> memref<1x8x64xf32, #tpu.memory_space<vmem_shared>>
          %dma_wait3A_916 = tpu.memref_squeeze %dma_wait3A_915 : memref<1x8x64xf32, #tpu.memory_space<vmem_shared>> -> memref<8x64xf32, #tpu.memory_space<vmem_shared>>
          %dma_wait3A_917 = arith.constant 0 : i32
          %dma_wait3A_918 = tpu.memref_slice %arg20[%scan3A_491, %dma_wait3A_917, %mul3A_94] : memref<16x8x1024xf32, #tpu.memory_space<vmem_shared>> -> memref<1x8x64xf32, #tpu.memory_space<vmem_shared>>
          %dma_wait3A_919 = tpu.memref_squeeze %dma_wait3A_918 : memref<1x8x64xf32, #tpu.memory_space<vmem_shared>> -> memref<8x64xf32, #tpu.memory_space<vmem_shared>>
          tpu.wait_dma2 semaphore(%run_scoped3A_909 : memref<!tpu.dma_semaphore, #tpu.memory_space<semaphore_mem>>) src(%dma_wait3A_919 : memref<8x64xf32, #tpu.memory_space<vmem_shared>>) dst(%arg17 : memref<8x64xf32, #tpu.memory_space<vmem>>)
          tpu.yield
        }) : () -> ()
        %get3A_493 = arith.constant 0 : i32
        %get3A_494 = arith.index_cast %get3A_493 : i32 to index
        %get3A_495 = arith.constant 0 : index
        %get3A_496 = tpu.vector_load %arg16[%get3A_494, %get3A_495] {strides = array<i32>} : memref<8x64xf32, #tpu.memory_space<vmem>>, vector<16xf32>,
        %get3A_497 = arith.constant 0 : i32
        %get3A_498 = arith.index_cast %get3A_497 : i32 to index
        %get3A_499 = arith.constant 0 : index
        %get3A_500 = tpu.vector_load %arg17[%get3A_498, %get3A_499] {strides = array<i32>} : memref<8x64xf32, #tpu.memory_space<vmem>>, vector<16xf32>,
        %max3A = arith.maximumf %get3A_496, %get3A_500 : vector<16xf32>
        %swap3A_501 = arith.constant 0 : i32
        %swap3A_502 = arith.index_cast %swap3A_501 : i32 to index
        %swap3A_503 = arith.constant 0 : index
        %swap3A_504 = tpu.vector_load %arg16[%swap3A_502, %swap3A_503] {strides = array<i32>} : memref<8x64xf32, #tpu.memory_space<vmem>>, vector<16xf32>,
        tpu.vector_store %arg16[%swap3A_502, %swap3A_503], %max3A {strides = array<i32>} : memref<8x64xf32, #tpu.memory_space<vmem>>, vector<16xf32>,
        %get3A_505 = arith.constant 0 : i32
        %get3A_506 = arith.index_cast %get3A_505 : i32 to index
        %get3A_507 = arith.constant 16 : index
        %get3A_508 = tpu.vector_load %arg16[%get3A_506, %get3A_507] {strides = array<i32>} : memref<8x64xf32, #tpu.memory_space<vmem>>, vector<16xf32>,
        %get3A_509 = arith.constant 0 : i32
        %get3A_510 = arith.index_cast %get3A_509 : i32 to index
        %get3A_511 = arith.constant 16 : index
        %get3A_512 = tpu.vector_load %arg17[%get3A_510, %get3A_511] {strides = array<i32>} : memref<8x64xf32, #tpu.memory_space<vmem>>, vector<16xf32>,
        %max3A_513 = arith.maximumf %get3A_508, %get3A_512 : vector<16xf32>
        %swap3A_514 = arith.constant 0 : i32
        %swap3A_515 = arith.index_cast %swap3A_514 : i32 to index
        %swap3A_516 = arith.constant 16 : index
        %swap3A_517 = tpu.vector_load %arg16[%swap3A_515, %swap3A_516] {strides = array<i32>} : memref<8x64xf32, #tpu.memory_space<vmem>>, vector<16xf32>,
        tpu.vector_store %arg16[%swap3A_515, %swap3A_516], %max3A_513 {strides = array<i32>} : memref<8x64xf32, #tpu.memory_space<vmem>>, vector<16xf32>,
        %get3A_518 = arith.constant 0 : i32
        %get3A_519 = arith.index_cast %get3A_518 : i32 to index
        %get3A_520 = arith.constant 32 : index
        %get3A_521 = tpu.vector_load %arg16[%get3A_519, %get3A_520] {strides = array<i32>} : memref<8x64xf32, #tpu.memory_space<vmem>>, vector<16xf32>,
        %get3A_522 = arith.constant 0 : i32
        %get3A_523 = arith.index_cast %get3A_522 : i32 to index
        %get3A_524 = arith.constant 32 : index
        %get3A_525 = tpu.vector_load %arg17[%get3A_523, %get3A_524] {strides = array<i32>} : memref<8x64xf32, #tpu.memory_space<vmem>>, vector<16xf32>,
        %max3A_526 = arith.maximumf %get3A_521, %get3A_525 : vector<16xf32>
        %swap3A_527 = arith.constant 0 : i32
        %swap3A_528 = arith.index_cast %swap3A_527 : i32 to index
        %swap3A_529 = arith.constant 32 : index
        %swap3A_530 = tpu.vector_load %arg16[%swap3A_528, %swap3A_529] {strides = array<i32>} : memref<8x64xf32, #tpu.memory_space<vmem>>, vector<16xf32>,
        tpu.vector_store %arg16[%swap3A_528, %swap3A_529], %max3A_526 {strides = array<i32>} : memref<8x64xf32, #tpu.memory_space<vmem>>, vector<16xf32>,
        %get3A_531 = arith.constant 0 : i32
        %get3A_532 = arith.index_cast %get3A_531 : i32 to index
        %get3A_533 = arith.constant 48 : index
        %get3A_534 = tpu.vector_load %arg16[%get3A_532, %get3A_533] {strides = array<i32>} : memref<8x64xf32, #tpu.memory_space<vmem>>, vector<16xf32>,
        %get3A_535 = arith.constant 0 : i32
        %get3A_536 = arith.index_cast %get3A_535 : i32 to index
        %get3A_537 = arith.constant 48 : index
        %get3A_538 = tpu.vector_load %arg17[%get3A_536, %get3A_537] {strides = array<i32>} : memref<8x64xf32, #tpu.memory_space<vmem>>, vector<16xf32>,
        %max3A_539 = arith.maximumf %get3A_534, %get3A_538 : vector<16xf32>
        %swap3A_540 = arith.constant 0 : i32
        %swap3A_541 = arith.index_cast %swap3A_540 : i32 to index
        %swap3A_542 = arith.constant 48 : index
        %swap3A_543 = tpu.vector_load %arg16[%swap3A_541, %swap3A_542] {strides = array<i32>} : memref<8x64xf32, #tpu.memory_space<vmem>>, vector<16xf32>,
        tpu.vector_store %arg16[%swap3A_541, %swap3A_542], %max3A_539 {strides = array<i32>} : memref<8x64xf32, #tpu.memory_space<vmem>>, vector<16xf32>,
        %get3A_544 = arith.constant 1 : i32
        %get3A_545 = arith.index_cast %get3A_544 : i32 to index
        %get3A_546 = arith.constant 0 : index
        %get3A_547 = tpu.vector_load %arg16[%get3A_545, %get3A_546] {strides = array<i32>} : memref<8x64xf32, #tpu.memory_space<vmem>>, vector<16xf32>,
        %get3A_548 = arith.constant 1 : i32
        %get3A_549 = arith.index_cast %get3A_548 : i32 to index
        %get3A_550 = arith.constant 0 : index
        %get3A_551 = tpu.vector_load %arg17[%get3A_549, %get3A_550] {strides = array<i32>} : memref<8x64xf32, #tpu.memory_space<vmem>>, vector<16xf32>,
        %max3A_552 = arith.maximumf %get3A_547, %get3A_551 : vector<16xf32>
        %swap3A_553 = arith.constant 1 : i32
        %swap3A_554 = arith.index_cast %swap3A_553 : i32 to index
        %swap3A_555 = arith.constant 0 : index
        %swap3A_556 = tpu.vector_load %arg16[%swap3A_554, %swap3A_555] {strides = array<i32>} : memref<8x64xf32, #tpu.memory_space<vmem>>, vector<16xf32>,
        tpu.vector_store %arg16[%swap3A_554, %swap3A_555], %max3A_552 {strides = array<i32>} : memref<8x64xf32, #tpu.memory_space<vmem>>, vector<16xf32>,
        %get3A_557 = arith.constant 1 : i32
        %get3A_558 = arith.index_cast %get3A_557 : i32 to index
        %get3A_559 = arith.constant 16 : index
        %get3A_560 = tpu.vector_load %arg16[%get3A_558, %get3A_559] {strides = array<i32>} : memref<8x64xf32, #tpu.memory_space<vmem>>, vector<16xf32>,
        %get3A_561 = arith.constant 1 : i32
        %get3A_562 = arith.index_cast %get3A_561 : i32 to index
        %get3A_563 = arith.constant 16 : index
        %get3A_564 = tpu.vector_load %arg17[%get3A_562, %get3A_563] {strides = array<i32>} : memref<8x64xf32, #tpu.memory_space<vmem>>, vector<16xf32>,
        %max3A_565 = arith.maximumf %get3A_560, %get3A_564 : vector<16xf32>
        %swap3A_566 = arith.constant 1 : i32
        %swap3A_567 = arith.index_cast %swap3A_566 : i32 to index
        %swap3A_568 = arith.constant 16 : index
        %swap3A_569 = tpu.vector_load %arg16[%swap3A_567, %swap3A_568] {strides = array<i32>} : memref<8x64xf32, #tpu.memory_space<vmem>>, vector<16xf32>,
        tpu.vector_store %arg16[%swap3A_567, %swap3A_568], %max3A_565 {strides = array<i32>} : memref<8x64xf32, #tpu.memory_space<vmem>>, vector<16xf32>,
        %get3A_570 = arith.constant 1 : i32
        %get3A_571 = arith.index_cast %get3A_570 : i32 to index
        %get3A_572 = arith.constant 32 : index
        %get3A_573 = tpu.vector_load %arg16[%get3A_571, %get3A_572] {strides = array<i32>} : memref<8x64xf32, #tpu.memory_space<vmem>>, vector<16xf32>,
        %get3A_574 = arith.constant 1 : i32
        %get3A_575 = arith.index_cast %get3A_574 : i32 to index
        %get3A_576 = arith.constant 32 : index
        %get3A_577 = tpu.vector_load %arg17[%get3A_575, %get3A_576] {strides = array<i32>} : memref<8x64xf32, #tpu.memory_space<vmem>>, vector<16xf32>,
        %max3A_578 = arith.maximumf %get3A_573, %get3A_577 : vector<16xf32>
        %swap3A_579 = arith.constant 1 : i32
        %swap3A_580 = arith.index_cast %swap3A_579 : i32 to index
        %swap3A_581 = arith.constant 32 : index
        %swap3A_582 = tpu.vector_load %arg16[%swap3A_580, %swap3A_581] {strides = array<i32>} : memref<8x64xf32, #tpu.memory_space<vmem>>, vector<16xf32>,
        tpu.vector_store %arg16[%swap3A_580, %swap3A_581], %max3A_578 {strides = array<i32>} : memref<8x64xf32, #tpu.memory_space<vmem>>, vector<16xf32>,
        %get3A_583 = arith.constant 1 : i32
        %get3A_584 = arith.index_cast %get3A_583 : i32 to index
        %get3A_585 = arith.constant 48 : index
        %get3A_586 = tpu.vector_load %arg16[%get3A_584, %get3A_585] {strides = array<i32>} : memref<8x64xf32, #tpu.memory_space<vmem>>, vector<16xf32>,
        %get3A_587 = arith.constant 1 : i32
        %get3A_588 = arith.index_cast %get3A_587 : i32 to index
        %get3A_589 = arith.constant 48 : index
        %get3A_590 = tpu.vector_load %arg17[%get3A_588, %get3A_589] {strides = array<i32>} : memref<8x64xf32, #tpu.memory_space<vmem>>, vector<16xf32>,
        %max3A_591 = arith.maximumf %get3A_586, %get3A_590 : vector<16xf32>
        %swap3A_592 = arith.constant 1 : i32
        %swap3A_593 = arith.index_cast %swap3A_592 : i32 to index
        %swap3A_594 = arith.constant 48 : index
        %swap3A_595 = tpu.vector_load %arg16[%swap3A_593, %swap3A_594] {strides = array<i32>} : memref<8x64xf32, #tpu.memory_space<vmem>>, vector<16xf32>,
        tpu.vector_store %arg16[%swap3A_593, %swap3A_594], %max3A_591 {strides = array<i32>} : memref<8x64xf32, #tpu.memory_space<vmem>>, vector<16xf32>,
        %get3A_596 = arith.constant 2 : i32
        %get3A_597 = arith.index_cast %get3A_596 : i32 to index
        %get3A_598 = arith.constant 0 : index
        %get3A_599 = tpu.vector_load %arg16[%get3A_597, %get3A_598] {strides = array<i32>} : memref<8x64xf32, #tpu.memory_space<vmem>>, vector<16xf32>,
        %get3A_600 = arith.constant 2 : i32
        %get3A_601 = arith.index_cast %get3A_600 : i32 to index
        %get3A_602 = arith.constant 0 : index
        %get3A_603 = tpu.vector_load %arg17[%get3A_601, %get3A_602] {strides = array<i32>} : memref<8x64xf32, #tpu.memory_space<vmem>>, vector<16xf32>,
        %max3A_604 = arith.maximumf %get3A_599, %get3A_603 : vector<16xf32>
        %swap3A_605 = arith.constant 2 : i32
        %swap3A_606 = arith.index_cast %swap3A_605 : i32 to index
        %swap3A_607 = arith.constant 0 : index
        %swap3A_608 = tpu.vector_load %arg16[%swap3A_606, %swap3A_607] {strides = array<i32>} : memref<8x64xf32, #tpu.memory_space<vmem>>, vector<16xf32>,
        tpu.vector_store %arg16[%swap3A_606, %swap3A_607], %max3A_604 {strides = array<i32>} : memref<8x64xf32, #tpu.memory_space<vmem>>, vector<16xf32>,
        %get3A_609 = arith.constant 2 : i32
        %get3A_610 = arith.index_cast %get3A_609 : i32 to index
        %get3A_611 = arith.constant 16 : index
        %get3A_612 = tpu.vector_load %arg16[%get3A_610, %get3A_611] {strides = array<i32>} : memref<8x64xf32, #tpu.memory_space<vmem>>, vector<16xf32>,
        %get3A_613 = arith.constant 2 : i32
        %get3A_614 = arith.index_cast %get3A_613 : i32 to index
        %get3A_615 = arith.constant 16 : index
        %get3A_616 = tpu.vector_load %arg17[%get3A_614, %get3A_615] {strides = array<i32>} : memref<8x64xf32, #tpu.memory_space<vmem>>, vector<16xf32>,
        %max3A_617 = arith.maximumf %get3A_612, %get3A_616 : vector<16xf32>
        %swap3A_618 = arith.constant 2 : i32
        %swap3A_619 = arith.index_cast %swap3A_618 : i32 to index
        %swap3A_620 = arith.constant 16 : index
        %swap3A_621 = tpu.vector_load %arg16[%swap3A_619, %swap3A_620] {strides = array<i32>} : memref<8x64xf32, #tpu.memory_space<vmem>>, vector<16xf32>,
        tpu.vector_store %arg16[%swap3A_619, %swap3A_620], %max3A_617 {strides = array<i32>} : memref<8x64xf32, #tpu.memory_space<vmem>>, vector<16xf32>,
        %get3A_622 = arith.constant 2 : i32
        %get3A_623 = arith.index_cast %get3A_622 : i32 to index
        %get3A_624 = arith.constant 32 : index
        %get3A_625 = tpu.vector_load %arg16[%get3A_623, %get3A_624] {strides = array<i32>} : memref<8x64xf32, #tpu.memory_space<vmem>>, vector<16xf32>,
        %get3A_626 = arith.constant 2 : i32
        %get3A_627 = arith.index_cast %get3A_626 : i32 to index
        %get3A_628 = arith.constant 32 : index
        %get3A_629 = tpu.vector_load %arg17[%get3A_627, %get3A_628] {strides = array<i32>} : memref<8x64xf32, #tpu.memory_space<vmem>>, vector<16xf32>,
        %max3A_630 = arith.maximumf %get3A_625, %get3A_629 : vector<16xf32>
        %swap3A_631 = arith.constant 2 : i32
        %swap3A_632 = arith.index_cast %swap3A_631 : i32 to index
        %swap3A_633 = arith.constant 32 : index
        %swap3A_634 = tpu.vector_load %arg16[%swap3A_632, %swap3A_633] {strides = array<i32>} : memref<8x64xf32, #tpu.memory_space<vmem>>, vector<16xf32>,
        tpu.vector_store %arg16[%swap3A_632, %swap3A_633], %max3A_630 {strides = array<i32>} : memref<8x64xf32, #tpu.memory_space<vmem>>, vector<16xf32>,
        %get3A_635 = arith.constant 2 : i32
        %get3A_636 = arith.index_cast %get3A_635 : i32 to index
        %get3A_637 = arith.constant 48 : index
        %get3A_638 = tpu.vector_load %arg16[%get3A_636, %get3A_637] {strides = array<i32>} : memref<8x64xf32, #tpu.memory_space<vmem>>, vector<16xf32>,
        %get3A_639 = arith.constant 2 : i32
        %get3A_640 = arith.index_cast %get3A_639 : i32 to index
        %get3A_641 = arith.constant 48 : index
        %get3A_642 = tpu.vector_load %arg17[%get3A_640, %get3A_641] {strides = array<i32>} : memref<8x64xf32, #tpu.memory_space<vmem>>, vector<16xf32>,
        %max3A_643 = arith.maximumf %get3A_638, %get3A_642 : vector<16xf32>
        %swap3A_644 = arith.constant 2 : i32
        %swap3A_645 = arith.index_cast %swap3A_644 : i32 to index
        %swap3A_646 = arith.constant 48 : index
        %swap3A_647 = tpu.vector_load %arg16[%swap3A_645, %swap3A_646] {strides = array<i32>} : memref<8x64xf32, #tpu.memory_space<vmem>>, vector<16xf32>,
        tpu.vector_store %arg16[%swap3A_645, %swap3A_646], %max3A_643 {strides = array<i32>} : memref<8x64xf32, #tpu.memory_space<vmem>>, vector<16xf32>,
        %get3A_648 = arith.constant 3 : i32
        %get3A_649 = arith.index_cast %get3A_648 : i32 to index
        %get3A_650 = arith.constant 0 : index
        %get3A_651 = tpu.vector_load %arg16[%get3A_649, %get3A_650] {strides = array<i32>} : memref<8x64xf32, #tpu.memory_space<vmem>>, vector<16xf32>,
        %get3A_652 = arith.constant 3 : i32
        %get3A_653 = arith.index_cast %get3A_652 : i32 to index
        %get3A_654 = arith.constant 0 : index
        %get3A_655 = tpu.vector_load %arg17[%get3A_653, %get3A_654] {strides = array<i32>} : memref<8x64xf32, #tpu.memory_space<vmem>>, vector<16xf32>,
        %max3A_656 = arith.maximumf %get3A_651, %get3A_655 : vector<16xf32>
        %swap3A_657 = arith.constant 3 : i32
        %swap3A_658 = arith.index_cast %swap3A_657 : i32 to index
        %swap3A_659 = arith.constant 0 : index
        %swap3A_660 = tpu.vector_load %arg16[%swap3A_658, %swap3A_659] {strides = array<i32>} : memref<8x64xf32, #tpu.memory_space<vmem>>, vector<16xf32>,
        tpu.vector_store %arg16[%swap3A_658, %swap3A_659], %max3A_656 {strides = array<i32>} : memref<8x64xf32, #tpu.memory_space<vmem>>, vector<16xf32>,
        %get3A_661 = arith.constant 3 : i32
        %get3A_662 = arith.index_cast %get3A_661 : i32 to index
        %get3A_663 = arith.constant 16 : index
        %get3A_664 = tpu.vector_load %arg16[%get3A_662, %get3A_663] {strides = array<i32>} : memref<8x64xf32, #tpu.memory_space<vmem>>, vector<16xf32>,
        %get3A_665 = arith.constant 3 : i32
        %get3A_666 = arith.index_cast %get3A_665 : i32 to index
        %get3A_667 = arith.constant 16 : index
        %get3A_668 = tpu.vector_load %arg17[%get3A_666, %get3A_667] {strides = array<i32>} : memref<8x64xf32, #tpu.memory_space<vmem>>, vector<16xf32>,
        %max3A_669 = arith.maximumf %get3A_664, %get3A_668 : vector<16xf32>
        %swap3A_670 = arith.constant 3 : i32
        %swap3A_671 = arith.index_cast %swap3A_670 : i32 to index
        %swap3A_672 = arith.constant 16 : index
        %swap3A_673 = tpu.vector_load %arg16[%swap3A_671, %swap3A_672] {strides = array<i32>} : memref<8x64xf32, #tpu.memory_space<vmem>>, vector<16xf32>,
        tpu.vector_store %arg16[%swap3A_671, %swap3A_672], %max3A_669 {strides = array<i32>} : memref<8x64xf32, #tpu.memory_space<vmem>>, vector<16xf32>,
        %get3A_674 = arith.constant 3 : i32
        %get3A_675 = arith.index_cast %get3A_674 : i32 to index
        %get3A_676 = arith.constant 32 : index
        %get3A_677 = tpu.vector_load %arg16[%get3A_675, %get3A_676] {strides = array<i32>} : memref<8x64xf32, #tpu.memory_space<vmem>>, vector<16xf32>,
        %get3A_678 = arith.constant 3 : i32
        %get3A_679 = arith.index_cast %get3A_678 : i32 to index
        %get3A_680 = arith.constant 32 : index
        %get3A_681 = tpu.vector_load %arg17[%get3A_679, %get3A_680] {strides = array<i32>} : memref<8x64xf32, #tpu.memory_space<vmem>>, vector<16xf32>,
        %max3A_682 = arith.maximumf %get3A_677, %get3A_681 : vector<16xf32>
        %swap3A_683 = arith.constant 3 : i32
        %swap3A_684 = arith.index_cast %swap3A_683 : i32 to index
        %swap3A_685 = arith.constant 32 : index
        %swap3A_686 = tpu.vector_load %arg16[%swap3A_684, %swap3A_685] {strides = array<i32>} : memref<8x64xf32, #tpu.memory_space<vmem>>, vector<16xf32>,
        tpu.vector_store %arg16[%swap3A_684, %swap3A_685], %max3A_682 {strides = array<i32>} : memref<8x64xf32, #tpu.memory_space<vmem>>, vector<16xf32>,
        %get3A_687 = arith.constant 3 : i32
        %get3A_688 = arith.index_cast %get3A_687 : i32 to index
        %get3A_689 = arith.constant 48 : index
        %get3A_690 = tpu.vector_load %arg16[%get3A_688, %get3A_689] {strides = array<i32>} : memref<8x64xf32, #tpu.memory_space<vmem>>, vector<16xf32>,
        %get3A_691 = arith.constant 3 : i32
        %get3A_692 = arith.index_cast %get3A_691 : i32 to index
        %get3A_693 = arith.constant 48 : index
        %get3A_694 = tpu.vector_load %arg17[%get3A_692, %get3A_693] {strides = array<i32>} : memref<8x64xf32, #tpu.memory_space<vmem>>, vector<16xf32>,
        %max3A_695 = arith.maximumf %get3A_690, %get3A_694 : vector<16xf32>
        %swap3A_696 = arith.constant 3 : i32
        %swap3A_697 = arith.index_cast %swap3A_696 : i32 to index
        %swap3A_698 = arith.constant 48 : index
        %swap3A_699 = tpu.vector_load %arg16[%swap3A_697, %swap3A_698] {strides = array<i32>} : memref<8x64xf32, #tpu.memory_space<vmem>>, vector<16xf32>,
        tpu.vector_store %arg16[%swap3A_697, %swap3A_698], %max3A_695 {strides = array<i32>} : memref<8x64xf32, #tpu.memory_space<vmem>>, vector<16xf32>,
        %get3A_700 = arith.constant 4 : i32
        %get3A_701 = arith.index_cast %get3A_700 : i32 to index
        %get3A_702 = arith.constant 0 : index
        %get3A_703 = tpu.vector_load %arg16[%get3A_701, %get3A_702] {strides = array<i32>} : memref<8x64xf32, #tpu.memory_space<vmem>>, vector<16xf32>,
        %get3A_704 = arith.constant 4 : i32
        %get3A_705 = arith.index_cast %get3A_704 : i32 to index
        %get3A_706 = arith.constant 0 : index
        %get3A_707 = tpu.vector_load %arg17[%get3A_705, %get3A_706] {strides = array<i32>} : memref<8x64xf32, #tpu.memory_space<vmem>>, vector<16xf32>,
        %max3A_708 = arith.maximumf %get3A_703, %get3A_707 : vector<16xf32>
        %swap3A_709 = arith.constant 4 : i32
        %swap3A_710 = arith.index_cast %swap3A_709 : i32 to index
        %swap3A_711 = arith.constant 0 : index
        %swap3A_712 = tpu.vector_load %arg16[%swap3A_710, %swap3A_711] {strides = array<i32>} : memref<8x64xf32, #tpu.memory_space<vmem>>, vector<16xf32>,
        tpu.vector_store %arg16[%swap3A_710, %swap3A_711], %max3A_708 {strides = array<i32>} : memref<8x64xf32, #tpu.memory_space<vmem>>, vector<16xf32>,
        %get3A_713 = arith.constant 4 : i32
        %get3A_714 = arith.index_cast %get3A_713 : i32 to index
        %get3A_715 = arith.constant 16 : index
        %get3A_716 = tpu.vector_load %arg16[%get3A_714, %get3A_715] {strides = array<i32>} : memref<8x64xf32, #tpu.memory_space<vmem>>, vector<16xf32>,
        %get3A_717 = arith.constant 4 : i32
        %get3A_718 = arith.index_cast %get3A_717 : i32 to index
        %get3A_719 = arith.constant 16 : index
        %get3A_720 = tpu.vector_load %arg17[%get3A_718, %get3A_719] {strides = array<i32>} : memref<8x64xf32, #tpu.memory_space<vmem>>, vector<16xf32>,
        %max3A_721 = arith.maximumf %get3A_716, %get3A_720 : vector<16xf32>
        %swap3A_722 = arith.constant 4 : i32
        %swap3A_723 = arith.index_cast %swap3A_722 : i32 to index
        %swap3A_724 = arith.constant 16 : index
        %swap3A_725 = tpu.vector_load %arg16[%swap3A_723, %swap3A_724] {strides = array<i32>} : memref<8x64xf32, #tpu.memory_space<vmem>>, vector<16xf32>,
        tpu.vector_store %arg16[%swap3A_723, %swap3A_724], %max3A_721 {strides = array<i32>} : memref<8x64xf32, #tpu.memory_space<vmem>>, vector<16xf32>,
        %get3A_726 = arith.constant 4 : i32
        %get3A_727 = arith.index_cast %get3A_726 : i32 to index
        %get3A_728 = arith.constant 32 : index
        %get3A_729 = tpu.vector_load %arg16[%get3A_727, %get3A_728] {strides = array<i32>} : memref<8x64xf32, #tpu.memory_space<vmem>>, vector<16xf32>,
        %get3A_730 = arith.constant 4 : i32
        %get3A_731 = arith.index_cast %get3A_730 : i32 to index
        %get3A_732 = arith.constant 32 : index
        %get3A_733 = tpu.vector_load %arg17[%get3A_731, %get3A_732] {strides = array<i32>} : memref<8x64xf32, #tpu.memory_space<vmem>>, vector<16xf32>,
        %max3A_734 = arith.maximumf %get3A_729, %get3A_733 : vector<16xf32>
        %swap3A_735 = arith.constant 4 : i32
        %swap3A_736 = arith.index_cast %swap3A_735 : i32 to index
        %swap3A_737 = arith.constant 32 : index
        %swap3A_738 = tpu.vector_load %arg16[%swap3A_736, %swap3A_737] {strides = array<i32>} : memref<8x64xf32, #tpu.memory_space<vmem>>, vector<16xf32>,
        tpu.vector_store %arg16[%swap3A_736, %swap3A_737], %max3A_734 {strides = array<i32>} : memref<8x64xf32, #tpu.memory_space<vmem>>, vector<16xf32>,
        %get3A_739 = arith.constant 4 : i32
        %get3A_740 = arith.index_cast %get3A_739 : i32 to index
        %get3A_741 = arith.constant 48 : index
        %get3A_742 = tpu.vector_load %arg16[%get3A_740, %get3A_741] {strides = array<i32>} : memref<8x64xf32, #tpu.memory_space<vmem>>, vector<16xf32>,
        %get3A_743 = arith.constant 4 : i32
        %get3A_744 = arith.index_cast %get3A_743 : i32 to index
        %get3A_745 = arith.constant 48 : index
        %get3A_746 = tpu.vector_load %arg17[%get3A_744, %get3A_745] {strides = array<i32>} : memref<8x64xf32, #tpu.memory_space<vmem>>, vector<16xf32>,
        %max3A_747 = arith.maximumf %get3A_742, %get3A_746 : vector<16xf32>
        %swap3A_748 = arith.constant 4 : i32
        %swap3A_749 = arith.index_cast %swap3A_748 : i32 to index
        %swap3A_750 = arith.constant 48 : index
        %swap3A_751 = tpu.vector_load %arg16[%swap3A_749, %swap3A_750] {strides = array<i32>} : memref<8x64xf32, #tpu.memory_space<vmem>>, vector<16xf32>,
        tpu.vector_store %arg16[%swap3A_749, %swap3A_750], %max3A_747 {strides = array<i32>} : memref<8x64xf32, #tpu.memory_space<vmem>>, vector<16xf32>,
        %get3A_752 = arith.constant 5 : i32
        %get3A_753 = arith.index_cast %get3A_752 : i32 to index
        %get3A_754 = arith.constant 0 : index
        %get3A_755 = tpu.vector_load %arg16[%get3A_753, %get3A_754] {strides = array<i32>} : memref<8x64xf32, #tpu.memory_space<vmem>>, vector<16xf32>,
        %get3A_756 = arith.constant 5 : i32
        %get3A_757 = arith.index_cast %get3A_756 : i32 to index
        %get3A_758 = arith.constant 0 : index
        %get3A_759 = tpu.vector_load %arg17[%get3A_757, %get3A_758] {strides = array<i32>} : memref<8x64xf32, #tpu.memory_space<vmem>>, vector<16xf32>,
        %max3A_760 = arith.maximumf %get3A_755, %get3A_759 : vector<16xf32>
        %swap3A_761 = arith.constant 5 : i32
        %swap3A_762 = arith.index_cast %swap3A_761 : i32 to index
        %swap3A_763 = arith.constant 0 : index
        %swap3A_764 = tpu.vector_load %arg16[%swap3A_762, %swap3A_763] {strides = array<i32>} : memref<8x64xf32, #tpu.memory_space<vmem>>, vector<16xf32>,
        tpu.vector_store %arg16[%swap3A_762, %swap3A_763], %max3A_760 {strides = array<i32>} : memref<8x64xf32, #tpu.memory_space<vmem>>, vector<16xf32>,
        %get3A_765 = arith.constant 5 : i32
        %get3A_766 = arith.index_cast %get3A_765 : i32 to index
        %get3A_767 = arith.constant 16 : index
        %get3A_768 = tpu.vector_load %arg16[%get3A_766, %get3A_767] {strides = array<i32>} : memref<8x64xf32, #tpu.memory_space<vmem>>, vector<16xf32>,
        %get3A_769 = arith.constant 5 : i32
        %get3A_770 = arith.index_cast %get3A_769 : i32 to index
        %get3A_771 = arith.constant 16 : index
        %get3A_772 = tpu.vector_load %arg17[%get3A_770, %get3A_771] {strides = array<i32>} : memref<8x64xf32, #tpu.memory_space<vmem>>, vector<16xf32>,
        %max3A_773 = arith.maximumf %get3A_768, %get3A_772 : vector<16xf32>
        %swap3A_774 = arith.constant 5 : i32
        %swap3A_775 = arith.index_cast %swap3A_774 : i32 to index
        %swap3A_776 = arith.constant 16 : index
        %swap3A_777 = tpu.vector_load %arg16[%swap3A_775, %swap3A_776] {strides = array<i32>} : memref<8x64xf32, #tpu.memory_space<vmem>>, vector<16xf32>,
        tpu.vector_store %arg16[%swap3A_775, %swap3A_776], %max3A_773 {strides = array<i32>} : memref<8x64xf32, #tpu.memory_space<vmem>>, vector<16xf32>,
        %get3A_778 = arith.constant 5 : i32
        %get3A_779 = arith.index_cast %get3A_778 : i32 to index
        %get3A_780 = arith.constant 32 : index
        %get3A_781 = tpu.vector_load %arg16[%get3A_779, %get3A_780] {strides = array<i32>} : memref<8x64xf32, #tpu.memory_space<vmem>>, vector<16xf32>,
        %get3A_782 = arith.constant 5 : i32
        %get3A_783 = arith.index_cast %get3A_782 : i32 to index
        %get3A_784 = arith.constant 32 : index
        %get3A_785 = tpu.vector_load %arg17[%get3A_783, %get3A_784] {strides = array<i32>} : memref<8x64xf32, #tpu.memory_space<vmem>>, vector<16xf32>,
        %max3A_786 = arith.maximumf %get3A_781, %get3A_785 : vector<16xf32>
        %swap3A_787 = arith.constant 5 : i32
        %swap3A_788 = arith.index_cast %swap3A_787 : i32 to index
        %swap3A_789 = arith.constant 32 : index
        %swap3A_790 = tpu.vector_load %arg16[%swap3A_788, %swap3A_789] {strides = array<i32>} : memref<8x64xf32, #tpu.memory_space<vmem>>, vector<16xf32>,
        tpu.vector_store %arg16[%swap3A_788, %swap3A_789], %max3A_786 {strides = array<i32>} : memref<8x64xf32, #tpu.memory_space<vmem>>, vector<16xf32>,
        %get3A_791 = arith.constant 5 : i32
        %get3A_792 = arith.index_cast %get3A_791 : i32 to index
        %get3A_793 = arith.constant 48 : index
        %get3A_794 = tpu.vector_load %arg16[%get3A_792, %get3A_793] {strides = array<i32>} : memref<8x64xf32, #tpu.memory_space<vmem>>, vector<16xf32>,
        %get3A_795 = arith.constant 5 : i32
        %get3A_796 = arith.index_cast %get3A_795 : i32 to index
        %get3A_797 = arith.constant 48 : index
        %get3A_798 = tpu.vector_load %arg17[%get3A_796, %get3A_797] {strides = array<i32>} : memref<8x64xf32, #tpu.memory_space<vmem>>, vector<16xf32>,
        %max3A_799 = arith.maximumf %get3A_794, %get3A_798 : vector<16xf32>
        %swap3A_800 = arith.constant 5 : i32
        %swap3A_801 = arith.index_cast %swap3A_800 : i32 to index
        %swap3A_802 = arith.constant 48 : index
        %swap3A_803 = tpu.vector_load %arg16[%swap3A_801, %swap3A_802] {strides = array<i32>} : memref<8x64xf32, #tpu.memory_space<vmem>>, vector<16xf32>,
        tpu.vector_store %arg16[%swap3A_801, %swap3A_802], %max3A_799 {strides = array<i32>} : memref<8x64xf32, #tpu.memory_space<vmem>>, vector<16xf32>,
        %get3A_804 = arith.constant 6 : i32
        %get3A_805 = arith.index_cast %get3A_804 : i32 to index
        %get3A_806 = arith.constant 0 : index
        %get3A_807 = tpu.vector_load %arg16[%get3A_805, %get3A_806] {strides = array<i32>} : memref<8x64xf32, #tpu.memory_space<vmem>>, vector<16xf32>,
        %get3A_808 = arith.constant 6 : i32
        %get3A_809 = arith.index_cast %get3A_808 : i32 to index
        %get3A_810 = arith.constant 0 : index
        %get3A_811 = tpu.vector_load %arg17[%get3A_809, %get3A_810] {strides = array<i32>} : memref<8x64xf32, #tpu.memory_space<vmem>>, vector<16xf32>,
        %max3A_812 = arith.maximumf %get3A_807, %get3A_811 : vector<16xf32>
        %swap3A_813 = arith.constant 6 : i32
        %swap3A_814 = arith.index_cast %swap3A_813 : i32 to index
        %swap3A_815 = arith.constant 0 : index
        %swap3A_816 = tpu.vector_load %arg16[%swap3A_814, %swap3A_815] {strides = array<i32>} : memref<8x64xf32, #tpu.memory_space<vmem>>, vector<16xf32>,
        tpu.vector_store %arg16[%swap3A_814, %swap3A_815], %max3A_812 {strides = array<i32>} : memref<8x64xf32, #tpu.memory_space<vmem>>, vector<16xf32>,
        %get3A_817 = arith.constant 6 : i32
        %get3A_818 = arith.index_cast %get3A_817 : i32 to index
        %get3A_819 = arith.constant 16 : index
        %get3A_820 = tpu.vector_load %arg16[%get3A_818, %get3A_819] {strides = array<i32>} : memref<8x64xf32, #tpu.memory_space<vmem>>, vector<16xf32>,
        %get3A_821 = arith.constant 6 : i32
        %get3A_822 = arith.index_cast %get3A_821 : i32 to index
        %get3A_823 = arith.constant 16 : index
        %get3A_824 = tpu.vector_load %arg17[%get3A_822, %get3A_823] {strides = array<i32>} : memref<8x64xf32, #tpu.memory_space<vmem>>, vector<16xf32>,
        %max3A_825 = arith.maximumf %get3A_820, %get3A_824 : vector<16xf32>
        %swap3A_826 = arith.constant 6 : i32
        %swap3A_827 = arith.index_cast %swap3A_826 : i32 to index
        %swap3A_828 = arith.constant 16 : index
        %swap3A_829 = tpu.vector_load %arg16[%swap3A_827, %swap3A_828] {strides = array<i32>} : memref<8x64xf32, #tpu.memory_space<vmem>>, vector<16xf32>,
        tpu.vector_store %arg16[%swap3A_827, %swap3A_828], %max3A_825 {strides = array<i32>} : memref<8x64xf32, #tpu.memory_space<vmem>>, vector<16xf32>,
        %get3A_830 = arith.constant 6 : i32
        %get3A_831 = arith.index_cast %get3A_830 : i32 to index
        %get3A_832 = arith.constant 32 : index
        %get3A_833 = tpu.vector_load %arg16[%get3A_831, %get3A_832] {strides = array<i32>} : memref<8x64xf32, #tpu.memory_space<vmem>>, vector<16xf32>,
        %get3A_834 = arith.constant 6 : i32
        %get3A_835 = arith.index_cast %get3A_834 : i32 to index
        %get3A_836 = arith.constant 32 : index
        %get3A_837 = tpu.vector_load %arg17[%get3A_835, %get3A_836] {strides = array<i32>} : memref<8x64xf32, #tpu.memory_space<vmem>>, vector<16xf32>,
        %max3A_838 = arith.maximumf %get3A_833, %get3A_837 : vector<16xf32>
        %swap3A_839 = arith.constant 6 : i32
        %swap3A_840 = arith.index_cast %swap3A_839 : i32 to index
        %swap3A_841 = arith.constant 32 : index
        %swap3A_842 = tpu.vector_load %arg16[%swap3A_840, %swap3A_841] {strides = array<i32>} : memref<8x64xf32, #tpu.memory_space<vmem>>, vector<16xf32>,
        tpu.vector_store %arg16[%swap3A_840, %swap3A_841], %max3A_838 {strides = array<i32>} : memref<8x64xf32, #tpu.memory_space<vmem>>, vector<16xf32>,
        %get3A_843 = arith.constant 6 : i32
        %get3A_844 = arith.index_cast %get3A_843 : i32 to index
        %get3A_845 = arith.constant 48 : index
        %get3A_846 = tpu.vector_load %arg16[%get3A_844, %get3A_845] {strides = array<i32>} : memref<8x64xf32, #tpu.memory_space<vmem>>, vector<16xf32>,
        %get3A_847 = arith.constant 6 : i32
        %get3A_848 = arith.index_cast %get3A_847 : i32 to index
        %get3A_849 = arith.constant 48 : index
        %get3A_850 = tpu.vector_load %arg17[%get3A_848, %get3A_849] {strides = array<i32>} : memref<8x64xf32, #tpu.memory_space<vmem>>, vector<16xf32>,
        %max3A_851 = arith.maximumf %get3A_846, %get3A_850 : vector<16xf32>
        %swap3A_852 = arith.constant 6 : i32
        %swap3A_853 = arith.index_cast %swap3A_852 : i32 to index
        %swap3A_854 = arith.constant 48 : index
        %swap3A_855 = tpu.vector_load %arg16[%swap3A_853, %swap3A_854] {strides = array<i32>} : memref<8x64xf32, #tpu.memory_space<vmem>>, vector<16xf32>,
        tpu.vector_store %arg16[%swap3A_853, %swap3A_854], %max3A_851 {strides = array<i32>} : memref<8x64xf32, #tpu.memory_space<vmem>>, vector<16xf32>,
        %get3A_856 = arith.constant 7 : i32
        %get3A_857 = arith.index_cast %get3A_856 : i32 to index
        %get3A_858 = arith.constant 0 : index
        %get3A_859 = tpu.vector_load %arg16[%get3A_857, %get3A_858] {strides = array<i32>} : memref<8x64xf32, #tpu.memory_space<vmem>>, vector<16xf32>,
        %get3A_860 = arith.constant 7 : i32
        %get3A_861 = arith.index_cast %get3A_860 : i32 to index
        %get3A_862 = arith.constant 0 : index
        %get3A_863 = tpu.vector_load %arg17[%get3A_861, %get3A_862] {strides = array<i32>} : memref<8x64xf32, #tpu.memory_space<vmem>>, vector<16xf32>,
        %max3A_864 = arith.maximumf %get3A_859, %get3A_863 : vector<16xf32>
        %swap3A_865 = arith.constant 7 : i32
        %swap3A_866 = arith.index_cast %swap3A_865 : i32 to index
        %swap3A_867 = arith.constant 0 : index
        %swap3A_868 = tpu.vector_load %arg16[%swap3A_866, %swap3A_867] {strides = array<i32>} : memref<8x64xf32, #tpu.memory_space<vmem>>, vector<16xf32>,
        tpu.vector_store %arg16[%swap3A_866, %swap3A_867], %max3A_864 {strides = array<i32>} : memref<8x64xf32, #tpu.memory_space<vmem>>, vector<16xf32>,
        %get3A_869 = arith.constant 7 : i32
        %get3A_870 = arith.index_cast %get3A_869 : i32 to index
        %get3A_871 = arith.constant 16 : index
        %get3A_872 = tpu.vector_load %arg16[%get3A_870, %get3A_871] {strides = array<i32>} : memref<8x64xf32, #tpu.memory_space<vmem>>, vector<16xf32>,
        %get3A_873 = arith.constant 7 : i32
        %get3A_874 = arith.index_cast %get3A_873 : i32 to index
        %get3A_875 = arith.constant 16 : index
        %get3A_876 = tpu.vector_load %arg17[%get3A_874, %get3A_875] {strides = array<i32>} : memref<8x64xf32, #tpu.memory_space<vmem>>, vector<16xf32>,
        %max3A_877 = arith.maximumf %get3A_872, %get3A_876 : vector<16xf32>
        %swap3A_878 = arith.constant 7 : i32
        %swap3A_879 = arith.index_cast %swap3A_878 : i32 to index
        %swap3A_880 = arith.constant 16 : index
        %swap3A_881 = tpu.vector_load %arg16[%swap3A_879, %swap3A_880] {strides = array<i32>} : memref<8x64xf32, #tpu.memory_space<vmem>>, vector<16xf32>,
        tpu.vector_store %arg16[%swap3A_879, %swap3A_880], %max3A_877 {strides = array<i32>} : memref<8x64xf32, #tpu.memory_space<vmem>>, vector<16xf32>,
        %get3A_882 = arith.constant 7 : i32
        %get3A_883 = arith.index_cast %get3A_882 : i32 to index
        %get3A_884 = arith.constant 32 : index
        %get3A_885 = tpu.vector_load %arg16[%get3A_883, %get3A_884] {strides = array<i32>} : memref<8x64xf32, #tpu.memory_space<vmem>>, vector<16xf32>,
        %get3A_886 = arith.constant 7 : i32
        %get3A_887 = arith.index_cast %get3A_886 : i32 to index
        %get3A_888 = arith.constant 32 : index
        %get3A_889 = tpu.vector_load %arg17[%get3A_887, %get3A_888] {strides = array<i32>} : memref<8x64xf32, #tpu.memory_space<vmem>>, vector<16xf32>,
        %max3A_890 = arith.maximumf %get3A_885, %get3A_889 : vector<16xf32>
        %swap3A_891 = arith.constant 7 : i32
        %swap3A_892 = arith.index_cast %swap3A_891 : i32 to index
        %swap3A_893 = arith.constant 32 : index
        %swap3A_894 = tpu.vector_load %arg16[%swap3A_892, %swap3A_893] {strides = array<i32>} : memref<8x64xf32, #tpu.memory_space<vmem>>, vector<16xf32>,
        tpu.vector_store %arg16[%swap3A_892, %swap3A_893], %max3A_890 {strides = array<i32>} : memref<8x64xf32, #tpu.memory_space<vmem>>, vector<16xf32>,
        %get3A_895 = arith.constant 7 : i32
        %get3A_896 = arith.index_cast %get3A_895 : i32 to index
        %get3A_897 = arith.constant 48 : index
        %get3A_898 = tpu.vector_load %arg16[%get3A_896, %get3A_897] {strides = array<i32>} : memref<8x64xf32, #tpu.memory_space<vmem>>, vector<16xf32>,
        %get3A_899 = arith.constant 7 : i32
        %get3A_900 = arith.index_cast %get3A_899 : i32 to index
        %get3A_901 = arith.constant 48 : index
        %get3A_902 = tpu.vector_load %arg17[%get3A_900, %get3A_901] {strides = array<i32>} : memref<8x64xf32, #tpu.memory_space<vmem>>, vector<16xf32>,
        %max3A_903 = arith.maximumf %get3A_898, %get3A_902 : vector<16xf32>
        %swap3A_904 = arith.constant 7 : i32
        %swap3A_905 = arith.index_cast %swap3A_904 : i32 to index
        %swap3A_906 = arith.constant 48 : index
        %swap3A_907 = tpu.vector_load %arg16[%swap3A_905, %swap3A_906] {strides = array<i32>} : memref<8x64xf32, #tpu.memory_space<vmem>>, vector<16xf32>,
        tpu.vector_store %arg16[%swap3A_905, %swap3A_906], %max3A_903 {strides = array<i32>} : memref<8x64xf32, #tpu.memory_space<vmem>>, vector<16xf32>,
        %scan3A_908 = arith.constant 0 : i32
        scf.yield %scan3A_908 : i32
      }
      %scan3A_102 = arith.constant 15 : i32
      %get3A = arith.constant 0 : i32
      %get3A_103 = arith.index_cast %get3A : i32 to index
      %get3A_104 = arith.constant 0 : index
      %get3A_105 = tpu.vector_load %arg16[%get3A_103, %get3A_104] {strides = array<i32>} : memref<8x64xf32, #tpu.memory_space<vmem>>, vector<16xf32>,
      %swap3A = arith.constant 0 : index
      %swap3A_106 = tpu.vector_load %arg18[%swap3A] {strides = array<i32>} : memref<512xf32, #tpu.memory_space<vmem>>, vector<16xf32>,
      tpu.vector_store %arg18[%swap3A], %get3A_105 {strides = array<i32>} : memref<512xf32, #tpu.memory_space<vmem>>, vector<16xf32>,
      %get3A_107 = arith.constant 0 : i32
      %get3A_108 = arith.index_cast %get3A_107 : i32 to index
      %get3A_109 = arith.constant 16 : index
      %get3A_110 = tpu.vector_load %arg16[%get3A_108, %get3A_109] {strides = array<i32>} : memref<8x64xf32, #tpu.memory_space<vmem>>, vector<16xf32>,
      %swap3A_111 = arith.constant 16 : index
      %swap3A_112 = tpu.vector_load %arg18[%swap3A_111] {strides = array<i32>} : memref<512xf32, #tpu.memory_space<vmem>>, vector<16xf32>,
      tpu.vector_store %arg18[%swap3A_111], %get3A_110 {strides = array<i32>} : memref<512xf32, #tpu.memory_space<vmem>>, vector<16xf32>,
      %get3A_113 = arith.constant 0 : i32
      %get3A_114 = arith.index_cast %get3A_113 : i32 to index
      %get3A_115 = arith.constant 32 : index
      %get3A_116 = tpu.vector_load %arg16[%get3A_114, %get3A_115] {strides = array<i32>} : memref<8x64xf32, #tpu.memory_space<vmem>>, vector<16xf32>,
      %swap3A_117 = arith.constant 32 : index
      %swap3A_118 = tpu.vector_load %arg18[%swap3A_117] {strides = array<i32>} : memref<512xf32, #tpu.memory_space<vmem>>, vector<16xf32>,
      tpu.vector_store %arg18[%swap3A_117], %get3A_116 {strides = array<i32>} : memref<512xf32, #tpu.memory_space<vmem>>, vector<16xf32>,
      %get3A_119 = arith.constant 0 : i32
      %get3A_120 = arith.index_cast %get3A_119 : i32 to index
      %get3A_121 = arith.constant 48 : index
      %get3A_122 = tpu.vector_load %arg16[%get3A_120, %get3A_121] {strides = array<i32>} : memref<8x64xf32, #tpu.memory_space<vmem>>, vector<16xf32>,
      %swap3A_123 = arith.constant 48 : index
      %swap3A_124 = tpu.vector_load %arg18[%swap3A_123] {strides = array<i32>} : memref<512xf32, #tpu.memory_space<vmem>>, vector<16xf32>,
      tpu.vector_store %arg18[%swap3A_123], %get3A_122 {strides = array<i32>} : memref<512xf32, #tpu.memory_space<vmem>>, vector<16xf32>,
      %get3A_125 = arith.constant 1 : i32
      %get3A_126 = arith.index_cast %get3A_125 : i32 to index
      %get3A_127 = arith.constant 0 : index
      %get3A_128 = tpu.vector_load %arg16[%get3A_126, %get3A_127] {strides = array<i32>} : memref<8x64xf32, #tpu.memory_space<vmem>>, vector<16xf32>,
      %swap3A_129 = arith.constant 64 : index
      %swap3A_130 = tpu.vector_load %arg18[%swap3A_129] {strides = array<i32>} : memref<512xf32, #tpu.memory_space<vmem>>, vector<16xf32>,
      tpu.vector_store %arg18[%swap3A_129], %get3A_128 {strides = array<i32>} : memref<512xf32, #tpu.memory_space<vmem>>, vector<16xf32>,
      %get3A_131 = arith.constant 1 : i32
      %get3A_132 = arith.index_cast %get3A_131 : i32 to index
      %get3A_133 = arith.constant 16 : index
      %get3A_134 = tpu.vector_load %arg16[%get3A_132, %get3A_133] {strides = array<i32>} : memref<8x64xf32, #tpu.memory_space<vmem>>, vector<16xf32>,
      %swap3A_135 = arith.constant 80 : index
      %swap3A_136 = tpu.vector_load %arg18[%swap3A_135] {strides = array<i32>} : memref<512xf32, #tpu.memory_space<vmem>>, vector<16xf32>,
      tpu.vector_store %arg18[%swap3A_135], %get3A_134 {strides = array<i32>} : memref<512xf32, #tpu.memory_space<vmem>>, vector<16xf32>,
      %get3A_137 = arith.constant 1 : i32
      %get3A_138 = arith.index_cast %get3A_137 : i32 to index
      %get3A_139 = arith.constant 32 : index
      %get3A_140 = tpu.vector_load %arg16[%get3A_138, %get3A_139] {strides = array<i32>} : memref<8x64xf32, #tpu.memory_space<vmem>>, vector<16xf32>,
      %swap3A_141 = arith.constant 96 : index
      %swap3A_142 = tpu.vector_load %arg18[%swap3A_141] {strides = array<i32>} : memref<512xf32, #tpu.memory_space<vmem>>, vector<16xf32>,
      tpu.vector_store %arg18[%swap3A_141], %get3A_140 {strides = array<i32>} : memref<512xf32, #tpu.memory_space<vmem>>, vector<16xf32>,
      %get3A_143 = arith.constant 1 : i32
      %get3A_144 = arith.index_cast %get3A_143 : i32 to index
      %get3A_145 = arith.constant 48 : index
      %get3A_146 = tpu.vector_load %arg16[%get3A_144, %get3A_145] {strides = array<i32>} : memref<8x64xf32, #tpu.memory_space<vmem>>, vector<16xf32>,
      %swap3A_147 = arith.constant 112 : index
      %swap3A_148 = tpu.vector_load %arg18[%swap3A_147] {strides = array<i32>} : memref<512xf32, #tpu.memory_space<vmem>>, vector<16xf32>,
      tpu.vector_store %arg18[%swap3A_147], %get3A_146 {strides = array<i32>} : memref<512xf32, #tpu.memory_space<vmem>>, vector<16xf32>,
      %get3A_149 = arith.constant 2 : i32
      %get3A_150 = arith.index_cast %get3A_149 : i32 to index
      %get3A_151 = arith.constant 0 : index
      %get3A_152 = tpu.vector_load %arg16[%get3A_150, %get3A_151] {strides = array<i32>} : memref<8x64xf32, #tpu.memory_space<vmem>>, vector<16xf32>,
      %swap3A_153 = arith.constant 128 : index
      %swap3A_154 = tpu.vector_load %arg18[%swap3A_153] {strides = array<i32>} : memref<512xf32, #tpu.memory_space<vmem>>, vector<16xf32>,
      tpu.vector_store %arg18[%swap3A_153], %get3A_152 {strides = array<i32>} : memref<512xf32, #tpu.memory_space<vmem>>, vector<16xf32>,
      %get3A_155 = arith.constant 2 : i32
      %get3A_156 = arith.index_cast %get3A_155 : i32 to index
      %get3A_157 = arith.constant 16 : index
      %get3A_158 = tpu.vector_load %arg16[%get3A_156, %get3A_157] {strides = array<i32>} : memref<8x64xf32, #tpu.memory_space<vmem>>, vector<16xf32>,
      %swap3A_159 = arith.constant 144 : index
      %swap3A_160 = tpu.vector_load %arg18[%swap3A_159] {strides = array<i32>} : memref<512xf32, #tpu.memory_space<vmem>>, vector<16xf32>,
      tpu.vector_store %arg18[%swap3A_159], %get3A_158 {strides = array<i32>} : memref<512xf32, #tpu.memory_space<vmem>>, vector<16xf32>,
      %get3A_161 = arith.constant 2 : i32
      %get3A_162 = arith.index_cast %get3A_161 : i32 to index
      %get3A_163 = arith.constant 32 : index
      %get3A_164 = tpu.vector_load %arg16[%get3A_162, %get3A_163] {strides = array<i32>} : memref<8x64xf32, #tpu.memory_space<vmem>>, vector<16xf32>,
      %swap3A_165 = arith.constant 160 : index
      %swap3A_166 = tpu.vector_load %arg18[%swap3A_165] {strides = array<i32>} : memref<512xf32, #tpu.memory_space<vmem>>, vector<16xf32>,
      tpu.vector_store %arg18[%swap3A_165], %get3A_164 {strides = array<i32>} : memref<512xf32, #tpu.memory_space<vmem>>, vector<16xf32>,
      %get3A_167 = arith.constant 2 : i32
      %get3A_168 = arith.index_cast %get3A_167 : i32 to index
      %get3A_169 = arith.constant 48 : index
      %get3A_170 = tpu.vector_load %arg16[%get3A_168, %get3A_169] {strides = array<i32>} : memref<8x64xf32, #tpu.memory_space<vmem>>, vector<16xf32>,
      %swap3A_171 = arith.constant 176 : index
      %swap3A_172 = tpu.vector_load %arg18[%swap3A_171] {strides = array<i32>} : memref<512xf32, #tpu.memory_space<vmem>>, vector<16xf32>,
      tpu.vector_store %arg18[%swap3A_171], %get3A_170 {strides = array<i32>} : memref<512xf32, #tpu.memory_space<vmem>>, vector<16xf32>,
      %get3A_173 = arith.constant 3 : i32
      %get3A_174 = arith.index_cast %get3A_173 : i32 to index
      %get3A_175 = arith.constant 0 : index
      %get3A_176 = tpu.vector_load %arg16[%get3A_174, %get3A_175] {strides = array<i32>} : memref<8x64xf32, #tpu.memory_space<vmem>>, vector<16xf32>,
      %swap3A_177 = arith.constant 192 : index
      %swap3A_178 = tpu.vector_load %arg18[%swap3A_177] {strides = array<i32>} : memref<512xf32, #tpu.memory_space<vmem>>, vector<16xf32>,
      tpu.vector_store %arg18[%swap3A_177], %get3A_176 {strides = array<i32>} : memref<512xf32, #tpu.memory_space<vmem>>, vector<16xf32>,
      %get3A_179 = arith.constant 3 : i32
      %get3A_180 = arith.index_cast %get3A_179 : i32 to index
      %get3A_181 = arith.constant 16 : index
      %get3A_182 = tpu.vector_load %arg16[%get3A_180, %get3A_181] {strides = array<i32>} : memref<8x64xf32, #tpu.memory_space<vmem>>, vector<16xf32>,
      %swap3A_183 = arith.constant 208 : index
      %swap3A_184 = tpu.vector_load %arg18[%swap3A_183] {strides = array<i32>} : memref<512xf32, #tpu.memory_space<vmem>>, vector<16xf32>,
      tpu.vector_store %arg18[%swap3A_183], %get3A_182 {strides = array<i32>} : memref<512xf32, #tpu.memory_space<vmem>>, vector<16xf32>,
      %get3A_185 = arith.constant 3 : i32
      %get3A_186 = arith.index_cast %get3A_185 : i32 to index
      %get3A_187 = arith.constant 32 : index
      %get3A_188 = tpu.vector_load %arg16[%get3A_186, %get3A_187] {strides = array<i32>} : memref<8x64xf32, #tpu.memory_space<vmem>>, vector<16xf32>,
      %swap3A_189 = arith.constant 224 : index
      %swap3A_190 = tpu.vector_load %arg18[%swap3A_189] {strides = array<i32>} : memref<512xf32, #tpu.memory_space<vmem>>, vector<16xf32>,
      tpu.vector_store %arg18[%swap3A_189], %get3A_188 {strides = array<i32>} : memref<512xf32, #tpu.memory_space<vmem>>, vector<16xf32>,
      %get3A_191 = arith.constant 3 : i32
      %get3A_192 = arith.index_cast %get3A_191 : i32 to index
      %get3A_193 = arith.constant 48 : index
      %get3A_194 = tpu.vector_load %arg16[%get3A_192, %get3A_193] {strides = array<i32>} : memref<8x64xf32, #tpu.memory_space<vmem>>, vector<16xf32>,
      %swap3A_195 = arith.constant 240 : index
      %swap3A_196 = tpu.vector_load %arg18[%swap3A_195] {strides = array<i32>} : memref<512xf32, #tpu.memory_space<vmem>>, vector<16xf32>,
      tpu.vector_store %arg18[%swap3A_195], %get3A_194 {strides = array<i32>} : memref<512xf32, #tpu.memory_space<vmem>>, vector<16xf32>,
      %get3A_197 = arith.constant 4 : i32
      %get3A_198 = arith.index_cast %get3A_197 : i32 to index
      %get3A_199 = arith.constant 0 : index
      %get3A_200 = tpu.vector_load %arg16[%get3A_198, %get3A_199] {strides = array<i32>} : memref<8x64xf32, #tpu.memory_space<vmem>>, vector<16xf32>,
      %swap3A_201 = arith.constant 256 : index
      %swap3A_202 = tpu.vector_load %arg18[%swap3A_201] {strides = array<i32>} : memref<512xf32, #tpu.memory_space<vmem>>, vector<16xf32>,
      tpu.vector_store %arg18[%swap3A_201], %get3A_200 {strides = array<i32>} : memref<512xf32, #tpu.memory_space<vmem>>, vector<16xf32>,
      %get3A_203 = arith.constant 4 : i32
      %get3A_204 = arith.index_cast %get3A_203 : i32 to index
      %get3A_205 = arith.constant 16 : index
      %get3A_206 = tpu.vector_load %arg16[%get3A_204, %get3A_205] {strides = array<i32>} : memref<8x64xf32, #tpu.memory_space<vmem>>, vector<16xf32>,
      %swap3A_207 = arith.constant 272 : index
      %swap3A_208 = tpu.vector_load %arg18[%swap3A_207] {strides = array<i32>} : memref<512xf32, #tpu.memory_space<vmem>>, vector<16xf32>,
      tpu.vector_store %arg18[%swap3A_207], %get3A_206 {strides = array<i32>} : memref<512xf32, #tpu.memory_space<vmem>>, vector<16xf32>,
      %get3A_209 = arith.constant 4 : i32
      %get3A_210 = arith.index_cast %get3A_209 : i32 to index
      %get3A_211 = arith.constant 32 : index
      %get3A_212 = tpu.vector_load %arg16[%get3A_210, %get3A_211] {strides = array<i32>} : memref<8x64xf32, #tpu.memory_space<vmem>>, vector<16xf32>,
      %swap3A_213 = arith.constant 288 : index
      %swap3A_214 = tpu.vector_load %arg18[%swap3A_213] {strides = array<i32>} : memref<512xf32, #tpu.memory_space<vmem>>, vector<16xf32>,
      tpu.vector_store %arg18[%swap3A_213], %get3A_212 {strides = array<i32>} : memref<512xf32, #tpu.memory_space<vmem>>, vector<16xf32>,
      %get3A_215 = arith.constant 4 : i32
      %get3A_216 = arith.index_cast %get3A_215 : i32 to index
      %get3A_217 = arith.constant 48 : index
      %get3A_218 = tpu.vector_load %arg16[%get3A_216, %get3A_217] {strides = array<i32>} : memref<8x64xf32, #tpu.memory_space<vmem>>, vector<16xf32>,
      %swap3A_219 = arith.constant 304 : index
      %swap3A_220 = tpu.vector_load %arg18[%swap3A_219] {strides = array<i32>} : memref<512xf32, #tpu.memory_space<vmem>>, vector<16xf32>,
      tpu.vector_store %arg18[%swap3A_219], %get3A_218 {strides = array<i32>} : memref<512xf32, #tpu.memory_space<vmem>>, vector<16xf32>,
      %get3A_221 = arith.constant 5 : i32
      %get3A_222 = arith.index_cast %get3A_221 : i32 to index
      %get3A_223 = arith.constant 0 : index
      %get3A_224 = tpu.vector_load %arg16[%get3A_222, %get3A_223] {strides = array<i32>} : memref<8x64xf32, #tpu.memory_space<vmem>>, vector<16xf32>,
      %swap3A_225 = arith.constant 320 : index
      %swap3A_226 = tpu.vector_load %arg18[%swap3A_225] {strides = array<i32>} : memref<512xf32, #tpu.memory_space<vmem>>, vector<16xf32>,
      tpu.vector_store %arg18[%swap3A_225], %get3A_224 {strides = array<i32>} : memref<512xf32, #tpu.memory_space<vmem>>, vector<16xf32>,
      %get3A_227 = arith.constant 5 : i32
      %get3A_228 = arith.index_cast %get3A_227 : i32 to index
      %get3A_229 = arith.constant 16 : index
      %get3A_230 = tpu.vector_load %arg16[%get3A_228, %get3A_229] {strides = array<i32>} : memref<8x64xf32, #tpu.memory_space<vmem>>, vector<16xf32>,
      %swap3A_231 = arith.constant 336 : index
      %swap3A_232 = tpu.vector_load %arg18[%swap3A_231] {strides = array<i32>} : memref<512xf32, #tpu.memory_space<vmem>>, vector<16xf32>,
      tpu.vector_store %arg18[%swap3A_231], %get3A_230 {strides = array<i32>} : memref<512xf32, #tpu.memory_space<vmem>>, vector<16xf32>,
      %get3A_233 = arith.constant 5 : i32
      %get3A_234 = arith.index_cast %get3A_233 : i32 to index
      %get3A_235 = arith.constant 32 : index
      %get3A_236 = tpu.vector_load %arg16[%get3A_234, %get3A_235] {strides = array<i32>} : memref<8x64xf32, #tpu.memory_space<vmem>>, vector<16xf32>,
      %swap3A_237 = arith.constant 352 : index
      %swap3A_238 = tpu.vector_load %arg18[%swap3A_237] {strides = array<i32>} : memref<512xf32, #tpu.memory_space<vmem>>, vector<16xf32>,
      tpu.vector_store %arg18[%swap3A_237], %get3A_236 {strides = array<i32>} : memref<512xf32, #tpu.memory_space<vmem>>, vector<16xf32>,
      %get3A_239 = arith.constant 5 : i32
      %get3A_240 = arith.index_cast %get3A_239 : i32 to index
      %get3A_241 = arith.constant 48 : index
      %get3A_242 = tpu.vector_load %arg16[%get3A_240, %get3A_241] {strides = array<i32>} : memref<8x64xf32, #tpu.memory_space<vmem>>, vector<16xf32>,
      %swap3A_243 = arith.constant 368 : index
      %swap3A_244 = tpu.vector_load %arg18[%swap3A_243] {strides = array<i32>} : memref<512xf32, #tpu.memory_space<vmem>>, vector<16xf32>,
      tpu.vector_store %arg18[%swap3A_243], %get3A_242 {strides = array<i32>} : memref<512xf32, #tpu.memory_space<vmem>>, vector<16xf32>,
      %get3A_245 = arith.constant 6 : i32
      %get3A_246 = arith.index_cast %get3A_245 : i32 to index
      %get3A_247 = arith.constant 0 : index
      %get3A_248 = tpu.vector_load %arg16[%get3A_246, %get3A_247] {strides = array<i32>} : memref<8x64xf32, #tpu.memory_space<vmem>>, vector<16xf32>,
      %swap3A_249 = arith.constant 384 : index
      %swap3A_250 = tpu.vector_load %arg18[%swap3A_249] {strides = array<i32>} : memref<512xf32, #tpu.memory_space<vmem>>, vector<16xf32>,
      tpu.vector_store %arg18[%swap3A_249], %get3A_248 {strides = array<i32>} : memref<512xf32, #tpu.memory_space<vmem>>, vector<16xf32>,
      %get3A_251 = arith.constant 6 : i32
      %get3A_252 = arith.index_cast %get3A_251 : i32 to index
      %get3A_253 = arith.constant 16 : index
      %get3A_254 = tpu.vector_load %arg16[%get3A_252, %get3A_253] {strides = array<i32>} : memref<8x64xf32, #tpu.memory_space<vmem>>, vector<16xf32>,
      %swap3A_255 = arith.constant 400 : index
      %swap3A_256 = tpu.vector_load %arg18[%swap3A_255] {strides = array<i32>} : memref<512xf32, #tpu.memory_space<vmem>>, vector<16xf32>,
      tpu.vector_store %arg18[%swap3A_255], %get3A_254 {strides = array<i32>} : memref<512xf32, #tpu.memory_space<vmem>>, vector<16xf32>,
      %get3A_257 = arith.constant 6 : i32
      %get3A_258 = arith.index_cast %get3A_257 : i32 to index
      %get3A_259 = arith.constant 32 : index
      %get3A_260 = tpu.vector_load %arg16[%get3A_258, %get3A_259] {strides = array<i32>} : memref<8x64xf32, #tpu.memory_space<vmem>>, vector<16xf32>,
      %swap3A_261 = arith.constant 416 : index
      %swap3A_262 = tpu.vector_load %arg18[%swap3A_261] {strides = array<i32>} : memref<512xf32, #tpu.memory_space<vmem>>, vector<16xf32>,
      tpu.vector_store %arg18[%swap3A_261], %get3A_260 {strides = array<i32>} : memref<512xf32, #tpu.memory_space<vmem>>, vector<16xf32>,
      %get3A_263 = arith.constant 6 : i32
      %get3A_264 = arith.index_cast %get3A_263 : i32 to index
      %get3A_265 = arith.constant 48 : index
      %get3A_266 = tpu.vector_load %arg16[%get3A_264, %get3A_265] {strides = array<i32>} : memref<8x64xf32, #tpu.memory_space<vmem>>, vector<16xf32>,
      %swap3A_267 = arith.constant 432 : index
      %swap3A_268 = tpu.vector_load %arg18[%swap3A_267] {strides = array<i32>} : memref<512xf32, #tpu.memory_space<vmem>>, vector<16xf32>,
      tpu.vector_store %arg18[%swap3A_267], %get3A_266 {strides = array<i32>} : memref<512xf32, #tpu.memory_space<vmem>>, vector<16xf32>,
      %get3A_269 = arith.constant 7 : i32
      %get3A_270 = arith.index_cast %get3A_269 : i32 to index
      %get3A_271 = arith.constant 0 : index
      %get3A_272 = tpu.vector_load %arg16[%get3A_270, %get3A_271] {strides = array<i32>} : memref<8x64xf32, #tpu.memory_space<vmem>>, vector<16xf32>,
      %swap3A_273 = arith.constant 448 : index
      %swap3A_274 = tpu.vector_load %arg18[%swap3A_273] {strides = array<i32>} : memref<512xf32, #tpu.memory_space<vmem>>, vector<16xf32>,
      tpu.vector_store %arg18[%swap3A_273], %get3A_272 {strides = array<i32>} : memref<512xf32, #tpu.memory_space<vmem>>, vector<16xf32>,
      %get3A_275 = arith.constant 7 : i32
      %get3A_276 = arith.index_cast %get3A_275 : i32 to index
      %get3A_277 = arith.constant 16 : index
      %get3A_278 = tpu.vector_load %arg16[%get3A_276, %get3A_277] {strides = array<i32>} : memref<8x64xf32, #tpu.memory_space<vmem>>, vector<16xf32>,
      %swap3A_279 = arith.constant 464 : index
      %swap3A_280 = tpu.vector_load %arg18[%swap3A_279] {strides = array<i32>} : memref<512xf32, #tpu.memory_space<vmem>>, vector<16xf32>,
      tpu.vector_store %arg18[%swap3A_279], %get3A_278 {strides = array<i32>} : memref<512xf32, #tpu.memory_space<vmem>>, vector<16xf32>,
      %get3A_281 = arith.constant 7 : i32
      %get3A_282 = arith.index_cast %get3A_281 : i32 to index
      %get3A_283 = arith.constant 32 : index
      %get3A_284 = tpu.vector_load %arg16[%get3A_282, %get3A_283] {strides = array<i32>} : memref<8x64xf32, #tpu.memory_space<vmem>>, vector<16xf32>,
      %swap3A_285 = arith.constant 480 : index
      %swap3A_286 = tpu.vector_load %arg18[%swap3A_285] {strides = array<i32>} : memref<512xf32, #tpu.memory_space<vmem>>, vector<16xf32>,
      tpu.vector_store %arg18[%swap3A_285], %get3A_284 {strides = array<i32>} : memref<512xf32, #tpu.memory_space<vmem>>, vector<16xf32>,
      %get3A_287 = arith.constant 7 : i32
      %get3A_288 = arith.index_cast %get3A_287 : i32 to index
      %get3A_289 = arith.constant 48 : index
      %get3A_290 = tpu.vector_load %arg16[%get3A_288, %get3A_289] {strides = array<i32>} : memref<8x64xf32, #tpu.memory_space<vmem>>, vector<16xf32>,
      %swap3A_291 = arith.constant 496 : index
      %swap3A_292 = tpu.vector_load %arg18[%swap3A_291] {strides = array<i32>} : memref<512xf32, #tpu.memory_space<vmem>>, vector<16xf32>,
      tpu.vector_store %arg18[%swap3A_291], %get3A_290 {strides = array<i32>} : memref<512xf32, #tpu.memory_space<vmem>>, vector<16xf32>,
      %add3A_293 = arith.constant 0 : i32
      %add3A_294 = vector.broadcast %add3A_293 : i32 to vector<16xi32>
      %add3A_295 = arith.addi %add3A_60, %add3A_294 : vector<16xi32>
      %gather3A = tpu.vector_load_idx %arg18[%add3A_295] : memref<512xf32, #tpu.memory_space<vmem>>[vector<16xi32>], vector<16xf32>,
      %swap3A_296 = arith.constant 0 : index
      %swap3A_297 = tpu.vector_load %arg19[%swap3A_296] {strides = array<i32>} : memref<512xf32, #tpu.memory_space<vmem>>, vector<16xf32>,
      tpu.vector_store %arg19[%swap3A_296], %gather3A {strides = array<i32>} : memref<512xf32, #tpu.memory_space<vmem>>, vector<16xf32>,
      %add3A_298 = arith.constant 2 : i32
      %add3A_299 = vector.broadcast %add3A_298 : i32 to vector<16xi32>
      %add3A_300 = arith.addi %add3A_60, %add3A_299 : vector<16xi32>
      %gather3A_301 = tpu.vector_load_idx %arg18[%add3A_300] : memref<512xf32, #tpu.memory_space<vmem>>[vector<16xi32>], vector<16xf32>,
      %swap3A_302 = arith.constant 16 : index
      %swap3A_303 = tpu.vector_load %arg19[%swap3A_302] {strides = array<i32>} : memref<512xf32, #tpu.memory_space<vmem>>, vector<16xf32>,
      tpu.vector_store %arg19[%swap3A_302], %gather3A_301 {strides = array<i32>} : memref<512xf32, #tpu.memory_space<vmem>>, vector<16xf32>,
      %add3A_304 = arith.constant 4 : i32
      %add3A_305 = vector.broadcast %add3A_304 : i32 to vector<16xi32>
      %add3A_306 = arith.addi %add3A_60, %add3A_305 : vector<16xi32>
      %gather3A_307 = tpu.vector_load_idx %arg18[%add3A_306] : memref<512xf32, #tpu.memory_space<vmem>>[vector<16xi32>], vector<16xf32>,
      %swap3A_308 = arith.constant 32 : index
      %swap3A_309 = tpu.vector_load %arg19[%swap3A_308] {strides = array<i32>} : memref<512xf32, #tpu.memory_space<vmem>>, vector<16xf32>,
      tpu.vector_store %arg19[%swap3A_308], %gather3A_307 {strides = array<i32>} : memref<512xf32, #tpu.memory_space<vmem>>, vector<16xf32>,
      %add3A_310 = arith.constant 6 : i32
      %add3A_311 = vector.broadcast %add3A_310 : i32 to vector<16xi32>
      %add3A_312 = arith.addi %add3A_60, %add3A_311 : vector<16xi32>
      %gather3A_313 = tpu.vector_load_idx %arg18[%add3A_312] : memref<512xf32, #tpu.memory_space<vmem>>[vector<16xi32>], vector<16xf32>,
      %swap3A_314 = arith.constant 48 : index
      %swap3A_315 = tpu.vector_load %arg19[%swap3A_314] {strides = array<i32>} : memref<512xf32, #tpu.memory_space<vmem>>, vector<16xf32>,
      tpu.vector_store %arg19[%swap3A_314], %gather3A_313 {strides = array<i32>} : memref<512xf32, #tpu.memory_space<vmem>>, vector<16xf32>,
      %add3A_316 = arith.constant 8 : i32
      %add3A_317 = vector.broadcast %add3A_316 : i32 to vector<16xi32>
      %add3A_318 = arith.addi %add3A_60, %add3A_317 : vector<16xi32>
      %gather3A_319 = tpu.vector_load_idx %arg18[%add3A_318] : memref<512xf32, #tpu.memory_space<vmem>>[vector<16xi32>], vector<16xf32>,
      %swap3A_320 = arith.constant 64 : index
      %swap3A_321 = tpu.vector_load %arg19[%swap3A_320] {strides = array<i32>} : memref<512xf32, #tpu.memory_space<vmem>>, vector<16xf32>,
      tpu.vector_store %arg19[%swap3A_320], %gather3A_319 {strides = array<i32>} : memref<512xf32, #tpu.memory_space<vmem>>, vector<16xf32>,
      %add3A_322 = arith.constant 10 : i32
      %add3A_323 = vector.broadcast %add3A_322 : i32 to vector<16xi32>
      %add3A_324 = arith.addi %add3A_60, %add3A_323 : vector<16xi32>
      %gather3A_325 = tpu.vector_load_idx %arg18[%add3A_324] : memref<512xf32, #tpu.memory_space<vmem>>[vector<16xi32>], vector<16xf32>,
      %swap3A_326 = arith.constant 80 : index
      %swap3A_327 = tpu.vector_load %arg19[%swap3A_326] {strides = array<i32>} : memref<512xf32, #tpu.memory_space<vmem>>, vector<16xf32>,
      tpu.vector_store %arg19[%swap3A_326], %gather3A_325 {strides = array<i32>} : memref<512xf32, #tpu.memory_space<vmem>>, vector<16xf32>,
      %add3A_328 = arith.constant 12 : i32
      %add3A_329 = vector.broadcast %add3A_328 : i32 to vector<16xi32>
      %add3A_330 = arith.addi %add3A_60, %add3A_329 : vector<16xi32>
      %gather3A_331 = tpu.vector_load_idx %arg18[%add3A_330] : memref<512xf32, #tpu.memory_space<vmem>>[vector<16xi32>], vector<16xf32>,
      %swap3A_332 = arith.constant 96 : index
      %swap3A_333 = tpu.vector_load %arg19[%swap3A_332] {strides = array<i32>} : memref<512xf32, #tpu.memory_space<vmem>>, vector<16xf32>,
      tpu.vector_store %arg19[%swap3A_332], %gather3A_331 {strides = array<i32>} : memref<512xf32, #tpu.memory_space<vmem>>, vector<16xf32>,
      %add3A_334 = arith.constant 14 : i32
      %add3A_335 = vector.broadcast %add3A_334 : i32 to vector<16xi32>
      %add3A_336 = arith.addi %add3A_60, %add3A_335 : vector<16xi32>
      %gather3A_337 = tpu.vector_load_idx %arg18[%add3A_336] : memref<512xf32, #tpu.memory_space<vmem>>[vector<16xi32>], vector<16xf32>,
      %swap3A_338 = arith.constant 112 : index
      %swap3A_339 = tpu.vector_load %arg19[%swap3A_338] {strides = array<i32>} : memref<512xf32, #tpu.memory_space<vmem>>, vector<16xf32>,
      tpu.vector_store %arg19[%swap3A_338], %gather3A_337 {strides = array<i32>} : memref<512xf32, #tpu.memory_space<vmem>>, vector<16xf32>,
      %add3A_340 = arith.constant 16 : i32
      %add3A_341 = vector.broadcast %add3A_340 : i32 to vector<16xi32>
      %add3A_342 = arith.addi %add3A_60, %add3A_341 : vector<16xi32>
      %gather3A_343 = tpu.vector_load_idx %arg18[%add3A_342] : memref<512xf32, #tpu.memory_space<vmem>>[vector<16xi32>], vector<16xf32>,
      %swap3A_344 = arith.constant 128 : index
      %swap3A_345 = tpu.vector_load %arg19[%swap3A_344] {strides = array<i32>} : memref<512xf32, #tpu.memory_space<vmem>>, vector<16xf32>,
      tpu.vector_store %arg19[%swap3A_344], %gather3A_343 {strides = array<i32>} : memref<512xf32, #tpu.memory_space<vmem>>, vector<16xf32>,
      %add3A_346 = arith.constant 18 : i32
      %add3A_347 = vector.broadcast %add3A_346 : i32 to vector<16xi32>
      %add3A_348 = arith.addi %add3A_60, %add3A_347 : vector<16xi32>
      %gather3A_349 = tpu.vector_load_idx %arg18[%add3A_348] : memref<512xf32, #tpu.memory_space<vmem>>[vector<16xi32>], vector<16xf32>,
      %swap3A_350 = arith.constant 144 : index
      %swap3A_351 = tpu.vector_load %arg19[%swap3A_350] {strides = array<i32>} : memref<512xf32, #tpu.memory_space<vmem>>, vector<16xf32>,
      tpu.vector_store %arg19[%swap3A_350], %gather3A_349 {strides = array<i32>} : memref<512xf32, #tpu.memory_space<vmem>>, vector<16xf32>,
      %add3A_352 = arith.constant 20 : i32
      %add3A_353 = vector.broadcast %add3A_352 : i32 to vector<16xi32>
      %add3A_354 = arith.addi %add3A_60, %add3A_353 : vector<16xi32>
      %gather3A_355 = tpu.vector_load_idx %arg18[%add3A_354] : memref<512xf32, #tpu.memory_space<vmem>>[vector<16xi32>], vector<16xf32>,
      %swap3A_356 = arith.constant 160 : index
      %swap3A_357 = tpu.vector_load %arg19[%swap3A_356] {strides = array<i32>} : memref<512xf32, #tpu.memory_space<vmem>>, vector<16xf32>,
      tpu.vector_store %arg19[%swap3A_356], %gather3A_355 {strides = array<i32>} : memref<512xf32, #tpu.memory_space<vmem>>, vector<16xf32>,
      %add3A_358 = arith.constant 22 : i32
      %add3A_359 = vector.broadcast %add3A_358 : i32 to vector<16xi32>
      %add3A_360 = arith.addi %add3A_60, %add3A_359 : vector<16xi32>
      %gather3A_361 = tpu.vector_load_idx %arg18[%add3A_360] : memref<512xf32, #tpu.memory_space<vmem>>[vector<16xi32>], vector<16xf32>,
      %swap3A_362 = arith.constant 176 : index
      %swap3A_363 = tpu.vector_load %arg19[%swap3A_362] {strides = array<i32>} : memref<512xf32, #tpu.memory_space<vmem>>, vector<16xf32>,
      tpu.vector_store %arg19[%swap3A_362], %gather3A_361 {strides = array<i32>} : memref<512xf32, #tpu.memory_space<vmem>>, vector<16xf32>,
      %add3A_364 = arith.constant 24 : i32
      %add3A_365 = vector.broadcast %add3A_364 : i32 to vector<16xi32>
      %add3A_366 = arith.addi %add3A_60, %add3A_365 : vector<16xi32>
      %gather3A_367 = tpu.vector_load_idx %arg18[%add3A_366] : memref<512xf32, #tpu.memory_space<vmem>>[vector<16xi32>], vector<16xf32>,
      %swap3A_368 = arith.constant 192 : index
      %swap3A_369 = tpu.vector_load %arg19[%swap3A_368] {strides = array<i32>} : memref<512xf32, #tpu.memory_space<vmem>>, vector<16xf32>,
      tpu.vector_store %arg19[%swap3A_368], %gather3A_367 {strides = array<i32>} : memref<512xf32, #tpu.memory_space<vmem>>, vector<16xf32>,
      %add3A_370 = arith.constant 26 : i32
      %add3A_371 = vector.broadcast %add3A_370 : i32 to vector<16xi32>
      %add3A_372 = arith.addi %add3A_60, %add3A_371 : vector<16xi32>
      %gather3A_373 = tpu.vector_load_idx %arg18[%add3A_372] : memref<512xf32, #tpu.memory_space<vmem>>[vector<16xi32>], vector<16xf32>,
      %swap3A_374 = arith.constant 208 : index
      %swap3A_375 = tpu.vector_load %arg19[%swap3A_374] {strides = array<i32>} : memref<512xf32, #tpu.memory_space<vmem>>, vector<16xf32>,
      tpu.vector_store %arg19[%swap3A_374], %gather3A_373 {strides = array<i32>} : memref<512xf32, #tpu.memory_space<vmem>>, vector<16xf32>,
      %add3A_376 = arith.constant 28 : i32
      %add3A_377 = vector.broadcast %add3A_376 : i32 to vector<16xi32>
      %add3A_378 = arith.addi %add3A_60, %add3A_377 : vector<16xi32>
      %gather3A_379 = tpu.vector_load_idx %arg18[%add3A_378] : memref<512xf32, #tpu.memory_space<vmem>>[vector<16xi32>], vector<16xf32>,
      %swap3A_380 = arith.constant 224 : index
      %swap3A_381 = tpu.vector_load %arg19[%swap3A_380] {strides = array<i32>} : memref<512xf32, #tpu.memory_space<vmem>>, vector<16xf32>,
      tpu.vector_store %arg19[%swap3A_380], %gather3A_379 {strides = array<i32>} : memref<512xf32, #tpu.memory_space<vmem>>, vector<16xf32>,
      %add3A_382 = arith.constant 30 : i32
      %add3A_383 = vector.broadcast %add3A_382 : i32 to vector<16xi32>
      %add3A_384 = arith.addi %add3A_60, %add3A_383 : vector<16xi32>
      %gather3A_385 = tpu.vector_load_idx %arg18[%add3A_384] : memref<512xf32, #tpu.memory_space<vmem>>[vector<16xi32>], vector<16xf32>,
      %swap3A_386 = arith.constant 240 : index
      %swap3A_387 = tpu.vector_load %arg19[%swap3A_386] {strides = array<i32>} : memref<512xf32, #tpu.memory_space<vmem>>, vector<16xf32>,
      tpu.vector_store %arg19[%swap3A_386], %gather3A_385 {strides = array<i32>} : memref<512xf32, #tpu.memory_space<vmem>>, vector<16xf32>,
      %add3A_388 = arith.constant 32 : i32
      %add3A_389 = vector.broadcast %add3A_388 : i32 to vector<16xi32>
      %add3A_390 = arith.addi %add3A_60, %add3A_389 : vector<16xi32>
      %gather3A_391 = tpu.vector_load_idx %arg18[%add3A_390] : memref<512xf32, #tpu.memory_space<vmem>>[vector<16xi32>], vector<16xf32>,
      %swap3A_392 = arith.constant 256 : index
      %swap3A_393 = tpu.vector_load %arg19[%swap3A_392] {strides = array<i32>} : memref<512xf32, #tpu.memory_space<vmem>>, vector<16xf32>,
      tpu.vector_store %arg19[%swap3A_392], %gather3A_391 {strides = array<i32>} : memref<512xf32, #tpu.memory_space<vmem>>, vector<16xf32>,
      %add3A_394 = arith.constant 34 : i32
      %add3A_395 = vector.broadcast %add3A_394 : i32 to vector<16xi32>
      %add3A_396 = arith.addi %add3A_60, %add3A_395 : vector<16xi32>
      %gather3A_397 = tpu.vector_load_idx %arg18[%add3A_396] : memref<512xf32, #tpu.memory_space<vmem>>[vector<16xi32>], vector<16xf32>,
      %swap3A_398 = arith.constant 272 : index
      %swap3A_399 = tpu.vector_load %arg19[%swap3A_398] {strides = array<i32>} : memref<512xf32, #tpu.memory_space<vmem>>, vector<16xf32>,
      tpu.vector_store %arg19[%swap3A_398], %gather3A_397 {strides = array<i32>} : memref<512xf32, #tpu.memory_space<vmem>>, vector<16xf32>,
      %add3A_400 = arith.constant 36 : i32
      %add3A_401 = vector.broadcast %add3A_400 : i32 to vector<16xi32>
      %add3A_402 = arith.addi %add3A_60, %add3A_401 : vector<16xi32>
      %gather3A_403 = tpu.vector_load_idx %arg18[%add3A_402] : memref<512xf32, #tpu.memory_space<vmem>>[vector<16xi32>], vector<16xf32>,
      %swap3A_404 = arith.constant 288 : index
      %swap3A_405 = tpu.vector_load %arg19[%swap3A_404] {strides = array<i32>} : memref<512xf32, #tpu.memory_space<vmem>>, vector<16xf32>,
      tpu.vector_store %arg19[%swap3A_404], %gather3A_403 {strides = array<i32>} : memref<512xf32, #tpu.memory_space<vmem>>, vector<16xf32>,
      %add3A_406 = arith.constant 38 : i32
      %add3A_407 = vector.broadcast %add3A_406 : i32 to vector<16xi32>
      %add3A_408 = arith.addi %add3A_60, %add3A_407 : vector<16xi32>
      %gather3A_409 = tpu.vector_load_idx %arg18[%add3A_408] : memref<512xf32, #tpu.memory_space<vmem>>[vector<16xi32>], vector<16xf32>,
      %swap3A_410 = arith.constant 304 : index
      %swap3A_411 = tpu.vector_load %arg19[%swap3A_410] {strides = array<i32>} : memref<512xf32, #tpu.memory_space<vmem>>, vector<16xf32>,
      tpu.vector_store %arg19[%swap3A_410], %gather3A_409 {strides = array<i32>} : memref<512xf32, #tpu.memory_space<vmem>>, vector<16xf32>,
      %add3A_412 = arith.constant 40 : i32
      %add3A_413 = vector.broadcast %add3A_412 : i32 to vector<16xi32>
      %add3A_414 = arith.addi %add3A_60, %add3A_413 : vector<16xi32>
      %gather3A_415 = tpu.vector_load_idx %arg18[%add3A_414] : memref<512xf32, #tpu.memory_space<vmem>>[vector<16xi32>], vector<16xf32>,
      %swap3A_416 = arith.constant 320 : index
      %swap3A_417 = tpu.vector_load %arg19[%swap3A_416] {strides = array<i32>} : memref<512xf32, #tpu.memory_space<vmem>>, vector<16xf32>,
      tpu.vector_store %arg19[%swap3A_416], %gather3A_415 {strides = array<i32>} : memref<512xf32, #tpu.memory_space<vmem>>, vector<16xf32>,
      %add3A_418 = arith.constant 42 : i32
      %add3A_419 = vector.broadcast %add3A_418 : i32 to vector<16xi32>
      %add3A_420 = arith.addi %add3A_60, %add3A_419 : vector<16xi32>
      %gather3A_421 = tpu.vector_load_idx %arg18[%add3A_420] : memref<512xf32, #tpu.memory_space<vmem>>[vector<16xi32>], vector<16xf32>,
      %swap3A_422 = arith.constant 336 : index
      %swap3A_423 = tpu.vector_load %arg19[%swap3A_422] {strides = array<i32>} : memref<512xf32, #tpu.memory_space<vmem>>, vector<16xf32>,
      tpu.vector_store %arg19[%swap3A_422], %gather3A_421 {strides = array<i32>} : memref<512xf32, #tpu.memory_space<vmem>>, vector<16xf32>,
      %add3A_424 = arith.constant 44 : i32
      %add3A_425 = vector.broadcast %add3A_424 : i32 to vector<16xi32>
      %add3A_426 = arith.addi %add3A_60, %add3A_425 : vector<16xi32>
      %gather3A_427 = tpu.vector_load_idx %arg18[%add3A_426] : memref<512xf32, #tpu.memory_space<vmem>>[vector<16xi32>], vector<16xf32>,
      %swap3A_428 = arith.constant 352 : index
      %swap3A_429 = tpu.vector_load %arg19[%swap3A_428] {strides = array<i32>} : memref<512xf32, #tpu.memory_space<vmem>>, vector<16xf32>,
      tpu.vector_store %arg19[%swap3A_428], %gather3A_427 {strides = array<i32>} : memref<512xf32, #tpu.memory_space<vmem>>, vector<16xf32>,
      %add3A_430 = arith.constant 46 : i32
      %add3A_431 = vector.broadcast %add3A_430 : i32 to vector<16xi32>
      %add3A_432 = arith.addi %add3A_60, %add3A_431 : vector<16xi32>
      %gather3A_433 = tpu.vector_load_idx %arg18[%add3A_432] : memref<512xf32, #tpu.memory_space<vmem>>[vector<16xi32>], vector<16xf32>,
      %swap3A_434 = arith.constant 368 : index
      %swap3A_435 = tpu.vector_load %arg19[%swap3A_434] {strides = array<i32>} : memref<512xf32, #tpu.memory_space<vmem>>, vector<16xf32>,
      tpu.vector_store %arg19[%swap3A_434], %gather3A_433 {strides = array<i32>} : memref<512xf32, #tpu.memory_space<vmem>>, vector<16xf32>,
      %add3A_436 = arith.constant 48 : i32
      %add3A_437 = vector.broadcast %add3A_436 : i32 to vector<16xi32>
      %add3A_438 = arith.addi %add3A_60, %add3A_437 : vector<16xi32>
      %gather3A_439 = tpu.vector_load_idx %arg18[%add3A_438] : memref<512xf32, #tpu.memory_space<vmem>>[vector<16xi32>], vector<16xf32>,
      %swap3A_440 = arith.constant 384 : index
      %swap3A_441 = tpu.vector_load %arg19[%swap3A_440] {strides = array<i32>} : memref<512xf32, #tpu.memory_space<vmem>>, vector<16xf32>,
      tpu.vector_store %arg19[%swap3A_440], %gather3A_439 {strides = array<i32>} : memref<512xf32, #tpu.memory_space<vmem>>, vector<16xf32>,
      %add3A_442 = arith.constant 50 : i32
      %add3A_443 = vector.broadcast %add3A_442 : i32 to vector<16xi32>
      %add3A_444 = arith.addi %add3A_60, %add3A_443 : vector<16xi32>
      %gather3A_445 = tpu.vector_load_idx %arg18[%add3A_444] : memref<512xf32, #tpu.memory_space<vmem>>[vector<16xi32>], vector<16xf32>,
      %swap3A_446 = arith.constant 400 : index
      %swap3A_447 = tpu.vector_load %arg19[%swap3A_446] {strides = array<i32>} : memref<512xf32, #tpu.memory_space<vmem>>, vector<16xf32>,
      tpu.vector_store %arg19[%swap3A_446], %gather3A_445 {strides = array<i32>} : memref<512xf32, #tpu.memory_space<vmem>>, vector<16xf32>,
      %add3A_448 = arith.constant 52 : i32
      %add3A_449 = vector.broadcast %add3A_448 : i32 to vector<16xi32>
      %add3A_450 = arith.addi %add3A_60, %add3A_449 : vector<16xi32>
      %gather3A_451 = tpu.vector_load_idx %arg18[%add3A_450] : memref<512xf32, #tpu.memory_space<vmem>>[vector<16xi32>], vector<16xf32>,
      %swap3A_452 = arith.constant 416 : index
      %swap3A_453 = tpu.vector_load %arg19[%swap3A_452] {strides = array<i32>} : memref<512xf32, #tpu.memory_space<vmem>>, vector<16xf32>,
      tpu.vector_store %arg19[%swap3A_452], %gather3A_451 {strides = array<i32>} : memref<512xf32, #tpu.memory_space<vmem>>, vector<16xf32>,
      %add3A_454 = arith.constant 54 : i32
      %add3A_455 = vector.broadcast %add3A_454 : i32 to vector<16xi32>
      %add3A_456 = arith.addi %add3A_60, %add3A_455 : vector<16xi32>
      %gather3A_457 = tpu.vector_load_idx %arg18[%add3A_456] : memref<512xf32, #tpu.memory_space<vmem>>[vector<16xi32>], vector<16xf32>,
      %swap3A_458 = arith.constant 432 : index
      %swap3A_459 = tpu.vector_load %arg19[%swap3A_458] {strides = array<i32>} : memref<512xf32, #tpu.memory_space<vmem>>, vector<16xf32>,
      tpu.vector_store %arg19[%swap3A_458], %gather3A_457 {strides = array<i32>} : memref<512xf32, #tpu.memory_space<vmem>>, vector<16xf32>,
      %add3A_460 = arith.constant 56 : i32
      %add3A_461 = vector.broadcast %add3A_460 : i32 to vector<16xi32>
      %add3A_462 = arith.addi %add3A_60, %add3A_461 : vector<16xi32>
      %gather3A_463 = tpu.vector_load_idx %arg18[%add3A_462] : memref<512xf32, #tpu.memory_space<vmem>>[vector<16xi32>], vector<16xf32>,
      %swap3A_464 = arith.constant 448 : index
      %swap3A_465 = tpu.vector_load %arg19[%swap3A_464] {strides = array<i32>} : memref<512xf32, #tpu.memory_space<vmem>>, vector<16xf32>,
      tpu.vector_store %arg19[%swap3A_464], %gather3A_463 {strides = array<i32>} : memref<512xf32, #tpu.memory_space<vmem>>, vector<16xf32>,
      %add3A_466 = arith.constant 58 : i32
      %add3A_467 = vector.broadcast %add3A_466 : i32 to vector<16xi32>
      %add3A_468 = arith.addi %add3A_60, %add3A_467 : vector<16xi32>
      %gather3A_469 = tpu.vector_load_idx %arg18[%add3A_468] : memref<512xf32, #tpu.memory_space<vmem>>[vector<16xi32>], vector<16xf32>,
      %swap3A_470 = arith.constant 464 : index
      %swap3A_471 = tpu.vector_load %arg19[%swap3A_470] {strides = array<i32>} : memref<512xf32, #tpu.memory_space<vmem>>, vector<16xf32>,
      tpu.vector_store %arg19[%swap3A_470], %gather3A_469 {strides = array<i32>} : memref<512xf32, #tpu.memory_space<vmem>>, vector<16xf32>,
      %add3A_472 = arith.constant 60 : i32
      %add3A_473 = vector.broadcast %add3A_472 : i32 to vector<16xi32>
      %add3A_474 = arith.addi %add3A_60, %add3A_473 : vector<16xi32>
      %gather3A_475 = tpu.vector_load_idx %arg18[%add3A_474] : memref<512xf32, #tpu.memory_space<vmem>>[vector<16xi32>], vector<16xf32>,
      %swap3A_476 = arith.constant 480 : index
      %swap3A_477 = tpu.vector_load %arg19[%swap3A_476] {strides = array<i32>} : memref<512xf32, #tpu.memory_space<vmem>>, vector<16xf32>,
      tpu.vector_store %arg19[%swap3A_476], %gather3A_475 {strides = array<i32>} : memref<512xf32, #tpu.memory_space<vmem>>, vector<16xf32>,
      %add3A_478 = arith.constant 62 : i32
      %add3A_479 = vector.broadcast %add3A_478 : i32 to vector<16xi32>
      %add3A_480 = arith.addi %add3A_60, %add3A_479 : vector<16xi32>
      %gather3A_481 = tpu.vector_load_idx %arg18[%add3A_480] : memref<512xf32, #tpu.memory_space<vmem>>[vector<16xi32>], vector<16xf32>,
      %swap3A_482 = arith.constant 496 : index
      %swap3A_483 = tpu.vector_load %arg19[%swap3A_482] {strides = array<i32>} : memref<512xf32, #tpu.memory_space<vmem>>, vector<16xf32>,
      tpu.vector_store %arg19[%swap3A_482], %gather3A_481 {strides = array<i32>} : memref<512xf32, #tpu.memory_space<vmem>>, vector<16xf32>,
      %mul3A_484 = arith.constant 1024 : i32
      %mul3A_485 = arith.muli %scan3A_68, %mul3A_484 : i32
      %add3A_486 = arith.addi %mul3A_485, %mul3A_94 : i32
      %mul3A_487 = arith.constant 8 : i32
      %mul3A_488 = arith.muli %add3A_486, %mul3A_487 : i32
      "tpu.region"() ({
        %run_scoped3A_491 = tpu.sem_alloc : memref<!tpu.dma_semaphore, #tpu.memory_space<semaphore_mem>>
        %dma_start3A = tpu.memref_slice %arg4[%arg0, %mul3A_488] : memref<2x81920xf32, #tpu.memory_space<hbm>> -> memref<1x512xf32, #tpu.memory_space<hbm>>
        %dma_start3A_492 = tpu.memref_squeeze %dma_start3A : memref<1x512xf32, #tpu.memory_space<hbm>> -> memref<512xf32, #tpu.memory_space<hbm>>
        %dma_start3A_493 = tpu.memref_slice %arg4[%arg0, %mul3A_488] : memref<2x81920xf32, #tpu.memory_space<hbm>> -> memref<1x512xf32, #tpu.memory_space<hbm>>
        %dma_start3A_494 = tpu.memref_squeeze %dma_start3A_493 : memref<1x512xf32, #tpu.memory_space<hbm>> -> memref<512xf32, #tpu.memory_space<hbm>>
        tpu.enqueue_dma source(%arg19 : memref<512xf32, #tpu.memory_space<vmem>>) target(%dma_start3A_494 : memref<512xf32, #tpu.memory_space<hbm>>) target_semaphore(%run_scoped3A_491 : memref<!tpu.dma_semaphore, #tpu.memory_space<semaphore_mem>>)
        %dma_wait3A = tpu.memref_slice %arg4[%arg0, %mul3A_488] : memref<2x81920xf32, #tpu.memory_space<hbm>> -> memref<1x512xf32, #tpu.memory_space<hbm>>
        %dma_wait3A_495 = tpu.memref_squeeze %dma_wait3A : memref<1x512xf32, #tpu.memory_space<hbm>> -> memref<512xf32, #tpu.memory_space<hbm>>
        %dma_wait3A_496 = tpu.memref_slice %arg4[%arg0, %mul3A_488] : memref<2x81920xf32, #tpu.memory_space<hbm>> -> memref<1x512xf32, #tpu.memory_space<hbm>>
        %dma_wait3A_497 = tpu.memref_squeeze %dma_wait3A_496 : memref<1x512xf32, #tpu.memory_space<hbm>> -> memref<512xf32, #tpu.memory_space<hbm>>
        tpu.wait_dma2 semaphore(%run_scoped3A_491 : memref<!tpu.dma_semaphore, #tpu.memory_space<semaphore_mem>>) src(%arg19 : memref<512xf32, #tpu.memory_space<vmem>>) dst(%dma_wait3A_497 : memref<512xf32, #tpu.memory_space<hbm>>)
        tpu.yield
      }) : () -> ()
      %barrier3A_489 = arith.constant 0 : index
      tpu.barrier barrier_id(%barrier3A_489)
      %scan3A_490 = arith.constant 0 : i32
      scf.yield %scan3A_490 : i32
    }
    %scan3A_67 = arith.constant 10 : i32
    return
  }
}

module attributes {stable_mosaic.version = 14 : i64} {
  func.func @_k1_body(%arg0: i32, %arg1: memref<2000x128xf32, #tpu.memory_space<vmem>>, %arg2: memref<128x16xf32, #tpu.memory_space<vmem>>, %arg3: memref<1x16xf32, #tpu.memory_space<vmem>>, %arg4: memref<2000x16xf32, #tpu.memory_space<vmem>>) attributes {dimension_semantics = [#tpu.dimension_semantics<arbitrary>], iteration_bounds = array<i64: 5>, scalar_prefetch = 0 : i64, scratch_operands = 0 : i64, tpu.core_type = #tpu.core_type<tc>, window_params = [{transform_indices = @transform_0, window_bounds = array<i64: 2000, 128>}, {pipeline_mode = #tpu.pipeline_mode<synchronous>, transform_indices = @transform_1, window_bounds = array<i64: 128, 16>}, {pipeline_mode = #tpu.pipeline_mode<synchronous>, transform_indices = @transform_2, window_bounds = array<i64: 1, 16>}, {transform_indices = @transform_3, window_bounds = array<i64: 2000, 16>}]} {
    %get3A = arith.constant 0 : index
    %get3A_0 = arith.constant 0 : index
    %get3A_1 = vector.load %arg1[%get3A, %get3A_0] : memref<2000x128xf32, #tpu.memory_space<vmem>>, vector<2000x128xf32>
    %get3A_2 = arith.constant 0 : index
    %get3A_3 = arith.constant 0 : index
    %get3A_4 = vector.load %arg2[%get3A_2, %get3A_3] : memref<128x16xf32, #tpu.memory_space<vmem>>, vector<128x16xf32>
    %dot_general3A = arith.constant dense<0.000000e+00> : vector<2000x16xf32>
    %dot_general3A_5 = tpu.matmul %get3A_1, %get3A_4, %dot_general3A {dimension_numbers = #tpu.dot_dimension_numbers<[1], [0], [0], [1], [0, 0, 1, 1], [], []>, transpose_lhs_hint = false} : vector<2000x128xf32>, vector<128x16xf32>, vector<2000x16xf32> -> vector<2000x16xf32>
    %get3A_6 = arith.constant 0 : index
    %get3A_7 = arith.constant 0 : index
    %get3A_8 = vector.load %arg3[%get3A_6, %get3A_7] : memref<1x16xf32, #tpu.memory_space<vmem>>, vector<1x16xf32>
    %add3A = vector.broadcast %get3A_8 : vector<1x16xf32> to vector<2000x16xf32>
    %add3A_9 = arith.addf %dot_general3A_5, %add3A : vector<2000x16xf32>
    %swap3A = arith.constant 0 : index
    %swap3A_10 = arith.constant 0 : index
    %swap3A_11 = vector.load %arg4[%swap3A, %swap3A_10] : memref<2000x16xf32, #tpu.memory_space<vmem>>, vector<2000x16xf32>
    tpu.vector_store %arg4[%swap3A, %swap3A_10], %add3A_9 {strides = array<i32>} : memref<2000x16xf32, #tpu.memory_space<vmem>>, vector<2000x16xf32>,
    return
  }
  func.func @transform_0(%arg0: i32) -> (i32, i32) {
    %c0_i32 = arith.constant 0 : i32
    %c0_i32_0 = arith.constant 0 : i32
    return %arg0, %c0_i32 : i32, i32
  }
  func.func @transform_1(%arg0: i32) -> (i32, i32) {
    %c0_i32 = arith.constant 0 : i32
    %c0_i32_0 = arith.constant 0 : i32
    %c0_i32_1 = arith.constant 0 : i32
    return %c0_i32, %c0_i32_0 : i32, i32
  }
  func.func @transform_2(%arg0: i32) -> (i32, i32) {
    %c0_i32 = arith.constant 0 : i32
    %c0_i32_0 = arith.constant 0 : i32
    %c0_i32_1 = arith.constant 0 : i32
    return %c0_i32, %c0_i32_0 : i32, i32
  }
  func.func @transform_3(%arg0: i32) -> (i32, i32) {
    %c0_i32 = arith.constant 0 : i32
    %c0_i32_0 = arith.constant 0 : i32
    return %arg0, %c0_i32 : i32, i32
  }
}

module attributes {stable_mosaic.version = 14 : i64} {
  func.func @_k2_body(%arg0: i32, %arg1: memref<4000x128xf32, #tpu.memory_space<vmem>>, %arg2: memref<4000x32xf32, #tpu.memory_space<vmem>>, %arg3: memref<32x128xf32, #tpu.memory_space<vmem>>, %arg4: memref<1x128xf32, #tpu.memory_space<vmem>>, %arg5: memref<128x128xf32, #tpu.memory_space<vmem>>, %arg6: memref<1x128xf32, #tpu.memory_space<vmem>>, %arg7: memref<4000x128xf32, #tpu.memory_space<vmem>>) attributes {dimension_semantics = [#tpu.dimension_semantics<arbitrary>], iteration_bounds = array<i64: 10>, scalar_prefetch = 0 : i64, scratch_operands = 0 : i64, tpu.core_type = #tpu.core_type<tc>, window_params = [{transform_indices = @transform_0, window_bounds = array<i64: 4000, 128>}, {transform_indices = @transform_1, window_bounds = array<i64: 4000, 32>}, {pipeline_mode = #tpu.pipeline_mode<synchronous>, transform_indices = @transform_2, window_bounds = array<i64: 32, 128>}, {pipeline_mode = #tpu.pipeline_mode<synchronous>, transform_indices = @transform_3, window_bounds = array<i64: 1, 128>}, {pipeline_mode = #tpu.pipeline_mode<synchronous>, transform_indices = @transform_4, window_bounds = array<i64: 128, 128>}, {pipeline_mode = #tpu.pipeline_mode<synchronous>, transform_indices = @transform_5, window_bounds = array<i64: 1, 128>}, {transform_indices = @transform_6, window_bounds = array<i64: 4000, 128>}]} {
    %get3A = arith.constant 0 : index
    %get3A_0 = arith.constant 0 : index
    %get3A_1 = vector.load %arg1[%get3A, %get3A_0] : memref<4000x128xf32, #tpu.memory_space<vmem>>, vector<4000x128xf32>
    %get3A_2 = arith.constant 0 : index
    %get3A_3 = arith.constant 0 : index
    %get3A_4 = vector.load %arg2[%get3A_2, %get3A_3] : memref<4000x32xf32, #tpu.memory_space<vmem>>, vector<4000x32xf32>
    %get3A_5 = arith.constant 0 : index
    %get3A_6 = arith.constant 0 : index
    %get3A_7 = vector.load %arg3[%get3A_5, %get3A_6] : memref<32x128xf32, #tpu.memory_space<vmem>>, vector<32x128xf32>
    %dot_general3A = arith.constant dense<0.000000e+00> : vector<4000x128xf32>
    %dot_general3A_8 = tpu.matmul %get3A_4, %get3A_7, %dot_general3A {dimension_numbers = #tpu.dot_dimension_numbers<[1], [0], [0], [1], [0, 0, 1, 1], [], []>, transpose_lhs_hint = false} : vector<4000x32xf32>, vector<32x128xf32>, vector<4000x128xf32> -> vector<4000x128xf32>
    %add3A = arith.addf %get3A_1, %dot_general3A_8 : vector<4000x128xf32>
    %get3A_9 = arith.constant 0 : index
    %get3A_10 = arith.constant 0 : index
    %get3A_11 = vector.load %arg4[%get3A_9, %get3A_10] : memref<1x128xf32, #tpu.memory_space<vmem>>, vector<1x128xf32>
    %add3A_12 = vector.broadcast %get3A_11 : vector<1x128xf32> to vector<4000x128xf32>
    %add3A_13 = arith.addf %add3A, %add3A_12 : vector<4000x128xf32>
    %max3A = arith.constant 0.000000e+00 : f32
    %max3A_14 = vector.broadcast %max3A : f32 to vector<4000x128xf32>
    %max3A_15 = arith.maximumf %add3A_13, %max3A_14 : vector<4000x128xf32>
    %get3A_16 = arith.constant 0 : index
    %get3A_17 = arith.constant 0 : index
    %get3A_18 = vector.load %arg5[%get3A_16, %get3A_17] : memref<128x128xf32, #tpu.memory_space<vmem>>, vector<128x128xf32>
    %dot_general3A_19 = arith.constant dense<0.000000e+00> : vector<4000x128xf32>
    %dot_general3A_20 = tpu.matmul %max3A_15, %get3A_18, %dot_general3A_19 {dimension_numbers = #tpu.dot_dimension_numbers<[1], [0], [0], [1], [0, 0, 1, 1], [], []>, transpose_lhs_hint = false} : vector<4000x128xf32>, vector<128x128xf32>, vector<4000x128xf32> -> vector<4000x128xf32>
    %get3A_21 = arith.constant 0 : index
    %get3A_22 = arith.constant 0 : index
    %get3A_23 = vector.load %arg6[%get3A_21, %get3A_22] : memref<1x128xf32, #tpu.memory_space<vmem>>, vector<1x128xf32>
    %add3A_24 = vector.broadcast %get3A_23 : vector<1x128xf32> to vector<4000x128xf32>
    %add3A_25 = arith.addf %dot_general3A_20, %add3A_24 : vector<4000x128xf32>
    %swap3A = arith.constant 0 : index
    %swap3A_26 = arith.constant 0 : index
    %swap3A_27 = vector.load %arg7[%swap3A, %swap3A_26] : memref<4000x128xf32, #tpu.memory_space<vmem>>, vector<4000x128xf32>
    tpu.vector_store %arg7[%swap3A, %swap3A_26], %add3A_25 {strides = array<i32>} : memref<4000x128xf32, #tpu.memory_space<vmem>>, vector<4000x128xf32>,
    return
  }
  func.func @transform_0(%arg0: i32) -> (i32, i32) {
    %c0_i32 = arith.constant 0 : i32
    %c0_i32_0 = arith.constant 0 : i32
    return %arg0, %c0_i32 : i32, i32
  }
  func.func @transform_1(%arg0: i32) -> (i32, i32) {
    %c0_i32 = arith.constant 0 : i32
    %c0_i32_0 = arith.constant 0 : i32
    return %arg0, %c0_i32 : i32, i32
  }
  func.func @transform_2(%arg0: i32) -> (i32, i32) {
    %c0_i32 = arith.constant 0 : i32
    %c0_i32_0 = arith.constant 0 : i32
    %c0_i32_1 = arith.constant 0 : i32
    return %c0_i32, %c0_i32_0 : i32, i32
  }
  func.func @transform_3(%arg0: i32) -> (i32, i32) {
    %c0_i32 = arith.constant 0 : i32
    %c0_i32_0 = arith.constant 0 : i32
    %c0_i32_1 = arith.constant 0 : i32
    return %c0_i32, %c0_i32_0 : i32, i32
  }
  func.func @transform_4(%arg0: i32) -> (i32, i32) {
    %c0_i32 = arith.constant 0 : i32
    %c0_i32_0 = arith.constant 0 : i32
    %c0_i32_1 = arith.constant 0 : i32
    return %c0_i32, %c0_i32_0 : i32, i32
  }
  func.func @transform_5(%arg0: i32) -> (i32, i32) {
    %c0_i32 = arith.constant 0 : i32
    %c0_i32_0 = arith.constant 0 : i32
    %c0_i32_1 = arith.constant 0 : i32
    return %c0_i32, %c0_i32_0 : i32, i32
  }
  func.func @transform_6(%arg0: i32) -> (i32, i32) {
    %c0_i32 = arith.constant 0 : i32
    %c0_i32_0 = arith.constant 0 : i32
    return %arg0, %c0_i32 : i32, i32
  }
}

module attributes {stable_mosaic.version = 14 : i64} {
  func.func @_k3_body(%arg0: i32, %arg1: memref<2x2000x8xf32, #tpu.memory_space<vmem>>, %arg2: memref<16x16xf32, #tpu.memory_space<vmem>>, %arg3: memref<1x16xf32, #tpu.memory_space<vmem>>, %arg4: memref<16x16xf32, #tpu.memory_space<vmem>>, %arg5: memref<1x16xf32, #tpu.memory_space<vmem>>, %arg6: memref<2000x16xf32, #tpu.memory_space<vmem>>) attributes {dimension_semantics = [#tpu.dimension_semantics<arbitrary>], iteration_bounds = array<i64: 5>, scalar_prefetch = 0 : i64, scratch_operands = 0 : i64, tpu.core_type = #tpu.core_type<tc>, window_params = [{transform_indices = @transform_0, window_bounds = array<i64: 2, 2000, 8>}, {pipeline_mode = #tpu.pipeline_mode<synchronous>, transform_indices = @transform_1, window_bounds = array<i64: 16, 16>}, {pipeline_mode = #tpu.pipeline_mode<synchronous>, transform_indices = @transform_2, window_bounds = array<i64: 1, 16>}, {pipeline_mode = #tpu.pipeline_mode<synchronous>, transform_indices = @transform_3, window_bounds = array<i64: 16, 16>}, {pipeline_mode = #tpu.pipeline_mode<synchronous>, transform_indices = @transform_4, window_bounds = array<i64: 1, 16>}, {transform_indices = @transform_5, window_bounds = array<i64: 2000, 16>}]} {
    %get3A = arith.constant 0 : index
    %get3A_0 = arith.constant 0 : index
    %get3A_1 = arith.constant 0 : index
    %get3A_2 = vector.load %arg1[%get3A, %get3A_0, %get3A_1] : memref<2x2000x8xf32, #tpu.memory_space<vmem>>, vector<2x2000x8xf32>
    %slice3A = vector.extract_strided_slice %get3A_2 {offsets = [0, 0, 0], sizes = [1, 2000, 8], strides = [1, 1, 1]} : vector<2x2000x8xf32> to vector<1x2000x8xf32>
    %squeeze3A = vector.shape_cast %slice3A : vector<1x2000x8xf32> to vector<2000x8xf32>
    %slice3A_3 = vector.extract_strided_slice %get3A_2 {offsets = [1, 0, 0], sizes = [1, 2000, 8], strides = [1, 1, 1]} : vector<2x2000x8xf32> to vector<1x2000x8xf32>
    %squeeze3A_4 = vector.shape_cast %slice3A_3 : vector<1x2000x8xf32> to vector<2000x8xf32>
    %concatenate3A = tpu.concatenate %squeeze3A, %squeeze3A_4 in 1 : vector<2000x8xf32>, vector<2000x8xf32> -> vector<2000x16xf32>
    %is_finite3A = tpu.weird %concatenate3A : vector<2000x16xf32> -> vector<2000x16xi1>
    %is_finite3A_5 = arith.constant dense<true> : vector<2000x16xi1>
    %is_finite3A_6 = arith.xori %is_finite3A, %is_finite3A_5 : vector<2000x16xi1>
    %jit3A = arith.constant 0.000000e+00 : f32
    %broadcast_in_dim3A = vector.broadcast %jit3A : f32 to vector<2000x16xf32>
    %select_n3A = arith.select %is_finite3A_6, %concatenate3A, %broadcast_in_dim3A : vector<2000x16xi1>, vector<2000x16xf32>
    %get3A_7 = arith.constant 0 : index
    %get3A_8 = arith.constant 0 : index
    %get3A_9 = vector.load %arg2[%get3A_7, %get3A_8] : memref<16x16xf32, #tpu.memory_space<vmem>>, vector<16x16xf32>
    %dot_general3A = arith.constant dense<0.000000e+00> : vector<2000x16xf32>
    %dot_general3A_10 = tpu.matmul %select_n3A, %get3A_9, %dot_general3A {dimension_numbers = #tpu.dot_dimension_numbers<[1], [0], [0], [1], [0, 0, 1, 1], [], []>, transpose_lhs_hint = false} : vector<2000x16xf32>, vector<16x16xf32>, vector<2000x16xf32> -> vector<2000x16xf32>
    %get3A_11 = arith.constant 0 : index
    %get3A_12 = arith.constant 0 : index
    %get3A_13 = vector.load %arg3[%get3A_11, %get3A_12] : memref<1x16xf32, #tpu.memory_space<vmem>>, vector<1x16xf32>
    %add3A = vector.broadcast %get3A_13 : vector<1x16xf32> to vector<2000x16xf32>
    %add3A_14 = arith.addf %dot_general3A_10, %add3A : vector<2000x16xf32>
    %gt3A = arith.constant 0.000000e+00 : f32
    %gt3A_15 = vector.broadcast %gt3A : f32 to vector<2000x16xf32>
    %gt3A_16 = arith.cmpf ogt, %add3A_14, %gt3A_15 : vector<2000x16xf32>
    %min3A = arith.constant 0.000000e+00 : f32
    %min3A_17 = vector.broadcast %min3A : f32 to vector<2000x16xf32>
    %min3A_18 = arith.minimumf %add3A_14, %min3A_17 : vector<2000x16xf32>
    %exp3A = math.exp %min3A_18 : vector<2000x16xf32>
    %sub3A = arith.constant 1.000000e+00 : f32
    %sub3A_19 = vector.broadcast %sub3A : f32 to vector<2000x16xf32>
    %sub3A_20 = arith.subf %exp3A, %sub3A_19 : vector<2000x16xf32>
    %select_n3A_21 = arith.select %gt3A_16, %add3A_14, %sub3A_20 : vector<2000x16xi1>, vector<2000x16xf32>
    %gt3A_22 = arith.constant 0.000000e+00 : f32
    %gt3A_23 = vector.broadcast %gt3A_22 : f32 to vector<2000x16xf32>
    %gt3A_24 = arith.cmpf ogt, %select_n3A_21, %gt3A_23 : vector<2000x16xf32>
    %min3A_25 = arith.constant 0.000000e+00 : f32
    %min3A_26 = vector.broadcast %min3A_25 : f32 to vector<2000x16xf32>
    %min3A_27 = arith.minimumf %select_n3A_21, %min3A_26 : vector<2000x16xf32>
    %exp3A_28 = math.exp %min3A_27 : vector<2000x16xf32>
    %sub3A_29 = arith.constant 1.000000e+00 : f32
    %sub3A_30 = vector.broadcast %sub3A_29 : f32 to vector<2000x16xf32>
    %sub3A_31 = arith.subf %exp3A_28, %sub3A_30 : vector<2000x16xf32>
    %select_n3A_32 = arith.select %gt3A_24, %select_n3A_21, %sub3A_31 : vector<2000x16xi1>, vector<2000x16xf32>
    %get3A_33 = arith.constant 0 : index
    %get3A_34 = arith.constant 0 : index
    %get3A_35 = vector.load %arg4[%get3A_33, %get3A_34] : memref<16x16xf32, #tpu.memory_space<vmem>>, vector<16x16xf32>
    %dot_general3A_36 = arith.constant dense<0.000000e+00> : vector<2000x16xf32>
    %dot_general3A_37 = tpu.matmul %select_n3A_32, %get3A_35, %dot_general3A_36 {dimension_numbers = #tpu.dot_dimension_numbers<[1], [0], [0], [1], [0, 0, 1, 1], [], []>, transpose_lhs_hint = false} : vector<2000x16xf32>, vector<16x16xf32>, vector<2000x16xf32> -> vector<2000x16xf32>
    %get3A_38 = arith.constant 0 : index
    %get3A_39 = arith.constant 0 : index
    %get3A_40 = vector.load %arg5[%get3A_38, %get3A_39] : memref<1x16xf32, #tpu.memory_space<vmem>>, vector<1x16xf32>
    %add3A_41 = vector.broadcast %get3A_40 : vector<1x16xf32> to vector<2000x16xf32>
    %add3A_42 = arith.addf %dot_general3A_37, %add3A_41 : vector<2000x16xf32>
    %swap3A = arith.constant 0 : index
    %swap3A_43 = arith.constant 0 : index
    %swap3A_44 = vector.load %arg6[%swap3A, %swap3A_43] : memref<2000x16xf32, #tpu.memory_space<vmem>>, vector<2000x16xf32>
    tpu.vector_store %arg6[%swap3A, %swap3A_43], %add3A_42 {strides = array<i32>} : memref<2000x16xf32, #tpu.memory_space<vmem>>, vector<2000x16xf32>,
    return
  }
  func.func @transform_0(%arg0: i32) -> (i32, i32, i32) {
    %c0_i32 = arith.constant 0 : i32
    %c0_i32_0 = arith.constant 0 : i32
    %c0_i32_1 = arith.constant 0 : i32
    return %c0_i32, %arg0, %c0_i32_0 : i32, i32, i32
  }
  func.func @transform_1(%arg0: i32) -> (i32, i32) {
    %c0_i32 = arith.constant 0 : i32
    %c0_i32_0 = arith.constant 0 : i32
    %c0_i32_1 = arith.constant 0 : i32
    return %c0_i32, %c0_i32_0 : i32, i32
  }
  func.func @transform_2(%arg0: i32) -> (i32, i32) {
    %c0_i32 = arith.constant 0 : i32
    %c0_i32_0 = arith.constant 0 : i32
    %c0_i32_1 = arith.constant 0 : i32
    return %c0_i32, %c0_i32_0 : i32, i32
  }
  func.func @transform_3(%arg0: i32) -> (i32, i32) {
    %c0_i32 = arith.constant 0 : i32
    %c0_i32_0 = arith.constant 0 : i32
    %c0_i32_1 = arith.constant 0 : i32
    return %c0_i32, %c0_i32_0 : i32, i32
  }
  func.func @transform_4(%arg0: i32) -> (i32, i32) {
    %c0_i32 = arith.constant 0 : i32
    %c0_i32_0 = arith.constant 0 : i32
    %c0_i32_1 = arith.constant 0 : i32
    return %c0_i32, %c0_i32_0 : i32, i32
  }
  func.func @transform_5(%arg0: i32) -> (i32, i32) {
    %c0_i32 = arith.constant 0 : i32
    %c0_i32_0 = arith.constant 0 : i32
    return %arg0, %c0_i32 : i32, i32
  }
}

module attributes {stable_mosaic.version = 14 : i64} {
  func.func @_k3_body(%arg0: i32, %arg1: memref<2x2000x8xf32, #tpu.memory_space<vmem>>, %arg2: memref<16x16xf32, #tpu.memory_space<vmem>>, %arg3: memref<1x16xf32, #tpu.memory_space<vmem>>, %arg4: memref<16x16xf32, #tpu.memory_space<vmem>>, %arg5: memref<1x16xf32, #tpu.memory_space<vmem>>, %arg6: memref<2000x16xf32, #tpu.memory_space<vmem>>) attributes {dimension_semantics = [#tpu.dimension_semantics<arbitrary>], iteration_bounds = array<i64: 5>, scalar_prefetch = 0 : i64, scratch_operands = 0 : i64, tpu.core_type = #tpu.core_type<tc>, window_params = [{transform_indices = @transform_0, window_bounds = array<i64: 2, 2000, 8>}, {pipeline_mode = #tpu.pipeline_mode<synchronous>, transform_indices = @transform_1, window_bounds = array<i64: 16, 16>}, {pipeline_mode = #tpu.pipeline_mode<synchronous>, transform_indices = @transform_2, window_bounds = array<i64: 1, 16>}, {pipeline_mode = #tpu.pipeline_mode<synchronous>, transform_indices = @transform_3, window_bounds = array<i64: 16, 16>}, {pipeline_mode = #tpu.pipeline_mode<synchronous>, transform_indices = @transform_4, window_bounds = array<i64: 1, 16>}, {transform_indices = @transform_5, window_bounds = array<i64: 2000, 16>}]} {
    %get3A = arith.constant 0 : index
    %get3A_0 = arith.constant 0 : index
    %get3A_1 = arith.constant 0 : index
    %get3A_2 = vector.load %arg1[%get3A, %get3A_0, %get3A_1] : memref<2x2000x8xf32, #tpu.memory_space<vmem>>, vector<2x2000x8xf32>
    %slice3A = vector.extract_strided_slice %get3A_2 {offsets = [0, 0, 0], sizes = [1, 2000, 8], strides = [1, 1, 1]} : vector<2x2000x8xf32> to vector<1x2000x8xf32>
    %squeeze3A = vector.shape_cast %slice3A : vector<1x2000x8xf32> to vector<2000x8xf32>
    %slice3A_3 = vector.extract_strided_slice %get3A_2 {offsets = [1, 0, 0], sizes = [1, 2000, 8], strides = [1, 1, 1]} : vector<2x2000x8xf32> to vector<1x2000x8xf32>
    %squeeze3A_4 = vector.shape_cast %slice3A_3 : vector<1x2000x8xf32> to vector<2000x8xf32>
    %concatenate3A = tpu.concatenate %squeeze3A, %squeeze3A_4 in 1 : vector<2000x8xf32>, vector<2000x8xf32> -> vector<2000x16xf32>
    %is_finite3A = tpu.weird %concatenate3A : vector<2000x16xf32> -> vector<2000x16xi1>
    %is_finite3A_5 = arith.constant dense<true> : vector<2000x16xi1>
    %is_finite3A_6 = arith.xori %is_finite3A, %is_finite3A_5 : vector<2000x16xi1>
    %jit3A = arith.constant 0.000000e+00 : f32
    %broadcast_in_dim3A = vector.broadcast %jit3A : f32 to vector<2000x16xf32>
    %select_n3A = arith.select %is_finite3A_6, %concatenate3A, %broadcast_in_dim3A : vector<2000x16xi1>, vector<2000x16xf32>
    %get3A_7 = arith.constant 0 : index
    %get3A_8 = arith.constant 0 : index
    %get3A_9 = vector.load %arg2[%get3A_7, %get3A_8] : memref<16x16xf32, #tpu.memory_space<vmem>>, vector<16x16xf32>
    %dot_general3A = arith.constant dense<0.000000e+00> : vector<2000x16xf32>
    %dot_general3A_10 = tpu.matmul %select_n3A, %get3A_9, %dot_general3A {dimension_numbers = #tpu.dot_dimension_numbers<[1], [0], [0], [1], [0, 0, 1, 1], [], []>, transpose_lhs_hint = false} : vector<2000x16xf32>, vector<16x16xf32>, vector<2000x16xf32> -> vector<2000x16xf32>
    %get3A_11 = arith.constant 0 : index
    %get3A_12 = arith.constant 0 : index
    %get3A_13 = vector.load %arg3[%get3A_11, %get3A_12] : memref<1x16xf32, #tpu.memory_space<vmem>>, vector<1x16xf32>
    %add3A = vector.broadcast %get3A_13 : vector<1x16xf32> to vector<2000x16xf32>
    %add3A_14 = arith.addf %dot_general3A_10, %add3A : vector<2000x16xf32>
    %reduce_max3A = arith.constant dense<0xFF800000> : vector<2000xf32>
    %reduce_max3A_15 = vector.multi_reduction <maximumf>, %add3A_14, %reduce_max3A [1] : vector<2000x16xf32> to vector<2000xf32>
    %broadcast_in_dim3A_16 = vector.shape_cast %reduce_max3A_15 : vector<2000xf32> to vector<2000x1xf32>
    %sub3A = vector.broadcast %broadcast_in_dim3A_16 : vector<2000x1xf32> to vector<2000x16xf32>
    %sub3A_17 = arith.subf %add3A_14, %sub3A : vector<2000x16xf32>
    %exp3A = math.exp %sub3A_17 : vector<2000x16xf32>
    %reduce_sum3A = arith.constant dense<0.000000e+00> : vector<2000xf32>
    %reduce_sum3A_18 = vector.multi_reduction <add>, %exp3A, %reduce_sum3A [1] : vector<2000x16xf32> to vector<2000xf32>
    %broadcast_in_dim3A_19 = vector.shape_cast %reduce_sum3A_18 : vector<2000xf32> to vector<2000x1xf32>
    %log3A = math.log %broadcast_in_dim3A_19 : vector<2000x1xf32>
    %sub3A_20 = vector.broadcast %log3A : vector<2000x1xf32> to vector<2000x16xf32>
    %sub3A_21 = arith.subf %sub3A_17, %sub3A_20 : vector<2000x16xf32>
    %swap3A = arith.constant 0 : index
    %swap3A_22 = arith.constant 0 : index
    %swap3A_23 = vector.load %arg6[%swap3A, %swap3A_22] : memref<2000x16xf32, #tpu.memory_space<vmem>>, vector<2000x16xf32>
    tpu.vector_store %arg6[%swap3A, %swap3A_22], %sub3A_21 {strides = array<i32>} : memref<2000x16xf32, #tpu.memory_space<vmem>>, vector<2000x16xf32>,
    return
  }
  func.func @transform_0(%arg0: i32) -> (i32, i32, i32) {
    %c0_i32 = arith.constant 0 : i32
    %c0_i32_0 = arith.constant 0 : i32
    %c0_i32_1 = arith.constant 0 : i32
    return %c0_i32, %arg0, %c0_i32_0 : i32, i32, i32
  }
  func.func @transform_1(%arg0: i32) -> (i32, i32) {
    %c0_i32 = arith.constant 0 : i32
    %c0_i32_0 = arith.constant 0 : i32
    %c0_i32_1 = arith.constant 0 : i32
    return %c0_i32, %c0_i32_0 : i32, i32
  }
  func.func @transform_2(%arg0: i32) -> (i32, i32) {
    %c0_i32 = arith.constant 0 : i32
    %c0_i32_0 = arith.constant 0 : i32
    %c0_i32_1 = arith.constant 0 : i32
    return %c0_i32, %c0_i32_0 : i32, i32
  }
  func.func @transform_3(%arg0: i32) -> (i32, i32) {
    %c0_i32 = arith.constant 0 : i32
    %c0_i32_0 = arith.constant 0 : i32
    %c0_i32_1 = arith.constant 0 : i32
    return %c0_i32, %c0_i32_0 : i32, i32
  }
  func.func @transform_4(%arg0: i32) -> (i32, i32) {
    %c0_i32 = arith.constant 0 : i32
    %c0_i32_0 = arith.constant 0 : i32
    %c0_i32_1 = arith.constant 0 : i32
    return %c0_i32, %c0_i32_0 : i32, i32
  }
  func.func @transform_5(%arg0: i32) -> (i32, i32) {
    %c0_i32 = arith.constant 0 : i32
    %c0_i32_0 = arith.constant 0 : i32
    return %arg0, %c0_i32 : i32, i32
  }
}

</mosaic_0001>

<sc_bundles>
// kernel: kernel.11.cloned.1.call-start
scs
__scs_entry_jumppad:
0x0: {  	(pc) =	sbr.rel $0x88, $3  }
0x1: {  	(tag) =	ssettag $0x0;
	lr =	simm.s32 $0x1  }
0x2: {  	[smem:$0x3F8E] =	sst lr;
	_ =	strace $0xD0000000  }
0x3: {  	_ = 	snop  }
0x4: {  	_ = 	snop  }
0x5: {  	_ = 	snop  }
0x6: {  	_ = 	snop  }
0x7: {  	_ = 	snop  }
__scs_overlays_trampoline_lowered:
0x8: {  	[smem:$0x3F9D] =	sst s0  }
0x9: {  	[smem:$0x3F9E] =	sst s1  }
0xa: {  	[smem:$0x3F9F] =	sst s2  }
0xb: {  	[smem:$0x3FA0] =	sst s3  }
0xc: {  	[smem:$0x3FA1] =	sst s4  }
0xd: {  	[smem:$0x3FA2] =	sst s5  }
0xe: {  	[smem:$0x3FA3] =	sst s6  }
0xf: {  	[smem:$0x3FA4] =	sst s7  }
0x10: {  	[smem:$0x3FA5] =	sst s8  }
0x11: {  	[smem:$0x3FA6] =	sst s9;
	s0 =	simm.s32 @!p0 $0x0  }
0x12: {  	s1 =	sld [smem:$0x3F8C];
	s0 =	simm.s32 @p0 $0x1  }
0x13: {  	[smem:$0x3FA7] =	sst s0;
	s0 =	simm.s32 @!p1 $0x0  }
0x14: {  	s2 =	sld [smem:$0x3F8B];
	s0 =	simm.s32 @p1 $0x1  }
0x15: {  	[smem:$0x3FA8] =	sst s0;
	s0 =	simm.s32 @!p2 $0x0  }
0x16: {  	s3 =	sld [smem:$0x3FDB];
	s0 =	simm.s32 @p2 $0x1  }
0x17: {  	s4 =	simm.s32 $0x1BF5;
	[smem:$0x3FAA] =	sst s0  }
0x18: {  	s0 =	sld [smem:$0x3F8D];
	_ =	swait.ge [sflag:s4], $0x0  }
0x19: {  	s7 =	sld [smem:$0x3F8E]  }
0x1a: {  	s8 =	sadd.s32 $0xFFFFE003, lr  }
0x1b: {  	s9 =	sadd.s32 $0xFFFFFEF7, lr;
	s5 =	simm.s32 $0xFFFFFFFF;
	p2 =	slt.u32 s8, $0xFFFFF086  }
0x1c: {  	p1 =	slt.u32 s9, $0xF7A;
	s5 =	simm.s32 @!p2 $0x0  }
0x1d: {  	s5 =	simm.s32 @p1 $0x1;
	p0 =	seq.s32 s7, s2  }
0x1e: {  	s7 =	smul.u32 @!p0 $0xF7A, s2;
	p2 =	seq.s32 @!p0 s5, $0x0  }
0x1f: {  	s9 =	smul.u32 $0xF7A, s1;
	s8 =	simm.s32 @!p0 $0x1BF5;
	p2 =	por !p2, p0  }
0x20: {  	[sflag:s8] =	ssyncset.s32 @!p0 $0xFFFFF086;
	s6 =	sadd.s32 @!p0 s3, s7;
	s7 =	simm.s32 @!p0 $0x108  }
0x21: {  	s3 =	sadd.s32 s3, s9;
	s6 =	sadd.s32 @!p0 $0x88, s6;
	s7 =	simm.s32 @p2 $0x1082  }
0x22: {  	[simem:s7], [sflag:s8] =	dma.local @!p0 [hbm:s6], $0xF7A  }
0x23: {  	s9 =	sor.u32 $0xD0000000, s2;
	s6 =	simm.s32 $0x108;
	_ =	swait.ge @!p0 [sflag:s8], $0x0  }
0x24: {  	s3 =	sadd.s32 $0x88, s3;
	s6 =	simm.s32 @!p1 $0x1082;
	[sflag:s4] =	ssyncset.s32 $0xFFFFF086  }
0x25: {  	[simem:s6], [sflag:s4] =	dma.local [hbm:s3], $0xF7A  }
0x26: {  	[smem:$0x3F8E] =	sst s1;
	(tag) =	ssettag s2;
	_ =	strace s9  }
0x27: {  	s1 =	sld [smem:$0x3F9E]  }
0x28: {  	s2 =	sld [smem:$0x3F9F]  }
0x29: {  	s4 =	sld [smem:$0x3FA1]  }
0x2a: {  	p0 =	seq.s32 s5, $0x0;
	s5 =	sld [smem:$0x3FA2]  }
0x2b: {  	s6 =	sld [smem:$0x3FA3]  }
0x2c: {  	s7 =	sld [smem:$0x3FA4]  }
0x2d: {  	s3 =	simm.s32 $0x108;
	s8 =	sld [smem:$0x3FA5]  }
0x2e: {  	s3 =	simm.s32 @!p0 $0x1082;
	s9 =	sld [smem:$0x3FA6]  }
0x2f: {  	lr =	sadd.s32 s0, s3;
	s0 =	sld [smem:$0x3F9D]  }
0x30: {  	s3 =	sld [smem:$0x3FA0]  }
0x31: {  	[smem:$0x3FA9] =	sst s10  }
0x32: {  	s10 =	sld [smem:$0x3FA7];
	_ =	sdelay $0x3  }
0x33: {  	p0 =	seq.s32 s10, $0x1;
	s10 =	sld [smem:$0x3FA9];
	_ =	sdelay $0x3  }
0x34: {  	[smem:$0x3FA9] =	sst s10  }
0x35: {  	s10 =	sld [smem:$0x3FA8];
	_ =	sdelay $0x3  }
0x36: {  	p1 =	seq.s32 s10, $0x1;
	s10 =	sld [smem:$0x3FA9];
	_ =	sdelay $0x3  }
0x37: {  	[smem:$0x3FA9] =	sst s10  }
0x38: {  	s10 =	sld [smem:$0x3FAA]  }
0x39: {  	_ = 	snop;
	(pc) =	sbr.ind lr, $3  }
0x3a: {  	_ = 	snop  }
0x3b: {  	_ = 	snop  }
0x3c: {  	p2 =	seq.s32 s10, $0x1;
	s10 =	sld [smem:$0x3FA9]  }
0x3d: {  	_ =	shalt  }
0x3e: {  	_ =	shalt  }
0x3f: {  	_ =	shalt  }
0x40: {  	_ =	shalt  }
0x41: {  	_ =	shalt  }
0x42: {  	_ =	shalt  }
0x43: {  	_ =	shalt  }
0x44: {  	_ =	shalt  }
0x45: {  	_ =	shalt  }
0x46: {  	_ =	shalt  }
0x47: {  	_ =	shalt  }
0x48: {  	_ =	shalt  }
0x49: {  	_ =	shalt  }
0x4a: {  	_ =	shalt  }
0x4b: {  	_ =	shalt  }
0x4c: {  	_ =	shalt  }
0x4d: {  	_ =	shalt  }
0x4e: {  	_ =	shalt  }
0x4f: {  	_ =	shalt  }
0x50: {  	_ =	shalt  }
0x51: {  	_ =	shalt  }
0x52: {  	_ =	shalt  }
0x53: {  	_ =	shalt  }
0x54: {  	_ =	shalt  }
0x55: {  	_ =	shalt  }
0x56: {  	_ =	shalt  }
0x57: {  	_ =	shalt  }
0x58: {  	_ =	shalt  }
0x59: {  	_ =	shalt  }
0x5a: {  	_ =	shalt  }
0x5b: {  	_ =	shalt  }
0x5c: {  	_ =	shalt  }
0x5d: {  	_ =	shalt  }
0x5e: {  	_ =	shalt  }
0x5f: {  	_ =	shalt  }
0x60: {  	_ =	shalt  }
0x61: {  	_ =	shalt  }
0x62: {  	_ =	shalt  }
0x63: {  	_ =	shalt  }
0x64: {  	_ =	shalt  }
0x65: {  	_ =	shalt  }
0x66: {  	_ =	shalt  }
0x67: {  	_ =	shalt  }
0x68: {  	_ =	shalt  }
0x69: {  	_ =	shalt  }
0x6a: {  	_ =	shalt  }
0x6b: {  	_ =	shalt  }
0x6c: {  	_ =	shalt  }
0x6d: {  	_ =	shalt  }
0x6e: {  	_ =	shalt  }
0x6f: {  	_ =	shalt  }
0x70: {  	_ =	shalt  }
0x71: {  	_ =	shalt  }
0x72: {  	_ =	shalt  }
0x73: {  	_ =	shalt  }
0x74: {  	_ =	shalt  }
0x75: {  	_ =	shalt  }
0x76: {  	_ =	shalt  }
0x77: {  	_ =	shalt  }
0x78: {  	_ =	shalt  }
0x79: {  	_ =	shalt  }
0x7a: {  	_ =	shalt  }
0x7b: {  	_ =	shalt  }
0x7c: {  	_ =	shalt  }
0x7d: {  	_ =	shalt  }
0x7e: {  	_ =	shalt  }
0x7f: {  	_ =	shalt  }
0x80: {  	_ =	shalt  }
0x81: {  	_ =	shalt  }
0x82: {  	_ =	shalt  }
0x83: {  	_ =	shalt  }
0x84: {  	_ =	shalt  }
0x85: {  	_ =	shalt  }
0x86: {  	_ =	shalt  }
0x87: {  	_ =	shalt  }
.Lfunc_end0:
.L_simem_size_0:
called_computation_lowered:
.L_overlay_start_0:
0x88: {  	s2 =	sld [smem:$0x3FD9]  }
0x89: {  	s3 =	sld [smem:$0x3FFE];
	_ =	sdelay $0x1  }
0x8a: {  	s1 =	srdreg.scid  }
0x8b: {  	s0 =	sand.u32 $0x1, s1  }
0x8c: {  	s17 =	sshll.u32 s0, $0xA;
	s2 =	sadd.s32 s3, s2  }
0x8d: {  	s2 =	sadd.s32 s2, s17  }
0x8e: {  	[smem:$0x3FB5] =	sst s2  }
0x8f: {  	_ = 	snop  }
0x90: {  	s2 =	sld [smem:$0x3FD0];
	(tm) =	ssettm $0x1  }
0x91: {  	s18 =	sld [smem:$0x3FFB];
	_ =	sdelay $0x3  }
0x92: {  	_ =	strace s18  }
0x93: {  	s3 =	sld [smem:$0x3FFC];
	_ =	sdelay $0x3  }
0x94: {  	_ =	strace s3  }
0x95: {  	s3 =	sld [smem:$0x3FFD];
	_ =	sdelay $0x3  }
0x96: {  	_ =	strace s3  }
0x97: {  	_ =	strace $0x8FFFFFFF  }
0x98: {  	s19 =	sld [smem:$0x3FDB];
	_ =	sdelay $0x1  }
0x99: {  	s4 =	simm.s32 $_scs_section_size  }
0x9a: {  	s5 =	simm.s32 $_size__tile_overlayer_lowered;
	s6 =	simm.s32 $_tile_overlayer_lowered  }
0x9b: {  	s22 =	simm.s32 $0x1BFF;
	s21 =	sshll.u32 s6, $0x1;
	s3 =	sadd.s32 s4, s19  }
0x9c: {  	s7 =	simm.s32 $0x0;
	s20 =	sshll.u32 s5, $0x1;
	s5 =	sadd.s32 s21, s3  }
0x9d: {  	[timem:s7], [sflag:s22] =	dma.local [hbm:s5], s20  }
0x9e: {  	_ =	swait.ge [sflag:s22], s20  }
0x9f: {  	s4 =	ssub.s32 $0x0, s20;
	[sflag:s22] =	ssyncset.done $0x0  }
0xa0: {  	[sflag:s22] =	ssyncadd.s32 s4;
	_ =	sdelay $0x1  }
0xa1: {  	s23 =	simm.s32 $0x1B8B  }
0xa2: {  	_ =	swait.ge [sflag:s23], $0x1  }
0xa3: {  	[sflag:s23] =	ssyncset.done $0x0  }
0xa4: {  	s25 =	simm.s32 $0x1B8E;
	s24 =	sld [smem:$0x3FFE];
	[sflag:s23] =	ssyncadd.s32 $0xFFFFFFFF  }
0xa5: {  	s26 =	simm.s32 $execute0_lowered;
	[smem:$0x3FD2] =	sst s25  }
0xa6: {  	s5 =	sshll.u32 s26, $0x1;
	_ =	strace $0x80000046;
	[dreg:$0x1] =	wrdreg $0xFFFFFFFF  }
0xa7: {  	s28 =	simm.s32 $_size_execute0_lowered;
	s3 =	sadd.s32 s3, s5;
	[dreg:$0x0] =	wrdreg $0x0  }
0xa8: {  	s5 =	sshll.u32 s28, $0x1;
	[dreg:$0x2] =	wrdreg s3  }
0xa9: {  	[dreg:$0x3] =	wrdreg s5  }
0xaa: {  	[dreg:$0x4] =	wrdreg $0xC0  }
0xab: {  	_ =	task [dreg:s7], $0x5FFFF  }
0xac: {  	[dreg:$0x1] =	wrdreg $0xFFFFFFFF  }
0xad: {  	[dreg:$0x0] =	wrdreg $0x60  }
0xae: {  	[dreg:$0x2] =	wrdreg s2  }
0xaf: {  	[dreg:$0x3] =	wrdreg s24  }
0xb0: {  	[dreg:$0x4] =	wrdreg $0x9  }
0xb1: {  	_ =	task.clear_ibuf [dreg:s7], $0x5FFFF;
	_ =	strace $0x90000046  }
0xb2: {  	s29 =	simm.s32 $0x9;
	_ =	strace $0x80000048  }
0xb3: {  	_ =	swait.ge [sflag:s29], $0x1  }
0xb4: {  	[sflag:s29] =	ssyncadd.s32 $0xFFFFFFFF  }
0xb5: {  	_ =	strace $0x90000048  }
0xb6: {  	_ =	sfence  }
0xb7: {  	s30 =	sld [smem:$0x0];
	_ =	sdelay $0x2  }
0xb8: {  	s31 =	sshll.u32 s1, $0xD;
	s1 =	sshrl.u32 s1, $0x2  }
0xb9: {  	s3 =	sand.u32 $0x4000, s31;
	s1 =	sadd.s32 s1, s30  }
0xba: {  	s0 =	sor.u32 s3, s0;
	s1 =	sshll.u32 s1, $0x11  }
0xbb: {  	s0 =	sor.u32 s1, s0  }
0xbc: {  	s0 =	sadd.s32 $0x8F2B, s0  }
0xbd: {  	[sflag:s0] =	ssyncadd.remote.s32 $0x1  }
0xbe: {  	_ =	sfence.sel $0xFFFF  }
0xbf: {  	[dreg:$0x0] =	wrdreg $0xFFFFFFFF;
	(pc) =	sbr.abs _section_cstart, $3  }
0xc0: {  	[dreg:$0x1] =	wrdreg $0xFFFFFFFF  }
0xc1: {  	_ =	task.clear_ibuf [dreg:s7], $0x2FFFF;
	_ =	strace $0x9FFFFFFF  }
0xc2: {  	(tm) =	ssettm $0x7FFFFFFF  }
0xc3: {  	_ =	shalt  }
tec
execute0_lowered:
.L_overlay_start_1:
0x0: {  	(tag) =	ssettag $0x1  }
0x1: {  	s1 =	srdreg.scid;
	s0 =	stileid.u32  }
0x2: {  	s16 =	sand.u32 $0x1, s1;
	s26 =	sshll.u32 s0, $0x1  }
0x3: {  	s2 =	rddreg [dreg:$0x0];
	s8 =	sor.u32 s16, s26  }
0x4: {  	s9 =	rddreg [dreg:$0x1];
	s17 =	smul.u32 $0x2710, s8  }
0x5: {  	s3 =	simm.s32 $0x0;
	s1 =	rddreg [dreg:$0x2]  }
0x6: {  	[smem:$0x7FF] =	sst s3;
	s15 =	sadd.s32 $0x3A00, s9;
	s4 =	sshrl.u32 s17, $0x3  }
0x7: {  	_ =	strace $0x80000047;
	s5 =	sadd.s32 s15, s4;
	s4 =	simm.s32 $0x2  }
0x8: {  	[tilespmem:s3], [sflag:$0x2] =	stream.linear.gather [hbm4b:s5+s3], $0x7D0, $0x38;
	[tilespmem:$0x84D0] =	vst v63  }
0x9: {  	_ =	swait.ge [sflag:s4], $0x7D0  }
0xa: {  	[sflag:s4] =	ssyncset.done $0x0  }
0xb: {  	s6 =	simm.s32 $0x7D0;
	s7 =	simm.s32 $0x1;
	[sflag:s4] =	ssyncadd.s32 $0xFFFFF830  }
0xc: {  	[tilespmem:s6], [sflag:$0x1] =	stream.indirect.gather [hbm4b:s2+s6], $0x10, s3, s6, $0xb8;
	[tilespmem:$0x84D0] =	vst v63  }
0xd: {  	s8 =	smul.u32 $0x4E20, s8;
	_ =	swait.ge [sflag:s7], $0x7D00  }
0xe: {  	s18 =	sadd.s32 $0x17600, s9;
	[sflag:s7] =	ssyncset.done $0x0  }
0xf: {  	s8 =	sadd.s32 s18, s8;
	[sflag:s7] =	ssyncadd.s32 $0xFFFF8300  }
0x10: {  	[hbm4b:s8+s3] =	stream.linear.scatter [tilespmem:s6], [sflag:$0x2], $0x7D00, $0x38;
	[tilespmem:$0x84D0] =	vst v63  }
0x11: {  	s10 =	sadd.s32 $0x7D0, s17;
	_ =	swait.ge [sflag:s4], $0x7D00  }
0x12: {  	s28 =	sshrl.u32 s10, $0x3;
	[sflag:s4] =	ssyncset.done $0x0  }
0x13: {  	s9 =	sadd.s32 s15, s28;
	[sflag:s4] =	ssyncadd.s32 $0xFFFF8300  }
0x14: {  	[tilespmem:s3], [sflag:$0x2] =	stream.linear.gather [hbm4b:s9+s3], $0x7D0, $0x38;
	[tilespmem:$0x84D0] =	vst v63  }
0x15: {  	_ =	swait.ge [sflag:s4], $0x7D0  }
0x16: {  	[sflag:s4] =	ssyncset.done $0x0  }
0x17: {  	[sflag:s4] =	ssyncadd.s32 $0xFFFFF830  }
0x18: {  	[tilespmem:s6], [sflag:$0x1] =	stream.indirect.gather [hbm4b:s2+s6], $0x10, s3, s6, $0xb8;
	[tilespmem:$0x84D0] =	vst v63  }
0x19: {  	_ =	swait.ge [sflag:s7], $0x7D00  }
0x1a: {  	s10 =	sshll.u32 s10, $0x1;
	[sflag:s7] =	ssyncset.done $0x0  }
0x1b: {  	s10 =	sadd.s32 s18, s10;
	[sflag:s7] =	ssyncadd.s32 $0xFFFF8300  }
0x1c: {  	[hbm4b:s10+s3] =	stream.linear.scatter [tilespmem:s6], [sflag:$0x2], $0x7D00, $0x38;
	[tilespmem:$0x84D0] =	vst v63  }
0x1d: {  	s12 =	sadd.s32 $0xFA0, s17;
	_ =	swait.ge [sflag:s4], $0x7D00  }
0x1e: {  	s11 =	sshrl.u32 s12, $0x3;
	[sflag:s4] =	ssyncset.done $0x0  }
0x1f: {  	s11 =	sadd.s32 s15, s11;
	[sflag:s4] =	ssyncadd.s32 $0xFFFF8300  }
0x20: {  	[tilespmem:s3], [sflag:$0x2] =	stream.linear.gather [hbm4b:s11+s3], $0x7D0, $0x38;
	[tilespmem:$0x84D0] =	vst v63  }
0x21: {  	_ =	swait.ge [sflag:s4], $0x7D0  }
0x22: {  	[sflag:s4] =	ssyncset.done $0x0  }
0x23: {  	[sflag:s4] =	ssyncadd.s32 $0xFFFFF830  }
0x24: {  	[tilespmem:s6], [sflag:$0x1] =	stream.indirect.gather [hbm4b:s2+s6], $0x10, s3, s6, $0xb8;
	[tilespmem:$0x84D0] =	vst v63  }
0x25: {  	_ =	swait.ge [sflag:s7], $0x7D00  }
0x26: {  	s12 =	sshll.u32 s12, $0x1;
	[sflag:s7] =	ssyncset.done $0x0  }
0x27: {  	s12 =	sadd.s32 s18, s12;
	[sflag:s7] =	ssyncadd.s32 $0xFFFF8300  }
0x28: {  	[hbm4b:s12+s3] =	stream.linear.scatter [tilespmem:s6], [sflag:$0x2], $0x7D00, $0x38;
	[tilespmem:$0x84D0] =	vst v63  }
0x29: {  	s14 =	sadd.s32 $0x1770, s17;
	_ =	swait.ge [sflag:s4], $0x7D00  }
0x2a: {  	s13 =	sshrl.u32 s14, $0x3;
	[sflag:s4] =	ssyncset.done $0x0  }
0x2b: {  	s13 =	sadd.s32 s15, s13;
	[sflag:s4] =	ssyncadd.s32 $0xFFFF8300  }
0x2c: {  	[tilespmem:s3], [sflag:$0x2] =	stream.linear.gather [hbm4b:s13+s3], $0x7D0, $0x38;
	[tilespmem:$0x84D0] =	vst v63  }
0x2d: {  	_ =	swait.ge [sflag:s4], $0x7D0  }
0x2e: {  	[sflag:s4] =	ssyncset.done $0x0  }
0x2f: {  	[sflag:s4] =	ssyncadd.s32 $0xFFFFF830  }
0x30: {  	[tilespmem:s6], [sflag:$0x1] =	stream.indirect.gather [hbm4b:s2+s6], $0x10, s3, s6, $0xb8;
	[tilespmem:$0x84D0] =	vst v63  }
0x31: {  	_ =	swait.ge [sflag:s7], $0x7D00  }
0x32: {  	s14 =	sshll.u32 s14, $0x1;
	[sflag:s7] =	ssyncset.done $0x0  }
0x33: {  	s14 =	sadd.s32 s18, s14;
	[sflag:s7] =	ssyncadd.s32 $0xFFFF8300  }
0x34: {  	[hbm4b:s14+s3] =	stream.linear.scatter [tilespmem:s6], [sflag:$0x2], $0x7D00, $0x38;
	[tilespmem:$0x84D0] =	vst v63  }
0x35: {  	s17 =	sadd.s32 $0x1F40, s17;
	_ =	swait.ge [sflag:s4], $0x7D00  }
0x36: {  	s19 =	sshrl.u32 s17, $0x3;
	[sflag:s4] =	ssyncset.done $0x0  }
0x37: {  	s16 =	ssub.s32 $0x2, s16;
	s15 =	sadd.s32 s15, s19;
	[sflag:s4] =	ssyncadd.s32 $0xFFFF8300  }
0x38: {  	[tilespmem:s3], [sflag:$0x2] =	stream.linear.gather [hbm4b:s15+s3], $0x7D0, $0x38;
	[tilespmem:$0x84D0] =	vst v63  }
0x39: {  	s29 =	sshrl.u32 s16, $0x1;
	_ =	swait.ge [sflag:s4], $0x7D0  }
0x3a: {  	s19 =	ssub.s32 s16, s29;
	[sflag:s4] =	ssyncset.done $0x0  }
0x3b: {  	s31 =	smax.u32 s19, $0x1;
	[sflag:s4] =	ssyncadd.s32 $0xFFFFF830  }
0x3c: {  	[tilespmem:s6], [sflag:$0x1] =	stream.indirect.gather [hbm4b:s2+s6], $0x10, s3, s6, $0xb8;
	[tilespmem:$0x84D0] =	vst v63  }
0x3d: {  	p0 =	sne.s32 s31, $0x1;
	_ =	swait.ge [sflag:s7], $0x7D00  }
.Ltmp0:
0x3e: {  	s30 =	sshll.u32 s17, $0x1;
	[sflag:s7] =	ssyncset.done $0x0;
	(pc) =	sbr.rel @!p0 .LBB2_2-.Ltmp0, $4  }
0x3f: {  	s16 =	sadd.s32 s18, s30;
	[sflag:s7] =	ssyncadd.s32 $0xFFFF8300  }
0x40: {  	[hbm4b:s16+s3] =	stream.linear.scatter [tilespmem:s6], [sflag:$0x2], $0x7D00, $0x38;
	[tilespmem:$0x84D0] =	vst v63  }
0x41: {  	_ =	swait.ge [sflag:s4], $0x7D00  }
0x42: {  	s17 =	sadd.s32 $0xFFFFFFFF, s31;
	[sflag:s4] =	ssyncset.done $0x0  }
.LBB2_1:
0x43: {  	p0 =	sne.s32 s17, $0x1;
	s17 =	sadd.s32 $0xFFFFFFFF, s17;
	[sflag:s4] =	ssyncadd.s32 $0xFFFF8300  }
0x44: {  	[tilespmem:s3], [sflag:$0x2] =	stream.linear.gather [hbm4b:s5+s3], $0x7D0, $0x38;
	[tilespmem:$0x84D0] =	vst v63  }
0x45: {  	_ =	swait.ge [sflag:s4], $0x7D0  }
0x46: {  	[sflag:s4] =	ssyncset.done $0x0  }
0x47: {  	[sflag:s4] =	ssyncadd.s32 $0xFFFFF830  }
0x48: {  	[tilespmem:s6], [sflag:$0x1] =	stream.indirect.gather [hbm4b:s2+s6], $0x10, s3, s6, $0xb8;
	[tilespmem:$0x84D0] =	vst v63  }
0x49: {  	_ =	swait.ge [sflag:s7], $0x7D00  }
0x4a: {  	[sflag:s7] =	ssyncset.done $0x0  }
0x4b: {  	[sflag:s7] =	ssyncadd.s32 $0xFFFF8300  }
0x4c: {  	[hbm4b:s8+s3] =	stream.linear.scatter [tilespmem:s6], [sflag:$0x2], $0x7D00, $0x38;
	[tilespmem:$0x84D0] =	vst v63  }
0x4d: {  	_ =	swait.ge [sflag:s4], $0x7D00  }
0x4e: {  	[sflag:s4] =	ssyncset.done $0x0  }
0x4f: {  	[sflag:s4] =	ssyncadd.s32 $0xFFFF8300  }
0x50: {  	[tilespmem:s3], [sflag:$0x2] =	stream.linear.gather [hbm4b:s9+s3], $0x7D0, $0x38;
	[tilespmem:$0x84D0] =	vst v63  }
0x51: {  	_ =	swait.ge [sflag:s4], $0x7D0  }
0x52: {  	[sflag:s4] =	ssyncset.done $0x0  }
0x53: {  	[sflag:s4] =	ssyncadd.s32 $0xFFFFF830  }
0x54: {  	[tilespmem:s6], [sflag:$0x1] =	stream.indirect.gather [hbm4b:s2+s6], $0x10, s3, s6, $0xb8;
	[tilespmem:$0x84D0] =	vst v63  }
0x55: {  	_ =	swait.ge [sflag:s7], $0x7D00  }
0x56: {  	[sflag:s7] =	ssyncset.done $0x0  }
0x57: {  	[sflag:s7] =	ssyncadd.s32 $0xFFFF8300  }
0x58: {  	[hbm4b:s10+s3] =	stream.linear.scatter [tilespmem:s6], [sflag:$0x2], $0x7D00, $0x38;
	[tilespmem:$0x84D0] =	vst v63  }
0x59: {  	_ =	swait.ge [sflag:s4], $0x7D00  }
0x5a: {  	[sflag:s4] =	ssyncset.done $0x0  }
0x5b: {  	[sflag:s4] =	ssyncadd.s32 $0xFFFF8300  }
0x5c: {  	[tilespmem:s3], [sflag:$0x2] =	stream.linear.gather [hbm4b:s11+s3], $0x7D0, $0x38;
	[tilespmem:$0x84D0] =	vst v63  }
0x5d: {  	_ =	swait.ge [sflag:s4], $0x7D0  }
0x5e: {  	[sflag:s4] =	ssyncset.done $0x0  }
0x5f: {  	[sflag:s4] =	ssyncadd.s32 $0xFFFFF830  }
0x60: {  	[tilespmem:s6], [sflag:$0x1] =	stream.indirect.gather [hbm4b:s2+s6], $0x10, s3, s6, $0xb8;
	[tilespmem:$0x84D0] =	vst v63  }
0x61: {  	_ =	swait.ge [sflag:s7], $0x7D00  }
0x62: {  	[sflag:s7] =	ssyncset.done $0x0  }
0x63: {  	[sflag:s7] =	ssyncadd.s32 $0xFFFF8300  }
0x64: {  	[hbm4b:s12+s3] =	stream.linear.scatter [tilespmem:s6], [sflag:$0x2], $0x7D00, $0x38;
	[tilespmem:$0x84D0] =	vst v63  }
0x65: {  	_ =	swait.ge [sflag:s4], $0x7D00  }
0x66: {  	[sflag:s4] =	ssyncset.done $0x0  }
0x67: {  	[sflag:s4] =	ssyncadd.s32 $0xFFFF8300  }
0x68: {  	[tilespmem:s3], [sflag:$0x2] =	stream.linear.gather [hbm4b:s13+s3], $0x7D0, $0x38;
	[tilespmem:$0x84D0] =	vst v63  }
0x69: {  	_ =	swait.ge [sflag:s4], $0x7D0  }
0x6a: {  	[sflag:s4] =	ssyncset.done $0x0  }
0x6b: {  	[sflag:s4] =	ssyncadd.s32 $0xFFFFF830  }
0x6c: {  	[tilespmem:s6], [sflag:$0x1] =	stream.indirect.gather [hbm4b:s2+s6], $0x10, s3, s6, $0xb8;
	[tilespmem:$0x84D0] =	vst v63  }
0x6d: {  	_ =	swait.ge [sflag:s7], $0x7D00  }
0x6e: {  	[sflag:s7] =	ssyncset.done $0x0  }
0x6f: {  	[sflag:s7] =	ssyncadd.s32 $0xFFFF8300  }
0x70: {  	[hbm4b:s14+s3] =	stream.linear.scatter [tilespmem:s6], [sflag:$0x2], $0x7D00, $0x38;
	[tilespmem:$0x84D0] =	vst v63  }
0x71: {  	_ =	swait.ge [sflag:s4], $0x7D00  }
0x72: {  	[sflag:s4] =	ssyncset.done $0x0  }
0x73: {  	[sflag:s4] =	ssyncadd.s32 $0xFFFF8300  }
0x74: {  	[tilespmem:s3], [sflag:$0x2] =	stream.linear.gather [hbm4b:s15+s3], $0x7D0, $0x38;
	[tilespmem:$0x84D0] =	vst v63  }
0x75: {  	_ =	swait.ge [sflag:s4], $0x7D0  }
0x76: {  	[sflag:s4] =	ssyncset.done $0x0  }
0x77: {  	[sflag:s4] =	ssyncadd.s32 $0xFFFFF830  }
0x78: {  	[tilespmem:s6], [sflag:$0x1] =	stream.indirect.gather [hbm4b:s2+s6], $0x10, s3, s6, $0xb8;
	[tilespmem:$0x84D0] =	vst v63  }
0x79: {  	_ =	swait.ge [sflag:s7], $0x7D00  }
.Ltmp1:
0x7a: {  	[sflag:s7] =	ssyncset.done $0x0;
	(pc) =	sbr.rel @p0 .LBB2_1-.Ltmp1, $4  }
0x7b: {  	[sflag:s7] =	ssyncadd.s32 $0xFFFF8300  }
0x7c: {  	[hbm4b:s16+s3] =	stream.linear.scatter [tilespmem:s6], [sflag:$0x2], $0x7D00, $0x38;
	[tilespmem:$0x84D0] =	vst v63  }
0x7d: {  	_ =	swait.ge [sflag:s4], $0x7D00  }
0x7e: {  	[sflag:s4] =	ssyncset.done $0x0  }
.LBB2_2:
0x7f: {  	[sflag:s4] =	ssyncadd.s32 $0xFFFF8300  }
0x80: {  	_ =	sfence.sel $0x180000  }
0x81: {  	[bflag:$0x0] =	sbarrier.arrive $0xFFFF  }
0x82: {  	p0 =	sne.s32 s0, $0x0;
	_ =	strace $0x90000047  }
0x83: {  	s0 =	sadd.s32 @!p0 $0x100000, s1;
	[bflag:$0x2] =	sbarrier.arrive $0xFFFF  }
0x84: {  	[sflag:s0] =	ssyncadd.tile.s32 @!p0 $0x1;
	_ =	shalt  }
.Lfunc_end2:
_tile_overlayer_lowered:
.L_overlay_start_2:
0x85: {  	(tag) =	ssettag $0x2  }
0x86: {  	s0 =	rddreg [dreg:$0x0];
	s2 =	stileid.u32  }
0x87: {  	s1 =	rddreg [dreg:$0x1];
	p0 =	sne.s32 s2, $0x0  }
0x88: {  	s3 =	rddreg [dreg:$0x2];
	[bflag:$0x3] =	sbarrier.arrive $0xFFFF;
	s2 =	simm.s32 @!p0 $0x1C02  }
0x89: {  	[timem:s3], [sflag:s2] =	dma.local @!p0 [hbm:s0], s1  }
0x8a: {  	s0 =	simm.s32 @!p0 $0x2  }
0x8b: {  	_ =	swait.ge @!p0 [sflag:s0], s1  }
0x8c: {  	s1 =	ssub.s32 @!p0 $0x0, s1;
	[sflag:s0] =	ssyncset.done @!p0 $0x0  }
0x8d: {  	[sflag:s0] =	ssyncadd.s32 @!p0 s1  }
0x8e: {  	[bflag:$0x3] =	sbarrier.arrive $0xFFFF  }
0x8f: {  	_ =	shalt  }

// kernel: kernel.14.cloned.1.call-start
scs
__scs_entry_jumppad:
0x0: {  	(pc) =	sbr.rel $0x88, $3  }
0x1: {  	(tag) =	ssettag $0x0;
	lr =	simm.s32 $0x1  }
0x2: {  	[smem:$0x3F8E] =	sst lr;
	_ =	strace $0xD0000000  }
0x3: {  	_ = 	snop  }
0x4: {  	_ = 	snop  }
0x5: {  	_ = 	snop  }
0x6: {  	_ = 	snop  }
0x7: {  	_ = 	snop  }
__scs_overlays_trampoline_lowered:
0x8: {  	[smem:$0x3F9D] =	sst s0  }
0x9: {  	[smem:$0x3F9E] =	sst s1  }
0xa: {  	[smem:$0x3F9F] =	sst s2  }
0xb: {  	[smem:$0x3FA0] =	sst s3  }
0xc: {  	[smem:$0x3FA1] =	sst s4  }
0xd: {  	[smem:$0x3FA2] =	sst s5  }
0xe: {  	[smem:$0x3FA3] =	sst s6  }
0xf: {  	[smem:$0x3FA4] =	sst s7  }
0x10: {  	[smem:$0x3FA5] =	sst s8  }
0x11: {  	[smem:$0x3FA6] =	sst s9;
	s0 =	simm.s32 @!p0 $0x0  }
0x12: {  	s1 =	sld [smem:$0x3F8C];
	s0 =	simm.s32 @p0 $0x1  }
0x13: {  	[smem:$0x3FA7] =	sst s0;
	s0 =	simm.s32 @!p1 $0x0  }
0x14: {  	s2 =	sld [smem:$0x3F8B];
	s0 =	simm.s32 @p1 $0x1  }
0x15: {  	[smem:$0x3FA8] =	sst s0;
	s0 =	simm.s32 @!p2 $0x0  }
0x16: {  	s3 =	sld [smem:$0x3FDB];
	s0 =	simm.s32 @p2 $0x1  }
0x17: {  	s4 =	simm.s32 $0x1BF5;
	[smem:$0x3FAA] =	sst s0  }
0x18: {  	s0 =	sld [smem:$0x3F8D];
	_ =	swait.ge [sflag:s4], $0x0  }
0x19: {  	s7 =	sld [smem:$0x3F8E]  }
0x1a: {  	s8 =	sadd.s32 $0xFFFFE003, lr  }
0x1b: {  	s9 =	sadd.s32 $0xFFFFFEF7, lr;
	s5 =	simm.s32 $0xFFFFFFFF;
	p2 =	slt.u32 s8, $0xFFFFF086  }
0x1c: {  	p1 =	slt.u32 s9, $0xF7A;
	s5 =	simm.s32 @!p2 $0x0  }
0x1d: {  	s5 =	simm.s32 @p1 $0x1;
	p0 =	seq.s32 s7, s2  }
0x1e: {  	s7 =	smul.u32 @!p0 $0xF7A, s2;
	p2 =	seq.s32 @!p0 s5, $0x0  }
0x1f: {  	s9 =	smul.u32 $0xF7A, s1;
	s8 =	simm.s32 @!p0 $0x1BF5;
	p2 =	por !p2, p0  }
0x20: {  	[sflag:s8] =	ssyncset.s32 @!p0 $0xFFFFF086;
	s6 =	sadd.s32 @!p0 s3, s7;
	s7 =	simm.s32 @!p0 $0x108  }
0x21: {  	s3 =	sadd.s32 s3, s9;
	s6 =	sadd.s32 @!p0 $0x88, s6;
	s7 =	simm.s32 @p2 $0x1082  }
0x22: {  	[simem:s7], [sflag:s8] =	dma.local @!p0 [hbm:s6], $0xF7A  }
0x23: {  	s9 =	sor.u32 $0xD0000000, s2;
	s6 =	simm.s32 $0x108;
	_ =	swait.ge @!p0 [sflag:s8], $0x0  }
0x24: {  	s3 =	sadd.s32 $0x88, s3;
	s6 =	simm.s32 @!p1 $0x1082;
	[sflag:s4] =	ssyncset.s32 $0xFFFFF086  }
0x25: {  	[simem:s6], [sflag:s4] =	dma.local [hbm:s3], $0xF7A  }
0x26: {  	[smem:$0x3F8E] =	sst s1;
	(tag) =	ssettag s2;
	_ =	strace s9  }
0x27: {  	s1 =	sld [smem:$0x3F9E]  }
0x28: {  	s2 =	sld [smem:$0x3F9F]  }
0x29: {  	s4 =	sld [smem:$0x3FA1]  }
0x2a: {  	p0 =	seq.s32 s5, $0x0;
	s5 =	sld [smem:$0x3FA2]  }
0x2b: {  	s6 =	sld [smem:$0x3FA3]  }
0x2c: {  	s7 =	sld [smem:$0x3FA4]  }
0x2d: {  	s3 =	simm.s32 $0x108;
	s8 =	sld [smem:$0x3FA5]  }
0x2e: {  	s3 =	simm.s32 @!p0 $0x1082;
	s9 =	sld [smem:$0x3FA6]  }
0x2f: {  	lr =	sadd.s32 s0, s3;
	s0 =	sld [smem:$0x3F9D]  }
0x30: {  	s3 =	sld [smem:$0x3FA0]  }
0x31: {  	[smem:$0x3FA9] =	sst s10  }
0x32: {  	s10 =	sld [smem:$0x3FA7];
	_ =	sdelay $0x3  }
0x33: {  	p0 =	seq.s32 s10, $0x1;
	s10 =	sld [smem:$0x3FA9];
	_ =	sdelay $0x3  }
0x34: {  	[smem:$0x3FA9] =	sst s10  }
0x35: {  	s10 =	sld [smem:$0x3FA8];
	_ =	sdelay $0x3  }
0x36: {  	p1 =	seq.s32 s10, $0x1;
	s10 =	sld [smem:$0x3FA9];
	_ =	sdelay $0x3  }
0x37: {  	[smem:$0x3FA9] =	sst s10  }
0x38: {  	s10 =	sld [smem:$0x3FAA]  }
0x39: {  	_ = 	snop;
	(pc) =	sbr.ind lr, $3  }
0x3a: {  	_ = 	snop  }
0x3b: {  	_ = 	snop  }
0x3c: {  	p2 =	seq.s32 s10, $0x1;
	s10 =	sld [smem:$0x3FA9]  }
0x3d: {  	_ =	shalt  }
0x3e: {  	_ =	shalt  }
0x3f: {  	_ =	shalt  }
0x40: {  	_ =	shalt  }
0x41: {  	_ =	shalt  }
0x42: {  	_ =	shalt  }
0x43: {  	_ =	shalt  }
0x44: {  	_ =	shalt  }
0x45: {  	_ =	shalt  }
0x46: {  	_ =	shalt  }
0x47: {  	_ =	shalt  }
0x48: {  	_ =	shalt  }
0x49: {  	_ =	shalt  }
0x4a: {  	_ =	shalt  }
0x4b: {  	_ =	shalt  }
0x4c: {  	_ =	shalt  }
0x4d: {  	_ =	shalt  }
0x4e: {  	_ =	shalt  }
0x4f: {  	_ =	shalt  }
0x50: {  	_ =	shalt  }
0x51: {  	_ =	shalt  }
0x52: {  	_ =	shalt  }
0x53: {  	_ =	shalt  }
0x54: {  	_ =	shalt  }
0x55: {  	_ =	shalt  }
0x56: {  	_ =	shalt  }
0x57: {  	_ =	shalt  }
0x58: {  	_ =	shalt  }
0x59: {  	_ =	shalt  }
0x5a: {  	_ =	shalt  }
0x5b: {  	_ =	shalt  }
0x5c: {  	_ =	shalt  }
0x5d: {  	_ =	shalt  }
0x5e: {  	_ =	shalt  }
0x5f: {  	_ =	shalt  }
0x60: {  	_ =	shalt  }
0x61: {  	_ =	shalt  }
0x62: {  	_ =	shalt  }
0x63: {  	_ =	shalt  }
0x64: {  	_ =	shalt  }
0x65: {  	_ =	shalt  }
0x66: {  	_ =	shalt  }
0x67: {  	_ =	shalt  }
0x68: {  	_ =	shalt  }
0x69: {  	_ =	shalt  }
0x6a: {  	_ =	shalt  }
0x6b: {  	_ =	shalt  }
0x6c: {  	_ =	shalt  }
0x6d: {  	_ =	shalt  }
0x6e: {  	_ =	shalt  }
0x6f: {  	_ =	shalt  }
0x70: {  	_ =	shalt  }
0x71: {  	_ =	shalt  }
0x72: {  	_ =	shalt  }
0x73: {  	_ =	shalt  }
0x74: {  	_ =	shalt  }
0x75: {  	_ =	shalt  }
0x76: {  	_ =	shalt  }
0x77: {  	_ =	shalt  }
0x78: {  	_ =	shalt  }
0x79: {  	_ =	shalt  }
0x7a: {  	_ =	shalt  }
0x7b: {  	_ =	shalt  }
0x7c: {  	_ =	shalt  }
0x7d: {  	_ =	shalt  }
0x7e: {  	_ =	shalt  }
0x7f: {  	_ =	shalt  }
0x80: {  	_ =	shalt  }
0x81: {  	_ =	shalt  }
0x82: {  	_ =	shalt  }
0x83: {  	_ =	shalt  }
0x84: {  	_ =	shalt  }
0x85: {  	_ =	shalt  }
0x86: {  	_ =	shalt  }
0x87: {  	_ =	shalt  }
.Lfunc_end0:
.L_simem_size_0:
called_computation.1_lowered:
.L_overlay_start_0:
0x88: {  	s2 =	sld [smem:$0x3FD9]  }
0x89: {  	s3 =	sld [smem:$0x3FFE];
	_ =	sdelay $0x1  }
0x8a: {  	s1 =	srdreg.scid  }
0x8b: {  	s0 =	sand.u32 $0x1, s1  }
0x8c: {  	s16 =	sshll.u32 s0, $0xA;
	s2 =	sadd.s32 s3, s2  }
0x8d: {  	s2 =	sadd.s32 s2, s16  }
0x8e: {  	[smem:$0x3FB5] =	sst s2  }
0x8f: {  	_ = 	snop  }
0x90: {  	(tm) =	ssettm $0x1  }
0x91: {  	s17 =	sld [smem:$0x3FFB];
	_ =	sdelay $0x3  }
0x92: {  	_ =	strace s17  }
0x93: {  	s2 =	sld [smem:$0x3FFC];
	_ =	sdelay $0x3  }
0x94: {  	_ =	strace s2  }
0x95: {  	s2 =	sld [smem:$0x3FFD];
	_ =	sdelay $0x3  }
0x96: {  	_ =	strace s2  }
0x97: {  	_ =	strace $0x8FFFFFFF  }
0x98: {  	s18 =	sld [smem:$0x3FDB];
	_ =	sdelay $0x1  }
0x99: {  	s19 =	simm.s32 $_scs_section_size  }
0x9a: {  	s4 =	simm.s32 $_size__tile_overlayer_lowered;
	s5 =	simm.s32 $_tile_overlayer_lowered  }
0x9b: {  	s22 =	simm.s32 $0x1BFF;
	s21 =	sshll.u32 s5, $0x1;
	s2 =	sadd.s32 s19, s18  }
0x9c: {  	s6 =	simm.s32 $0x0;
	s20 =	sshll.u32 s4, $0x1;
	s4 =	sadd.s32 s21, s2  }
0x9d: {  	[timem:s6], [sflag:s22] =	dma.local [hbm:s4], s20  }
0x9e: {  	_ =	swait.ge [sflag:s22], s20  }
0x9f: {  	s3 =	ssub.s32 $0x0, s20;
	[sflag:s22] =	ssyncset.done $0x0  }
0xa0: {  	[sflag:s22] =	ssyncadd.s32 s3;
	_ =	sdelay $0x1  }
0xa1: {  	s23 =	simm.s32 $0x1B8B  }
0xa2: {  	_ =	swait.ge [sflag:s23], $0x1  }
0xa3: {  	[sflag:s23] =	ssyncset.done $0x0  }
0xa4: {  	s25 =	simm.s32 $0x1B8E;
	s24 =	sld [smem:$0x3FFE];
	[sflag:s23] =	ssyncadd.s32 $0xFFFFFFFF  }
0xa5: {  	s26 =	simm.s32 $execute0_lowered;
	[smem:$0x3FD2] =	sst s25  }
0xa6: {  	s4 =	sshll.u32 s26, $0x1;
	_ =	strace $0x80000049;
	[dreg:$0x1] =	wrdreg $0xFFFFFFFF  }
0xa7: {  	s28 =	simm.s32 $_size_execute0_lowered;
	s2 =	sadd.s32 s2, s4;
	[dreg:$0x0] =	wrdreg $0x0  }
0xa8: {  	s4 =	sshll.u32 s28, $0x1;
	[dreg:$0x2] =	wrdreg s2  }
0xa9: {  	[dreg:$0x3] =	wrdreg s4  }
0xaa: {  	[dreg:$0x4] =	wrdreg $0xC0  }
0xab: {  	_ =	task [dreg:s6], $0x5FFFF  }
0xac: {  	[dreg:$0x1] =	wrdreg $0xFFFFFFFF  }
0xad: {  	[dreg:$0x0] =	wrdreg $0x60  }
0xae: {  	[dreg:$0x2] =	wrdreg s24  }
0xaf: {  	[dreg:$0x3] =	wrdreg $0x1A5200  }
0xb0: {  	[dreg:$0x4] =	wrdreg $0x9  }
0xb1: {  	_ =	task.clear_ibuf [dreg:s6], $0x5FFFF;
	_ =	strace $0x90000049  }
0xb2: {  	s29 =	simm.s32 $0x9;
	_ =	strace $0x8000004B  }
0xb3: {  	_ =	swait.ge [sflag:s29], $0x1  }
0xb4: {  	[sflag:s29] =	ssyncadd.s32 $0xFFFFFFFF  }
0xb5: {  	_ =	strace $0x9000004B  }
0xb6: {  	_ =	sfence  }
0xb7: {  	s30 =	sld [smem:$0x0];
	_ =	sdelay $0x2  }
0xb8: {  	s31 =	sshll.u32 s1, $0xD;
	s1 =	sshrl.u32 s1, $0x2  }
0xb9: {  	s3 =	sand.u32 $0x4000, s31;
	s1 =	sadd.s32 s1, s30  }
0xba: {  	s0 =	sor.u32 s3, s0;
	s1 =	sshll.u32 s1, $0x11  }
0xbb: {  	s0 =	sor.u32 s1, s0  }
0xbc: {  	s0 =	sadd.s32 $0x8F2B, s0  }
0xbd: {  	[sflag:s0] =	ssyncadd.remote.s32 $0x1  }
0xbe: {  	_ =	sfence.sel $0xFFFF  }
0xbf: {  	[dreg:$0x0] =	wrdreg $0xFFFFFFFF;
	(pc) =	sbr.abs _section_cstart, $3  }
0xc0: {  	[dreg:$0x1] =	wrdreg $0xFFFFFFFF  }
0xc1: {  	_ =	task.clear_ibuf [dreg:s6], $0x2FFFF;
	_ =	strace $0x9FFFFFFF  }
0xc2: {  	(tm) =	ssettm $0x7FFFFFFF  }
0xc3: {  	_ =	shalt  }
tec
execute0_lowered:
.L_overlay_start_1:
0x0: {  	(tag) =	ssettag $0x1  }
0x1: {  	v0 =	vimm.s32 $0xC0804000;
	vm8 =	vcmask $0xF00;
	vm7 =	vcmask $0x1310  }
0x2: {  	vm6 =	vcmask $0x1714;
	vm5 =	vcmask $0x1B18;
	v2 =	vimm.s32 $0xC1814101  }
0x3: {  	vm3 =	vcmask $0x1F1C;
	v4 =	vimm.s32 $0xC2824202;
	vm2 =	vcmask $0x2F20  }
0x4: {  	vm4 =	vcmask $0x3330;
	vm0 =	vcmask $0x3734;
	v51 =	vimm.s32 $0xC4844404  }
0x5: {  	v6 =	vimm.s32 $0xC3834303;
	vm1 =	vcmask $0x3B38;
	v52 =	vimm.s32 $0xC5854505  }
0x6: {  	v7 =	vimm.s32 $0xC6864606;
	v54 =	vimm.s32 $0xC8884808;
	v8 =	vimm.s32 $0xC7874707  }
0x7: {  	v9 =	vimm.s32 $0xCA8A4A0A;
	v10 =	vimm.s32 $0xCB8B4B0B;
	v11 =	vimm.s32 $0xCE8E4E0E  }
0x8: {  	v12 =	vimm.s32 $0xCF8F4F0F;
	v13 =	vimm.s32 $0xD2925212;
	v14 =	vimm.s32 $0xD3935313  }
0x9: {  	v15 =	vimm.s32 $0xD6965616;
	v16 =	vimm.s32 $0xD7975717;
	v17 =	vimm.s32 $0xDA9A5A1A  }
0xa: {  	v18 =	vimm.s32 $0xDB9B5B1B;
	v19 =	vimm.s32 $0xDE9E5E1E;
	v20 =	vimm.s32 $0xDF9F5F1F  }
0xb: {  	v21 =	vimm.s32 $0xE2A26222;
	v22 =	vimm.s32 $0xE3A36323;
	v23 =	vimm.s32 $0xE6A66626  }
0xc: {  	v24 =	vimm.s32 $0xE7A76727;
	v25 =	vimm.s32 $0xEAAA6A2A;
	v26 =	vimm.s32 $0xEBAB6B2B  }
0xd: {  	v27 =	vimm.s32 $0xEEAE6E2E;
	v28 =	vimm.s32 $0xEFAF6F2F;
	v0 =	vunpack.c.0.s8.s32 v0  }
0xe: {  	v29 =	vimm.s32 $0xF1B17131;
	v30 =	vimm.s32 $0xF4B47434;
	v31 =	vimm.s32 $0xF6B67636  }
0xf: {  	v32 =	vimm.s32 $0xF8B87838;
	v33 =	vimm.s32 $0xF7B77737;
	v0 =	vand.u32 $0xFF, v0  }
0x10: {  	v34 =	vimm.s32 $0xFABA7A3A;
	v55 =	vimm.s32 $0xF9B97939;
	v1 =	vnsel vm8, $0x1C1, v0  }
0x11: {  	v57 =	vimm.s32 $0xFBBB7B3B;
	v60 =	vimm.s32 $0xFCBC7C3C;
	v1 =	vsel vm7, $0x100, v1  }
0x12: {  	v2 =	vunpack.c.0.s8.s32 v2;
	v4 =	vunpack.c.0.s8.s32 v4;
	v1 =	vsel vm6, $0x140, v1  }
0x13: {  	v62 =	vimm.s32 $0xFEBE7E3E;
	v35 =	vimm.s32 $0xFDBD7D3D;
	v3 =	vsel vm5, $0x180, v1  }
0x14: {  	v5 =	vand.u32 $0xFF, v2;
	v4 =	vand.u32 $0xFF, v4;
	v3 =	vsel vm3, $0x1C0, v3  }
0x15: {  	v4 =	vnsel vm8, $0x1C3, v4;
	v3 =	vsel vm2, v5, v3;
	v5 =	vunpack.c.0.s8.s32 v51  }
0x16: {  	v63 =	vimm.s32 $0xFFBF7F3F;
	v6 =	vunpack.c.0.s8.s32 v6;
	v4 =	vsel vm7, $0x102, v4  }
0x17: {  	v7 =	vunpack.c.0.s8.s32 v7;
	v4 =	vsel vm6, $0x142, v4;
	v5 =	vand.u32 $0xFF, v5  }
0x18: {  	v8 =	vunpack.c.0.s8.s32 v8;
	v4 =	vsel vm5, $0x182, v4;
	v5 =	vnsel vm8, $0x1C5, v5  }
0x19: {  	v6 =	vand.u32 $0xFF, v6;
	v4 =	vsel vm3, $0x1C2, v4;
	v5 =	vsel vm7, $0x104, v5  }
0x1a: {  	v4 =	vsel vm2, v6, v4;
	v6 =	vunpack.c.0.s8.s32 v52;
	v5 =	vsel vm6, $0x144, v5  }
0x1b: {  	v9 =	vunpack.c.0.s8.s32 v9;
	v10 =	vunpack.c.0.s8.s32 v10;
	v5 =	vsel vm5, $0x184, v5  }
0x1c: {  	v53 =	vand.u32 $0xFF, v7;
	v6 =	vand.u32 $0xFF, v6;
	v5 =	vsel vm3, $0x1C4, v5  }
0x1d: {  	v11 =	vunpack.c.0.s8.s32 v11;
	v5 =	vsel vm2, v6, v5;
	v6 =	vnsel vm8, $0x1C7, v53  }
0x1e: {  	v12 =	vunpack.c.0.s8.s32 v12;
	v7 =	vunpack.c.0.s8.s32 v54;
	v6 =	vsel vm7, $0x106, v6  }
0x1f: {  	v13 =	vunpack.c.0.s8.s32 v13;
	v14 =	vunpack.c.0.s8.s32 v14;
	v6 =	vsel vm6, $0x146, v6  }
0x20: {  	v15 =	vunpack.c.0.s8.s32 v15;
	v7 =	vand.u32 $0xFF, v7;
	v6 =	vsel vm5, $0x186, v6  }
0x21: {  	v8 =	vand.u32 $0xFF, v8;
	v7 =	vnsel vm8, $0x1C9, v7;
	v6 =	vsel vm3, $0x1C6, v6  }
0x22: {  	v7 =	vsel vm7, $0x108, v7;
	v6 =	vsel vm2, v8, v6;
	v8 =	vimm.s32 $0xC9894909  }
0x23: {  	v16 =	vunpack.c.0.s8.s32 v16;
	v7 =	vsel vm6, $0x148, v7;
	v8 =	vunpack.c.0.s8.s32 v8  }
0x24: {  	v17 =	vunpack.c.0.s8.s32 v17;
	v18 =	vunpack.c.0.s8.s32 v18;
	v7 =	vsel vm5, $0x188, v7  }
0x25: {  	v19 =	vunpack.c.0.s8.s32 v19;
	v7 =	vsel vm3, $0x1C8, v7;
	v8 =	vand.u32 $0xFF, v8  }
0x26: {  	v20 =	vunpack.c.0.s8.s32 v20;
	v7 =	vsel vm2, v8, v7;
	v8 =	vand.u32 $0xFF, v9  }
0x27: {  	v21 =	vunpack.c.0.s8.s32 v21;
	v9 =	vimm.s32 $0xCC8C4C0C;
	v8 =	vnsel vm8, $0x1CB, v8  }
0x28: {  	v22 =	vunpack.c.0.s8.s32 v22;
	v9 =	vunpack.c.0.s8.s32 v9;
	v8 =	vsel vm7, $0x10A, v8  }
0x29: {  	v23 =	vunpack.c.0.s8.s32 v23;
	v24 =	vunpack.c.0.s8.s32 v24;
	v8 =	vsel vm6, $0x14A, v8  }
0x2a: {  	v25 =	vunpack.c.0.s8.s32 v25;
	v9 =	vand.u32 $0xFF, v9;
	v8 =	vsel vm5, $0x18A, v8  }
0x2b: {  	v10 =	vand.u32 $0xFF, v10;
	v9 =	vnsel vm8, $0x1CD, v9;
	v8 =	vsel vm3, $0x1CA, v8  }
0x2c: {  	v9 =	vsel vm7, $0x10C, v9;
	v8 =	vsel vm2, v10, v8;
	v10 =	vimm.s32 $0xCD8D4D0D  }
0x2d: {  	v26 =	vunpack.c.0.s8.s32 v26;
	v9 =	vsel vm6, $0x14C, v9;
	v10 =	vunpack.c.0.s8.s32 v10  }
0x2e: {  	v27 =	vunpack.c.0.s8.s32 v27;
	v28 =	vunpack.c.0.s8.s32 v28;
	v9 =	vsel vm5, $0x18C, v9  }
0x2f: {  	v29 =	vunpack.c.0.s8.s32 v29;
	v9 =	vsel vm3, $0x1CC, v9;
	v10 =	vand.u32 $0xFF, v10  }
0x30: {  	v30 =	vunpack.c.0.s8.s32 v30;
	v9 =	vsel vm2, v10, v9;
	v10 =	vand.u32 $0xFF, v11  }
0x31: {  	v31 =	vunpack.c.0.s8.s32 v31;
	v11 =	vimm.s32 $0xD0905010;
	v10 =	vnsel vm8, $0x1CF, v10  }
0x32: {  	v32 =	vunpack.c.0.s8.s32 v32;
	v11 =	vunpack.c.0.s8.s32 v11;
	v10 =	vsel vm7, $0x10E, v10  }
0x33: {  	v33 =	vunpack.c.0.s8.s32 v33;
	v34 =	vunpack.c.0.s8.s32 v34;
	v10 =	vsel vm6, $0x14E, v10  }
0x34: {  	v61 =	vunpack.c.0.s8.s32 v60;
	v11 =	vand.u32 $0xFF, v11;
	v10 =	vsel vm5, $0x18E, v10  }
0x35: {  	v12 =	vand.u32 $0xFF, v12;
	v11 =	vnsel vm8, $0x1D1, v11;
	v10 =	vsel vm3, $0x1CE, v10  }
0x36: {  	v11 =	vsel vm7, $0x110, v11;
	v10 =	vsel vm2, v12, v10;
	v12 =	vimm.s32 $0xD1915111  }
0x37: {  	v35 =	vunpack.c.0.s8.s32 v35;
	v11 =	vsel vm6, $0x150, v11;
	v12 =	vunpack.c.0.s8.s32 v12  }
0x38: {  	v2 =	vlaneseq.u32;
	v14 =	vand.u32 $0xFF, v14;
	v11 =	vsel vm5, $0x190, v11  }
0x39: {  	v16 =	vand.u32 $0xFF, v16;
	v11 =	vsel vm3, $0x1D0, v11;
	v12 =	vand.u32 $0xFF, v12  }
0x3a: {  	v18 =	vand.u32 $0xFF, v18;
	v11 =	vsel vm2, v12, v11;
	v12 =	vand.u32 $0xFF, v13  }
0x3b: {  	v20 =	vand.u32 $0xFF, v20;
	v13 =	vimm.s32 $0xD4945414;
	v12 =	vnsel vm8, $0x1D3, v12  }
0x3c: {  	v22 =	vand.u32 $0xFF, v22;
	v13 =	vunpack.c.0.s8.s32 v13;
	v12 =	vsel vm7, $0x112, v12  }
0x3d: {  	v24 =	vand.u32 $0xFF, v24;
	v26 =	vand.u32 $0xFF, v26;
	v12 =	vsel vm6, $0x152, v12  }
0x3e: {  	v28 =	vand.u32 $0xFF, v28;
	v13 =	vand.u32 $0xFF, v13;
	v12 =	vsel vm5, $0x192, v12  }
0x3f: {  	v29 =	vand.u32 $0xFF, v29;
	v13 =	vnsel vm8, $0x1D5, v13;
	v12 =	vsel vm3, $0x1D2, v12  }
0x40: {  	v13 =	vsel vm7, $0x114, v13;
	v12 =	vsel vm2, v14, v12;
	v14 =	vimm.s32 $0xD5955515  }
0x41: {  	v30 =	vand.u32 $0xFF, v30;
	v13 =	vsel vm6, $0x154, v13;
	v14 =	vunpack.c.0.s8.s32 v14  }
0x42: {  	v32 =	vand.u32 $0xFF, v32;
	v33 =	vand.u32 $0xFF, v33;
	v13 =	vsel vm5, $0x194, v13  }
0x43: {  	s0 =	srdreg.scid;
	v56 =	vand.u32 $0xFF, v34;
	v13 =	vsel vm3, $0x1D4, v13;
	v14 =	vand.u32 $0xFF, v14  }
0x44: {  	s0 =	sand.u32 $0x1, s0;
	v34 =	vunpack.c.0.s8.s32 v57;
	v13 =	vsel vm2, v14, v13;
	v14 =	vand.u32 $0xFF, v15  }
0x45: {  	s1 =	sshll.u32 s0, $0x3;
	v35 =	vand.u32 $0xFF, v35;
	v15 =	vimm.s32 $0xD8985818;
	v14 =	vnsel vm8, $0x1D7, v14  }
0x46: {  	v0 =	vmov s1;
	v15 =	vunpack.c.0.s8.s32 v15;
	v14 =	vsel vm7, $0x116, v14  }
0x47: {  	v30 =	vnsel vm8, $0x1F5, v30;
	v32 =	vnsel vm8, $0x1F9, v32;
	v14 =	vsel vm6, $0x156, v14  }
0x48: {  	v30 =	vsel vm7, $0x134, v30;
	v15 =	vand.u32 $0xFF, v15;
	v14 =	vsel vm5, $0x196, v14  }
0x49: {  	v59 =	vand.u32 $0xFF, v34;
	v15 =	vnsel vm8, $0x1D9, v15;
	v14 =	vsel vm3, $0x1D6, v14  }
0x4a: {  	v15 =	vsel vm7, $0x118, v15;
	v14 =	vsel vm2, v16, v14;
	v16 =	vimm.s32 $0xD9995919  }
0x4b: {  	v34 =	vunpack.c.0.s8.s32 v62;
	v15 =	vsel vm6, $0x158, v15;
	v16 =	vunpack.c.0.s8.s32 v16  }
0x4c: {  	v30 =	vsel vm6, $0x174, v30;
	v1 =	vimm.f32 $-Inf;
	v15 =	vsel vm5, $0x198, v15  }
0x4d: {  	v34 =	vand.u32 $0xFF, v34;
	v15 =	vsel vm3, $0x1D8, v15;
	v16 =	vand.u32 $0xFF, v16  }
0x4e: {  	v34 =	vnsel vm8, $0x1FF, v34;
	v15 =	vsel vm2, v16, v15;
	v16 =	vand.u32 $0xFF, v17  }
0x4f: {  	v34 =	vsel vm7, $0x13E, v34;
	v17 =	vimm.s32 $0xDC9C5C1C;
	v16 =	vnsel vm8, $0x1DB, v16  }
0x50: {  	v3 =	vsel vm4, $0x101, v3;
	v17 =	vunpack.c.0.s8.s32 v17;
	v16 =	vsel vm7, $0x11A, v16  }
0x51: {  	v4 =	vsel vm4, $0x103, v4;
	v34 =	vsel vm6, $0x17E, v34;
	v16 =	vsel vm6, $0x15A, v16  }
0x52: {  	v3 =	vsel vm0, $0x141, v3;
	v17 =	vand.u32 $0xFF, v17;
	v16 =	vsel vm5, $0x19A, v16  }
0x53: {  	v4 =	vsel vm0, $0x143, v4;
	v17 =	vnsel vm8, $0x1DD, v17;
	v16 =	vsel vm3, $0x1DA, v16  }
0x54: {  	v17 =	vsel vm7, $0x11C, v17;
	v16 =	vsel vm2, v18, v16;
	v18 =	vimm.s32 $0xDD9D5D1D  }
0x55: {  	v34 =	vsel vm5, $0x1BE, v34;
	v17 =	vsel vm6, $0x15C, v17;
	v18 =	vunpack.c.0.s8.s32 v18  }
0x56: {  	v3 =	vsel vm1, $0x181, v3;
	v34 =	vsel vm3, $0x1FE, v34;
	v17 =	vsel vm5, $0x19C, v17  }
0x57: {  	[tilespmem:$0x1FF80] =	vst v3;
	v3 =	vsel vm1, $0x183, v4;
	v17 =	vsel vm3, $0x1DC, v17;
	v18 =	vand.u32 $0xFF, v18  }
0x58: {  	v5 =	vsel vm4, $0x105, v5;
	v17 =	vsel vm2, v18, v17;
	v18 =	vand.u32 $0xFF, v19  }
0x59: {  	v5 =	vsel vm0, $0x145, v5;
	v19 =	vimm.s32 $0xE0A06020;
	v18 =	vnsel vm8, $0x1DF, v18  }
0x5a: {  	v6 =	vsel vm4, $0x107, v6;
	v19 =	vunpack.c.0.s8.s32 v19;
	v18 =	vsel vm7, $0x11E, v18  }
0x5b: {  	[tilespmem:$0x1FF90] =	vst v3;
	v3 =	vsel vm1, $0x185, v5;
	v6 =	vsel vm0, $0x147, v6;
	v18 =	vsel vm6, $0x15E, v18  }
0x5c: {  	[tilespmem:$0x1FFA0] =	vst v3;
	v3 =	vsel vm1, $0x187, v6;
	v19 =	vand.u32 $0xFF, v19;
	v18 =	vsel vm5, $0x19E, v18  }
0x5d: {  	v7 =	vsel vm4, $0x109, v7;
	v19 =	vnsel vm8, $0x1E1, v19;
	v18 =	vsel vm3, $0x1DE, v18  }
0x5e: {  	v19 =	vsel vm7, $0x120, v19;
	v18 =	vsel vm2, v20, v18;
	v20 =	vimm.s32 $0xE1A16121  }
0x5f: {  	v7 =	vsel vm0, $0x149, v7;
	v19 =	vsel vm6, $0x160, v19;
	v20 =	vunpack.c.0.s8.s32 v20  }
0x60: {  	[tilespmem:$0x1FFB0] =	vst v3;
	v3 =	vsel vm1, $0x189, v7;
	v8 =	vsel vm4, $0x10B, v8;
	v19 =	vsel vm5, $0x1A0, v19  }
0x61: {  	v8 =	vsel vm0, $0x14B, v8;
	v19 =	vsel vm3, $0x1E0, v19;
	v20 =	vand.u32 $0xFF, v20  }
0x62: {  	[tilespmem:$0x1FFC0] =	vst v3;
	v3 =	vsel vm1, $0x18B, v8;
	v19 =	vsel vm2, v20, v19;
	v20 =	vand.u32 $0xFF, v21  }
0x63: {  	v9 =	vsel vm4, $0x10D, v9;
	v21 =	vimm.s32 $0xE4A46424;
	v20 =	vnsel vm8, $0x1E3, v20  }
0x64: {  	v9 =	vsel vm0, $0x14D, v9;
	v21 =	vunpack.c.0.s8.s32 v21;
	v20 =	vsel vm7, $0x122, v20  }
0x65: {  	[tilespmem:$0x1FFD0] =	vst v3;
	v3 =	vsel vm1, $0x18D, v9;
	v10 =	vsel vm4, $0x10F, v10;
	v20 =	vsel vm6, $0x162, v20  }
0x66: {  	v10 =	vsel vm0, $0x14F, v10;
	v21 =	vand.u32 $0xFF, v21;
	v20 =	vsel vm5, $0x1A2, v20  }
0x67: {  	v11 =	vsel vm4, $0x111, v11;
	v21 =	vnsel vm8, $0x1E5, v21;
	v20 =	vsel vm3, $0x1E2, v20  }
0x68: {  	v21 =	vsel vm7, $0x124, v21;
	v20 =	vsel vm2, v22, v20;
	v22 =	vimm.s32 $0xE5A56525  }
0x69: {  	v11 =	vsel vm0, $0x151, v11;
	v21 =	vsel vm6, $0x164, v21;
	v22 =	vunpack.c.0.s8.s32 v22  }
0x6a: {  	[tilespmem:$0x1FFE0] =	vst v3;
	v3 =	vsel vm1, $0x18F, v10;
	v11 =	vsel vm1, $0x191, v11;
	v21 =	vsel vm5, $0x1A4, v21  }
0x6b: {  	v12 =	vsel vm4, $0x113, v12;
	v21 =	vsel vm3, $0x1E4, v21;
	v22 =	vand.u32 $0xFF, v22  }
0x6c: {  	v12 =	vsel vm0, $0x153, v12;
	v21 =	vsel vm2, v22, v21;
	v22 =	vand.u32 $0xFF, v23  }
0x6d: {  	v13 =	vsel vm4, $0x115, v13;
	v23 =	vimm.s32 $0xE8A86828;
	v22 =	vnsel vm8, $0x1E7, v22  }
0x6e: {  	v13 =	vsel vm0, $0x155, v13;
	v23 =	vunpack.c.0.s8.s32 v23;
	v22 =	vsel vm7, $0x126, v22  }
0x6f: {  	v12 =	vsel vm1, $0x193, v12;
	v13 =	vsel vm1, $0x195, v13;
	v22 =	vsel vm6, $0x166, v22  }
0x70: {  	v14 =	vsel vm4, $0x117, v14;
	v23 =	vand.u32 $0xFF, v23;
	v22 =	vsel vm5, $0x1A6, v22  }
0x71: {  	v14 =	vsel vm0, $0x157, v14;
	v23 =	vnsel vm8, $0x1E9, v23;
	v22 =	vsel vm3, $0x1E6, v22  }
0x72: {  	v23 =	vsel vm7, $0x128, v23;
	v22 =	vsel vm2, v24, v22;
	v24 =	vimm.s32 $0xE9A96929  }
0x73: {  	v15 =	vsel vm4, $0x119, v15;
	v23 =	vsel vm6, $0x168, v23;
	v24 =	vunpack.c.0.s8.s32 v24  }
0x74: {  	v14 =	vsel vm1, $0x197, v14;
	v15 =	vsel vm0, $0x159, v15;
	v23 =	vsel vm5, $0x1A8, v23  }
0x75: {  	v15 =	vsel vm1, $0x199, v15;
	v23 =	vsel vm3, $0x1E8, v23;
	v24 =	vand.u32 $0xFF, v24  }
0x76: {  	v16 =	vsel vm4, $0x11B, v16;
	v23 =	vsel vm2, v24, v23;
	v24 =	vand.u32 $0xFF, v25  }
0x77: {  	v16 =	vsel vm0, $0x15B, v16;
	v25 =	vimm.s32 $0xECAC6C2C;
	v24 =	vnsel vm8, $0x1EB, v24  }
0x78: {  	v17 =	vsel vm4, $0x11D, v17;
	v25 =	vunpack.c.0.s8.s32 v25;
	v24 =	vsel vm7, $0x12A, v24  }
0x79: {  	v16 =	vsel vm1, $0x19B, v16;
	v17 =	vsel vm0, $0x15D, v17;
	v24 =	vsel vm6, $0x16A, v24  }
0x7a: {  	v17 =	vsel vm1, $0x19D, v17;
	v25 =	vand.u32 $0xFF, v25;
	v24 =	vsel vm5, $0x1AA, v24  }
0x7b: {  	v18 =	vsel vm4, $0x11F, v18;
	v25 =	vnsel vm8, $0x1ED, v25;
	v24 =	vsel vm3, $0x1EA, v24  }
0x7c: {  	v25 =	vsel vm7, $0x12C, v25;
	v24 =	vsel vm2, v26, v24;
	v26 =	vimm.s32 $0xEDAD6D2D  }
0x7d: {  	v18 =	vsel vm0, $0x15F, v18;
	v25 =	vsel vm6, $0x16C, v25;
	v26 =	vunpack.c.0.s8.s32 v26  }
0x7e: {  	v18 =	vsel vm1, $0x19F, v18;
	v19 =	vsel vm4, $0x121, v19;
	v25 =	vsel vm5, $0x1AC, v25  }
0x7f: {  	v19 =	vsel vm0, $0x161, v19;
	v25 =	vsel vm3, $0x1EC, v25;
	v26 =	vand.u32 $0xFF, v26  }
0x80: {  	v20 =	vsel vm4, $0x123, v20;
	v25 =	vsel vm2, v26, v25;
	v26 =	vand.u32 $0xFF, v27  }
0x81: {  	v19 =	vsel vm1, $0x1A1, v19;
	v20 =	vsel vm0, $0x163, v20;
	v26 =	vnsel vm8, $0x1EF, v26  }
0x82: {  	v21 =	vsel vm4, $0x125, v21;
	v27 =	vimm.s32 $0xF0B07030;
	v26 =	vsel vm7, $0x12E, v26  }
0x83: {  	v21 =	vsel vm0, $0x165, v21;
	v27 =	vunpack.c.0.s8.s32 v27;
	v26 =	vsel vm6, $0x16E, v26  }
0x84: {  	v20 =	vsel vm1, $0x1A3, v20;
	v21 =	vsel vm1, $0x1A5, v21;
	v26 =	vsel vm5, $0x1AE, v26  }
0x85: {  	v22 =	vsel vm4, $0x127, v22;
	v27 =	vand.u32 $0xFF, v27;
	v26 =	vsel vm3, $0x1EE, v26  }
0x86: {  	v27 =	vnsel vm8, $0x1F1, v27;
	v26 =	vsel vm2, v28, v26;
	v28 =	vimm.s32 $0xF2B27232  }
0x87: {  	v22 =	vsel vm0, $0x167, v22;
	v27 =	vsel vm7, $0x130, v27;
	v28 =	vunpack.c.0.s8.s32 v28  }
0x88: {  	v22 =	vsel vm1, $0x1A7, v22;
	v23 =	vsel vm4, $0x129, v23;
	v27 =	vsel vm6, $0x170, v27  }
0x89: {  	v23 =	vsel vm0, $0x169, v23;
	v27 =	vsel vm5, $0x1B0, v27;
	v28 =	vand.u32 $0xFF, v28  }
0x8a: {  	v24 =	vsel vm4, $0x12B, v24;
	v27 =	vsel vm3, $0x1F0, v27;
	v28 =	vnsel vm8, $0x1F3, v28  }
0x8b: {  	v27 =	vsel vm2, v29, v27;
	v29 =	vimm.s32 $0xF3B37333;
	v28 =	vsel vm7, $0x132, v28  }
0x8c: {  	v24 =	vsel vm0, $0x16B, v24;
	v29 =	vunpack.c.0.s8.s32 v29;
	v28 =	vsel vm6, $0x172, v28  }
0x8d: {  	v23 =	vsel vm1, $0x1A9, v23;
	v24 =	vsel vm1, $0x1AB, v24;
	v28 =	vsel vm5, $0x1B2, v28  }
0x8e: {  	v25 =	vsel vm4, $0x12D, v25;
	v29 =	vand.u32 $0xFF, v29;
	v28 =	vsel vm3, $0x1F2, v28  }
0x8f: {  	v28 =	vsel vm2, v29, v28;
	v29 =	vsel vm5, $0x1B4, v30;
	v30 =	vand.u32 $0xFF, v31  }
0x90: {  	v25 =	vsel vm0, $0x16D, v25;
	v26 =	vsel vm4, $0x12F, v26;
	v30 =	vnsel vm8, $0x1F7, v30  }
0x91: {  	v25 =	vsel vm1, $0x1AD, v25;
	v26 =	vsel vm0, $0x16F, v26;
	v30 =	vsel vm7, $0x136, v30  }
0x92: {  	v26 =	vsel vm1, $0x1AF, v26;
	v27 =	vsel vm4, $0x131, v27;
	v30 =	vsel vm6, $0x176, v30  }
0x93: {  	v27 =	vsel vm0, $0x171, v27;
	v31 =	vimm.s32 $0xF5B57535;
	v30 =	vsel vm5, $0x1B6, v30  }
0x94: {  	v27 =	vsel vm1, $0x1B1, v27;
	v31 =	vunpack.c.0.s8.s32 v31;
	v30 =	vsel vm3, $0x1F6, v30  }
0x95: {  	s2 =	rddreg [dreg:$0x0];
	v28 =	vsel vm4, $0x133, v28;
	v30 =	vsel vm2, v33, v30;
	v33 =	vnsel vm8, $0x1FB, v56  }
0x96: {  	s3 =	rddreg [dreg:$0x1];
	s25 =	stileid.u32;
	s18 =	simm.s32 $0x1;
	v29 =	vsel vm3, $0x1F4, v29;
	v28 =	vsel vm0, $0x173, v28;
	v33 =	vsel vm7, $0x13A, v33  }
0x97: {  	s19 =	simm.s32 $0x16B20;
	s20 =	simm.s32 $0x14000;
	s21 =	simm.s32 $0x2800;
	v31 =	vand.u32 $0xFF, v31;
	v28 =	vsel vm1, $0x1B3, v28;
	v33 =	vsel vm6, $0x17A, v33  }
0x98: {  	s22 =	simm.s32 $0x5000;
	s23 =	simm.s32 $0x7800;
	s24 =	simm.s32 $0xA000;
	v29 =	vsel vm2, v31, v29;
	v58 =	vsel vm5, $0x1BA, v33;
	v33 =	vand.u32 $0xFF, v61  }
0x99: {  	s28 =	simm.s32 $0x11800;
	s29 =	simm.s32 $0x40;
	s30 =	simm.s32 $0x400;
	v31 =	vsel vm7, $0x138, v32;
	v32 =	vunpack.c.0.s8.s32 v55;
	v33 =	vnsel vm8, $0x1FD, v33  }
0x9a: {  	s4 =	sadd.s32 $0x17600, s2;
	s5 =	sadd.s32 $0xD800, s2;
	s14 =	sshll.u32 s25, $0x6;
	v31 =	vsel vm6, $0x178, v31;
	v29 =	vsel vm4, $0x135, v29;
	v33 =	vsel vm7, $0x13C, v33  }
0x9b: {  	s7 =	sshll.u32 s25, $0xD;
	s26 =	ssub.s32 $0x2, s0;
	s2 =	sadd.s32 s14, s2;
	v31 =	vsel vm5, $0x1B8, v31;
	v32 =	vand.u32 $0xFF, v32;
	v33 =	vsel vm6, $0x17C, v33  }
0x9c: {  	s0 =	smul.u32 $0x2800, s0;
	s14 =	sadd.s32 s14, s3;
	s6 =	sshrl.u32 s26, $0x1;
	v29 =	vsel vm0, $0x175, v29;
	v31 =	vsel vm3, $0x1F8, v31;
	v33 =	vsel vm5, $0x1BC, v33  }
0x9d: {  	s1 =	simm.s32 $0x0;
	s16 =	ssub.s32 s26, s6;
	s6 =	sadd.s32 s7, s3;
	v30 =	vsel vm4, $0x137, v30;
	v31 =	vsel vm2, v32, v31;
	v33 =	vsel vm3, $0x1FC, v33  }
0x9e: {  	s0 =	sadd.s32 s0, s2;
	s26 =	simm.s32 $0xF000;
	s2 =	simm.s32 $0x1A120;
	v30 =	vsel vm0, $0x177, v30;
	v33 =	vsel vm2, v35, v33;
	v35 =	vunpack.c.0.s8.s32 v63  }
0x9f: {  	[smem:$0x7FF] =	sst s1;
	s7 =	sadd.s32 $0x400, s6;
	s8 =	sadd.s32 $0x800, s6;
	v29 =	vsel vm1, $0x1B5, v29;
	v31 =	vsel vm4, $0x139, v31;
	v30 =	vsel vm1, $0x1B7, v30  }
0xa0: {  	s9 =	sadd.s32 $0xC00, s6;
	s10 =	sadd.s32 $0x1000, s6;
	s11 =	sadd.s32 $0x1400, s6;
	v32 =	vsel vm3, $0x1FA, v58;
	v31 =	vsel vm0, $0x179, v31;
	v35 =	vand.u32 $0xFF, v35  }
0xa1: {  	s12 =	sadd.s32 $0x1800, s6;
	s13 =	sadd.s32 $0x1C00, s6;
	s15 =	sadd.s32 $0xB3A00, s0;
	[tilespmem:$0x1FFF0] =	vst v3;
	v32 =	vsel vm2, v59, v32;
	v31 =	vsel vm1, $0x1B9, v31;
	v34 =	vsel vm2, v35, v34  }
0xa2: {  	s31 =	smax.u32 s16, $0x1;
	_ =	strace $0x8000004A;
	[dreg:$0x3] =	wrdreg s4;
	v32 =	vsel vm4, $0x13B, v32;
	v33 =	vsel vm4, $0x13D, v33;
	v34 =	vsel vm4, $0x13F, v34  }
0xa3: {  	s0 =	simm.s32 $0x19F20;
	[dreg:$0x4] =	wrdreg s5;
	s5 =	smul.u32 $0x4E20, s25;
	v32 =	vsel vm0, $0x17B, v32;
	v33 =	vsel vm0, $0x17D, v33;
	v34 =	vsel vm0, $0x17F, v34  }
0xa4: {  	[dreg:$0x5] =	wrdreg s31;
	s25 =	simm.s32 $0xC800;
	s4 =	simm.s32 $0x0;
	v32 =	vsel vm1, $0x1BB, v32;
	v33 =	vsel vm1, $0x1BD, v33;
	v34 =	vsel vm1, $0x1BF, v34  }
.LBB2_1:
0xa5: {  	s3 =	simm.s32 $0x0;
	s16 =	simm.s32 $0x40  }
.LBB2_2:
0xa6: {  	p0 =	sne.s32 s16, $0x9FC0;
	[tilespmem:s3+$0x11800] =	vst v1  }
0xa7: {  	[tilespmem:s3+$0x0] =	vst v1  }
0xa8: {  	[tilespmem:s3+$0x2800] =	vst v1  }
.Ltmp0:
0xa9: {  	[tilespmem:s3+$0x5000] =	vst v1;
	(pc) =	sbr.rel @p0 .LBB2_2-.Ltmp0, $4  }
0xaa: {  	[tilespmem:s3+$0x7800] =	vst v1  }
0xab: {  	[tilespmem:s3+$0xA000] =	vst v1  }
0xac: {  	[tilespmem:s3+$0xC800] =	vst v1  }
0xad: {  	[tilespmem:s3+$0xF000] =	vst v1;
	s3 =	sshra.s32 s16, $0x2;
	s16 =	sadd.s32 $0x40, s16  }
0xae: {  	[tilespmem:s3+$0x11800] =	vst v1  }
0xaf: {  	[tilespmem:s3+$0x0] =	vst v1  }
0xb0: {  	[tilespmem:s3+$0x2800] =	vst v1  }
.Ltmp1:
0xb1: {  	[tilespmem:s3+$0x5000] =	vst v1;
	(pc) =	sbr.rel .LBB2_4-.Ltmp1, $4  }
0xb2: {  	[tilespmem:s3+$0x7800] =	vst v1  }
0xb3: {  	[tilespmem:s3+$0xA000] =	vst v1  }
0xb4: {  	[tilespmem:s3+$0xC800] =	vst v1  }
0xb5: {  	[dreg:$0x6] =	wrdreg s4;
	s17 =	simm.s32 $0x0;
	[tilespmem:s3+$0xF000] =	vst v1;
	s31 =	simm.s32 $0x0  }
.LBB2_11:
0xb6: {  	s31 =	sadd.s32 $0x1, s31  }
0xb7: {  	p0 =	sne.s32 s31, $0x19  }
.Ltmp2:
0xb8: {  	_ = 	snop;
	(pc) =	sbr.rel @!p0 .LBB2_12-.Ltmp2, $1  }
0xb9: {  	_ =	sdelay $0x3  }
.LBB2_4:
0xba: {  	s3 =	smul.u32 $0x320, s31;
	_ =	sdelay $0x1  }
0xbb: {  	s3 =	sadd.s32 s5, s3  }
0xbc: {  	s4 =	rddreg [dreg:$0x4];
	s16 =	sshrl.u32 s3, $0x3  }
0xbd: {  	s16 =	sadd.s32 s4, s16;
	s4 =	simm.s32 $0x16800  }
0xbe: {  	[tilespmem:s4], [sflag:$0x1] =	stream.linear.gather [hbm4b:s16+s17], $0x320, $0x38;
	[tilespmem:$0x1C520] =	vst v63  }
0xbf: {  	_ =	swait.ge [sflag:s18], $0x320  }
0xc0: {  	s3 =	sshll.u32 s3, $0x1;
	[sflag:s18] =	ssyncset.done $0x0;
	s16 =	rddreg [dreg:$0x3]  }
.Ltmp3:
0xc1: {  	[sflag:s18] =	ssyncadd.s32 $0xFFFFFCE0;
	s3 =	sadd.s32 s16, s3;
	(pc) =	sbr.rel .LBB2_5-.Ltmp3, $4  }
0xc2: {  	[tilespmem:s19], [sflag:$0x1] =	stream.linear.gather [hbm4b:s3+s17], $0x3200, $0x38;
	[tilespmem:$0x1C520] =	vst v63  }
0xc3: {  	_ =	swait.ge [sflag:s18], $0x3200  }
0xc4: {  	[sflag:s18] =	ssyncset.done $0x0  }
0xc5: {  	s16 =	simm.s32 $0x0;
	[sflag:s18] =	ssyncadd.s32 $0xFFFFCE00  }
.LBB2_9:
0xc6: {  	_ =	sdelay $0x3  }
0xc7: {  	v44 =	vld.idx.msk [tilespmem:v35+s1+$0x0], $0xffff;
	_ =	sdelay $0x4  }
0xc8: {  	v43 =	vmax.f32 v44, v43  }
0xc9: {  	[tilespmem:v35+s1+$0x0] =	vst.idx.msk $0xffff, v43  }
0xca: {  	v43 =	vld.idx.msk [tilespmem:v35+s21+$0x0], $0xffff;
	_ =	sdelay $0x4  }
0xcb: {  	v42 =	vmax.f32 v43, v42  }
0xcc: {  	[tilespmem:v35+s21+$0x0] =	vst.idx.msk $0xffff, v42  }
0xcd: {  	v42 =	vld.idx.msk [tilespmem:v35+s22+$0x0], $0xffff;
	_ =	sdelay $0x4  }
0xce: {  	v41 =	vmax.f32 v42, v41  }
0xcf: {  	[tilespmem:v35+s22+$0x0] =	vst.idx.msk $0xffff, v41  }
0xd0: {  	v41 =	vld.idx.msk [tilespmem:v35+s23+$0x0], $0xffff;
	_ =	sdelay $0x4  }
0xd1: {  	v40 =	vmax.f32 v41, v40  }
0xd2: {  	[tilespmem:v35+s23+$0x0] =	vst.idx.msk $0xffff, v40  }
0xd3: {  	v40 =	vld.idx.msk [tilespmem:v35+s24+$0x0], $0xffff;
	_ =	sdelay $0x4  }
0xd4: {  	v39 =	vmax.f32 v40, v39  }
0xd5: {  	[tilespmem:v35+s24+$0x0] =	vst.idx.msk $0xffff, v39  }
0xd6: {  	v39 =	vld.idx.msk [tilespmem:v35+s25+$0x0], $0xffff;
	_ =	sdelay $0x4  }
0xd7: {  	v38 =	vmax.f32 v39, v38  }
0xd8: {  	[tilespmem:v35+s25+$0x0] =	vst.idx.msk $0xffff, v38  }
0xd9: {  	v38 =	vld.idx.msk [tilespmem:v35+s26+$0x0], $0xffff;
	_ =	sdelay $0x4  }
0xda: {  	v37 =	vmax.f32 v38, v37  }
0xdb: {  	[tilespmem:v35+s26+$0x0] =	vst.idx.msk $0xffff, v37  }
0xdc: {  	v37 =	vld.idx.msk [tilespmem:v35+s28+$0x0], $0xffff;
	_ =	sdelay $0x4  }
0xdd: {  	v36 =	vmax.f32 v37, v36  }
0xde: {  	[tilespmem:v35+s28+$0x0] =	vst.idx.msk $0xffff, v36  }
.LBB2_10:
0xdf: {  	s16 =	sadd.s32 $0x1, s16  }
0xe0: {  	p0 =	sne.s32 s16, $0x32  }
.Ltmp4:
0xe1: {  	_ = 	snop;
	(pc) =	sbr.rel @!p0 .LBB2_11-.Ltmp4, $1  }
0xe2: {  	_ =	sdelay $0x3  }
.LBB2_5:
0xe3: {  	s3 =	sshll.u32 s16, $0x4  }
0xe4: {  	v44 =	vor.u32 s3, v2  }
0xe5: {  	v35 =	vshll.u32 v44, $0x4  }
0xe6: {  	v36 =	vor.u32 v0, v35  }
0xe7: {  	v37 =	vor.u32 $0x1, v36  }
0xe8: {  	v38 =	vor.u32 $0x2, v36  }
0xe9: {  	v39 =	vor.u32 $0x3, v36  }
0xea: {  	v35 =	vld [tilespmem:s3+$0x16800];
	v45 =	vor.u32 $0x4, v36  }
0xeb: {  	v46 =	vor.u32 $0x5, v36;
	v43 =	vld.idx.msk [tilespmem:v36+s19+$0x0], $0xffff  }
0xec: {  	v62 =	vor.u32 $0x6, v36;
	v42 =	vld.idx.msk [tilespmem:v37+s19+$0x0], $0xffff  }
0xed: {  	v36 =	vor.u32 $0x7, v36;
	v41 =	vld.idx.msk [tilespmem:v38+s19+$0x0], $0xffff  }
0xee: {  	v40 =	vld.idx.msk [tilespmem:v39+s19+$0x0], $0xffff  }
0xef: {  	v39 =	vld.idx.msk [tilespmem:v45+s19+$0x0], $0xffff  }
0xf0: {  	v38 =	vld.idx.msk [tilespmem:v46+s19+$0x0], $0xffff  }
0xf1: {  	v37 =	vld.idx.msk [tilespmem:v62+s19+$0x0], $0xffff  }
0xf2: {  	v36 =	vld.idx.msk [tilespmem:v36+s19+$0x0], $0xffff;
	[tilespmem:v35+s20+$0x0] =	vst.idx.msk $0xffff, v44  }
0xf3: {  	v63 =	vld.idx.msk [tilespmem:v35+s20+$0x0], $0xffff;
	_ =	sdelay $0x4  }
0xf4: {  	vm0 =	vne.s32 v63, v44  }
0xf5: {  	v44 =	vmpcnt.ones.xlane vm0;
	_ =	sdelay $0x1  }
0xf6: {  	(v2sf) =	vpush v44, $0x0;
	_ =	sdelay $0xe  }
0xf7: {  	s4 =	spop (v2sf)  }
0xf8: {  	p0 =	slt.s32 s4, $0x1  }
.Ltmp5:
0xf9: {  	_ = 	snop;
	(pc) =	sbr.rel @p0 .LBB2_9-.Ltmp5, $2  }
0xfa: {  	_ =	sdelay $0x2  }
0xfb: {  	s3 =	simm.s32 $0x0  }
0xfc: {  	_ =	sdelay $0x2  }
0xfd: {  	v44 =	vmov s3  }
0xfe: {  	v45 =	vld.idx.msk [tilespmem:v35+s1+$0x0], $0xffff;
	vm0 =	veq.s32 v44, v2;
	_ =	sdelay $0x4  }
0xff: {  	v63 =	vmax.f32 v45, v43  }
0x100: {  	[tilespmem:v35+s1+$0x0] =	vst.idx.msk vm0, v63  }
0x101: {  	v44 =	vld.idx.msk [tilespmem:v35+s21+$0x0], $0xffff;
	_ =	sdelay $0x4  }
0x102: {  	v44 =	vmax.f32 v44, v42  }
0x103: {  	[tilespmem:v35+s21+$0x0] =	vst.idx.msk vm0, v44  }
0x104: {  	v44 =	vld.idx.msk [tilespmem:v35+s22+$0x0], $0xffff;
	_ =	sdelay $0x4  }
0x105: {  	v44 =	vmax.f32 v44, v41  }
0x106: {  	[tilespmem:v35+s22+$0x0] =	vst.idx.msk vm0, v44  }
0x107: {  	v44 =	vld.idx.msk [tilespmem:v35+s23+$0x0], $0xffff;
	_ =	sdelay $0x4  }
0x108: {  	v44 =	vmax.f32 v44, v40  }
0x109: {  	[tilespmem:v35+s23+$0x0] =	vst.idx.msk vm0, v44  }
0x10a: {  	v44 =	vld.idx.msk [tilespmem:v35+s24+$0x0], $0xffff;
	_ =	sdelay $0x4  }
0x10b: {  	v44 =	vmax.f32 v44, v39  }
0x10c: {  	[tilespmem:v35+s24+$0x0] =	vst.idx.msk vm0, v44  }
0x10d: {  	v44 =	vld.idx.msk [tilespmem:v35+s25+$0x0], $0xffff;
	_ =	sdelay $0x4  }
0x10e: {  	v44 =	vmax.f32 v44, v38  }
0x10f: {  	[tilespmem:v35+s25+$0x0] =	vst.idx.msk vm0, v44  }
0x110: {  	v44 =	vld.idx.msk [tilespmem:v35+s26+$0x0], $0xffff;
	_ =	sdelay $0x4  }
0x111: {  	v44 =	vmax.f32 v44, v37  }
0x112: {  	[tilespmem:v35+s26+$0x0] =	vst.idx.msk vm0, v44  }
0x113: {  	v44 =	vld.idx.msk [tilespmem:v35+s28+$0x0], $0xffff;
	_ =	sdelay $0x4  }
0x114: {  	s3 =	simm.s32 $0x1;
	v44 =	vmax.f32 v44, v36  }
.LBB2_7:
0x115: {  	p0 =	seq.s32 s3, $0xF;
	[tilespmem:v35+s28+$0x0] =	vst.idx.msk vm0, v44;
	s4 =	smov.u32 s3;
	s3 =	sadd.s32 $0x1, s3  }
0x116: {  	v44 =	vmov s4;
	v45 =	vld.idx.msk [tilespmem:v35+s1+$0x0], $0xffff  }
0x117: {  	vm0 =	veq.s32 v44, v2;
	_ =	sdelay $0x4  }
0x118: {  	v44 =	vmax.f32 v45, v43  }
0x119: {  	[tilespmem:v35+s1+$0x0] =	vst.idx.msk vm0, v44  }
0x11a: {  	v44 =	vld.idx.msk [tilespmem:v35+s21+$0x0], $0xffff;
	_ =	sdelay $0x5  }
0x11b: {  	v44 =	vmax.f32 v44, v42  }
0x11c: {  	[tilespmem:v35+s21+$0x0] =	vst.idx.msk vm0, v44  }
0x11d: {  	v44 =	vld.idx.msk [tilespmem:v35+s22+$0x0], $0xffff;
	_ =	sdelay $0x5  }
0x11e: {  	v44 =	vmax.f32 v44, v41  }
0x11f: {  	[tilespmem:v35+s22+$0x0] =	vst.idx.msk vm0, v44  }
0x120: {  	v44 =	vld.idx.msk [tilespmem:v35+s23+$0x0], $0xffff;
	_ =	sdelay $0x5  }
0x121: {  	v44 =	vmax.f32 v44, v40  }
0x122: {  	[tilespmem:v35+s23+$0x0] =	vst.idx.msk vm0, v44  }
0x123: {  	v44 =	vld.idx.msk [tilespmem:v35+s24+$0x0], $0xffff;
	_ =	sdelay $0x5  }
0x124: {  	v44 =	vmax.f32 v44, v39  }
0x125: {  	[tilespmem:v35+s24+$0x0] =	vst.idx.msk vm0, v44  }
0x126: {  	v44 =	vld.idx.msk [tilespmem:v35+s25+$0x0], $0xffff;
	_ =	sdelay $0x5  }
0x127: {  	v44 =	vmax.f32 v44, v38  }
0x128: {  	[tilespmem:v35+s25+$0x0] =	vst.idx.msk vm0, v44  }
0x129: {  	v44 =	vld.idx.msk [tilespmem:v35+s26+$0x0], $0xffff;
	_ =	sdelay $0x5  }
0x12a: {  	v44 =	vmax.f32 v44, v37  }
0x12b: {  	[tilespmem:v35+s26+$0x0] =	vst.idx.msk vm0, v44  }
0x12c: {  	v44 =	vld.idx.msk [tilespmem:v35+s28+$0x0], $0xffff;
	_ =	sdelay $0x1  }
.Ltmp6:
0x12d: {  	(pc) =	sbr.rel @!p0 .LBB2_7-.Ltmp6, $2  }
0x12e: {  	_ =	sdelay $0x2  }
0x12f: {  	v44 =	vmax.f32 v44, v36  }
0x130: {  	_ = 	snop  }
.Ltmp7:
0x131: {  	_ = 	snop;
	(pc) =	sbr.rel .LBB2_10-.Ltmp7, $2  }
0x132: {  	_ =	sdelay $0x2  }
0x133: {  	[tilespmem:v35+s28+$0x0] =	vst.idx.msk vm0, v44  }
.LBB2_12:
0x134: {  	s17 =	simm.s32 $0x0;
	s4 =	simm.s32 $0x19D20  }
.LBB2_13:
0x135: {  	s31 =	sshll.u32 s17, $0xA  }
0x136: {  	[spmem:s6] =	stream.linear.scatter [tilespmem:s31], [sflag:$0x1], $0x400, $0x38;
	[tilespmem:$0x1C520] =	vst v63  }
0x137: {  	_ =	swait.ge [sflag:s18], $0x400  }
0x138: {  	[sflag:s18] =	ssyncset.done $0x0  }
0x139: {  	s3 =	sadd.s32 $0x2800, s31;
	[sflag:s18] =	ssyncadd.s32 $0xFFFFFC00  }
0x13a: {  	[spmem:s7] =	stream.linear.scatter [tilespmem:s3], [sflag:$0x1], $0x400, $0x38;
	[tilespmem:$0x1C520] =	vst v63  }
0x13b: {  	_ =	swait.ge [sflag:s18], $0x400  }
0x13c: {  	[sflag:s18] =	ssyncset.done $0x0  }
0x13d: {  	s16 =	sadd.s32 $0x5000, s31;
	[sflag:s18] =	ssyncadd.s32 $0xFFFFFC00  }
0x13e: {  	[spmem:s8] =	stream.linear.scatter [tilespmem:s16], [sflag:$0x1], $0x400, $0x38;
	[tilespmem:$0x1C520] =	vst v63  }
0x13f: {  	_ =	swait.ge [sflag:s18], $0x400  }
0x140: {  	[sflag:s18] =	ssyncset.done $0x0  }
0x141: {  	s16 =	sadd.s32 $0x7800, s31;
	[sflag:s18] =	ssyncadd.s32 $0xFFFFFC00  }
0x142: {  	[spmem:s9] =	stream.linear.scatter [tilespmem:s16], [sflag:$0x1], $0x400, $0x38;
	[tilespmem:$0x1C520] =	vst v63  }
0x143: {  	_ =	swait.ge [sflag:s18], $0x400  }
0x144: {  	[sflag:s18] =	ssyncset.done $0x0  }
0x145: {  	s16 =	sadd.s32 $0xA000, s31;
	[sflag:s18] =	ssyncadd.s32 $0xFFFFFC00  }
0x146: {  	[spmem:s10] =	stream.linear.scatter [tilespmem:s16], [sflag:$0x1], $0x400, $0x38;
	[tilespmem:$0x1C520] =	vst v63  }
0x147: {  	_ =	swait.ge [sflag:s18], $0x400  }
0x148: {  	[sflag:s18] =	ssyncset.done $0x0  }
0x149: {  	s16 =	sadd.s32 $0xC800, s31;
	[sflag:s18] =	ssyncadd.s32 $0xFFFFFC00  }
0x14a: {  	[spmem:s11] =	stream.linear.scatter [tilespmem:s16], [sflag:$0x1], $0x400, $0x38;
	[tilespmem:$0x1C520] =	vst v63  }
0x14b: {  	_ =	swait.ge [sflag:s18], $0x400  }
0x14c: {  	[sflag:s18] =	ssyncset.done $0x0  }
0x14d: {  	s16 =	sadd.s32 $0xF000, s31;
	[sflag:s18] =	ssyncadd.s32 $0xFFFFFC00  }
0x14e: {  	[spmem:s12] =	stream.linear.scatter [tilespmem:s16], [sflag:$0x1], $0x400, $0x38;
	[tilespmem:$0x1C520] =	vst v63  }
0x14f: {  	_ =	swait.ge [sflag:s18], $0x400  }
0x150: {  	[sflag:s18] =	ssyncset.done $0x0  }
0x151: {  	s16 =	sadd.s32 $0x11800, s31;
	[sflag:s18] =	ssyncadd.s32 $0xFFFFFC00  }
0x152: {  	[spmem:s13] =	stream.linear.scatter [tilespmem:s16], [sflag:$0x1], $0x400, $0x38;
	[tilespmem:$0x1C520] =	vst v63  }
0x153: {  	_ =	swait.ge [sflag:s18], $0x400  }
0x154: {  	[sflag:s18] =	ssyncset.done $0x0  }
0x155: {  	[sflag:s18] =	ssyncadd.s32 $0xFFFFFC00  }
0x156: {  	[bflag:$0x0] =	sbarrier.arrive $0xFFFF  }
0x157: {  	[tilespmem:s4], [sflag:$0x1] =	stream.strided.gather [spmem:s14], $0x200, s30, s29, $0x38;
	[tilespmem:$0x1C520] =	vst v63  }
0x158: {  	_ =	swait.ge [sflag:s18], $0x200  }
0x159: {  	[sflag:s18] =	ssyncset.done $0x0  }
0x15a: {  	s16 =	simm.s32 $0x8000;
	[sflag:s18] =	ssyncadd.s32 $0xFFFFFE00  }
.LBB2_14:
0x15b: {  	s3 =	sshra.s32 s16, $0x2  }
0x15c: {  	s3 =	sadd.s32 s3, s14  }
0x15d: {  	[tilespmem:s0], [sflag:$0x1] =	stream.strided.gather [spmem:s3], $0x200, s30, s29, $0x38;
	[tilespmem:$0x1C520] =	vst v63  }
0x15e: {  	_ =	swait.ge [sflag:s18], $0x200  }
0x15f: {  	[sflag:s18] =	ssyncset.done $0x0  }
0x160: {  	[sflag:s18] =	ssyncadd.s32 $0xFFFFFE00  }
0x161: {  	v35 =	vld [tilespmem:$0x19D20]  }
0x162: {  	v36 =	vld [tilespmem:$0x19F20]  }
0x163: {  	v37 =	vld [tilespmem:$0x19D30]  }
0x164: {  	v38 =	vld [tilespmem:$0x19F30]  }
0x165: {  	v39 =	vld [tilespmem:$0x19D40]  }
0x166: {  	v40 =	vld [tilespmem:$0x19F40]  }
0x167: {  	v41 =	vld [tilespmem:$0x19D50]  }
0x168: {  	v42 =	vld [tilespmem:$0x19F50]  }
0x169: {  	v43 =	vld [tilespmem:$0x19D60]  }
0x16a: {  	v44 =	vld [tilespmem:$0x19F60]  }
0x16b: {  	v45 =	vld [tilespmem:$0x19D70]  }
0x16c: {  	v46 =	vld [tilespmem:$0x19F70]  }
0x16d: {  	v47 =	vld [tilespmem:$0x19D80]  }
0x16e: {  	v48 =	vld [tilespmem:$0x19F80]  }
0x16f: {  	v49 =	vld [tilespmem:$0x19D90]  }
0x170: {  	v50 =	vld [tilespmem:$0x19F90]  }
0x171: {  	v51 =	vld [tilespmem:$0x19DA0]  }
0x172: {  	v52 =	vld [tilespmem:$0x19FA0]  }
0x173: {  	v53 =	vld [tilespmem:$0x19DB0]  }
0x174: {  	v54 =	vld [tilespmem:$0x19FB0]  }
0x175: {  	v55 =	vld [tilespmem:$0x19DC0]  }
0x176: {  	v56 =	vld [tilespmem:$0x19FC0]  }
0x177: {  	v57 =	vld [tilespmem:$0x19DD0]  }
0x178: {  	v58 =	vld [tilespmem:$0x19FD0]  }
0x179: {  	v59 =	vld [tilespmem:$0x19DE0]  }
0x17a: {  	v60 =	vld [tilespmem:$0x19FE0]  }
0x17b: {  	v61 =	vld [tilespmem:$0x19DF0]  }
0x17c: {  	v62 =	vld [tilespmem:$0x19FF0]  }
0x17d: {  	v63 =	vld [tilespmem:$0x19E00]  }
0x17e: {  	v3 =	vld [tilespmem:$0x1A000]  }
0x17f: {  	v4 =	vld [tilespmem:$0x19E10]  }
0x180: {  	v5 =	vld [tilespmem:$0x1A010]  }
0x181: {  	v6 =	vld [tilespmem:$0x19E20]  }
0x182: {  	v7 =	vld [tilespmem:$0x1A020]  }
0x183: {  	v8 =	vld [tilespmem:$0x19E30]  }
0x184: {  	v9 =	vld [tilespmem:$0x1A030]  }
0x185: {  	v10 =	vld [tilespmem:$0x19E40]  }
0x186: {  	v35 =	vmax.f32 v35, v36;
	v36 =	vld [tilespmem:$0x1A040]  }
0x187: {  	v40 =	vmax.f32 v39, v40;
	v39 =	vld [tilespmem:$0x19E60];
	[tilespmem:$0x19D20] =	vst v35  }
0x188: {  	v42 =	vmax.f32 v41, v42;
	v41 =	vld [tilespmem:$0x19E70];
	[tilespmem:$0x19D40] =	vst v40  }
0x189: {  	v44 =	vmax.f32 v43, v44;
	v43 =	vld [tilespmem:$0x19E80];
	[tilespmem:$0x19D50] =	vst v42  }
0x18a: {  	v46 =	vmax.f32 v45, v46;
	v45 =	vld [tilespmem:$0x19E90];
	[tilespmem:$0x19D60] =	vst v44  }
0x18b: {  	v48 =	vmax.f32 v47, v48;
	v47 =	vld [tilespmem:$0x19EA0];
	[tilespmem:$0x19D70] =	vst v46  }
0x18c: {  	v50 =	vmax.f32 v49, v50;
	v54 =	vmax.f32 v53, v54;
	v53 =	vld [tilespmem:$0x19EB0];
	[tilespmem:$0x19D80] =	vst v48  }
0x18d: {  	v52 =	vmax.f32 v51, v52;
	v56 =	vmax.f32 v55, v56;
	v55 =	vld [tilespmem:$0x19EC0];
	[tilespmem:$0x19D90] =	vst v50  }
0x18e: {  	v58 =	vmax.f32 v57, v58;
	v57 =	vld [tilespmem:$0x19ED0];
	[tilespmem:$0x19DA0] =	vst v52  }
0x18f: {  	v60 =	vmax.f32 v59, v60;
	v59 =	vld [tilespmem:$0x1A0F0];
	[tilespmem:$0x19DB0] =	vst v54  }
0x190: {  	v3 =	vmax.f32 v63, v3;
	v63 =	vld [tilespmem:$0x1A110];
	[tilespmem:$0x19DC0] =	vst v56  }
0x191: {  	v35 =	vmax.f32 v37, v38;
	v37 =	vld [tilespmem:$0x19E50];
	[tilespmem:$0x19DD0] =	vst v58  }
0x192: {  	v38 =	vld [tilespmem:$0x1A050];
	[tilespmem:$0x19DE0] =	vst v60  }
0x193: {  	v40 =	vld [tilespmem:$0x1A060];
	[tilespmem:$0x19E00] =	vst v3  }
0x194: {  	v42 =	vld [tilespmem:$0x1A070];
	v52 =	vmax.f32 v61, v62;
	[tilespmem:$0x19D30] =	vst v35  }
0x195: {  	v44 =	vld [tilespmem:$0x1A080];
	v3 =	vmax.f32 v4, v5;
	[tilespmem:$0x19DF0] =	vst v52  }
0x196: {  	v46 =	vld [tilespmem:$0x1A090];
	[tilespmem:$0x19E10] =	vst v3;
	v3 =	vmax.f32 v6, v7  }
0x197: {  	v48 =	vld [tilespmem:$0x1A0A0];
	[tilespmem:$0x19E20] =	vst v3;
	v3 =	vmax.f32 v8, v9  }
0x198: {  	v54 =	vld [tilespmem:$0x1A0B0];
	[tilespmem:$0x19E30] =	vst v3;
	v3 =	vmax.f32 v10, v36  }
0x199: {  	v56 =	vld [tilespmem:$0x1A0C0];
	[tilespmem:$0x19E40] =	vst v3;
	v3 =	vmax.f32 v37, v38  }
0x19a: {  	v58 =	vld [tilespmem:$0x1A0D0];
	[tilespmem:$0x19E50] =	vst v3;
	v3 =	vmax.f32 v39, v40  }
0x19b: {  	v60 =	vld [tilespmem:$0x19F00];
	[tilespmem:$0x19E60] =	vst v3;
	v3 =	vmax.f32 v41, v42  }
0x19c: {  	v8 =	vld [tilespmem:$0x19EE0];
	[tilespmem:$0x19E70] =	vst v3;
	v3 =	vmax.f32 v43, v44  }
0x19d: {  	v9 =	vld [tilespmem:$0x1A0E0];
	[tilespmem:$0x19E80] =	vst v3;
	v3 =	vmax.f32 v45, v46  }
0x19e: {  	v10 =	vld [tilespmem:$0x19EF0];
	[tilespmem:$0x19E90] =	vst v3;
	v3 =	vmax.f32 v47, v48  }
0x19f: {  	v61 =	vld [tilespmem:$0x1A100];
	[tilespmem:$0x19EA0] =	vst v3;
	v3 =	vmax.f32 v53, v54  }
0x1a0: {  	v62 =	vld [tilespmem:$0x19F10];
	[tilespmem:$0x19EB0] =	vst v3;
	v3 =	vmax.f32 v55, v56  }
0x1a1: {  	p0 =	sne.s32 s16, $0x78000;
	[tilespmem:$0x19EC0] =	vst v3;
	v3 =	vmax.f32 v57, v58  }
.Ltmp8:
0x1a2: {  	[tilespmem:$0x19ED0] =	vst v3;
	v3 =	vmax.f32 v8, v9;
	(pc) =	sbr.rel @p0 .LBB2_14-.Ltmp8, $4  }
0x1a3: {  	[tilespmem:$0x19EE0] =	vst v3;
	v3 =	vmax.f32 v10, v59  }
0x1a4: {  	[tilespmem:$0x19EF0] =	vst v3;
	v3 =	vmax.f32 v60, v61  }
0x1a5: {  	[tilespmem:$0x19F00] =	vst v3;
	v3 =	vmax.f32 v62, v63  }
0x1a6: {  	s16 =	sadd.s32 $0x8000, s16;
	[tilespmem:$0x19F10] =	vst v3  }
0x1a7: {  	v3 =	vld [tilespmem:$0x19D20];
	_ =	sdelay $0x4  }
0x1a8: {  	[tilespmem:$0x1A120] =	vst v3;
	v3 =	vld [tilespmem:$0x19D70];
	_ =	sdelay $0x1  }
0x1a9: {  	v4 =	vld [tilespmem:$0x19D30]  }
0x1aa: {  	v5 =	vld [tilespmem:$0x19D40]  }
0x1ab: {  	v6 =	vld [tilespmem:$0x19D50]  }
0x1ac: {  	[tilespmem:$0x1A170] =	vst v3;
	v3 =	vld [tilespmem:$0x19DC0]  }
0x1ad: {  	v7 =	vld [tilespmem:$0x19D60]  }
0x1ae: {  	v43 =	vld [tilespmem:$0x19D80]  }
0x1af: {  	v44 =	vld [tilespmem:$0x19D90];
	[tilespmem:$0x1A130] =	vst v4  }
0x1b0: {  	v45 =	vld [tilespmem:$0x19DA0];
	[tilespmem:$0x1A140] =	vst v5  }
0x1b1: {  	[tilespmem:$0x1A1C0] =	vst v3;
	v3 =	vld [tilespmem:$0x19E10]  }
0x1b2: {  	v46 =	vld [tilespmem:$0x19DB0];
	[tilespmem:$0x1A150] =	vst v6  }
0x1b3: {  	v47 =	vld [tilespmem:$0x19DD0];
	[tilespmem:$0x1A160] =	vst v7  }
0x1b4: {  	v48 =	vld [tilespmem:$0x19DE0];
	[tilespmem:$0x1A180] =	vst v43  }
0x1b5: {  	v49 =	vld [tilespmem:$0x19DF0];
	[tilespmem:$0x1A190] =	vst v44  }
0x1b6: {  	[tilespmem:$0x1A210] =	vst v3;
	v3 =	vld [tilespmem:$0x19E60]  }
0x1b7: {  	v50 =	vld [tilespmem:$0x19E00];
	[tilespmem:$0x1A1A0] =	vst v45  }
0x1b8: {  	v51 =	vld [tilespmem:$0x19E20];
	[tilespmem:$0x1A1B0] =	vst v46  }
0x1b9: {  	v52 =	vld [tilespmem:$0x19E30];
	[tilespmem:$0x1A1D0] =	vst v47  }
0x1ba: {  	v53 =	vld [tilespmem:$0x19E40];
	[tilespmem:$0x1A1E0] =	vst v48  }
0x1bb: {  	[tilespmem:$0x1A260] =	vst v3;
	v3 =	vld [tilespmem:$0x19EB0]  }
0x1bc: {  	v54 =	vld [tilespmem:$0x19E50];
	[tilespmem:$0x1A1F0] =	vst v49  }
0x1bd: {  	v55 =	vld [tilespmem:$0x19E70];
	[tilespmem:$0x1A200] =	vst v50  }
0x1be: {  	v56 =	vld [tilespmem:$0x19E80];
	[tilespmem:$0x1A220] =	vst v51  }
0x1bf: {  	v57 =	vld [tilespmem:$0x19E90];
	[tilespmem:$0x1A230] =	vst v52  }
0x1c0: {  	[tilespmem:$0x1A2B0] =	vst v3;
	v3 =	vld [tilespmem:$0x19F00]  }
0x1c1: {  	v58 =	vld [tilespmem:$0x19EA0];
	[tilespmem:$0x1A240] =	vst v53  }
0x1c2: {  	v59 =	vld [tilespmem:$0x19EC0];
	[tilespmem:$0x1A250] =	vst v54  }
0x1c3: {  	v60 =	vld [tilespmem:$0x19ED0];
	[tilespmem:$0x1A270] =	vst v55  }
0x1c4: {  	v61 =	vld [tilespmem:$0x19EE0];
	[tilespmem:$0x1A280] =	vst v56  }
0x1c5: {  	[tilespmem:$0x1A300] =	vst v3;
	v3 =	vld [tilespmem:$0x1FF80]  }
0x1c6: {  	v62 =	vld [tilespmem:$0x19EF0];
	[tilespmem:$0x1A290] =	vst v57  }
0x1c7: {  	v63 =	vld [tilespmem:$0x19F10];
	[tilespmem:$0x1A2A0] =	vst v58  }
0x1c8: {  	[tilespmem:$0x1A2C0] =	vst v59  }
0x1c9: {  	[tilespmem:$0x1A2D0] =	vst v60  }
0x1ca: {  	[tilespmem:$0x1A2E0] =	vst v61  }
0x1cb: {  	[tilespmem:$0x1A2F0] =	vst v62  }
0x1cc: {  	[tilespmem:$0x1A310] =	vst v63  }
0x1cd: {  	v3 =	vld.idx.msk [tilespmem:v3+s2+$0x0], $0xffff;
	_ =	sdelay $0x4  }
0x1ce: {  	[tilespmem:$0x1A320] =	vst v3;
	v3 =	vld [tilespmem:$0x1FF90];
	_ =	sdelay $0x7  }
0x1cf: {  	v3 =	vld.idx.msk [tilespmem:v3+s2+$0x0], $0xffff;
	_ =	sdelay $0x4  }
0x1d0: {  	[tilespmem:$0x1A330] =	vst v3;
	v3 =	vld [tilespmem:$0x1FFA0];
	_ =	sdelay $0x7  }
0x1d1: {  	v3 =	vld.idx.msk [tilespmem:v3+s2+$0x0], $0xffff;
	_ =	sdelay $0x4  }
0x1d2: {  	[tilespmem:$0x1A340] =	vst v3;
	v3 =	vld [tilespmem:$0x1FFB0];
	_ =	sdelay $0x7  }
0x1d3: {  	v3 =	vld.idx.msk [tilespmem:v3+s2+$0x0], $0xffff;
	_ =	sdelay $0x4  }
0x1d4: {  	[tilespmem:$0x1A350] =	vst v3;
	v3 =	vld [tilespmem:$0x1FFC0];
	_ =	sdelay $0x7  }
0x1d5: {  	v3 =	vld.idx.msk [tilespmem:v3+s2+$0x0], $0xffff;
	_ =	sdelay $0x4  }
0x1d6: {  	[tilespmem:$0x1A360] =	vst v3;
	v3 =	vld [tilespmem:$0x1FFD0];
	_ =	sdelay $0x7  }
0x1d7: {  	v3 =	vld.idx.msk [tilespmem:v3+s2+$0x0], $0xffff;
	_ =	sdelay $0x4  }
0x1d8: {  	[tilespmem:$0x1A370] =	vst v3;
	v3 =	vld [tilespmem:$0x1FFE0];
	_ =	sdelay $0x7  }
0x1d9: {  	v3 =	vld.idx.msk [tilespmem:v3+s2+$0x0], $0xffff;
	_ =	sdelay $0x4  }
0x1da: {  	[tilespmem:$0x1A380] =	vst v3;
	v3 =	vld [tilespmem:$0x1FFF0];
	_ =	sdelay $0x7  }
0x1db: {  	v3 =	vld.idx.msk [tilespmem:v3+s2+$0x0], $0xffff;
	_ =	sdelay $0x4  }
0x1dc: {  	[tilespmem:$0x1A390] =	vst v3  }
0x1dd: {  	v3 =	vld.idx.msk [tilespmem:v11+s2+$0x0], $0xffff;
	_ =	sdelay $0x4  }
0x1de: {  	[tilespmem:$0x1A3A0] =	vst v3  }
0x1df: {  	v3 =	vld.idx.msk [tilespmem:v12+s2+$0x0], $0xffff;
	_ =	sdelay $0x4  }
0x1e0: {  	[tilespmem:$0x1A3B0] =	vst v3  }
0x1e1: {  	v3 =	vld.idx.msk [tilespmem:v13+s2+$0x0], $0xffff;
	_ =	sdelay $0x4  }
0x1e2: {  	[tilespmem:$0x1A3C0] =	vst v3  }
0x1e3: {  	v3 =	vld.idx.msk [tilespmem:v14+s2+$0x0], $0xffff;
	_ =	sdelay $0x4  }
0x1e4: {  	[tilespmem:$0x1A3D0] =	vst v3  }
0x1e5: {  	v3 =	vld.idx.msk [tilespmem:v15+s2+$0x0], $0xffff;
	_ =	sdelay $0x4  }
0x1e6: {  	[tilespmem:$0x1A3E0] =	vst v3  }
0x1e7: {  	v3 =	vld.idx.msk [tilespmem:v16+s2+$0x0], $0xffff;
	_ =	sdelay $0x4  }
0x1e8: {  	[tilespmem:$0x1A3F0] =	vst v3  }
0x1e9: {  	v3 =	vld.idx.msk [tilespmem:v17+s2+$0x0], $0xffff;
	_ =	sdelay $0x4  }
0x1ea: {  	[tilespmem:$0x1A400] =	vst v3  }
0x1eb: {  	v3 =	vld.idx.msk [tilespmem:v18+s2+$0x0], $0xffff;
	_ =	sdelay $0x4  }
0x1ec: {  	[tilespmem:$0x1A410] =	vst v3  }
0x1ed: {  	v3 =	vld.idx.msk [tilespmem:v19+s2+$0x0], $0xffff;
	_ =	sdelay $0x4  }
0x1ee: {  	[tilespmem:$0x1A420] =	vst v3  }
0x1ef: {  	v3 =	vld.idx.msk [tilespmem:v20+s2+$0x0], $0xffff;
	_ =	sdelay $0x4  }
0x1f0: {  	[tilespmem:$0x1A430] =	vst v3  }
0x1f1: {  	v3 =	vld.idx.msk [tilespmem:v21+s2+$0x0], $0xffff;
	_ =	sdelay $0x4  }
0x1f2: {  	[tilespmem:$0x1A440] =	vst v3  }
0x1f3: {  	v3 =	vld.idx.msk [tilespmem:v22+s2+$0x0], $0xffff;
	_ =	sdelay $0x4  }
0x1f4: {  	[tilespmem:$0x1A450] =	vst v3  }
0x1f5: {  	v3 =	vld.idx.msk [tilespmem:v23+s2+$0x0], $0xffff;
	_ =	sdelay $0x4  }
0x1f6: {  	[tilespmem:$0x1A460] =	vst v3  }
0x1f7: {  	v3 =	vld.idx.msk [tilespmem:v24+s2+$0x0], $0xffff;
	_ =	sdelay $0x4  }
0x1f8: {  	[tilespmem:$0x1A470] =	vst v3  }
0x1f9: {  	v3 =	vld.idx.msk [tilespmem:v25+s2+$0x0], $0xffff;
	_ =	sdelay $0x4  }
0x1fa: {  	[tilespmem:$0x1A480] =	vst v3  }
0x1fb: {  	v3 =	vld.idx.msk [tilespmem:v26+s2+$0x0], $0xffff;
	_ =	sdelay $0x4  }
0x1fc: {  	[tilespmem:$0x1A490] =	vst v3  }
0x1fd: {  	v3 =	vld.idx.msk [tilespmem:v27+s2+$0x0], $0xffff;
	_ =	sdelay $0x4  }
0x1fe: {  	[tilespmem:$0x1A4A0] =	vst v3  }
0x1ff: {  	v3 =	vld.idx.msk [tilespmem:v28+s2+$0x0], $0xffff;
	_ =	sdelay $0x4  }
0x200: {  	[tilespmem:$0x1A4B0] =	vst v3  }
0x201: {  	v3 =	vld.idx.msk [tilespmem:v29+s2+$0x0], $0xffff;
	_ =	sdelay $0x4  }
0x202: {  	[tilespmem:$0x1A4C0] =	vst v3  }
0x203: {  	v3 =	vld.idx.msk [tilespmem:v30+s2+$0x0], $0xffff;
	_ =	sdelay $0x4  }
0x204: {  	[tilespmem:$0x1A4D0] =	vst v3  }
0x205: {  	v3 =	vld.idx.msk [tilespmem:v31+s2+$0x0], $0xffff;
	_ =	sdelay $0x4  }
0x206: {  	[tilespmem:$0x1A4E0] =	vst v3  }
0x207: {  	v3 =	vld.idx.msk [tilespmem:v32+s2+$0x0], $0xffff;
	_ =	sdelay $0x4  }
0x208: {  	[tilespmem:$0x1A4F0] =	vst v3  }
0x209: {  	v3 =	vld.idx.msk [tilespmem:v33+s2+$0x0], $0xffff;
	_ =	sdelay $0x4  }
0x20a: {  	[tilespmem:$0x1A500] =	vst v3  }
0x20b: {  	v3 =	vld.idx.msk [tilespmem:v34+s2+$0x0], $0xffff;
	_ =	sdelay $0x3  }
0x20c: {  	s17 =	sadd.s32 $0x1, s17  }
0x20d: {  	s3 =	sadd.s32 s31, s15;
	s16 =	simm.s32 $0x1A320;
	p0 =	sne.s32 s17, $0xA;
	[tilespmem:$0x1A510] =	vst v3  }
0x20e: {  	[hbm4b:s3+s1] =	stream.linear.scatter [tilespmem:s16], [sflag:$0x1], $0x200, $0x38;
	[tilespmem:$0x1C520] =	vst v63  }
.Ltmp9:
0x20f: {  	_ =	swait.ge [sflag:s18], $0x200;
	(pc) =	sbr.rel @p0 .LBB2_13-.Ltmp9, $3  }
0x210: {  	[sflag:s18] =	ssyncset.done $0x0  }
0x211: {  	[sflag:s18] =	ssyncadd.s32 $0xFFFFFE00  }
0x212: {  	[bflag:$0x0] =	sbarrier.arrive $0xFFFF;
	_ =	sdelay $0x1  }
0x213: {  	s4 =	rddreg [dreg:$0x6]  }
0x214: {  	s3 =	rddreg [dreg:$0x5];
	s4 =	sadd.s32 $0x1, s4  }
0x215: {  	p0 =	sne.s32 s4, s3  }
.Ltmp10:
0x216: {  	_ = 	snop;
	(pc) =	sbr.rel @p0 .LBB2_1-.Ltmp10, $1  }
0x217: {  	_ =	sdelay $0x3  }
0x218: {  	_ =	sfence.sel $0x180000  }
0x219: {  	[bflag:$0x0] =	sbarrier.arrive $0xFFFF  }
0x21a: {  	_ =	strace $0x9000004A  }
0x21b: {  	s0 =	stileid.u32;
	[bflag:$0x2] =	sbarrier.arrive $0xFFFF  }
0x21c: {  	p0 =	sne.s32 s0, $0x0;
	s0 =	rddreg [dreg:$0x2]  }
0x21d: {  	s0 =	sadd.s32 @!p0 $0x100000, s0  }
0x21e: {  	[sflag:s0] =	ssyncadd.tile.s32 @!p0 $0x1;
	_ =	shalt  }
.Lfunc_end2:
_tile_overlayer_lowered:
.L_overlay_start_2:
0x21f: {  	(tag) =	ssettag $0x2  }
0x220: {  	s0 =	rddreg [dreg:$0x0];
	s2 =	stileid.u32  }
0x221: {  	s1 =	rddreg [dreg:$0x1];
	p0 =	sne.s32 s2, $0x0  }
0x222: {  	s3 =	rddreg [dreg:$0x2];
	[bflag:$0x3] =	sbarrier.arrive $0xFFFF;
	s2 =	simm.s32 @!p0 $0x1C01  }
0x223: {  	[timem:s3], [sflag:s2] =	dma.local @!p0 [hbm:s0], s1  }
0x224: {  	s0 =	simm.s32 @!p0 $0x1  }
0x225: {  	_ =	swait.ge @!p0 [sflag:s0], s1  }
0x226: {  	s1 =	ssub.s32 @!p0 $0x0, s1;
	[sflag:s0] =	ssyncset.done @!p0 $0x0  }
0x227: {  	[sflag:s0] =	ssyncadd.s32 @!p0 s1  }
0x228: {  	[bflag:$0x3] =	sbarrier.arrive $0xFFFF  }
0x229: {  	_ =	shalt  }

// kernel: kernel.17.cloned.1.call-start
scs
__scs_entry_jumppad:
0x0: {  	(pc) =	sbr.rel $0x88, $3  }
0x1: {  	(tag) =	ssettag $0x0;
	lr =	simm.s32 $0x1  }
0x2: {  	[smem:$0x3F8E] =	sst lr;
	_ =	strace $0xD0000000  }
0x3: {  	_ = 	snop  }
0x4: {  	_ = 	snop  }
0x5: {  	_ = 	snop  }
0x6: {  	_ = 	snop  }
0x7: {  	_ = 	snop  }
__scs_overlays_trampoline_lowered:
0x8: {  	[smem:$0x3F9D] =	sst s0  }
0x9: {  	[smem:$0x3F9E] =	sst s1  }
0xa: {  	[smem:$0x3F9F] =	sst s2  }
0xb: {  	[smem:$0x3FA0] =	sst s3  }
0xc: {  	[smem:$0x3FA1] =	sst s4  }
0xd: {  	[smem:$0x3FA2] =	sst s5  }
0xe: {  	[smem:$0x3FA3] =	sst s6  }
0xf: {  	[smem:$0x3FA4] =	sst s7  }
0x10: {  	[smem:$0x3FA5] =	sst s8  }
0x11: {  	[smem:$0x3FA6] =	sst s9;
	s0 =	simm.s32 @!p0 $0x0  }
0x12: {  	s1 =	sld [smem:$0x3F8C];
	s0 =	simm.s32 @p0 $0x1  }
0x13: {  	[smem:$0x3FA7] =	sst s0;
	s0 =	simm.s32 @!p1 $0x0  }
0x14: {  	s2 =	sld [smem:$0x3F8B];
	s0 =	simm.s32 @p1 $0x1  }
0x15: {  	[smem:$0x3FA8] =	sst s0;
	s0 =	simm.s32 @!p2 $0x0  }
0x16: {  	s3 =	sld [smem:$0x3FDB];
	s0 =	simm.s32 @p2 $0x1  }
0x17: {  	s4 =	simm.s32 $0x1BF5;
	[smem:$0x3FAA] =	sst s0  }
0x18: {  	s0 =	sld [smem:$0x3F8D];
	_ =	swait.ge [sflag:s4], $0x0  }
0x19: {  	s7 =	sld [smem:$0x3F8E]  }
0x1a: {  	s8 =	sadd.s32 $0xFFFFE003, lr  }
0x1b: {  	s9 =	sadd.s32 $0xFFFFFEF7, lr;
	s5 =	simm.s32 $0xFFFFFFFF;
	p2 =	slt.u32 s8, $0xFFFFF086  }
0x1c: {  	p1 =	slt.u32 s9, $0xF7A;
	s5 =	simm.s32 @!p2 $0x0  }
0x1d: {  	s5 =	simm.s32 @p1 $0x1;
	p0 =	seq.s32 s7, s2  }
0x1e: {  	s7 =	smul.u32 @!p0 $0xF7A, s2;
	p2 =	seq.s32 @!p0 s5, $0x0  }
0x1f: {  	s9 =	smul.u32 $0xF7A, s1;
	s8 =	simm.s32 @!p0 $0x1BF5;
	p2 =	por !p2, p0  }
0x20: {  	[sflag:s8] =	ssyncset.s32 @!p0 $0xFFFFF086;
	s6 =	sadd.s32 @!p0 s3, s7;
	s7 =	simm.s32 @!p0 $0x108  }
0x21: {  	s3 =	sadd.s32 s3, s9;
	s6 =	sadd.s32 @!p0 $0x88, s6;
	s7 =	simm.s32 @p2 $0x1082  }
0x22: {  	[simem:s7], [sflag:s8] =	dma.local @!p0 [hbm:s6], $0xF7A  }
0x23: {  	s9 =	sor.u32 $0xD0000000, s2;
	s6 =	simm.s32 $0x108;
	_ =	swait.ge @!p0 [sflag:s8], $0x0  }
0x24: {  	s3 =	sadd.s32 $0x88, s3;
	s6 =	simm.s32 @!p1 $0x1082;
	[sflag:s4] =	ssyncset.s32 $0xFFFFF086  }
0x25: {  	[simem:s6], [sflag:s4] =	dma.local [hbm:s3], $0xF7A  }
0x26: {  	[smem:$0x3F8E] =	sst s1;
	(tag) =	ssettag s2;
	_ =	strace s9  }
0x27: {  	s1 =	sld [smem:$0x3F9E]  }
0x28: {  	s2 =	sld [smem:$0x3F9F]  }
0x29: {  	s4 =	sld [smem:$0x3FA1]  }
0x2a: {  	p0 =	seq.s32 s5, $0x0;
	s5 =	sld [smem:$0x3FA2]  }
0x2b: {  	s6 =	sld [smem:$0x3FA3]  }
0x2c: {  	s7 =	sld [smem:$0x3FA4]  }
0x2d: {  	s3 =	simm.s32 $0x108;
	s8 =	sld [smem:$0x3FA5]  }
0x2e: {  	s3 =	simm.s32 @!p0 $0x1082;
	s9 =	sld [smem:$0x3FA6]  }
0x2f: {  	lr =	sadd.s32 s0, s3;
	s0 =	sld [smem:$0x3F9D]  }
0x30: {  	s3 =	sld [smem:$0x3FA0]  }
0x31: {  	[smem:$0x3FA9] =	sst s10  }
0x32: {  	s10 =	sld [smem:$0x3FA7];
	_ =	sdelay $0x3  }
0x33: {  	p0 =	seq.s32 s10, $0x1;
	s10 =	sld [smem:$0x3FA9];
	_ =	sdelay $0x3  }
0x34: {  	[smem:$0x3FA9] =	sst s10  }
0x35: {  	s10 =	sld [smem:$0x3FA8];
	_ =	sdelay $0x3  }
0x36: {  	p1 =	seq.s32 s10, $0x1;
	s10 =	sld [smem:$0x3FA9];
	_ =	sdelay $0x3  }
0x37: {  	[smem:$0x3FA9] =	sst s10  }
0x38: {  	s10 =	sld [smem:$0x3FAA]  }
0x39: {  	_ = 	snop;
	(pc) =	sbr.ind lr, $3  }
0x3a: {  	_ = 	snop  }
0x3b: {  	_ = 	snop  }
0x3c: {  	p2 =	seq.s32 s10, $0x1;
	s10 =	sld [smem:$0x3FA9]  }
0x3d: {  	_ =	shalt  }
0x3e: {  	_ =	shalt  }
0x3f: {  	_ =	shalt  }
0x40: {  	_ =	shalt  }
0x41: {  	_ =	shalt  }
0x42: {  	_ =	shalt  }
0x43: {  	_ =	shalt  }
0x44: {  	_ =	shalt  }
0x45: {  	_ =	shalt  }
0x46: {  	_ =	shalt  }
0x47: {  	_ =	shalt  }
0x48: {  	_ =	shalt  }
0x49: {  	_ =	shalt  }
0x4a: {  	_ =	shalt  }
0x4b: {  	_ =	shalt  }
0x4c: {  	_ =	shalt  }
0x4d: {  	_ =	shalt  }
0x4e: {  	_ =	shalt  }
0x4f: {  	_ =	shalt  }
0x50: {  	_ =	shalt  }
0x51: {  	_ =	shalt  }
0x52: {  	_ =	shalt  }
0x53: {  	_ =	shalt  }
0x54: {  	_ =	shalt  }
0x55: {  	_ =	shalt  }
0x56: {  	_ =	shalt  }
0x57: {  	_ =	shalt  }
0x58: {  	_ =	shalt  }
0x59: {  	_ =	shalt  }
0x5a: {  	_ =	shalt  }
0x5b: {  	_ =	shalt  }
0x5c: {  	_ =	shalt  }
0x5d: {  	_ =	shalt  }
0x5e: {  	_ =	shalt  }
0x5f: {  	_ =	shalt  }
0x60: {  	_ =	shalt  }
0x61: {  	_ =	shalt  }
0x62: {  	_ =	shalt  }
0x63: {  	_ =	shalt  }
0x64: {  	_ =	shalt  }
0x65: {  	_ =	shalt  }
0x66: {  	_ =	shalt  }
0x67: {  	_ =	shalt  }
0x68: {  	_ =	shalt  }
0x69: {  	_ =	shalt  }
0x6a: {  	_ =	shalt  }
0x6b: {  	_ =	shalt  }
0x6c: {  	_ =	shalt  }
0x6d: {  	_ =	shalt  }
0x6e: {  	_ =	shalt  }
0x6f: {  	_ =	shalt  }
0x70: {  	_ =	shalt  }
0x71: {  	_ =	shalt  }
0x72: {  	_ =	shalt  }
0x73: {  	_ =	shalt  }
0x74: {  	_ =	shalt  }
0x75: {  	_ =	shalt  }
0x76: {  	_ =	shalt  }
0x77: {  	_ =	shalt  }
0x78: {  	_ =	shalt  }
0x79: {  	_ =	shalt  }
0x7a: {  	_ =	shalt  }
0x7b: {  	_ =	shalt  }
0x7c: {  	_ =	shalt  }
0x7d: {  	_ =	shalt  }
0x7e: {  	_ =	shalt  }
0x7f: {  	_ =	shalt  }
0x80: {  	_ =	shalt  }
0x81: {  	_ =	shalt  }
0x82: {  	_ =	shalt  }
0x83: {  	_ =	shalt  }
0x84: {  	_ =	shalt  }
0x85: {  	_ =	shalt  }
0x86: {  	_ =	shalt  }
0x87: {  	_ =	shalt  }
.Lfunc_end0:
.L_simem_size_0:
called_computation.2_lowered:
.L_overlay_start_0:
0x88: {  	s2 =	sld [smem:$0x3FD9]  }
0x89: {  	s3 =	sld [smem:$0x3FFE];
	_ =	sdelay $0x1  }
0x8a: {  	s1 =	srdreg.scid  }
0x8b: {  	s0 =	sand.u32 $0x1, s1  }
0x8c: {  	s17 =	sshll.u32 s0, $0xA;
	s2 =	sadd.s32 s3, s2  }
0x8d: {  	s2 =	sadd.s32 s2, s17  }
0x8e: {  	[smem:$0x3FB5] =	sst s2  }
0x8f: {  	_ = 	snop  }
0x90: {  	s2 =	sld [smem:$0x3FD0];
	(tm) =	ssettm $0x1  }
0x91: {  	s18 =	sld [smem:$0x3FFB];
	_ =	sdelay $0x3  }
0x92: {  	_ =	strace s18  }
0x93: {  	s3 =	sld [smem:$0x3FFC];
	_ =	sdelay $0x3  }
0x94: {  	_ =	strace s3  }
0x95: {  	s3 =	sld [smem:$0x3FFD];
	_ =	sdelay $0x3  }
0x96: {  	_ =	strace s3  }
0x97: {  	_ =	strace $0x8FFFFFFF  }
0x98: {  	s19 =	sld [smem:$0x3FDB];
	_ =	sdelay $0x1  }
0x99: {  	s4 =	simm.s32 $_scs_section_size  }
0x9a: {  	s5 =	simm.s32 $_size__tile_overlayer_lowered;
	s6 =	simm.s32 $_tile_overlayer_lowered  }
0x9b: {  	s22 =	simm.s32 $0x1BFF;
	s21 =	sshll.u32 s6, $0x1;
	s3 =	sadd.s32 s4, s19  }
0x9c: {  	s7 =	simm.s32 $0x0;
	s20 =	sshll.u32 s5, $0x1;
	s5 =	sadd.s32 s21, s3  }
0x9d: {  	[timem:s7], [sflag:s22] =	dma.local [hbm:s5], s20  }
0x9e: {  	_ =	swait.ge [sflag:s22], s20  }
0x9f: {  	s4 =	ssub.s32 $0x0, s20;
	[sflag:s22] =	ssyncset.done $0x0  }
0xa0: {  	[sflag:s22] =	ssyncadd.s32 s4;
	_ =	sdelay $0x1  }
0xa1: {  	s23 =	simm.s32 $0x1B8B  }
0xa2: {  	_ =	swait.ge [sflag:s23], $0x1  }
0xa3: {  	[sflag:s23] =	ssyncset.done $0x0  }
0xa4: {  	s25 =	simm.s32 $0x1B8E;
	s24 =	sld [smem:$0x3FFE];
	[sflag:s23] =	ssyncadd.s32 $0xFFFFFFFF  }
0xa5: {  	s26 =	simm.s32 $execute0_lowered;
	[smem:$0x3FD2] =	sst s25  }
0xa6: {  	s5 =	sshll.u32 s26, $0x1;
	_ =	strace $0x8000004C;
	[dreg:$0x1] =	wrdreg $0xFFFFFFFF  }
0xa7: {  	s28 =	simm.s32 $_size_execute0_lowered;
	s3 =	sadd.s32 s3, s5;
	[dreg:$0x0] =	wrdreg $0x0  }
0xa8: {  	s5 =	sshll.u32 s28, $0x1;
	[dreg:$0x2] =	wrdreg s3  }
0xa9: {  	[dreg:$0x3] =	wrdreg s5  }
0xaa: {  	[dreg:$0x4] =	wrdreg $0xC0  }
0xab: {  	_ =	task [dreg:s7], $0x5FFFF  }
0xac: {  	[dreg:$0x1] =	wrdreg $0xFFFFFFFF  }
0xad: {  	[dreg:$0x0] =	wrdreg $0x60  }
0xae: {  	[dreg:$0x2] =	wrdreg s2  }
0xaf: {  	[dreg:$0x3] =	wrdreg s24  }
0xb0: {  	[dreg:$0x4] =	wrdreg $0x9  }
0xb1: {  	_ =	task.clear_ibuf [dreg:s7], $0x5FFFF;
	_ =	strace $0x9000004C  }
0xb2: {  	s29 =	simm.s32 $0x9;
	_ =	strace $0x8000004E  }
0xb3: {  	_ =	swait.ge [sflag:s29], $0x1  }
0xb4: {  	[sflag:s29] =	ssyncadd.s32 $0xFFFFFFFF  }
0xb5: {  	_ =	strace $0x9000004E  }
0xb6: {  	_ =	sfence  }
0xb7: {  	s30 =	sld [smem:$0x0];
	_ =	sdelay $0x2  }
0xb8: {  	s31 =	sshll.u32 s1, $0xD;
	s1 =	sshrl.u32 s1, $0x2  }
0xb9: {  	s3 =	sand.u32 $0x4000, s31;
	s1 =	sadd.s32 s1, s30  }
0xba: {  	s0 =	sor.u32 s3, s0;
	s1 =	sshll.u32 s1, $0x11  }
0xbb: {  	s0 =	sor.u32 s1, s0  }
0xbc: {  	s0 =	sadd.s32 $0x8F2B, s0  }
0xbd: {  	[sflag:s0] =	ssyncadd.remote.s32 $0x1  }
0xbe: {  	_ =	sfence.sel $0xFFFF  }
0xbf: {  	[dreg:$0x0] =	wrdreg $0xFFFFFFFF;
	(pc) =	sbr.abs _section_cstart, $3  }
0xc0: {  	[dreg:$0x1] =	wrdreg $0xFFFFFFFF  }
0xc1: {  	_ =	task.clear_ibuf [dreg:s7], $0x2FFFF;
	_ =	strace $0x9FFFFFFF  }
0xc2: {  	(tm) =	ssettm $0x7FFFFFFF  }
0xc3: {  	_ =	shalt  }
tec
execute0_lowered:
.L_overlay_start_1:
0x0: {  	(tag) =	ssettag $0x1  }
0x1: {  	s1 =	srdreg.scid;
	s0 =	stileid.u32  }
0x2: {  	s16 =	sand.u32 $0x1, s1;
	s26 =	sshll.u32 s0, $0x1  }
0x3: {  	s2 =	rddreg [dreg:$0x0];
	s8 =	sor.u32 s16, s26  }
0x4: {  	s9 =	rddreg [dreg:$0x1];
	s17 =	smul.u32 $0x2710, s8  }
0x5: {  	s3 =	simm.s32 $0x0;
	s1 =	rddreg [dreg:$0x2]  }
0x6: {  	[smem:$0x7FF] =	sst s3;
	s15 =	sadd.s32 $0x3A00, s9;
	s4 =	sshrl.u32 s17, $0x3  }
0x7: {  	_ =	strace $0x8000004D;
	s5 =	sadd.s32 s15, s4;
	s4 =	simm.s32 $0x2  }
0x8: {  	[tilespmem:s3], [sflag:$0x2] =	stream.linear.gather [hbm4b:s5+s3], $0x7D0, $0x38;
	[tilespmem:$0x84D0] =	vst v63  }
0x9: {  	_ =	swait.ge [sflag:s4], $0x7D0  }
0xa: {  	[sflag:s4] =	ssyncset.done $0x0  }
0xb: {  	s6 =	simm.s32 $0x7D0;
	s7 =	simm.s32 $0x1;
	[sflag:s4] =	ssyncadd.s32 $0xFFFFF830  }
0xc: {  	[tilespmem:s6], [sflag:$0x1] =	stream.indirect.gather [hbm4b:s2+s6], $0x10, s3, s6, $0xb8;
	[tilespmem:$0x84D0] =	vst v63  }
0xd: {  	s8 =	smul.u32 $0x4E20, s8;
	_ =	swait.ge [sflag:s7], $0x7D00  }
0xe: {  	s18 =	sadd.s32 $0x17600, s9;
	[sflag:s7] =	ssyncset.done $0x0  }
0xf: {  	s8 =	sadd.s32 s18, s8;
	[sflag:s7] =	ssyncadd.s32 $0xFFFF8300  }
0x10: {  	[hbm4b:s8+s3] =	stream.linear.scatter [tilespmem:s6], [sflag:$0x2], $0x7D00, $0x38;
	[tilespmem:$0x84D0] =	vst v63  }
0x11: {  	s10 =	sadd.s32 $0x7D0, s17;
	_ =	swait.ge [sflag:s4], $0x7D00  }
0x12: {  	s28 =	sshrl.u32 s10, $0x3;
	[sflag:s4] =	ssyncset.done $0x0  }
0x13: {  	s9 =	sadd.s32 s15, s28;
	[sflag:s4] =	ssyncadd.s32 $0xFFFF8300  }
0x14: {  	[tilespmem:s3], [sflag:$0x2] =	stream.linear.gather [hbm4b:s9+s3], $0x7D0, $0x38;
	[tilespmem:$0x84D0] =	vst v63  }
0x15: {  	_ =	swait.ge [sflag:s4], $0x7D0  }
0x16: {  	[sflag:s4] =	ssyncset.done $0x0  }
0x17: {  	[sflag:s4] =	ssyncadd.s32 $0xFFFFF830  }
0x18: {  	[tilespmem:s6], [sflag:$0x1] =	stream.indirect.gather [hbm4b:s2+s6], $0x10, s3, s6, $0xb8;
	[tilespmem:$0x84D0] =	vst v63  }
0x19: {  	_ =	swait.ge [sflag:s7], $0x7D00  }
0x1a: {  	s10 =	sshll.u32 s10, $0x1;
	[sflag:s7] =	ssyncset.done $0x0  }
0x1b: {  	s10 =	sadd.s32 s18, s10;
	[sflag:s7] =	ssyncadd.s32 $0xFFFF8300  }
0x1c: {  	[hbm4b:s10+s3] =	stream.linear.scatter [tilespmem:s6], [sflag:$0x2], $0x7D00, $0x38;
	[tilespmem:$0x84D0] =	vst v63  }
0x1d: {  	s12 =	sadd.s32 $0xFA0, s17;
	_ =	swait.ge [sflag:s4], $0x7D00  }
0x1e: {  	s11 =	sshrl.u32 s12, $0x3;
	[sflag:s4] =	ssyncset.done $0x0  }
0x1f: {  	s11 =	sadd.s32 s15, s11;
	[sflag:s4] =	ssyncadd.s32 $0xFFFF8300  }
0x20: {  	[tilespmem:s3], [sflag:$0x2] =	stream.linear.gather [hbm4b:s11+s3], $0x7D0, $0x38;
	[tilespmem:$0x84D0] =	vst v63  }
0x21: {  	_ =	swait.ge [sflag:s4], $0x7D0  }
0x22: {  	[sflag:s4] =	ssyncset.done $0x0  }
0x23: {  	[sflag:s4] =	ssyncadd.s32 $0xFFFFF830  }
0x24: {  	[tilespmem:s6], [sflag:$0x1] =	stream.indirect.gather [hbm4b:s2+s6], $0x10, s3, s6, $0xb8;
	[tilespmem:$0x84D0] =	vst v63  }
0x25: {  	_ =	swait.ge [sflag:s7], $0x7D00  }
0x26: {  	s12 =	sshll.u32 s12, $0x1;
	[sflag:s7] =	ssyncset.done $0x0  }
0x27: {  	s12 =	sadd.s32 s18, s12;
	[sflag:s7] =	ssyncadd.s32 $0xFFFF8300  }
0x28: {  	[hbm4b:s12+s3] =	stream.linear.scatter [tilespmem:s6], [sflag:$0x2], $0x7D00, $0x38;
	[tilespmem:$0x84D0] =	vst v63  }
0x29: {  	s14 =	sadd.s32 $0x1770, s17;
	_ =	swait.ge [sflag:s4], $0x7D00  }
0x2a: {  	s13 =	sshrl.u32 s14, $0x3;
	[sflag:s4] =	ssyncset.done $0x0  }
0x2b: {  	s13 =	sadd.s32 s15, s13;
	[sflag:s4] =	ssyncadd.s32 $0xFFFF8300  }
0x2c: {  	[tilespmem:s3], [sflag:$0x2] =	stream.linear.gather [hbm4b:s13+s3], $0x7D0, $0x38;
	[tilespmem:$0x84D0] =	vst v63  }
0x2d: {  	_ =	swait.ge [sflag:s4], $0x7D0  }
0x2e: {  	[sflag:s4] =	ssyncset.done $0x0  }
0x2f: {  	[sflag:s4] =	ssyncadd.s32 $0xFFFFF830  }
0x30: {  	[tilespmem:s6], [sflag:$0x1] =	stream.indirect.gather [hbm4b:s2+s6], $0x10, s3, s6, $0xb8;
	[tilespmem:$0x84D0] =	vst v63  }
0x31: {  	_ =	swait.ge [sflag:s7], $0x7D00  }
0x32: {  	s14 =	sshll.u32 s14, $0x1;
	[sflag:s7] =	ssyncset.done $0x0  }
0x33: {  	s14 =	sadd.s32 s18, s14;
	[sflag:s7] =	ssyncadd.s32 $0xFFFF8300  }
0x34: {  	[hbm4b:s14+s3] =	stream.linear.scatter [tilespmem:s6], [sflag:$0x2], $0x7D00, $0x38;
	[tilespmem:$0x84D0] =	vst v63  }
0x35: {  	s17 =	sadd.s32 $0x1F40, s17;
	_ =	swait.ge [sflag:s4], $0x7D00  }
0x36: {  	s19 =	sshrl.u32 s17, $0x3;
	[sflag:s4] =	ssyncset.done $0x0  }
0x37: {  	s16 =	ssub.s32 $0x2, s16;
	s15 =	sadd.s32 s15, s19;
	[sflag:s4] =	ssyncadd.s32 $0xFFFF8300  }
0x38: {  	[tilespmem:s3], [sflag:$0x2] =	stream.linear.gather [hbm4b:s15+s3], $0x7D0, $0x38;
	[tilespmem:$0x84D0] =	vst v63  }
0x39: {  	s29 =	sshrl.u32 s16, $0x1;
	_ =	swait.ge [sflag:s4], $0x7D0  }
0x3a: {  	s19 =	ssub.s32 s16, s29;
	[sflag:s4] =	ssyncset.done $0x0  }
0x3b: {  	s31 =	smax.u32 s19, $0x1;
	[sflag:s4] =	ssyncadd.s32 $0xFFFFF830  }
0x3c: {  	[tilespmem:s6], [sflag:$0x1] =	stream.indirect.gather [hbm4b:s2+s6], $0x10, s3, s6, $0xb8;
	[tilespmem:$0x84D0] =	vst v63  }
0x3d: {  	p0 =	sne.s32 s31, $0x1;
	_ =	swait.ge [sflag:s7], $0x7D00  }
.Ltmp0:
0x3e: {  	s30 =	sshll.u32 s17, $0x1;
	[sflag:s7] =	ssyncset.done $0x0;
	(pc) =	sbr.rel @!p0 .LBB2_2-.Ltmp0, $4  }
0x3f: {  	s16 =	sadd.s32 s18, s30;
	[sflag:s7] =	ssyncadd.s32 $0xFFFF8300  }
0x40: {  	[hbm4b:s16+s3] =	stream.linear.scatter [tilespmem:s6], [sflag:$0x2], $0x7D00, $0x38;
	[tilespmem:$0x84D0] =	vst v63  }
0x41: {  	_ =	swait.ge [sflag:s4], $0x7D00  }
0x42: {  	s17 =	sadd.s32 $0xFFFFFFFF, s31;
	[sflag:s4] =	ssyncset.done $0x0  }
.LBB2_1:
0x43: {  	p0 =	sne.s32 s17, $0x1;
	s17 =	sadd.s32 $0xFFFFFFFF, s17;
	[sflag:s4] =	ssyncadd.s32 $0xFFFF8300  }
0x44: {  	[tilespmem:s3], [sflag:$0x2] =	stream.linear.gather [hbm4b:s5+s3], $0x7D0, $0x38;
	[tilespmem:$0x84D0] =	vst v63  }
0x45: {  	_ =	swait.ge [sflag:s4], $0x7D0  }
0x46: {  	[sflag:s4] =	ssyncset.done $0x0  }
0x47: {  	[sflag:s4] =	ssyncadd.s32 $0xFFFFF830  }
0x48: {  	[tilespmem:s6], [sflag:$0x1] =	stream.indirect.gather [hbm4b:s2+s6], $0x10, s3, s6, $0xb8;
	[tilespmem:$0x84D0] =	vst v63  }
0x49: {  	_ =	swait.ge [sflag:s7], $0x7D00  }
0x4a: {  	[sflag:s7] =	ssyncset.done $0x0  }
0x4b: {  	[sflag:s7] =	ssyncadd.s32 $0xFFFF8300  }
0x4c: {  	[hbm4b:s8+s3] =	stream.linear.scatter [tilespmem:s6], [sflag:$0x2], $0x7D00, $0x38;
	[tilespmem:$0x84D0] =	vst v63  }
0x4d: {  	_ =	swait.ge [sflag:s4], $0x7D00  }
0x4e: {  	[sflag:s4] =	ssyncset.done $0x0  }
0x4f: {  	[sflag:s4] =	ssyncadd.s32 $0xFFFF8300  }
0x50: {  	[tilespmem:s3], [sflag:$0x2] =	stream.linear.gather [hbm4b:s9+s3], $0x7D0, $0x38;
	[tilespmem:$0x84D0] =	vst v63  }
0x51: {  	_ =	swait.ge [sflag:s4], $0x7D0  }
0x52: {  	[sflag:s4] =	ssyncset.done $0x0  }
0x53: {  	[sflag:s4] =	ssyncadd.s32 $0xFFFFF830  }
0x54: {  	[tilespmem:s6], [sflag:$0x1] =	stream.indirect.gather [hbm4b:s2+s6], $0x10, s3, s6, $0xb8;
	[tilespmem:$0x84D0] =	vst v63  }
0x55: {  	_ =	swait.ge [sflag:s7], $0x7D00  }
0x56: {  	[sflag:s7] =	ssyncset.done $0x0  }
0x57: {  	[sflag:s7] =	ssyncadd.s32 $0xFFFF8300  }
0x58: {  	[hbm4b:s10+s3] =	stream.linear.scatter [tilespmem:s6], [sflag:$0x2], $0x7D00, $0x38;
	[tilespmem:$0x84D0] =	vst v63  }
0x59: {  	_ =	swait.ge [sflag:s4], $0x7D00  }
0x5a: {  	[sflag:s4] =	ssyncset.done $0x0  }
0x5b: {  	[sflag:s4] =	ssyncadd.s32 $0xFFFF8300  }
0x5c: {  	[tilespmem:s3], [sflag:$0x2] =	stream.linear.gather [hbm4b:s11+s3], $0x7D0, $0x38;
	[tilespmem:$0x84D0] =	vst v63  }
0x5d: {  	_ =	swait.ge [sflag:s4], $0x7D0  }
0x5e: {  	[sflag:s4] =	ssyncset.done $0x0  }
0x5f: {  	[sflag:s4] =	ssyncadd.s32 $0xFFFFF830  }
0x60: {  	[tilespmem:s6], [sflag:$0x1] =	stream.indirect.gather [hbm4b:s2+s6], $0x10, s3, s6, $0xb8;
	[tilespmem:$0x84D0] =	vst v63  }
0x61: {  	_ =	swait.ge [sflag:s7], $0x7D00  }
0x62: {  	[sflag:s7] =	ssyncset.done $0x0  }
0x63: {  	[sflag:s7] =	ssyncadd.s32 $0xFFFF8300  }
0x64: {  	[hbm4b:s12+s3] =	stream.linear.scatter [tilespmem:s6], [sflag:$0x2], $0x7D00, $0x38;
	[tilespmem:$0x84D0] =	vst v63  }
0x65: {  	_ =	swait.ge [sflag:s4], $0x7D00  }
0x66: {  	[sflag:s4] =	ssyncset.done $0x0  }
0x67: {  	[sflag:s4] =	ssyncadd.s32 $0xFFFF8300  }
0x68: {  	[tilespmem:s3], [sflag:$0x2] =	stream.linear.gather [hbm4b:s13+s3], $0x7D0, $0x38;
	[tilespmem:$0x84D0] =	vst v63  }
0x69: {  	_ =	swait.ge [sflag:s4], $0x7D0  }
0x6a: {  	[sflag:s4] =	ssyncset.done $0x0  }
0x6b: {  	[sflag:s4] =	ssyncadd.s32 $0xFFFFF830  }
0x6c: {  	[tilespmem:s6], [sflag:$0x1] =	stream.indirect.gather [hbm4b:s2+s6], $0x10, s3, s6, $0xb8;
	[tilespmem:$0x84D0] =	vst v63  }
0x6d: {  	_ =	swait.ge [sflag:s7], $0x7D00  }
0x6e: {  	[sflag:s7] =	ssyncset.done $0x0  }
0x6f: {  	[sflag:s7] =	ssyncadd.s32 $0xFFFF8300  }
0x70: {  	[hbm4b:s14+s3] =	stream.linear.scatter [tilespmem:s6], [sflag:$0x2], $0x7D00, $0x38;
	[tilespmem:$0x84D0] =	vst v63  }
0x71: {  	_ =	swait.ge [sflag:s4], $0x7D00  }
0x72: {  	[sflag:s4] =	ssyncset.done $0x0  }
0x73: {  	[sflag:s4] =	ssyncadd.s32 $0xFFFF8300  }
0x74: {  	[tilespmem:s3], [sflag:$0x2] =	stream.linear.gather [hbm4b:s15+s3], $0x7D0, $0x38;
	[tilespmem:$0x84D0] =	vst v63  }
0x75: {  	_ =	swait.ge [sflag:s4], $0x7D0  }
0x76: {  	[sflag:s4] =	ssyncset.done $0x0  }
0x77: {  	[sflag:s4] =	ssyncadd.s32 $0xFFFFF830  }
0x78: {  	[tilespmem:s6], [sflag:$0x1] =	stream.indirect.gather [hbm4b:s2+s6], $0x10, s3, s6, $0xb8;
	[tilespmem:$0x84D0] =	vst v63  }
0x79: {  	_ =	swait.ge [sflag:s7], $0x7D00  }
.Ltmp1:
0x7a: {  	[sflag:s7] =	ssyncset.done $0x0;
	(pc) =	sbr.rel @p0 .LBB2_1-.Ltmp1, $4  }
0x7b: {  	[sflag:s7] =	ssyncadd.s32 $0xFFFF8300  }
0x7c: {  	[hbm4b:s16+s3] =	stream.linear.scatter [tilespmem:s6], [sflag:$0x2], $0x7D00, $0x38;
	[tilespmem:$0x84D0] =	vst v63  }
0x7d: {  	_ =	swait.ge [sflag:s4], $0x7D00  }
0x7e: {  	[sflag:s4] =	ssyncset.done $0x0  }
.LBB2_2:
0x7f: {  	[sflag:s4] =	ssyncadd.s32 $0xFFFF8300  }
0x80: {  	_ =	sfence.sel $0x180000  }
0x81: {  	[bflag:$0x0] =	sbarrier.arrive $0xFFFF  }
0x82: {  	p0 =	sne.s32 s0, $0x0;
	_ =	strace $0x9000004D  }
0x83: {  	s0 =	sadd.s32 @!p0 $0x100000, s1;
	[bflag:$0x2] =	sbarrier.arrive $0xFFFF  }
0x84: {  	[sflag:s0] =	ssyncadd.tile.s32 @!p0 $0x1;
	_ =	shalt  }
.Lfunc_end2:
_tile_overlayer_lowered:
.L_overlay_start_2:
0x85: {  	(tag) =	ssettag $0x2  }
0x86: {  	s0 =	rddreg [dreg:$0x0];
	s2 =	stileid.u32  }
0x87: {  	s1 =	rddreg [dreg:$0x1];
	p0 =	sne.s32 s2, $0x0  }
0x88: {  	s3 =	rddreg [dreg:$0x2];
	[bflag:$0x3] =	sbarrier.arrive $0xFFFF;
	s2 =	simm.s32 @!p0 $0x1C02  }
0x89: {  	[timem:s3], [sflag:s2] =	dma.local @!p0 [hbm:s0], s1  }
0x8a: {  	s0 =	simm.s32 @!p0 $0x2  }
0x8b: {  	_ =	swait.ge @!p0 [sflag:s0], s1  }
0x8c: {  	s1 =	ssub.s32 @!p0 $0x0, s1;
	[sflag:s0] =	ssyncset.done @!p0 $0x0  }
0x8d: {  	[sflag:s0] =	ssyncadd.s32 @!p0 s1  }
0x8e: {  	[bflag:$0x3] =	sbarrier.arrive $0xFFFF  }
0x8f: {  	_ =	shalt  }

// kernel: kernel.20.cloned.1.call-start
scs
__scs_entry_jumppad:
0x0: {  	(pc) =	sbr.rel $0x88, $3  }
0x1: {  	(tag) =	ssettag $0x0;
	lr =	simm.s32 $0x1  }
0x2: {  	[smem:$0x3F8E] =	sst lr;
	_ =	strace $0xD0000000  }
0x3: {  	_ = 	snop  }
0x4: {  	_ = 	snop  }
0x5: {  	_ = 	snop  }
0x6: {  	_ = 	snop  }
0x7: {  	_ = 	snop  }
__scs_overlays_trampoline_lowered:
0x8: {  	[smem:$0x3F9D] =	sst s0  }
0x9: {  	[smem:$0x3F9E] =	sst s1  }
0xa: {  	[smem:$0x3F9F] =	sst s2  }
0xb: {  	[smem:$0x3FA0] =	sst s3  }
0xc: {  	[smem:$0x3FA1] =	sst s4  }
0xd: {  	[smem:$0x3FA2] =	sst s5  }
0xe: {  	[smem:$0x3FA3] =	sst s6  }
0xf: {  	[smem:$0x3FA4] =	sst s7  }
0x10: {  	[smem:$0x3FA5] =	sst s8  }
0x11: {  	[smem:$0x3FA6] =	sst s9;
	s0 =	simm.s32 @!p0 $0x0  }
0x12: {  	s1 =	sld [smem:$0x3F8C];
	s0 =	simm.s32 @p0 $0x1  }
0x13: {  	[smem:$0x3FA7] =	sst s0;
	s0 =	simm.s32 @!p1 $0x0  }
0x14: {  	s2 =	sld [smem:$0x3F8B];
	s0 =	simm.s32 @p1 $0x1  }
0x15: {  	[smem:$0x3FA8] =	sst s0;
	s0 =	simm.s32 @!p2 $0x0  }
0x16: {  	s3 =	sld [smem:$0x3FDB];
	s0 =	simm.s32 @p2 $0x1  }
0x17: {  	s4 =	simm.s32 $0x1BF5;
	[smem:$0x3FAA] =	sst s0  }
0x18: {  	s0 =	sld [smem:$0x3F8D];
	_ =	swait.ge [sflag:s4], $0x0  }
0x19: {  	s7 =	sld [smem:$0x3F8E]  }
0x1a: {  	s8 =	sadd.s32 $0xFFFFE003, lr  }
0x1b: {  	s9 =	sadd.s32 $0xFFFFFEF7, lr;
	s5 =	simm.s32 $0xFFFFFFFF;
	p2 =	slt.u32 s8, $0xFFFFF086  }
0x1c: {  	p1 =	slt.u32 s9, $0xF7A;
	s5 =	simm.s32 @!p2 $0x0  }
0x1d: {  	s5 =	simm.s32 @p1 $0x1;
	p0 =	seq.s32 s7, s2  }
0x1e: {  	s7 =	smul.u32 @!p0 $0xF7A, s2;
	p2 =	seq.s32 @!p0 s5, $0x0  }
0x1f: {  	s9 =	smul.u32 $0xF7A, s1;
	s8 =	simm.s32 @!p0 $0x1BF5;
	p2 =	por !p2, p0  }
0x20: {  	[sflag:s8] =	ssyncset.s32 @!p0 $0xFFFFF086;
	s6 =	sadd.s32 @!p0 s3, s7;
	s7 =	simm.s32 @!p0 $0x108  }
0x21: {  	s3 =	sadd.s32 s3, s9;
	s6 =	sadd.s32 @!p0 $0x88, s6;
	s7 =	simm.s32 @p2 $0x1082  }
0x22: {  	[simem:s7], [sflag:s8] =	dma.local @!p0 [hbm:s6], $0xF7A  }
0x23: {  	s9 =	sor.u32 $0xD0000000, s2;
	s6 =	simm.s32 $0x108;
	_ =	swait.ge @!p0 [sflag:s8], $0x0  }
0x24: {  	s3 =	sadd.s32 $0x88, s3;
	s6 =	simm.s32 @!p1 $0x1082;
	[sflag:s4] =	ssyncset.s32 $0xFFFFF086  }
0x25: {  	[simem:s6], [sflag:s4] =	dma.local [hbm:s3], $0xF7A  }
0x26: {  	[smem:$0x3F8E] =	sst s1;
	(tag) =	ssettag s2;
	_ =	strace s9  }
0x27: {  	s1 =	sld [smem:$0x3F9E]  }
0x28: {  	s2 =	sld [smem:$0x3F9F]  }
0x29: {  	s4 =	sld [smem:$0x3FA1]  }
0x2a: {  	p0 =	seq.s32 s5, $0x0;
	s5 =	sld [smem:$0x3FA2]  }
0x2b: {  	s6 =	sld [smem:$0x3FA3]  }
0x2c: {  	s7 =	sld [smem:$0x3FA4]  }
0x2d: {  	s3 =	simm.s32 $0x108;
	s8 =	sld [smem:$0x3FA5]  }
0x2e: {  	s3 =	simm.s32 @!p0 $0x1082;
	s9 =	sld [smem:$0x3FA6]  }
0x2f: {  	lr =	sadd.s32 s0, s3;
	s0 =	sld [smem:$0x3F9D]  }
0x30: {  	s3 =	sld [smem:$0x3FA0]  }
0x31: {  	[smem:$0x3FA9] =	sst s10  }
0x32: {  	s10 =	sld [smem:$0x3FA7];
	_ =	sdelay $0x3  }
0x33: {  	p0 =	seq.s32 s10, $0x1;
	s10 =	sld [smem:$0x3FA9];
	_ =	sdelay $0x3  }
0x34: {  	[smem:$0x3FA9] =	sst s10  }
0x35: {  	s10 =	sld [smem:$0x3FA8];
	_ =	sdelay $0x3  }
0x36: {  	p1 =	seq.s32 s10, $0x1;
	s10 =	sld [smem:$0x3FA9];
	_ =	sdelay $0x3  }
0x37: {  	[smem:$0x3FA9] =	sst s10  }
0x38: {  	s10 =	sld [smem:$0x3FAA]  }
0x39: {  	_ = 	snop;
	(pc) =	sbr.ind lr, $3  }
0x3a: {  	_ = 	snop  }
0x3b: {  	_ = 	snop  }
0x3c: {  	p2 =	seq.s32 s10, $0x1;
	s10 =	sld [smem:$0x3FA9]  }
0x3d: {  	_ =	shalt  }
0x3e: {  	_ =	shalt  }
0x3f: {  	_ =	shalt  }
0x40: {  	_ =	shalt  }
0x41: {  	_ =	shalt  }
0x42: {  	_ =	shalt  }
0x43: {  	_ =	shalt  }
0x44: {  	_ =	shalt  }
0x45: {  	_ =	shalt  }
0x46: {  	_ =	shalt  }
0x47: {  	_ =	shalt  }
0x48: {  	_ =	shalt  }
0x49: {  	_ =	shalt  }
0x4a: {  	_ =	shalt  }
0x4b: {  	_ =	shalt  }
0x4c: {  	_ =	shalt  }
0x4d: {  	_ =	shalt  }
0x4e: {  	_ =	shalt  }
0x4f: {  	_ =	shalt  }
0x50: {  	_ =	shalt  }
0x51: {  	_ =	shalt  }
0x52: {  	_ =	shalt  }
0x53: {  	_ =	shalt  }
0x54: {  	_ =	shalt  }
0x55: {  	_ =	shalt  }
0x56: {  	_ =	shalt  }
0x57: {  	_ =	shalt  }
0x58: {  	_ =	shalt  }
0x59: {  	_ =	shalt  }
0x5a: {  	_ =	shalt  }
0x5b: {  	_ =	shalt  }
0x5c: {  	_ =	shalt  }
0x5d: {  	_ =	shalt  }
0x5e: {  	_ =	shalt  }
0x5f: {  	_ =	shalt  }
0x60: {  	_ =	shalt  }
0x61: {  	_ =	shalt  }
0x62: {  	_ =	shalt  }
0x63: {  	_ =	shalt  }
0x64: {  	_ =	shalt  }
0x65: {  	_ =	shalt  }
0x66: {  	_ =	shalt  }
0x67: {  	_ =	shalt  }
0x68: {  	_ =	shalt  }
0x69: {  	_ =	shalt  }
0x6a: {  	_ =	shalt  }
0x6b: {  	_ =	shalt  }
0x6c: {  	_ =	shalt  }
0x6d: {  	_ =	shalt  }
0x6e: {  	_ =	shalt  }
0x6f: {  	_ =	shalt  }
0x70: {  	_ =	shalt  }
0x71: {  	_ =	shalt  }
0x72: {  	_ =	shalt  }
0x73: {  	_ =	shalt  }
0x74: {  	_ =	shalt  }
0x75: {  	_ =	shalt  }
0x76: {  	_ =	shalt  }
0x77: {  	_ =	shalt  }
0x78: {  	_ =	shalt  }
0x79: {  	_ =	shalt  }
0x7a: {  	_ =	shalt  }
0x7b: {  	_ =	shalt  }
0x7c: {  	_ =	shalt  }
0x7d: {  	_ =	shalt  }
0x7e: {  	_ =	shalt  }
0x7f: {  	_ =	shalt  }
0x80: {  	_ =	shalt  }
0x81: {  	_ =	shalt  }
0x82: {  	_ =	shalt  }
0x83: {  	_ =	shalt  }
0x84: {  	_ =	shalt  }
0x85: {  	_ =	shalt  }
0x86: {  	_ =	shalt  }
0x87: {  	_ =	shalt  }
.Lfunc_end0:
.L_simem_size_0:
called_computation.3_lowered:
.L_overlay_start_0:
0x88: {  	s2 =	sld [smem:$0x3FD9]  }
0x89: {  	s3 =	sld [smem:$0x3FFE];
	_ =	sdelay $0x1  }
0x8a: {  	s1 =	srdreg.scid  }
0x8b: {  	s0 =	sand.u32 $0x1, s1  }
0x8c: {  	s16 =	sshll.u32 s0, $0xA;
	s2 =	sadd.s32 s3, s2  }
0x8d: {  	s2 =	sadd.s32 s2, s16  }
0x8e: {  	[smem:$0x3FB5] =	sst s2  }
0x8f: {  	_ = 	snop  }
0x90: {  	(tm) =	ssettm $0x1  }
0x91: {  	s17 =	sld [smem:$0x3FFB];
	_ =	sdelay $0x3  }
0x92: {  	_ =	strace s17  }
0x93: {  	s2 =	sld [smem:$0x3FFC];
	_ =	sdelay $0x3  }
0x94: {  	_ =	strace s2  }
0x95: {  	s2 =	sld [smem:$0x3FFD];
	_ =	sdelay $0x3  }
0x96: {  	_ =	strace s2  }
0x97: {  	_ =	strace $0x8FFFFFFF  }
0x98: {  	s18 =	sld [smem:$0x3FDB];
	_ =	sdelay $0x1  }
0x99: {  	s19 =	simm.s32 $_scs_section_size  }
0x9a: {  	s4 =	simm.s32 $_size__tile_overlayer_lowered;
	s5 =	simm.s32 $_tile_overlayer_lowered  }
0x9b: {  	s22 =	simm.s32 $0x1BFF;
	s21 =	sshll.u32 s5, $0x1;
	s2 =	sadd.s32 s19, s18  }
0x9c: {  	s6 =	simm.s32 $0x0;
	s20 =	sshll.u32 s4, $0x1;
	s4 =	sadd.s32 s21, s2  }
0x9d: {  	[timem:s6], [sflag:s22] =	dma.local [hbm:s4], s20  }
0x9e: {  	_ =	swait.ge [sflag:s22], s20  }
0x9f: {  	s3 =	ssub.s32 $0x0, s20;
	[sflag:s22] =	ssyncset.done $0x0  }
0xa0: {  	[sflag:s22] =	ssyncadd.s32 s3;
	_ =	sdelay $0x1  }
0xa1: {  	s23 =	simm.s32 $0x1B8B  }
0xa2: {  	_ =	swait.ge [sflag:s23], $0x1  }
0xa3: {  	[sflag:s23] =	ssyncset.done $0x0  }
0xa4: {  	s25 =	simm.s32 $0x1B8E;
	s24 =	sld [smem:$0x3FFE];
	[sflag:s23] =	ssyncadd.s32 $0xFFFFFFFF  }
0xa5: {  	s26 =	simm.s32 $execute0_lowered;
	[smem:$0x3FD2] =	sst s25  }
0xa6: {  	s4 =	sshll.u32 s26, $0x1;
	_ =	strace $0x8000004F;
	[dreg:$0x1] =	wrdreg $0xFFFFFFFF  }
0xa7: {  	s28 =	simm.s32 $_size_execute0_lowered;
	s2 =	sadd.s32 s2, s4;
	[dreg:$0x0] =	wrdreg $0x0  }
0xa8: {  	s4 =	sshll.u32 s28, $0x1;
	[dreg:$0x2] =	wrdreg s2  }
0xa9: {  	[dreg:$0x3] =	wrdreg s4  }
0xaa: {  	[dreg:$0x4] =	wrdreg $0xC0  }
0xab: {  	_ =	task [dreg:s6], $0x5FFFF  }
0xac: {  	[dreg:$0x1] =	wrdreg $0xFFFFFFFF  }
0xad: {  	[dreg:$0x0] =	wrdreg $0x60  }
0xae: {  	[dreg:$0x2] =	wrdreg s24  }
0xaf: {  	[dreg:$0x3] =	wrdreg $0x1A5200  }
0xb0: {  	[dreg:$0x4] =	wrdreg $0x9  }
0xb1: {  	_ =	task.clear_ibuf [dreg:s6], $0x5FFFF;
	_ =	strace $0x9000004F  }
0xb2: {  	s29 =	simm.s32 $0x9;
	_ =	strace $0x80000051  }
0xb3: {  	_ =	swait.ge [sflag:s29], $0x1  }
0xb4: {  	[sflag:s29] =	ssyncadd.s32 $0xFFFFFFFF  }
0xb5: {  	_ =	strace $0x90000051  }
0xb6: {  	_ =	sfence  }
0xb7: {  	s30 =	sld [smem:$0x0];
	_ =	sdelay $0x2  }
0xb8: {  	s31 =	sshll.u32 s1, $0xD;
	s1 =	sshrl.u32 s1, $0x2  }
0xb9: {  	s3 =	sand.u32 $0x4000, s31;
	s1 =	sadd.s32 s1, s30  }
0xba: {  	s0 =	sor.u32 s3, s0;
	s1 =	sshll.u32 s1, $0x11  }
0xbb: {  	s0 =	sor.u32 s1, s0  }
0xbc: {  	s0 =	sadd.s32 $0x8F2B, s0  }
0xbd: {  	[sflag:s0] =	ssyncadd.remote.s32 $0x1  }
0xbe: {  	_ =	sfence.sel $0xFFFF  }
0xbf: {  	[dreg:$0x0] =	wrdreg $0xFFFFFFFF;
	(pc) =	sbr.abs _section_cstart, $3  }
0xc0: {  	[dreg:$0x1] =	wrdreg $0xFFFFFFFF  }
0xc1: {  	_ =	task.clear_ibuf [dreg:s6], $0x2FFFF;
	_ =	strace $0x9FFFFFFF  }
0xc2: {  	(tm) =	ssettm $0x7FFFFFFF  }
0xc3: {  	_ =	shalt  }
tec
execute0_lowered:
.L_overlay_start_1:
0x0: {  	(tag) =	ssettag $0x1  }
0x1: {  	v0 =	vimm.s32 $0xC0804000;
	vm8 =	vcmask $0xF00;
	vm7 =	vcmask $0x1310  }
0x2: {  	vm6 =	vcmask $0x1714;
	vm5 =	vcmask $0x1B18;
	v2 =	vimm.s32 $0xC1814101  }
0x3: {  	vm3 =	vcmask $0x1F1C;
	v4 =	vimm.s32 $0xC2824202;
	vm2 =	vcmask $0x2F20  }
0x4: {  	vm4 =	vcmask $0x3330;
	vm0 =	vcmask $0x3734;
	v51 =	vimm.s32 $0xC4844404  }
0x5: {  	v6 =	vimm.s32 $0xC3834303;
	vm1 =	vcmask $0x3B38;
	v52 =	vimm.s32 $0xC5854505  }
0x6: {  	v7 =	vimm.s32 $0xC6864606;
	v54 =	vimm.s32 $0xC8884808;
	v8 =	vimm.s32 $0xC7874707  }
0x7: {  	v9 =	vimm.s32 $0xCA8A4A0A;
	v10 =	vimm.s32 $0xCB8B4B0B;
	v11 =	vimm.s32 $0xCE8E4E0E  }
0x8: {  	v12 =	vimm.s32 $0xCF8F4F0F;
	v13 =	vimm.s32 $0xD2925212;
	v14 =	vimm.s32 $0xD3935313  }
0x9: {  	v15 =	vimm.s32 $0xD6965616;
	v16 =	vimm.s32 $0xD7975717;
	v17 =	vimm.s32 $0xDA9A5A1A  }
0xa: {  	v18 =	vimm.s32 $0xDB9B5B1B;
	v19 =	vimm.s32 $0xDE9E5E1E;
	v20 =	vimm.s32 $0xDF9F5F1F  }
0xb: {  	v21 =	vimm.s32 $0xE2A26222;
	v22 =	vimm.s32 $0xE3A36323;
	v23 =	vimm.s32 $0xE6A66626  }
0xc: {  	v24 =	vimm.s32 $0xE7A76727;
	v25 =	vimm.s32 $0xEAAA6A2A;
	v26 =	vimm.s32 $0xEBAB6B2B  }
0xd: {  	v27 =	vimm.s32 $0xEEAE6E2E;
	v28 =	vimm.s32 $0xEFAF6F2F;
	v0 =	vunpack.c.0.s8.s32 v0  }
0xe: {  	v29 =	vimm.s32 $0xF1B17131;
	v30 =	vimm.s32 $0xF4B47434;
	v31 =	vimm.s32 $0xF6B67636  }
0xf: {  	v32 =	vimm.s32 $0xF8B87838;
	v33 =	vimm.s32 $0xF7B77737;
	v0 =	vand.u32 $0xFF, v0  }
0x10: {  	v34 =	vimm.s32 $0xFABA7A3A;
	v55 =	vimm.s32 $0xF9B97939;
	v1 =	vnsel vm8, $0x1C1, v0  }
0x11: {  	v57 =	vimm.s32 $0xFBBB7B3B;
	v60 =	vimm.s32 $0xFCBC7C3C;
	v1 =	vsel vm7, $0x100, v1  }
0x12: {  	v2 =	vunpack.c.0.s8.s32 v2;
	v4 =	vunpack.c.0.s8.s32 v4;
	v1 =	vsel vm6, $0x140, v1  }
0x13: {  	v62 =	vimm.s32 $0xFEBE7E3E;
	v35 =	vimm.s32 $0xFDBD7D3D;
	v3 =	vsel vm5, $0x180, v1  }
0x14: {  	v5 =	vand.u32 $0xFF, v2;
	v4 =	vand.u32 $0xFF, v4;
	v3 =	vsel vm3, $0x1C0, v3  }
0x15: {  	v4 =	vnsel vm8, $0x1C3, v4;
	v3 =	vsel vm2, v5, v3;
	v5 =	vunpack.c.0.s8.s32 v51  }
0x16: {  	v63 =	vimm.s32 $0xFFBF7F3F;
	v6 =	vunpack.c.0.s8.s32 v6;
	v4 =	vsel vm7, $0x102, v4  }
0x17: {  	v7 =	vunpack.c.0.s8.s32 v7;
	v4 =	vsel vm6, $0x142, v4;
	v5 =	vand.u32 $0xFF, v5  }
0x18: {  	v8 =	vunpack.c.0.s8.s32 v8;
	v4 =	vsel vm5, $0x182, v4;
	v5 =	vnsel vm8, $0x1C5, v5  }
0x19: {  	v6 =	vand.u32 $0xFF, v6;
	v4 =	vsel vm3, $0x1C2, v4;
	v5 =	vsel vm7, $0x104, v5  }
0x1a: {  	v4 =	vsel vm2, v6, v4;
	v6 =	vunpack.c.0.s8.s32 v52;
	v5 =	vsel vm6, $0x144, v5  }
0x1b: {  	v9 =	vunpack.c.0.s8.s32 v9;
	v10 =	vunpack.c.0.s8.s32 v10;
	v5 =	vsel vm5, $0x184, v5  }
0x1c: {  	v53 =	vand.u32 $0xFF, v7;
	v6 =	vand.u32 $0xFF, v6;
	v5 =	vsel vm3, $0x1C4, v5  }
0x1d: {  	v11 =	vunpack.c.0.s8.s32 v11;
	v5 =	vsel vm2, v6, v5;
	v6 =	vnsel vm8, $0x1C7, v53  }
0x1e: {  	v12 =	vunpack.c.0.s8.s32 v12;
	v7 =	vunpack.c.0.s8.s32 v54;
	v6 =	vsel vm7, $0x106, v6  }
0x1f: {  	v13 =	vunpack.c.0.s8.s32 v13;
	v14 =	vunpack.c.0.s8.s32 v14;
	v6 =	vsel vm6, $0x146, v6  }
0x20: {  	v15 =	vunpack.c.0.s8.s32 v15;
	v7 =	vand.u32 $0xFF, v7;
	v6 =	vsel vm5, $0x186, v6  }
0x21: {  	v8 =	vand.u32 $0xFF, v8;
	v7 =	vnsel vm8, $0x1C9, v7;
	v6 =	vsel vm3, $0x1C6, v6  }
0x22: {  	v7 =	vsel vm7, $0x108, v7;
	v6 =	vsel vm2, v8, v6;
	v8 =	vimm.s32 $0xC9894909  }
0x23: {  	v16 =	vunpack.c.0.s8.s32 v16;
	v7 =	vsel vm6, $0x148, v7;
	v8 =	vunpack.c.0.s8.s32 v8  }
0x24: {  	v17 =	vunpack.c.0.s8.s32 v17;
	v18 =	vunpack.c.0.s8.s32 v18;
	v7 =	vsel vm5, $0x188, v7  }
0x25: {  	v19 =	vunpack.c.0.s8.s32 v19;
	v7 =	vsel vm3, $0x1C8, v7;
	v8 =	vand.u32 $0xFF, v8  }
0x26: {  	v20 =	vunpack.c.0.s8.s32 v20;
	v7 =	vsel vm2, v8, v7;
	v8 =	vand.u32 $0xFF, v9  }
0x27: {  	v21 =	vunpack.c.0.s8.s32 v21;
	v9 =	vimm.s32 $0xCC8C4C0C;
	v8 =	vnsel vm8, $0x1CB, v8  }
0x28: {  	v22 =	vunpack.c.0.s8.s32 v22;
	v9 =	vunpack.c.0.s8.s32 v9;
	v8 =	vsel vm7, $0x10A, v8  }
0x29: {  	v23 =	vunpack.c.0.s8.s32 v23;
	v24 =	vunpack.c.0.s8.s32 v24;
	v8 =	vsel vm6, $0x14A, v8  }
0x2a: {  	v25 =	vunpack.c.0.s8.s32 v25;
	v9 =	vand.u32 $0xFF, v9;
	v8 =	vsel vm5, $0x18A, v8  }
0x2b: {  	v10 =	vand.u32 $0xFF, v10;
	v9 =	vnsel vm8, $0x1CD, v9;
	v8 =	vsel vm3, $0x1CA, v8  }
0x2c: {  	v9 =	vsel vm7, $0x10C, v9;
	v8 =	vsel vm2, v10, v8;
	v10 =	vimm.s32 $0xCD8D4D0D  }
0x2d: {  	v26 =	vunpack.c.0.s8.s32 v26;
	v9 =	vsel vm6, $0x14C, v9;
	v10 =	vunpack.c.0.s8.s32 v10  }
0x2e: {  	v27 =	vunpack.c.0.s8.s32 v27;
	v28 =	vunpack.c.0.s8.s32 v28;
	v9 =	vsel vm5, $0x18C, v9  }
0x2f: {  	v29 =	vunpack.c.0.s8.s32 v29;
	v9 =	vsel vm3, $0x1CC, v9;
	v10 =	vand.u32 $0xFF, v10  }
0x30: {  	v30 =	vunpack.c.0.s8.s32 v30;
	v9 =	vsel vm2, v10, v9;
	v10 =	vand.u32 $0xFF, v11  }
0x31: {  	v31 =	vunpack.c.0.s8.s32 v31;
	v11 =	vimm.s32 $0xD0905010;
	v10 =	vnsel vm8, $0x1CF, v10  }
0x32: {  	v32 =	vunpack.c.0.s8.s32 v32;
	v11 =	vunpack.c.0.s8.s32 v11;
	v10 =	vsel vm7, $0x10E, v10  }
0x33: {  	v33 =	vunpack.c.0.s8.s32 v33;
	v34 =	vunpack.c.0.s8.s32 v34;
	v10 =	vsel vm6, $0x14E, v10  }
0x34: {  	v61 =	vunpack.c.0.s8.s32 v60;
	v11 =	vand.u32 $0xFF, v11;
	v10 =	vsel vm5, $0x18E, v10  }
0x35: {  	v12 =	vand.u32 $0xFF, v12;
	v11 =	vnsel vm8, $0x1D1, v11;
	v10 =	vsel vm3, $0x1CE, v10  }
0x36: {  	v11 =	vsel vm7, $0x110, v11;
	v10 =	vsel vm2, v12, v10;
	v12 =	vimm.s32 $0xD1915111  }
0x37: {  	v35 =	vunpack.c.0.s8.s32 v35;
	v11 =	vsel vm6, $0x150, v11;
	v12 =	vunpack.c.0.s8.s32 v12  }
0x38: {  	v2 =	vlaneseq.u32;
	v14 =	vand.u32 $0xFF, v14;
	v11 =	vsel vm5, $0x190, v11  }
0x39: {  	v16 =	vand.u32 $0xFF, v16;
	v11 =	vsel vm3, $0x1D0, v11;
	v12 =	vand.u32 $0xFF, v12  }
0x3a: {  	v18 =	vand.u32 $0xFF, v18;
	v11 =	vsel vm2, v12, v11;
	v12 =	vand.u32 $0xFF, v13  }
0x3b: {  	v20 =	vand.u32 $0xFF, v20;
	v13 =	vimm.s32 $0xD4945414;
	v12 =	vnsel vm8, $0x1D3, v12  }
0x3c: {  	v22 =	vand.u32 $0xFF, v22;
	v13 =	vunpack.c.0.s8.s32 v13;
	v12 =	vsel vm7, $0x112, v12  }
0x3d: {  	v24 =	vand.u32 $0xFF, v24;
	v26 =	vand.u32 $0xFF, v26;
	v12 =	vsel vm6, $0x152, v12  }
0x3e: {  	v28 =	vand.u32 $0xFF, v28;
	v13 =	vand.u32 $0xFF, v13;
	v12 =	vsel vm5, $0x192, v12  }
0x3f: {  	v29 =	vand.u32 $0xFF, v29;
	v13 =	vnsel vm8, $0x1D5, v13;
	v12 =	vsel vm3, $0x1D2, v12  }
0x40: {  	v13 =	vsel vm7, $0x114, v13;
	v12 =	vsel vm2, v14, v12;
	v14 =	vimm.s32 $0xD5955515  }
0x41: {  	v30 =	vand.u32 $0xFF, v30;
	v13 =	vsel vm6, $0x154, v13;
	v14 =	vunpack.c.0.s8.s32 v14  }
0x42: {  	v32 =	vand.u32 $0xFF, v32;
	v33 =	vand.u32 $0xFF, v33;
	v13 =	vsel vm5, $0x194, v13  }
0x43: {  	s0 =	srdreg.scid;
	v56 =	vand.u32 $0xFF, v34;
	v13 =	vsel vm3, $0x1D4, v13;
	v14 =	vand.u32 $0xFF, v14  }
0x44: {  	s0 =	sand.u32 $0x1, s0;
	v34 =	vunpack.c.0.s8.s32 v57;
	v13 =	vsel vm2, v14, v13;
	v14 =	vand.u32 $0xFF, v15  }
0x45: {  	s1 =	sshll.u32 s0, $0x3;
	v35 =	vand.u32 $0xFF, v35;
	v15 =	vimm.s32 $0xD8985818;
	v14 =	vnsel vm8, $0x1D7, v14  }
0x46: {  	v0 =	vmov s1;
	v15 =	vunpack.c.0.s8.s32 v15;
	v14 =	vsel vm7, $0x116, v14  }
0x47: {  	v30 =	vnsel vm8, $0x1F5, v30;
	v32 =	vnsel vm8, $0x1F9, v32;
	v14 =	vsel vm6, $0x156, v14  }
0x48: {  	v30 =	vsel vm7, $0x134, v30;
	v15 =	vand.u32 $0xFF, v15;
	v14 =	vsel vm5, $0x196, v14  }
0x49: {  	v59 =	vand.u32 $0xFF, v34;
	v15 =	vnsel vm8, $0x1D9, v15;
	v14 =	vsel vm3, $0x1D6, v14  }
0x4a: {  	v15 =	vsel vm7, $0x118, v15;
	v14 =	vsel vm2, v16, v14;
	v16 =	vimm.s32 $0xD9995919  }
0x4b: {  	v34 =	vunpack.c.0.s8.s32 v62;
	v15 =	vsel vm6, $0x158, v15;
	v16 =	vunpack.c.0.s8.s32 v16  }
0x4c: {  	v30 =	vsel vm6, $0x174, v30;
	v1 =	vimm.f32 $-Inf;
	v15 =	vsel vm5, $0x198, v15  }
0x4d: {  	v34 =	vand.u32 $0xFF, v34;
	v15 =	vsel vm3, $0x1D8, v15;
	v16 =	vand.u32 $0xFF, v16  }
0x4e: {  	v34 =	vnsel vm8, $0x1FF, v34;
	v15 =	vsel vm2, v16, v15;
	v16 =	vand.u32 $0xFF, v17  }
0x4f: {  	v34 =	vsel vm7, $0x13E, v34;
	v17 =	vimm.s32 $0xDC9C5C1C;
	v16 =	vnsel vm8, $0x1DB, v16  }
0x50: {  	v3 =	vsel vm4, $0x101, v3;
	v17 =	vunpack.c.0.s8.s32 v17;
	v16 =	vsel vm7, $0x11A, v16  }
0x51: {  	v4 =	vsel vm4, $0x103, v4;
	v34 =	vsel vm6, $0x17E, v34;
	v16 =	vsel vm6, $0x15A, v16  }
0x52: {  	v3 =	vsel vm0, $0x141, v3;
	v17 =	vand.u32 $0xFF, v17;
	v16 =	vsel vm5, $0x19A, v16  }
0x53: {  	v4 =	vsel vm0, $0x143, v4;
	v17 =	vnsel vm8, $0x1DD, v17;
	v16 =	vsel vm3, $0x1DA, v16  }
0x54: {  	v17 =	vsel vm7, $0x11C, v17;
	v16 =	vsel vm2, v18, v16;
	v18 =	vimm.s32 $0xDD9D5D1D  }
0x55: {  	v34 =	vsel vm5, $0x1BE, v34;
	v17 =	vsel vm6, $0x15C, v17;
	v18 =	vunpack.c.0.s8.s32 v18  }
0x56: {  	v3 =	vsel vm1, $0x181, v3;
	v34 =	vsel vm3, $0x1FE, v34;
	v17 =	vsel vm5, $0x19C, v17  }
0x57: {  	[tilespmem:$0x1FF80] =	vst v3;
	v3 =	vsel vm1, $0x183, v4;
	v17 =	vsel vm3, $0x1DC, v17;
	v18 =	vand.u32 $0xFF, v18  }
0x58: {  	v5 =	vsel vm4, $0x105, v5;
	v17 =	vsel vm2, v18, v17;
	v18 =	vand.u32 $0xFF, v19  }
0x59: {  	v5 =	vsel vm0, $0x145, v5;
	v19 =	vimm.s32 $0xE0A06020;
	v18 =	vnsel vm8, $0x1DF, v18  }
0x5a: {  	v6 =	vsel vm4, $0x107, v6;
	v19 =	vunpack.c.0.s8.s32 v19;
	v18 =	vsel vm7, $0x11E, v18  }
0x5b: {  	[tilespmem:$0x1FF90] =	vst v3;
	v3 =	vsel vm1, $0x185, v5;
	v6 =	vsel vm0, $0x147, v6;
	v18 =	vsel vm6, $0x15E, v18  }
0x5c: {  	[tilespmem:$0x1FFA0] =	vst v3;
	v3 =	vsel vm1, $0x187, v6;
	v19 =	vand.u32 $0xFF, v19;
	v18 =	vsel vm5, $0x19E, v18  }
0x5d: {  	v7 =	vsel vm4, $0x109, v7;
	v19 =	vnsel vm8, $0x1E1, v19;
	v18 =	vsel vm3, $0x1DE, v18  }
0x5e: {  	v19 =	vsel vm7, $0x120, v19;
	v18 =	vsel vm2, v20, v18;
	v20 =	vimm.s32 $0xE1A16121  }
0x5f: {  	v7 =	vsel vm0, $0x149, v7;
	v19 =	vsel vm6, $0x160, v19;
	v20 =	vunpack.c.0.s8.s32 v20  }
0x60: {  	[tilespmem:$0x1FFB0] =	vst v3;
	v3 =	vsel vm1, $0x189, v7;
	v8 =	vsel vm4, $0x10B, v8;
	v19 =	vsel vm5, $0x1A0, v19  }
0x61: {  	v8 =	vsel vm0, $0x14B, v8;
	v19 =	vsel vm3, $0x1E0, v19;
	v20 =	vand.u32 $0xFF, v20  }
0x62: {  	[tilespmem:$0x1FFC0] =	vst v3;
	v3 =	vsel vm1, $0x18B, v8;
	v19 =	vsel vm2, v20, v19;
	v20 =	vand.u32 $0xFF, v21  }
0x63: {  	v9 =	vsel vm4, $0x10D, v9;
	v21 =	vimm.s32 $0xE4A46424;
	v20 =	vnsel vm8, $0x1E3, v20  }
0x64: {  	v9 =	vsel vm0, $0x14D, v9;
	v21 =	vunpack.c.0.s8.s32 v21;
	v20 =	vsel vm7, $0x122, v20  }
0x65: {  	[tilespmem:$0x1FFD0] =	vst v3;
	v3 =	vsel vm1, $0x18D, v9;
	v10 =	vsel vm4, $0x10F, v10;
	v20 =	vsel vm6, $0x162, v20  }
0x66: {  	v10 =	vsel vm0, $0x14F, v10;
	v21 =	vand.u32 $0xFF, v21;
	v20 =	vsel vm5, $0x1A2, v20  }
0x67: {  	v11 =	vsel vm4, $0x111, v11;
	v21 =	vnsel vm8, $0x1E5, v21;
	v20 =	vsel vm3, $0x1E2, v20  }
0x68: {  	v21 =	vsel vm7, $0x124, v21;
	v20 =	vsel vm2, v22, v20;
	v22 =	vimm.s32 $0xE5A56525  }
0x69: {  	v11 =	vsel vm0, $0x151, v11;
	v21 =	vsel vm6, $0x164, v21;
	v22 =	vunpack.c.0.s8.s32 v22  }
0x6a: {  	[tilespmem:$0x1FFE0] =	vst v3;
	v3 =	vsel vm1, $0x18F, v10;
	v11 =	vsel vm1, $0x191, v11;
	v21 =	vsel vm5, $0x1A4, v21  }
0x6b: {  	v12 =	vsel vm4, $0x113, v12;
	v21 =	vsel vm3, $0x1E4, v21;
	v22 =	vand.u32 $0xFF, v22  }
0x6c: {  	v12 =	vsel vm0, $0x153, v12;
	v21 =	vsel vm2, v22, v21;
	v22 =	vand.u32 $0xFF, v23  }
0x6d: {  	v13 =	vsel vm4, $0x115, v13;
	v23 =	vimm.s32 $0xE8A86828;
	v22 =	vnsel vm8, $0x1E7, v22  }
0x6e: {  	v13 =	vsel vm0, $0x155, v13;
	v23 =	vunpack.c.0.s8.s32 v23;
	v22 =	vsel vm7, $0x126, v22  }
0x6f: {  	v12 =	vsel vm1, $0x193, v12;
	v13 =	vsel vm1, $0x195, v13;
	v22 =	vsel vm6, $0x166, v22  }
0x70: {  	v14 =	vsel vm4, $0x117, v14;
	v23 =	vand.u32 $0xFF, v23;
	v22 =	vsel vm5, $0x1A6, v22  }
0x71: {  	v14 =	vsel vm0, $0x157, v14;
	v23 =	vnsel vm8, $0x1E9, v23;
	v22 =	vsel vm3, $0x1E6, v22  }
0x72: {  	v23 =	vsel vm7, $0x128, v23;
	v22 =	vsel vm2, v24, v22;
	v24 =	vimm.s32 $0xE9A96929  }
0x73: {  	v15 =	vsel vm4, $0x119, v15;
	v23 =	vsel vm6, $0x168, v23;
	v24 =	vunpack.c.0.s8.s32 v24  }
0x74: {  	v14 =	vsel vm1, $0x197, v14;
	v15 =	vsel vm0, $0x159, v15;
	v23 =	vsel vm5, $0x1A8, v23  }
0x75: {  	v15 =	vsel vm1, $0x199, v15;
	v23 =	vsel vm3, $0x1E8, v23;
	v24 =	vand.u32 $0xFF, v24  }
0x76: {  	v16 =	vsel vm4, $0x11B, v16;
	v23 =	vsel vm2, v24, v23;
	v24 =	vand.u32 $0xFF, v25  }
0x77: {  	v16 =	vsel vm0, $0x15B, v16;
	v25 =	vimm.s32 $0xECAC6C2C;
	v24 =	vnsel vm8, $0x1EB, v24  }
0x78: {  	v17 =	vsel vm4, $0x11D, v17;
	v25 =	vunpack.c.0.s8.s32 v25;
	v24 =	vsel vm7, $0x12A, v24  }
0x79: {  	v16 =	vsel vm1, $0x19B, v16;
	v17 =	vsel vm0, $0x15D, v17;
	v24 =	vsel vm6, $0x16A, v24  }
0x7a: {  	v17 =	vsel vm1, $0x19D, v17;
	v25 =	vand.u32 $0xFF, v25;
	v24 =	vsel vm5, $0x1AA, v24  }
0x7b: {  	v18 =	vsel vm4, $0x11F, v18;
	v25 =	vnsel vm8, $0x1ED, v25;
	v24 =	vsel vm3, $0x1EA, v24  }
0x7c: {  	v25 =	vsel vm7, $0x12C, v25;
	v24 =	vsel vm2, v26, v24;
	v26 =	vimm.s32 $0xEDAD6D2D  }
0x7d: {  	v18 =	vsel vm0, $0x15F, v18;
	v25 =	vsel vm6, $0x16C, v25;
	v26 =	vunpack.c.0.s8.s32 v26  }
0x7e: {  	v18 =	vsel vm1, $0x19F, v18;
	v19 =	vsel vm4, $0x121, v19;
	v25 =	vsel vm5, $0x1AC, v25  }
0x7f: {  	v19 =	vsel vm0, $0x161, v19;
	v25 =	vsel vm3, $0x1EC, v25;
	v26 =	vand.u32 $0xFF, v26  }
0x80: {  	v20 =	vsel vm4, $0x123, v20;
	v25 =	vsel vm2, v26, v25;
	v26 =	vand.u32 $0xFF, v27  }
0x81: {  	v19 =	vsel vm1, $0x1A1, v19;
	v20 =	vsel vm0, $0x163, v20;
	v26 =	vnsel vm8, $0x1EF, v26  }
0x82: {  	v21 =	vsel vm4, $0x125, v21;
	v27 =	vimm.s32 $0xF0B07030;
	v26 =	vsel vm7, $0x12E, v26  }
0x83: {  	v21 =	vsel vm0, $0x165, v21;
	v27 =	vunpack.c.0.s8.s32 v27;
	v26 =	vsel vm6, $0x16E, v26  }
0x84: {  	v20 =	vsel vm1, $0x1A3, v20;
	v21 =	vsel vm1, $0x1A5, v21;
	v26 =	vsel vm5, $0x1AE, v26  }
0x85: {  	v22 =	vsel vm4, $0x127, v22;
	v27 =	vand.u32 $0xFF, v27;
	v26 =	vsel vm3, $0x1EE, v26  }
0x86: {  	v27 =	vnsel vm8, $0x1F1, v27;
	v26 =	vsel vm2, v28, v26;
	v28 =	vimm.s32 $0xF2B27232  }
0x87: {  	v22 =	vsel vm0, $0x167, v22;
	v27 =	vsel vm7, $0x130, v27;
	v28 =	vunpack.c.0.s8.s32 v28  }
0x88: {  	v22 =	vsel vm1, $0x1A7, v22;
	v23 =	vsel vm4, $0x129, v23;
	v27 =	vsel vm6, $0x170, v27  }
0x89: {  	v23 =	vsel vm0, $0x169, v23;
	v27 =	vsel vm5, $0x1B0, v27;
	v28 =	vand.u32 $0xFF, v28  }
0x8a: {  	v24 =	vsel vm4, $0x12B, v24;
	v27 =	vsel vm3, $0x1F0, v27;
	v28 =	vnsel vm8, $0x1F3, v28  }
0x8b: {  	v27 =	vsel vm2, v29, v27;
	v29 =	vimm.s32 $0xF3B37333;
	v28 =	vsel vm7, $0x132, v28  }
0x8c: {  	v24 =	vsel vm0, $0x16B, v24;
	v29 =	vunpack.c.0.s8.s32 v29;
	v28 =	vsel vm6, $0x172, v28  }
0x8d: {  	v23 =	vsel vm1, $0x1A9, v23;
	v24 =	vsel vm1, $0x1AB, v24;
	v28 =	vsel vm5, $0x1B2, v28  }
0x8e: {  	v25 =	vsel vm4, $0x12D, v25;
	v29 =	vand.u32 $0xFF, v29;
	v28 =	vsel vm3, $0x1F2, v28  }
0x8f: {  	v28 =	vsel vm2, v29, v28;
	v29 =	vsel vm5, $0x1B4, v30;
	v30 =	vand.u32 $0xFF, v31  }
0x90: {  	v25 =	vsel vm0, $0x16D, v25;
	v26 =	vsel vm4, $0x12F, v26;
	v30 =	vnsel vm8, $0x1F7, v30  }
0x91: {  	v25 =	vsel vm1, $0x1AD, v25;
	v26 =	vsel vm0, $0x16F, v26;
	v30 =	vsel vm7, $0x136, v30  }
0x92: {  	v26 =	vsel vm1, $0x1AF, v26;
	v27 =	vsel vm4, $0x131, v27;
	v30 =	vsel vm6, $0x176, v30  }
0x93: {  	v27 =	vsel vm0, $0x171, v27;
	v31 =	vimm.s32 $0xF5B57535;
	v30 =	vsel vm5, $0x1B6, v30  }
0x94: {  	v27 =	vsel vm1, $0x1B1, v27;
	v31 =	vunpack.c.0.s8.s32 v31;
	v30 =	vsel vm3, $0x1F6, v30  }
0x95: {  	s2 =	rddreg [dreg:$0x0];
	v28 =	vsel vm4, $0x133, v28;
	v30 =	vsel vm2, v33, v30;
	v33 =	vnsel vm8, $0x1FB, v56  }
0x96: {  	s3 =	rddreg [dreg:$0x1];
	s25 =	stileid.u32;
	s18 =	simm.s32 $0x1;
	v29 =	vsel vm3, $0x1F4, v29;
	v28 =	vsel vm0, $0x173, v28;
	v33 =	vsel vm7, $0x13A, v33  }
0x97: {  	s19 =	simm.s32 $0x16B20;
	s20 =	simm.s32 $0x14000;
	s21 =	simm.s32 $0x2800;
	v31 =	vand.u32 $0xFF, v31;
	v28 =	vsel vm1, $0x1B3, v28;
	v33 =	vsel vm6, $0x17A, v33  }
0x98: {  	s22 =	simm.s32 $0x5000;
	s23 =	simm.s32 $0x7800;
	s24 =	simm.s32 $0xA000;
	v29 =	vsel vm2, v31, v29;
	v58 =	vsel vm5, $0x1BA, v33;
	v33 =	vand.u32 $0xFF, v61  }
0x99: {  	s28 =	simm.s32 $0x11800;
	s29 =	simm.s32 $0x40;
	s30 =	simm.s32 $0x400;
	v31 =	vsel vm7, $0x138, v32;
	v32 =	vunpack.c.0.s8.s32 v55;
	v33 =	vnsel vm8, $0x1FD, v33  }
0x9a: {  	s4 =	sadd.s32 $0x17600, s2;
	s5 =	sadd.s32 $0xD800, s2;
	s14 =	sshll.u32 s25, $0x6;
	v31 =	vsel vm6, $0x178, v31;
	v29 =	vsel vm4, $0x135, v29;
	v33 =	vsel vm7, $0x13C, v33  }
0x9b: {  	s7 =	sshll.u32 s25, $0xD;
	s26 =	ssub.s32 $0x2, s0;
	s2 =	sadd.s32 s14, s2;
	v31 =	vsel vm5, $0x1B8, v31;
	v32 =	vand.u32 $0xFF, v32;
	v33 =	vsel vm6, $0x17C, v33  }
0x9c: {  	s0 =	smul.u32 $0x2800, s0;
	s14 =	sadd.s32 s14, s3;
	s6 =	sshrl.u32 s26, $0x1;
	v29 =	vsel vm0, $0x175, v29;
	v31 =	vsel vm3, $0x1F8, v31;
	v33 =	vsel vm5, $0x1BC, v33  }
0x9d: {  	s1 =	simm.s32 $0x0;
	s16 =	ssub.s32 s26, s6;
	s6 =	sadd.s32 s7, s3;
	v30 =	vsel vm4, $0x137, v30;
	v31 =	vsel vm2, v32, v31;
	v33 =	vsel vm3, $0x1FC, v33  }
0x9e: {  	s0 =	sadd.s32 s0, s2;
	s26 =	simm.s32 $0xF000;
	s2 =	simm.s32 $0x1A120;
	v30 =	vsel vm0, $0x177, v30;
	v33 =	vsel vm2, v35, v33;
	v35 =	vunpack.c.0.s8.s32 v63  }
0x9f: {  	[smem:$0x7FF] =	sst s1;
	s7 =	sadd.s32 $0x400, s6;
	s8 =	sadd.s32 $0x800, s6;
	v29 =	vsel vm1, $0x1B5, v29;
	v31 =	vsel vm4, $0x139, v31;
	v30 =	vsel vm1, $0x1B7, v30  }
0xa0: {  	s9 =	sadd.s32 $0xC00, s6;
	s10 =	sadd.s32 $0x1000, s6;
	s11 =	sadd.s32 $0x1400, s6;
	v32 =	vsel vm3, $0x1FA, v58;
	v31 =	vsel vm0, $0x179, v31;
	v35 =	vand.u32 $0xFF, v35  }
0xa1: {  	s12 =	sadd.s32 $0x1800, s6;
	s13 =	sadd.s32 $0x1C00, s6;
	s15 =	sadd.s32 $0x3A00, s0;
	[tilespmem:$0x1FFF0] =	vst v3;
	v32 =	vsel vm2, v59, v32;
	v31 =	vsel vm1, $0x1B9, v31;
	v34 =	vsel vm2, v35, v34  }
0xa2: {  	s31 =	smax.u32 s16, $0x1;
	_ =	strace $0x80000050;
	[dreg:$0x3] =	wrdreg s4;
	v32 =	vsel vm4, $0x13B, v32;
	v33 =	vsel vm4, $0x13D, v33;
	v34 =	vsel vm4, $0x13F, v34  }
0xa3: {  	s0 =	simm.s32 $0x19F20;
	[dreg:$0x4] =	wrdreg s5;
	s5 =	smul.u32 $0x4E20, s25;
	v32 =	vsel vm0, $0x17B, v32;
	v33 =	vsel vm0, $0x17D, v33;
	v34 =	vsel vm0, $0x17F, v34  }
0xa4: {  	[dreg:$0x5] =	wrdreg s31;
	s25 =	simm.s32 $0xC800;
	s4 =	simm.s32 $0x0;
	v32 =	vsel vm1, $0x1BB, v32;
	v33 =	vsel vm1, $0x1BD, v33;
	v34 =	vsel vm1, $0x1BF, v34  }
.LBB2_1:
0xa5: {  	s3 =	simm.s32 $0x0;
	s16 =	simm.s32 $0x40  }
.LBB2_2:
0xa6: {  	p0 =	sne.s32 s16, $0x9FC0;
	[tilespmem:s3+$0x11800] =	vst v1  }
0xa7: {  	[tilespmem:s3+$0x0] =	vst v1  }
0xa8: {  	[tilespmem:s3+$0x2800] =	vst v1  }
.Ltmp0:
0xa9: {  	[tilespmem:s3+$0x5000] =	vst v1;
	(pc) =	sbr.rel @p0 .LBB2_2-.Ltmp0, $4  }
0xaa: {  	[tilespmem:s3+$0x7800] =	vst v1  }
0xab: {  	[tilespmem:s3+$0xA000] =	vst v1  }
0xac: {  	[tilespmem:s3+$0xC800] =	vst v1  }
0xad: {  	[tilespmem:s3+$0xF000] =	vst v1;
	s3 =	sshra.s32 s16, $0x2;
	s16 =	sadd.s32 $0x40, s16  }
0xae: {  	[tilespmem:s3+$0x11800] =	vst v1  }
0xaf: {  	[tilespmem:s3+$0x0] =	vst v1  }
0xb0: {  	[tilespmem:s3+$0x2800] =	vst v1  }
.Ltmp1:
0xb1: {  	[tilespmem:s3+$0x5000] =	vst v1;
	(pc) =	sbr.rel .LBB2_4-.Ltmp1, $4  }
0xb2: {  	[tilespmem:s3+$0x7800] =	vst v1  }
0xb3: {  	[tilespmem:s3+$0xA000] =	vst v1  }
0xb4: {  	[tilespmem:s3+$0xC800] =	vst v1  }
0xb5: {  	[dreg:$0x6] =	wrdreg s4;
	s17 =	simm.s32 $0x0;
	[tilespmem:s3+$0xF000] =	vst v1;
	s31 =	simm.s32 $0x0  }
.LBB2_11:
0xb6: {  	s31 =	sadd.s32 $0x1, s31  }
0xb7: {  	p0 =	sne.s32 s31, $0x19  }
.Ltmp2:
0xb8: {  	_ = 	snop;
	(pc) =	sbr.rel @!p0 .LBB2_12-.Ltmp2, $1  }
0xb9: {  	_ =	sdelay $0x3  }
.LBB2_4:
0xba: {  	s3 =	smul.u32 $0x320, s31;
	_ =	sdelay $0x1  }
0xbb: {  	s3 =	sadd.s32 s5, s3  }
0xbc: {  	s4 =	rddreg [dreg:$0x4];
	s16 =	sshrl.u32 s3, $0x3  }
0xbd: {  	s16 =	sadd.s32 s4, s16;
	s4 =	simm.s32 $0x16800  }
0xbe: {  	[tilespmem:s4], [sflag:$0x1] =	stream.linear.gather [hbm4b:s16+s17], $0x320, $0x38;
	[tilespmem:$0x1C520] =	vst v63  }
0xbf: {  	_ =	swait.ge [sflag:s18], $0x320  }
0xc0: {  	s3 =	sshll.u32 s3, $0x1;
	[sflag:s18] =	ssyncset.done $0x0;
	s16 =	rddreg [dreg:$0x3]  }
.Ltmp3:
0xc1: {  	[sflag:s18] =	ssyncadd.s32 $0xFFFFFCE0;
	s3 =	sadd.s32 s16, s3;
	(pc) =	sbr.rel .LBB2_5-.Ltmp3, $4  }
0xc2: {  	[tilespmem:s19], [sflag:$0x1] =	stream.linear.gather [hbm4b:s3+s17], $0x3200, $0x38;
	[tilespmem:$0x1C520] =	vst v63  }
0xc3: {  	_ =	swait.ge [sflag:s18], $0x3200  }
0xc4: {  	[sflag:s18] =	ssyncset.done $0x0  }
0xc5: {  	s16 =	simm.s32 $0x0;
	[sflag:s18] =	ssyncadd.s32 $0xFFFFCE00  }
.LBB2_9:
0xc6: {  	_ =	sdelay $0x3  }
0xc7: {  	v44 =	vld.idx.msk [tilespmem:v35+s1+$0x0], $0xffff;
	_ =	sdelay $0x4  }
0xc8: {  	v43 =	vmax.f32 v44, v43  }
0xc9: {  	[tilespmem:v35+s1+$0x0] =	vst.idx.msk $0xffff, v43  }
0xca: {  	v43 =	vld.idx.msk [tilespmem:v35+s21+$0x0], $0xffff;
	_ =	sdelay $0x4  }
0xcb: {  	v42 =	vmax.f32 v43, v42  }
0xcc: {  	[tilespmem:v35+s21+$0x0] =	vst.idx.msk $0xffff, v42  }
0xcd: {  	v42 =	vld.idx.msk [tilespmem:v35+s22+$0x0], $0xffff;
	_ =	sdelay $0x4  }
0xce: {  	v41 =	vmax.f32 v42, v41  }
0xcf: {  	[tilespmem:v35+s22+$0x0] =	vst.idx.msk $0xffff, v41  }
0xd0: {  	v41 =	vld.idx.msk [tilespmem:v35+s23+$0x0], $0xffff;
	_ =	sdelay $0x4  }
0xd1: {  	v40 =	vmax.f32 v41, v40  }
0xd2: {  	[tilespmem:v35+s23+$0x0] =	vst.idx.msk $0xffff, v40  }
0xd3: {  	v40 =	vld.idx.msk [tilespmem:v35+s24+$0x0], $0xffff;
	_ =	sdelay $0x4  }
0xd4: {  	v39 =	vmax.f32 v40, v39  }
0xd5: {  	[tilespmem:v35+s24+$0x0] =	vst.idx.msk $0xffff, v39  }
0xd6: {  	v39 =	vld.idx.msk [tilespmem:v35+s25+$0x0], $0xffff;
	_ =	sdelay $0x4  }
0xd7: {  	v38 =	vmax.f32 v39, v38  }
0xd8: {  	[tilespmem:v35+s25+$0x0] =	vst.idx.msk $0xffff, v38  }
0xd9: {  	v38 =	vld.idx.msk [tilespmem:v35+s26+$0x0], $0xffff;
	_ =	sdelay $0x4  }
0xda: {  	v37 =	vmax.f32 v38, v37  }
0xdb: {  	[tilespmem:v35+s26+$0x0] =	vst.idx.msk $0xffff, v37  }
0xdc: {  	v37 =	vld.idx.msk [tilespmem:v35+s28+$0x0], $0xffff;
	_ =	sdelay $0x4  }
0xdd: {  	v36 =	vmax.f32 v37, v36  }
0xde: {  	[tilespmem:v35+s28+$0x0] =	vst.idx.msk $0xffff, v36  }
.LBB2_10:
0xdf: {  	s16 =	sadd.s32 $0x1, s16  }
0xe0: {  	p0 =	sne.s32 s16, $0x32  }
.Ltmp4:
0xe1: {  	_ = 	snop;
	(pc) =	sbr.rel @!p0 .LBB2_11-.Ltmp4, $1  }
0xe2: {  	_ =	sdelay $0x3  }
.LBB2_5:
0xe3: {  	s3 =	sshll.u32 s16, $0x4  }
0xe4: {  	v44 =	vor.u32 s3, v2  }
0xe5: {  	v35 =	vshll.u32 v44, $0x4  }
0xe6: {  	v36 =	vor.u32 v0, v35  }
0xe7: {  	v37 =	vor.u32 $0x1, v36  }
0xe8: {  	v38 =	vor.u32 $0x2, v36  }
0xe9: {  	v39 =	vor.u32 $0x3, v36  }
0xea: {  	v35 =	vld [tilespmem:s3+$0x16800];
	v45 =	vor.u32 $0x4, v36  }
0xeb: {  	v46 =	vor.u32 $0x5, v36;
	v43 =	vld.idx.msk [tilespmem:v36+s19+$0x0], $0xffff  }
0xec: {  	v62 =	vor.u32 $0x6, v36;
	v42 =	vld.idx.msk [tilespmem:v37+s19+$0x0], $0xffff  }
0xed: {  	v36 =	vor.u32 $0x7, v36;
	v41 =	vld.idx.msk [tilespmem:v38+s19+$0x0], $0xffff  }
0xee: {  	v40 =	vld.idx.msk [tilespmem:v39+s19+$0x0], $0xffff  }
0xef: {  	v39 =	vld.idx.msk [tilespmem:v45+s19+$0x0], $0xffff  }
0xf0: {  	v38 =	vld.idx.msk [tilespmem:v46+s19+$0x0], $0xffff  }
0xf1: {  	v37 =	vld.idx.msk [tilespmem:v62+s19+$0x0], $0xffff  }
0xf2: {  	v36 =	vld.idx.msk [tilespmem:v36+s19+$0x0], $0xffff;
	[tilespmem:v35+s20+$0x0] =	vst.idx.msk $0xffff, v44  }
0xf3: {  	v63 =	vld.idx.msk [tilespmem:v35+s20+$0x0], $0xffff;
	_ =	sdelay $0x4  }
0xf4: {  	vm0 =	vne.s32 v63, v44  }
0xf5: {  	v44 =	vmpcnt.ones.xlane vm0;
	_ =	sdelay $0x1  }
0xf6: {  	(v2sf) =	vpush v44, $0x0;
	_ =	sdelay $0xe  }
0xf7: {  	s4 =	spop (v2sf)  }
0xf8: {  	p0 =	slt.s32 s4, $0x1  }
.Ltmp5:
0xf9: {  	_ = 	snop;
	(pc) =	sbr.rel @p0 .LBB2_9-.Ltmp5, $2  }
0xfa: {  	_ =	sdelay $0x2  }
0xfb: {  	s3 =	simm.s32 $0x0  }
0xfc: {  	_ =	sdelay $0x2  }
0xfd: {  	v44 =	vmov s3  }
0xfe: {  	v45 =	vld.idx.msk [tilespmem:v35+s1+$0x0], $0xffff;
	vm0 =	veq.s32 v44, v2;
	_ =	sdelay $0x4  }
0xff: {  	v63 =	vmax.f32 v45, v43  }
0x100: {  	[tilespmem:v35+s1+$0x0] =	vst.idx.msk vm0, v63  }
0x101: {  	v44 =	vld.idx.msk [tilespmem:v35+s21+$0x0], $0xffff;
	_ =	sdelay $0x4  }
0x102: {  	v44 =	vmax.f32 v44, v42  }
0x103: {  	[tilespmem:v35+s21+$0x0] =	vst.idx.msk vm0, v44  }
0x104: {  	v44 =	vld.idx.msk [tilespmem:v35+s22+$0x0], $0xffff;
	_ =	sdelay $0x4  }
0x105: {  	v44 =	vmax.f32 v44, v41  }
0x106: {  	[tilespmem:v35+s22+$0x0] =	vst.idx.msk vm0, v44  }
0x107: {  	v44 =	vld.idx.msk [tilespmem:v35+s23+$0x0], $0xffff;
	_ =	sdelay $0x4  }
0x108: {  	v44 =	vmax.f32 v44, v40  }
0x109: {  	[tilespmem:v35+s23+$0x0] =	vst.idx.msk vm0, v44  }
0x10a: {  	v44 =	vld.idx.msk [tilespmem:v35+s24+$0x0], $0xffff;
	_ =	sdelay $0x4  }
0x10b: {  	v44 =	vmax.f32 v44, v39  }
0x10c: {  	[tilespmem:v35+s24+$0x0] =	vst.idx.msk vm0, v44  }
0x10d: {  	v44 =	vld.idx.msk [tilespmem:v35+s25+$0x0], $0xffff;
	_ =	sdelay $0x4  }
0x10e: {  	v44 =	vmax.f32 v44, v38  }
0x10f: {  	[tilespmem:v35+s25+$0x0] =	vst.idx.msk vm0, v44  }
0x110: {  	v44 =	vld.idx.msk [tilespmem:v35+s26+$0x0], $0xffff;
	_ =	sdelay $0x4  }
0x111: {  	v44 =	vmax.f32 v44, v37  }
0x112: {  	[tilespmem:v35+s26+$0x0] =	vst.idx.msk vm0, v44  }
0x113: {  	v44 =	vld.idx.msk [tilespmem:v35+s28+$0x0], $0xffff;
	_ =	sdelay $0x4  }
0x114: {  	s3 =	simm.s32 $0x1;
	v44 =	vmax.f32 v44, v36  }
.LBB2_7:
0x115: {  	p0 =	seq.s32 s3, $0xF;
	[tilespmem:v35+s28+$0x0] =	vst.idx.msk vm0, v44;
	s4 =	smov.u32 s3;
	s3 =	sadd.s32 $0x1, s3  }
0x116: {  	v44 =	vmov s4;
	v45 =	vld.idx.msk [tilespmem:v35+s1+$0x0], $0xffff  }
0x117: {  	vm0 =	veq.s32 v44, v2;
	_ =	sdelay $0x4  }
0x118: {  	v44 =	vmax.f32 v45, v43  }
0x119: {  	[tilespmem:v35+s1+$0x0] =	vst.idx.msk vm0, v44  }
0x11a: {  	v44 =	vld.idx.msk [tilespmem:v35+s21+$0x0], $0xffff;
	_ =	sdelay $0x5  }
0x11b: {  	v44 =	vmax.f32 v44, v42  }
0x11c: {  	[tilespmem:v35+s21+$0x0] =	vst.idx.msk vm0, v44  }
0x11d: {  	v44 =	vld.idx.msk [tilespmem:v35+s22+$0x0], $0xffff;
	_ =	sdelay $0x5  }
0x11e: {  	v44 =	vmax.f32 v44, v41  }
0x11f: {  	[tilespmem:v35+s22+$0x0] =	vst.idx.msk vm0, v44  }
0x120: {  	v44 =	vld.idx.msk [tilespmem:v35+s23+$0x0], $0xffff;
	_ =	sdelay $0x5  }
0x121: {  	v44 =	vmax.f32 v44, v40  }
0x122: {  	[tilespmem:v35+s23+$0x0] =	vst.idx.msk vm0, v44  }
0x123: {  	v44 =	vld.idx.msk [tilespmem:v35+s24+$0x0], $0xffff;
	_ =	sdelay $0x5  }
0x124: {  	v44 =	vmax.f32 v44, v39  }
0x125: {  	[tilespmem:v35+s24+$0x0] =	vst.idx.msk vm0, v44  }
0x126: {  	v44 =	vld.idx.msk [tilespmem:v35+s25+$0x0], $0xffff;
	_ =	sdelay $0x5  }
0x127: {  	v44 =	vmax.f32 v44, v38  }
0x128: {  	[tilespmem:v35+s25+$0x0] =	vst.idx.msk vm0, v44  }
0x129: {  	v44 =	vld.idx.msk [tilespmem:v35+s26+$0x0], $0xffff;
	_ =	sdelay $0x5  }
0x12a: {  	v44 =	vmax.f32 v44, v37  }
0x12b: {  	[tilespmem:v35+s26+$0x0] =	vst.idx.msk vm0, v44  }
0x12c: {  	v44 =	vld.idx.msk [tilespmem:v35+s28+$0x0], $0xffff;
	_ =	sdelay $0x1  }
.Ltmp6:
0x12d: {  	(pc) =	sbr.rel @!p0 .LBB2_7-.Ltmp6, $2  }
0x12e: {  	_ =	sdelay $0x2  }
0x12f: {  	v44 =	vmax.f32 v44, v36  }
0x130: {  	_ = 	snop  }
.Ltmp7:
0x131: {  	_ = 	snop;
	(pc) =	sbr.rel .LBB2_10-.Ltmp7, $2  }
0x132: {  	_ =	sdelay $0x2  }
0x133: {  	[tilespmem:v35+s28+$0x0] =	vst.idx.msk vm0, v44  }
.LBB2_12:
0x134: {  	s17 =	simm.s32 $0x0;
	s4 =	simm.s32 $0x19D20  }
.LBB2_13:
0x135: {  	s31 =	sshll.u32 s17, $0xA  }
0x136: {  	[spmem:s6] =	stream.linear.scatter [tilespmem:s31], [sflag:$0x1], $0x400, $0x38;
	[tilespmem:$0x1C520] =	vst v63  }
0x137: {  	_ =	swait.ge [sflag:s18], $0x400  }
0x138: {  	[sflag:s18] =	ssyncset.done $0x0  }
0x139: {  	s3 =	sadd.s32 $0x2800, s31;
	[sflag:s18] =	ssyncadd.s32 $0xFFFFFC00  }
0x13a: {  	[spmem:s7] =	stream.linear.scatter [tilespmem:s3], [sflag:$0x1], $0x400, $0x38;
	[tilespmem:$0x1C520] =	vst v63  }
0x13b: {  	_ =	swait.ge [sflag:s18], $0x400  }
0x13c: {  	[sflag:s18] =	ssyncset.done $0x0  }
0x13d: {  	s16 =	sadd.s32 $0x5000, s31;
	[sflag:s18] =	ssyncadd.s32 $0xFFFFFC00  }
0x13e: {  	[spmem:s8] =	stream.linear.scatter [tilespmem:s16], [sflag:$0x1], $0x400, $0x38;
	[tilespmem:$0x1C520] =	vst v63  }
0x13f: {  	_ =	swait.ge [sflag:s18], $0x400  }
0x140: {  	[sflag:s18] =	ssyncset.done $0x0  }
0x141: {  	s16 =	sadd.s32 $0x7800, s31;
	[sflag:s18] =	ssyncadd.s32 $0xFFFFFC00  }
0x142: {  	[spmem:s9] =	stream.linear.scatter [tilespmem:s16], [sflag:$0x1], $0x400, $0x38;
	[tilespmem:$0x1C520] =	vst v63  }
0x143: {  	_ =	swait.ge [sflag:s18], $0x400  }
0x144: {  	[sflag:s18] =	ssyncset.done $0x0  }
0x145: {  	s16 =	sadd.s32 $0xA000, s31;
	[sflag:s18] =	ssyncadd.s32 $0xFFFFFC00  }
0x146: {  	[spmem:s10] =	stream.linear.scatter [tilespmem:s16], [sflag:$0x1], $0x400, $0x38;
	[tilespmem:$0x1C520] =	vst v63  }
0x147: {  	_ =	swait.ge [sflag:s18], $0x400  }
0x148: {  	[sflag:s18] =	ssyncset.done $0x0  }
0x149: {  	s16 =	sadd.s32 $0xC800, s31;
	[sflag:s18] =	ssyncadd.s32 $0xFFFFFC00  }
0x14a: {  	[spmem:s11] =	stream.linear.scatter [tilespmem:s16], [sflag:$0x1], $0x400, $0x38;
	[tilespmem:$0x1C520] =	vst v63  }
0x14b: {  	_ =	swait.ge [sflag:s18], $0x400  }
0x14c: {  	[sflag:s18] =	ssyncset.done $0x0  }
0x14d: {  	s16 =	sadd.s32 $0xF000, s31;
	[sflag:s18] =	ssyncadd.s32 $0xFFFFFC00  }
0x14e: {  	[spmem:s12] =	stream.linear.scatter [tilespmem:s16], [sflag:$0x1], $0x400, $0x38;
	[tilespmem:$0x1C520] =	vst v63  }
0x14f: {  	_ =	swait.ge [sflag:s18], $0x400  }
0x150: {  	[sflag:s18] =	ssyncset.done $0x0  }
0x151: {  	s16 =	sadd.s32 $0x11800, s31;
	[sflag:s18] =	ssyncadd.s32 $0xFFFFFC00  }
0x152: {  	[spmem:s13] =	stream.linear.scatter [tilespmem:s16], [sflag:$0x1], $0x400, $0x38;
	[tilespmem:$0x1C520] =	vst v63  }
0x153: {  	_ =	swait.ge [sflag:s18], $0x400  }
0x154: {  	[sflag:s18] =	ssyncset.done $0x0  }
0x155: {  	[sflag:s18] =	ssyncadd.s32 $0xFFFFFC00  }
0x156: {  	[bflag:$0x0] =	sbarrier.arrive $0xFFFF  }
0x157: {  	[tilespmem:s4], [sflag:$0x1] =	stream.strided.gather [spmem:s14], $0x200, s30, s29, $0x38;
	[tilespmem:$0x1C520] =	vst v63  }
0x158: {  	_ =	swait.ge [sflag:s18], $0x200  }
0x159: {  	[sflag:s18] =	ssyncset.done $0x0  }
0x15a: {  	s16 =	simm.s32 $0x8000;
	[sflag:s18] =	ssyncadd.s32 $0xFFFFFE00  }
.LBB2_14:
0x15b: {  	s3 =	sshra.s32 s16, $0x2  }
0x15c: {  	s3 =	sadd.s32 s3, s14  }
0x15d: {  	[tilespmem:s0], [sflag:$0x1] =	stream.strided.gather [spmem:s3], $0x200, s30, s29, $0x38;
	[tilespmem:$0x1C520] =	vst v63  }
0x15e: {  	_ =	swait.ge [sflag:s18], $0x200  }
0x15f: {  	[sflag:s18] =	ssyncset.done $0x0  }
0x160: {  	[sflag:s18] =	ssyncadd.s32 $0xFFFFFE00  }
0x161: {  	v35 =	vld [tilespmem:$0x19D20]  }
0x162: {  	v36 =	vld [tilespmem:$0x19F20]  }
0x163: {  	v37 =	vld [tilespmem:$0x19D30]  }
0x164: {  	v38 =	vld [tilespmem:$0x19F30]  }
0x165: {  	v39 =	vld [tilespmem:$0x19D40]  }
0x166: {  	v40 =	vld [tilespmem:$0x19F40]  }
0x167: {  	v41 =	vld [tilespmem:$0x19D50]  }
0x168: {  	v42 =	vld [tilespmem:$0x19F50]  }
0x169: {  	v43 =	vld [tilespmem:$0x19D60]  }
0x16a: {  	v44 =	vld [tilespmem:$0x19F60]  }
0x16b: {  	v45 =	vld [tilespmem:$0x19D70]  }
0x16c: {  	v46 =	vld [tilespmem:$0x19F70]  }
0x16d: {  	v47 =	vld [tilespmem:$0x19D80]  }
0x16e: {  	v48 =	vld [tilespmem:$0x19F80]  }
0x16f: {  	v49 =	vld [tilespmem:$0x19D90]  }
0x170: {  	v50 =	vld [tilespmem:$0x19F90]  }
0x171: {  	v51 =	vld [tilespmem:$0x19DA0]  }
0x172: {  	v52 =	vld [tilespmem:$0x19FA0]  }
0x173: {  	v53 =	vld [tilespmem:$0x19DB0]  }
0x174: {  	v54 =	vld [tilespmem:$0x19FB0]  }
0x175: {  	v55 =	vld [tilespmem:$0x19DC0]  }
0x176: {  	v56 =	vld [tilespmem:$0x19FC0]  }
0x177: {  	v57 =	vld [tilespmem:$0x19DD0]  }
0x178: {  	v58 =	vld [tilespmem:$0x19FD0]  }
0x179: {  	v59 =	vld [tilespmem:$0x19DE0]  }
0x17a: {  	v60 =	vld [tilespmem:$0x19FE0]  }
0x17b: {  	v61 =	vld [tilespmem:$0x19DF0]  }
0x17c: {  	v62 =	vld [tilespmem:$0x19FF0]  }
0x17d: {  	v63 =	vld [tilespmem:$0x19E00]  }
0x17e: {  	v3 =	vld [tilespmem:$0x1A000]  }
0x17f: {  	v4 =	vld [tilespmem:$0x19E10]  }
0x180: {  	v5 =	vld [tilespmem:$0x1A010]  }
0x181: {  	v6 =	vld [tilespmem:$0x19E20]  }
0x182: {  	v7 =	vld [tilespmem:$0x1A020]  }
0x183: {  	v8 =	vld [tilespmem:$0x19E30]  }
0x184: {  	v9 =	vld [tilespmem:$0x1A030]  }
0x185: {  	v10 =	vld [tilespmem:$0x19E40]  }
0x186: {  	v35 =	vmax.f32 v35, v36;
	v36 =	vld [tilespmem:$0x1A040]  }
0x187: {  	v40 =	vmax.f32 v39, v40;
	v39 =	vld [tilespmem:$0x19E60];
	[tilespmem:$0x19D20] =	vst v35  }
0x188: {  	v42 =	vmax.f32 v41, v42;
	v41 =	vld [tilespmem:$0x19E70];
	[tilespmem:$0x19D40] =	vst v40  }
0x189: {  	v44 =	vmax.f32 v43, v44;
	v43 =	vld [tilespmem:$0x19E80];
	[tilespmem:$0x19D50] =	vst v42  }
0x18a: {  	v46 =	vmax.f32 v45, v46;
	v45 =	vld [tilespmem:$0x19E90];
	[tilespmem:$0x19D60] =	vst v44  }
0x18b: {  	v48 =	vmax.f32 v47, v48;
	v47 =	vld [tilespmem:$0x19EA0];
	[tilespmem:$0x19D70] =	vst v46  }
0x18c: {  	v50 =	vmax.f32 v49, v50;
	v54 =	vmax.f32 v53, v54;
	v53 =	vld [tilespmem:$0x19EB0];
	[tilespmem:$0x19D80] =	vst v48  }
0x18d: {  	v52 =	vmax.f32 v51, v52;
	v56 =	vmax.f32 v55, v56;
	v55 =	vld [tilespmem:$0x19EC0];
	[tilespmem:$0x19D90] =	vst v50  }
0x18e: {  	v58 =	vmax.f32 v57, v58;
	v57 =	vld [tilespmem:$0x19ED0];
	[tilespmem:$0x19DA0] =	vst v52  }
0x18f: {  	v60 =	vmax.f32 v59, v60;
	v59 =	vld [tilespmem:$0x1A0F0];
	[tilespmem:$0x19DB0] =	vst v54  }
0x190: {  	v3 =	vmax.f32 v63, v3;
	v63 =	vld [tilespmem:$0x1A110];
	[tilespmem:$0x19DC0] =	vst v56  }
0x191: {  	v35 =	vmax.f32 v37, v38;
	v37 =	vld [tilespmem:$0x19E50];
	[tilespmem:$0x19DD0] =	vst v58  }
0x192: {  	v38 =	vld [tilespmem:$0x1A050];
	[tilespmem:$0x19DE0] =	vst v60  }
0x193: {  	v40 =	vld [tilespmem:$0x1A060];
	[tilespmem:$0x19E00] =	vst v3  }
0x194: {  	v42 =	vld [tilespmem:$0x1A070];
	v52 =	vmax.f32 v61, v62;
	[tilespmem:$0x19D30] =	vst v35  }
0x195: {  	v44 =	vld [tilespmem:$0x1A080];
	v3 =	vmax.f32 v4, v5;
	[tilespmem:$0x19DF0] =	vst v52  }
0x196: {  	v46 =	vld [tilespmem:$0x1A090];
	[tilespmem:$0x19E10] =	vst v3;
	v3 =	vmax.f32 v6, v7  }
0x197: {  	v48 =	vld [tilespmem:$0x1A0A0];
	[tilespmem:$0x19E20] =	vst v3;
	v3 =	vmax.f32 v8, v9  }
0x198: {  	v54 =	vld [tilespmem:$0x1A0B0];
	[tilespmem:$0x19E30] =	vst v3;
	v3 =	vmax.f32 v10, v36  }
0x199: {  	v56 =	vld [tilespmem:$0x1A0C0];
	[tilespmem:$0x19E40] =	vst v3;
	v3 =	vmax.f32 v37, v38  }
0x19a: {  	v58 =	vld [tilespmem:$0x1A0D0];
	[tilespmem:$0x19E50] =	vst v3;
	v3 =	vmax.f32 v39, v40  }
0x19b: {  	v60 =	vld [tilespmem:$0x19F00];
	[tilespmem:$0x19E60] =	vst v3;
	v3 =	vmax.f32 v41, v42  }
0x19c: {  	v8 =	vld [tilespmem:$0x19EE0];
	[tilespmem:$0x19E70] =	vst v3;
	v3 =	vmax.f32 v43, v44  }
0x19d: {  	v9 =	vld [tilespmem:$0x1A0E0];
	[tilespmem:$0x19E80] =	vst v3;
	v3 =	vmax.f32 v45, v46  }
0x19e: {  	v10 =	vld [tilespmem:$0x19EF0];
	[tilespmem:$0x19E90] =	vst v3;
	v3 =	vmax.f32 v47, v48  }
0x19f: {  	v61 =	vld [tilespmem:$0x1A100];
	[tilespmem:$0x19EA0] =	vst v3;
	v3 =	vmax.f32 v53, v54  }
0x1a0: {  	v62 =	vld [tilespmem:$0x19F10];
	[tilespmem:$0x19EB0] =	vst v3;
	v3 =	vmax.f32 v55, v56  }
0x1a1: {  	p0 =	sne.s32 s16, $0x78000;
	[tilespmem:$0x19EC0] =	vst v3;
	v3 =	vmax.f32 v57, v58  }
.Ltmp8:
0x1a2: {  	[tilespmem:$0x19ED0] =	vst v3;
	v3 =	vmax.f32 v8, v9;
	(pc) =	sbr.rel @p0 .LBB2_14-.Ltmp8, $4  }
0x1a3: {  	[tilespmem:$0x19EE0] =	vst v3;
	v3 =	vmax.f32 v10, v59  }
0x1a4: {  	[tilespmem:$0x19EF0] =	vst v3;
	v3 =	vmax.f32 v60, v61  }
0x1a5: {  	[tilespmem:$0x19F00] =	vst v3;
	v3 =	vmax.f32 v62, v63  }
0x1a6: {  	s16 =	sadd.s32 $0x8000, s16;
	[tilespmem:$0x19F10] =	vst v3  }
0x1a7: {  	v3 =	vld [tilespmem:$0x19D20];
	_ =	sdelay $0x4  }
0x1a8: {  	[tilespmem:$0x1A120] =	vst v3;
	v3 =	vld [tilespmem:$0x19D70];
	_ =	sdelay $0x1  }
0x1a9: {  	v4 =	vld [tilespmem:$0x19D30]  }
0x1aa: {  	v5 =	vld [tilespmem:$0x19D40]  }
0x1ab: {  	v6 =	vld [tilespmem:$0x19D50]  }
0x1ac: {  	[tilespmem:$0x1A170] =	vst v3;
	v3 =	vld [tilespmem:$0x19DC0]  }
0x1ad: {  	v7 =	vld [tilespmem:$0x19D60]  }
0x1ae: {  	v43 =	vld [tilespmem:$0x19D80]  }
0x1af: {  	v44 =	vld [tilespmem:$0x19D90];
	[tilespmem:$0x1A130] =	vst v4  }
0x1b0: {  	v45 =	vld [tilespmem:$0x19DA0];
	[tilespmem:$0x1A140] =	vst v5  }
0x1b1: {  	[tilespmem:$0x1A1C0] =	vst v3;
	v3 =	vld [tilespmem:$0x19E10]  }
0x1b2: {  	v46 =	vld [tilespmem:$0x19DB0];
	[tilespmem:$0x1A150] =	vst v6  }
0x1b3: {  	v47 =	vld [tilespmem:$0x19DD0];
	[tilespmem:$0x1A160] =	vst v7  }
0x1b4: {  	v48 =	vld [tilespmem:$0x19DE0];
	[tilespmem:$0x1A180] =	vst v43  }
0x1b5: {  	v49 =	vld [tilespmem:$0x19DF0];
	[tilespmem:$0x1A190] =	vst v44  }
0x1b6: {  	[tilespmem:$0x1A210] =	vst v3;
	v3 =	vld [tilespmem:$0x19E60]  }
0x1b7: {  	v50 =	vld [tilespmem:$0x19E00];
	[tilespmem:$0x1A1A0] =	vst v45  }
0x1b8: {  	v51 =	vld [tilespmem:$0x19E20];
	[tilespmem:$0x1A1B0] =	vst v46  }
0x1b9: {  	v52 =	vld [tilespmem:$0x19E30];
	[tilespmem:$0x1A1D0] =	vst v47  }
0x1ba: {  	v53 =	vld [tilespmem:$0x19E40];
	[tilespmem:$0x1A1E0] =	vst v48  }
0x1bb: {  	[tilespmem:$0x1A260] =	vst v3;
	v3 =	vld [tilespmem:$0x19EB0]  }
0x1bc: {  	v54 =	vld [tilespmem:$0x19E50];
	[tilespmem:$0x1A1F0] =	vst v49  }
0x1bd: {  	v55 =	vld [tilespmem:$0x19E70];
	[tilespmem:$0x1A200] =	vst v50  }
0x1be: {  	v56 =	vld [tilespmem:$0x19E80];
	[tilespmem:$0x1A220] =	vst v51  }
0x1bf: {  	v57 =	vld [tilespmem:$0x19E90];
	[tilespmem:$0x1A230] =	vst v52  }
0x1c0: {  	[tilespmem:$0x1A2B0] =	vst v3;
	v3 =	vld [tilespmem:$0x19F00]  }
0x1c1: {  	v58 =	vld [tilespmem:$0x19EA0];
	[tilespmem:$0x1A240] =	vst v53  }
0x1c2: {  	v59 =	vld [tilespmem:$0x19EC0];
	[tilespmem:$0x1A250] =	vst v54  }
0x1c3: {  	v60 =	vld [tilespmem:$0x19ED0];
	[tilespmem:$0x1A270] =	vst v55  }
0x1c4: {  	v61 =	vld [tilespmem:$0x19EE0];
	[tilespmem:$0x1A280] =	vst v56  }
0x1c5: {  	[tilespmem:$0x1A300] =	vst v3;
	v3 =	vld [tilespmem:$0x1FF80]  }
0x1c6: {  	v62 =	vld [tilespmem:$0x19EF0];
	[tilespmem:$0x1A290] =	vst v57  }
0x1c7: {  	v63 =	vld [tilespmem:$0x19F10];
	[tilespmem:$0x1A2A0] =	vst v58  }
0x1c8: {  	[tilespmem:$0x1A2C0] =	vst v59  }
0x1c9: {  	[tilespmem:$0x1A2D0] =	vst v60  }
0x1ca: {  	[tilespmem:$0x1A2E0] =	vst v61  }
0x1cb: {  	[tilespmem:$0x1A2F0] =	vst v62  }
0x1cc: {  	[tilespmem:$0x1A310] =	vst v63  }
0x1cd: {  	v3 =	vld.idx.msk [tilespmem:v3+s2+$0x0], $0xffff;
	_ =	sdelay $0x4  }
0x1ce: {  	[tilespmem:$0x1A320] =	vst v3;
	v3 =	vld [tilespmem:$0x1FF90];
	_ =	sdelay $0x7  }
0x1cf: {  	v3 =	vld.idx.msk [tilespmem:v3+s2+$0x0], $0xffff;
	_ =	sdelay $0x4  }
0x1d0: {  	[tilespmem:$0x1A330] =	vst v3;
	v3 =	vld [tilespmem:$0x1FFA0];
	_ =	sdelay $0x7  }
0x1d1: {  	v3 =	vld.idx.msk [tilespmem:v3+s2+$0x0], $0xffff;
	_ =	sdelay $0x4  }
0x1d2: {  	[tilespmem:$0x1A340] =	vst v3;
	v3 =	vld [tilespmem:$0x1FFB0];
	_ =	sdelay $0x7  }
0x1d3: {  	v3 =	vld.idx.msk [tilespmem:v3+s2+$0x0], $0xffff;
	_ =	sdelay $0x4  }
0x1d4: {  	[tilespmem:$0x1A350] =	vst v3;
	v3 =	vld [tilespmem:$0x1FFC0];
	_ =	sdelay $0x7  }
0x1d5: {  	v3 =	vld.idx.msk [tilespmem:v3+s2+$0x0], $0xffff;
	_ =	sdelay $0x4  }
0x1d6: {  	[tilespmem:$0x1A360] =	vst v3;
	v3 =	vld [tilespmem:$0x1FFD0];
	_ =	sdelay $0x7  }
0x1d7: {  	v3 =	vld.idx.msk [tilespmem:v3+s2+$0x0], $0xffff;
	_ =	sdelay $0x4  }
0x1d8: {  	[tilespmem:$0x1A370] =	vst v3;
	v3 =	vld [tilespmem:$0x1FFE0];
	_ =	sdelay $0x7  }
0x1d9: {  	v3 =	vld.idx.msk [tilespmem:v3+s2+$0x0], $0xffff;
	_ =	sdelay $0x4  }
0x1da: {  	[tilespmem:$0x1A380] =	vst v3;
	v3 =	vld [tilespmem:$0x1FFF0];
	_ =	sdelay $0x7  }
0x1db: {  	v3 =	vld.idx.msk [tilespmem:v3+s2+$0x0], $0xffff;
	_ =	sdelay $0x4  }
0x1dc: {  	[tilespmem:$0x1A390] =	vst v3  }
0x1dd: {  	v3 =	vld.idx.msk [tilespmem:v11+s2+$0x0], $0xffff;
	_ =	sdelay $0x4  }
0x1de: {  	[tilespmem:$0x1A3A0] =	vst v3  }
0x1df: {  	v3 =	vld.idx.msk [tilespmem:v12+s2+$0x0], $0xffff;
	_ =	sdelay $0x4  }
0x1e0: {  	[tilespmem:$0x1A3B0] =	vst v3  }
0x1e1: {  	v3 =	vld.idx.msk [tilespmem:v13+s2+$0x0], $0xffff;
	_ =	sdelay $0x4  }
0x1e2: {  	[tilespmem:$0x1A3C0] =	vst v3  }
0x1e3: {  	v3 =	vld.idx.msk [tilespmem:v14+s2+$0x0], $0xffff;
	_ =	sdelay $0x4  }
0x1e4: {  	[tilespmem:$0x1A3D0] =	vst v3  }
0x1e5: {  	v3 =	vld.idx.msk [tilespmem:v15+s2+$0x0], $0xffff;
	_ =	sdelay $0x4  }
0x1e6: {  	[tilespmem:$0x1A3E0] =	vst v3  }
0x1e7: {  	v3 =	vld.idx.msk [tilespmem:v16+s2+$0x0], $0xffff;
	_ =	sdelay $0x4  }
0x1e8: {  	[tilespmem:$0x1A3F0] =	vst v3  }
0x1e9: {  	v3 =	vld.idx.msk [tilespmem:v17+s2+$0x0], $0xffff;
	_ =	sdelay $0x4  }
0x1ea: {  	[tilespmem:$0x1A400] =	vst v3  }
0x1eb: {  	v3 =	vld.idx.msk [tilespmem:v18+s2+$0x0], $0xffff;
	_ =	sdelay $0x4  }
0x1ec: {  	[tilespmem:$0x1A410] =	vst v3  }
0x1ed: {  	v3 =	vld.idx.msk [tilespmem:v19+s2+$0x0], $0xffff;
	_ =	sdelay $0x4  }
0x1ee: {  	[tilespmem:$0x1A420] =	vst v3  }
0x1ef: {  	v3 =	vld.idx.msk [tilespmem:v20+s2+$0x0], $0xffff;
	_ =	sdelay $0x4  }
0x1f0: {  	[tilespmem:$0x1A430] =	vst v3  }
0x1f1: {  	v3 =	vld.idx.msk [tilespmem:v21+s2+$0x0], $0xffff;
	_ =	sdelay $0x4  }
0x1f2: {  	[tilespmem:$0x1A440] =	vst v3  }
0x1f3: {  	v3 =	vld.idx.msk [tilespmem:v22+s2+$0x0], $0xffff;
	_ =	sdelay $0x4  }
0x1f4: {  	[tilespmem:$0x1A450] =	vst v3  }
0x1f5: {  	v3 =	vld.idx.msk [tilespmem:v23+s2+$0x0], $0xffff;
	_ =	sdelay $0x4  }
0x1f6: {  	[tilespmem:$0x1A460] =	vst v3  }
0x1f7: {  	v3 =	vld.idx.msk [tilespmem:v24+s2+$0x0], $0xffff;
	_ =	sdelay $0x4  }
0x1f8: {  	[tilespmem:$0x1A470] =	vst v3  }
0x1f9: {  	v3 =	vld.idx.msk [tilespmem:v25+s2+$0x0], $0xffff;
	_ =	sdelay $0x4  }
0x1fa: {  	[tilespmem:$0x1A480] =	vst v3  }
0x1fb: {  	v3 =	vld.idx.msk [tilespmem:v26+s2+$0x0], $0xffff;
	_ =	sdelay $0x4  }
0x1fc: {  	[tilespmem:$0x1A490] =	vst v3  }
0x1fd: {  	v3 =	vld.idx.msk [tilespmem:v27+s2+$0x0], $0xffff;
	_ =	sdelay $0x4  }
0x1fe: {  	[tilespmem:$0x1A4A0] =	vst v3  }
0x1ff: {  	v3 =	vld.idx.msk [tilespmem:v28+s2+$0x0], $0xffff;
	_ =	sdelay $0x4  }
0x200: {  	[tilespmem:$0x1A4B0] =	vst v3  }
0x201: {  	v3 =	vld.idx.msk [tilespmem:v29+s2+$0x0], $0xffff;
	_ =	sdelay $0x4  }
0x202: {  	[tilespmem:$0x1A4C0] =	vst v3  }
0x203: {  	v3 =	vld.idx.msk [tilespmem:v30+s2+$0x0], $0xffff;
	_ =	sdelay $0x4  }
0x204: {  	[tilespmem:$0x1A4D0] =	vst v3  }
0x205: {  	v3 =	vld.idx.msk [tilespmem:v31+s2+$0x0], $0xffff;
	_ =	sdelay $0x4  }
0x206: {  	[tilespmem:$0x1A4E0] =	vst v3  }
0x207: {  	v3 =	vld.idx.msk [tilespmem:v32+s2+$0x0], $0xffff;
	_ =	sdelay $0x4  }
0x208: {  	[tilespmem:$0x1A4F0] =	vst v3  }
0x209: {  	v3 =	vld.idx.msk [tilespmem:v33+s2+$0x0], $0xffff;
	_ =	sdelay $0x4  }
0x20a: {  	[tilespmem:$0x1A500] =	vst v3  }
0x20b: {  	v3 =	vld.idx.msk [tilespmem:v34+s2+$0x0], $0xffff;
	_ =	sdelay $0x3  }
0x20c: {  	s17 =	sadd.s32 $0x1, s17  }
0x20d: {  	s3 =	sadd.s32 s31, s15;
	s16 =	simm.s32 $0x1A320;
	p0 =	sne.s32 s17, $0xA;
	[tilespmem:$0x1A510] =	vst v3  }
0x20e: {  	[hbm4b:s3+s1] =	stream.linear.scatter [tilespmem:s16], [sflag:$0x1], $0x200, $0x38;
	[tilespmem:$0x1C520] =	vst v63  }
.Ltmp9:
0x20f: {  	_ =	swait.ge [sflag:s18], $0x200;
	(pc) =	sbr.rel @p0 .LBB2_13-.Ltmp9, $3  }
0x210: {  	[sflag:s18] =	ssyncset.done $0x0  }
0x211: {  	[sflag:s18] =	ssyncadd.s32 $0xFFFFFE00  }
0x212: {  	[bflag:$0x0] =	sbarrier.arrive $0xFFFF;
	_ =	sdelay $0x1  }
0x213: {  	s4 =	rddreg [dreg:$0x6]  }
0x214: {  	s3 =	rddreg [dreg:$0x5];
	s4 =	sadd.s32 $0x1, s4  }
0x215: {  	p0 =	sne.s32 s4, s3  }
.Ltmp10:
0x216: {  	_ = 	snop;
	(pc) =	sbr.rel @p0 .LBB2_1-.Ltmp10, $1  }
0x217: {  	_ =	sdelay $0x3  }
0x218: {  	_ =	sfence.sel $0x180000  }
0x219: {  	[bflag:$0x0] =	sbarrier.arrive $0xFFFF  }
0x21a: {  	_ =	strace $0x90000050  }
0x21b: {  	s0 =	stileid.u32;
	[bflag:$0x2] =	sbarrier.arrive $0xFFFF  }
0x21c: {  	p0 =	sne.s32 s0, $0x0;
	s0 =	rddreg [dreg:$0x2]  }
0x21d: {  	s0 =	sadd.s32 @!p0 $0x100000, s0  }
0x21e: {  	[sflag:s0] =	ssyncadd.tile.s32 @!p0 $0x1;
	_ =	shalt  }
.Lfunc_end2:
_tile_overlayer_lowered:
.L_overlay_start_2:
0x21f: {  	(tag) =	ssettag $0x2  }
0x220: {  	s0 =	rddreg [dreg:$0x0];
	s2 =	stileid.u32  }
0x221: {  	s1 =	rddreg [dreg:$0x1];
	p0 =	sne.s32 s2, $0x0  }
0x222: {  	s3 =	rddreg [dreg:$0x2];
	[bflag:$0x3] =	sbarrier.arrive $0xFFFF;
	s2 =	simm.s32 @!p0 $0x1C01  }
0x223: {  	[timem:s3], [sflag:s2] =	dma.local @!p0 [hbm:s0], s1  }
0x224: {  	s0 =	simm.s32 @!p0 $0x1  }
0x225: {  	_ =	swait.ge @!p0 [sflag:s0], s1  }
0x226: {  	s1 =	ssub.s32 @!p0 $0x0, s1;
	[sflag:s0] =	ssyncset.done @!p0 $0x0  }
0x227: {  	[sflag:s0] =	ssyncadd.s32 @!p0 s1  }
0x228: {  	[bflag:$0x3] =	sbarrier.arrive $0xFFFF  }
0x229: {  	_ =	shalt  }

</sc_bundles>
